<compile_context>
chip_gen: v7x
topology: tpu7x:2x2x1
jax: 0.10.2.dev20260603
libtpu: 0.0.44.dev20260713+nightly
codegen_flags: <defaults>
</compile_context>

<pallas_src>
import jax
import jax.numpy as jnp
from jax import lax
from jax.experimental import pallas as pl
from jax.experimental.pallas import tpu as pltpu
from jax.experimental.pallas import tpu_sc as plsc

NUM_CLASSES = 1000000
EMBED_DIM = 32
PAD_DIM = 128
BATCH = 16384
FIELDS = 26

_NC, _NS = 2, 16
_NW = _NC * _NS
_BW = BATCH // _NW
_SUB = 128
_NSUB = _BW // _SUB
_L = 16


_NCHUNK = FIELDS * _NSUB
_NBUF = 4
_LAG = _NBUF - 1


def _embed_body(xt_hbm, xs_hbm, table_hbm, out_hbm, idx_v, idx2_v, rows, trans,
                sem_i, sems_g, sems_o):
    wid = lax.axis_index("s") * _NC + lax.axis_index("c")
    w4 = wid * _NSUB
    idx_cps = [
        pltpu.async_copy(xt_hbm.at[f, pl.ds(w4, _NSUB), :],
                         idx_v.at[pl.ds(f * _NSUB, _NSUB)], sem_i)
        for f in range(FIELDS)
    ] + [
        pltpu.async_copy(xs_hbm.at[f, pl.ds(w4, _NSUB), :],
                         idx2_v.at[pl.ds(f * _NSUB, _NSUB)], sem_i)
        for f in range(FIELDS)
    ]
    for cp in idx_cps:
        cp.wait()

    lane = lax.iota(jnp.int32, _L)
    row_consts = [rblk * _L + lane for rblk in range(_SUB // _L)]

    def issue_gather(g, b):
        return pltpu.async_copy(table_hbm.at[idx2_v.at[g]], rows[b],
                                sems_g[b])

    def wait_gather(g, b):
        pltpu.make_async_copy(table_hbm.at[idx2_v.at[g]], rows[b],
                              sems_g[b]).wait()

    def transpose_rows(g, src, dst):
        offs = [
            ((idx_v[g, pl.ds(rblk * _L, _L)] & 3) << 5)
            for rblk in range(_SUB // _L)
        ]

        def k_body(k, _):
            rot = (lane + k) & (_L - 1)
            for rblk in range(_SUB // _L):
                for e0 in range(0, EMBED_DIM, _L):
                    e_rows = e0 + rot
                    v = plsc.load_gather(src, [row_consts[rblk],
                                               offs[rblk] + e_rows])
                    plsc.store_scatter(dst, [e_rows, row_consts[rblk]], v)
            return ()
        lax.fori_loop(0, _L, k_body, ())

    def drain_out(b2):
        pltpu.make_async_copy(
            trans[b2],
            out_hbm.at[0, :, pl.ds(b2 * _SUB, _SUB)],
            sems_o[b2]).wait()

    def process(g, b):
        wait_gather(g, b)
        b2 = b & 1
        transpose_rows(g, rows[b], trans[b2])
        f = g // _NSUB
        s = g - f * _NSUB
        pltpu.async_copy(
            trans[b2],
            out_hbm.at[f, :, pl.ds(wid * _BW + s * _SUB, _SUB)],
            sems_o[b2])

    for b in range(_LAG):
        issue_gather(jnp.int32(b), b)

    def chunk_body(i, _):
        g0 = i * _NBUF
        for j in range(_NBUF):
            g = g0 + j
            issue_gather(g + _LAG, (j + _LAG) % _NBUF)
            if j >= 2:
                drain_out(j & 1)
            else:
                @pl.when(i > 0)
                def _drain_prev():
                    drain_out(j & 1)
            process(g, j)
        return ()

    n_full = (_NCHUNK - _LAG) // _NBUF
    lax.fori_loop(0, n_full, chunk_body, ())
    for g in range(n_full * _NBUF, _NCHUNK):
        b = g % _NBUF
        if g + _LAG < _NCHUNK:
            issue_gather(jnp.int32(g + _LAG), (g + _LAG) % _NBUF)
        drain_out(b & 1)
        process(jnp.int32(g), b)
    for b2 in range(2):
        drain_out(b2)


def kernel(x, table):
    mesh = plsc.VectorSubcoreMesh(core_axis_name="c", subcore_axis_name="s",
                                  num_cores=_NC, num_subcores=_NS)
    tp = table.reshape(NUM_CLASSES // 4, PAD_DIM)
    xt = x.T.reshape(FIELDS, BATCH // _SUB, _SUB)
    xs = (x >> 2).T.reshape(FIELDS, BATCH // _SUB, _SUB)
    out = pl.kernel(
        _embed_body,
        out_type=jax.ShapeDtypeStruct((FIELDS, EMBED_DIM, BATCH), jnp.float32),
        mesh=mesh,
        scratch_types=[
            pltpu.VMEM((_NCHUNK, _SUB), jnp.int32),
            pltpu.VMEM((_NCHUNK, _SUB), jnp.int32),
            [pltpu.VMEM((_SUB, PAD_DIM), jnp.float32)] * _NBUF,
            [pltpu.VMEM((EMBED_DIM, _SUB), jnp.float32)] * 2,
            pltpu.SemaphoreType.DMA,
            [pltpu.SemaphoreType.DMA] * _NBUF,
            [pltpu.SemaphoreType.DMA] * 2,
        ],
        compiler_params=pltpu.CompilerParams(use_tc_tiling_on_sc=True,
                                             needs_layout_passes=False),
    )(xt, xs, tp)
    return out.transpose(2, 0, 1)

# --- scband reference (transcript-rebuilt; emitter-appended) ---
"""Pipeline reference for scband-cateogrical-embeddings-55216099558082 (READ-ONLY COPY).

The authoritative reference and input builder live on the scoring server;
editing this copy changes nothing except your own understanding.
"""

import jax, jax.numpy as jnp
import numpy as np

NUM_CLASSES = 1000000
EMBED_DIM = 32
BATCH = 16384
FIELDS = 26

def setup_inputs(seed: int = 0) -> dict:
    key = jax.random.key(seed)
    k1, k2 = jax.random.split(key)
    x = jax.random.randint(k1, (BATCH, FIELDS), 0, NUM_CLASSES, dtype=jnp.int64) if jax.config.jax_enable_x64 else jax.random.randint(k1, (BATCH, FIELDS), 0, NUM_CLASSES, dtype=jnp.int32)
    table = jax.random.normal(k2, (NUM_CLASSES, EMBED_DIM), dtype=jnp.float32)
    return {"x": x, "table": table}

def reference(x, table):
    # nn.Embedding forward: gather rows of the table by index
    return jnp.take(table, x, axis=0)

if __name__ == "__main__":
    import jax
    _d = setup_inputs()
    print(jax.jit(kernel)(*tuple(_d.values())))

</pallas_src>

<mosaic_0001>
#map = affine_map<(d0, d1) -> (0, 0, 0)>
#map1 = affine_map<(d0, d1) -> (0, 0)>
module attributes {stable_mosaic.version = 14 : i64} {
  func.func @_embed_body(%arg0: i32, %arg1: i32, %arg2: memref<26x128x128xi32, #tpu.memory_space<hbm>>, %arg3: memref<26x128x128xi32, #tpu.memory_space<hbm>>, %arg4: memref<250000x128xf32, #tpu.memory_space<hbm>>, %arg5: memref<26x32x16384xf32, #tpu.memory_space<hbm>>, %arg6: memref<104x128xi32, #tpu.memory_space<vmem>>, %arg7: memref<104x128xi32, #tpu.memory_space<vmem>>, %arg8: memref<128x128xf32, #tpu.memory_space<vmem>>, %arg9: memref<128x128xf32, #tpu.memory_space<vmem>>, %arg10: memref<128x128xf32, #tpu.memory_space<vmem>>, %arg11: memref<128x128xf32, #tpu.memory_space<vmem>>, %arg12: memref<32x128xf32, #tpu.memory_space<vmem>>, %arg13: memref<32x128xf32, #tpu.memory_space<vmem>>, %arg14: memref<!tpu.dma_semaphore, #tpu.memory_space<semaphore_mem>>, %arg15: memref<!tpu.dma_semaphore, #tpu.memory_space<semaphore_mem>>, %arg16: memref<!tpu.dma_semaphore, #tpu.memory_space<semaphore_mem>>, %arg17: memref<!tpu.dma_semaphore, #tpu.memory_space<semaphore_mem>>, %arg18: memref<!tpu.dma_semaphore, #tpu.memory_space<semaphore_mem>>, %arg19: memref<!tpu.dma_semaphore, #tpu.memory_space<semaphore_mem>>, %arg20: memref<!tpu.dma_semaphore, #tpu.memory_space<semaphore_mem>>) attributes {dimension_semantics = [#tpu.dimension_semantics<core_parallel>, #tpu.dimension_semantics<subcore_parallel>], iteration_bounds = array<i64: 2, 16>, scalar_prefetch = 0 : i64, scratch_operands = 15 : i64, tpu.core_type = #tpu.core_type<sc_vector_subcore>, window_params = [{transform_indices = #map}, {transform_indices = #map}, {transform_indices = #map1}, {transform_indices = #map}]} {
    %mul3A = arith.constant 2 : i32
    %mul3A_0 = arith.muli %arg1, %mul3A : i32
    %add3A = arith.addi %mul3A_0, %arg0 : i32
    %mul3A_1 = arith.constant 4 : i32
    %mul3A_2 = arith.muli %add3A, %mul3A_1 : i32
    %dma_start3A = arith.constant 0 : i32
    %dma_start3A_3 = arith.constant 0 : i32
    %dma_start3A_4 = arith.constant 0 : i32
    %dma_start3A_5 = tpu.memref_slice %arg6[%dma_start3A_3, %dma_start3A_4] : memref<104x128xi32, #tpu.memory_space<vmem>> -> memref<4x128xi32, #tpu.memory_space<vmem>>
    %dma_start3A_6 = arith.constant 0 : i32
    %dma_start3A_7 = tpu.memref_slice %arg2[%dma_start3A, %mul3A_2, %dma_start3A_6] : memref<26x128x128xi32, #tpu.memory_space<hbm>> -> memref<1x4x128xi32, #tpu.memory_space<hbm>>
    %dma_start3A_8 = tpu.memref_squeeze %dma_start3A_7 : memref<1x4x128xi32, #tpu.memory_space<hbm>> -> memref<4x128xi32, #tpu.memory_space<hbm>>
    %dma_start3A_9 = arith.constant 0 : i32
    %dma_start3A_10 = arith.constant 0 : i32
    %dma_start3A_11 = tpu.memref_slice %arg6[%dma_start3A_9, %dma_start3A_10] : memref<104x128xi32, #tpu.memory_space<vmem>> -> memref<4x128xi32, #tpu.memory_space<vmem>>
    %dma_start3A_12 = arith.constant 0 : i32
    %dma_start3A_13 = tpu.memref_slice %arg2[%dma_start3A, %mul3A_2, %dma_start3A_12] : memref<26x128x128xi32, #tpu.memory_space<hbm>> -> memref<1x4x128xi32, #tpu.memory_space<hbm>>
    %dma_start3A_14 = tpu.memref_squeeze %dma_start3A_13 : memref<1x4x128xi32, #tpu.memory_space<hbm>> -> memref<4x128xi32, #tpu.memory_space<hbm>>
    tpu.enqueue_dma source(%dma_start3A_14 : memref<4x128xi32, #tpu.memory_space<hbm>>) target(%dma_start3A_11 : memref<4x128xi32, #tpu.memory_space<vmem>>) target_semaphore(%arg14 : memref<!tpu.dma_semaphore, #tpu.memory_space<semaphore_mem>>)
    %dma_start3A_15 = arith.constant 1 : i32
    %dma_start3A_16 = arith.constant 4 : i32
    %dma_start3A_17 = arith.constant 0 : i32
    %dma_start3A_18 = tpu.memref_slice %arg6[%dma_start3A_16, %dma_start3A_17] : memref<104x128xi32, #tpu.memory_space<vmem>> -> memref<4x128xi32, #tpu.memory_space<vmem>>
    %dma_start3A_19 = arith.constant 0 : i32
    %dma_start3A_20 = tpu.memref_slice %arg2[%dma_start3A_15, %mul3A_2, %dma_start3A_19] : memref<26x128x128xi32, #tpu.memory_space<hbm>> -> memref<1x4x128xi32, #tpu.memory_space<hbm>>
    %dma_start3A_21 = tpu.memref_squeeze %dma_start3A_20 : memref<1x4x128xi32, #tpu.memory_space<hbm>> -> memref<4x128xi32, #tpu.memory_space<hbm>>
    %dma_start3A_22 = arith.constant 4 : i32
    %dma_start3A_23 = arith.constant 0 : i32
    %dma_start3A_24 = tpu.memref_slice %arg6[%dma_start3A_22, %dma_start3A_23] : memref<104x128xi32, #tpu.memory_space<vmem>> -> memref<4x128xi32, #tpu.memory_space<vmem>>
    %dma_start3A_25 = arith.constant 0 : i32
    %dma_start3A_26 = tpu.memref_slice %arg2[%dma_start3A_15, %mul3A_2, %dma_start3A_25] : memref<26x128x128xi32, #tpu.memory_space<hbm>> -> memref<1x4x128xi32, #tpu.memory_space<hbm>>
    %dma_start3A_27 = tpu.memref_squeeze %dma_start3A_26 : memref<1x4x128xi32, #tpu.memory_space<hbm>> -> memref<4x128xi32, #tpu.memory_space<hbm>>
    tpu.enqueue_dma source(%dma_start3A_27 : memref<4x128xi32, #tpu.memory_space<hbm>>) target(%dma_start3A_24 : memref<4x128xi32, #tpu.memory_space<vmem>>) target_semaphore(%arg14 : memref<!tpu.dma_semaphore, #tpu.memory_space<semaphore_mem>>)
    %dma_start3A_28 = arith.constant 2 : i32
    %dma_start3A_29 = arith.constant 8 : i32
    %dma_start3A_30 = arith.constant 0 : i32
    %dma_start3A_31 = tpu.memref_slice %arg6[%dma_start3A_29, %dma_start3A_30] : memref<104x128xi32, #tpu.memory_space<vmem>> -> memref<4x128xi32, #tpu.memory_space<vmem>>
    %dma_start3A_32 = arith.constant 0 : i32
    %dma_start3A_33 = tpu.memref_slice %arg2[%dma_start3A_28, %mul3A_2, %dma_start3A_32] : memref<26x128x128xi32, #tpu.memory_space<hbm>> -> memref<1x4x128xi32, #tpu.memory_space<hbm>>
    %dma_start3A_34 = tpu.memref_squeeze %dma_start3A_33 : memref<1x4x128xi32, #tpu.memory_space<hbm>> -> memref<4x128xi32, #tpu.memory_space<hbm>>
    %dma_start3A_35 = arith.constant 8 : i32
    %dma_start3A_36 = arith.constant 0 : i32
    %dma_start3A_37 = tpu.memref_slice %arg6[%dma_start3A_35, %dma_start3A_36] : memref<104x128xi32, #tpu.memory_space<vmem>> -> memref<4x128xi32, #tpu.memory_space<vmem>>
    %dma_start3A_38 = arith.constant 0 : i32
    %dma_start3A_39 = tpu.memref_slice %arg2[%dma_start3A_28, %mul3A_2, %dma_start3A_38] : memref<26x128x128xi32, #tpu.memory_space<hbm>> -> memref<1x4x128xi32, #tpu.memory_space<hbm>>
    %dma_start3A_40 = tpu.memref_squeeze %dma_start3A_39 : memref<1x4x128xi32, #tpu.memory_space<hbm>> -> memref<4x128xi32, #tpu.memory_space<hbm>>
    tpu.enqueue_dma source(%dma_start3A_40 : memref<4x128xi32, #tpu.memory_space<hbm>>) target(%dma_start3A_37 : memref<4x128xi32, #tpu.memory_space<vmem>>) target_semaphore(%arg14 : memref<!tpu.dma_semaphore, #tpu.memory_space<semaphore_mem>>)
    %dma_start3A_41 = arith.constant 3 : i32
    %dma_start3A_42 = arith.constant 12 : i32
    %dma_start3A_43 = arith.constant 0 : i32
    %dma_start3A_44 = tpu.memref_slice %arg6[%dma_start3A_42, %dma_start3A_43] : memref<104x128xi32, #tpu.memory_space<vmem>> -> memref<4x128xi32, #tpu.memory_space<vmem>>
    %dma_start3A_45 = arith.constant 0 : i32
    %dma_start3A_46 = tpu.memref_slice %arg2[%dma_start3A_41, %mul3A_2, %dma_start3A_45] : memref<26x128x128xi32, #tpu.memory_space<hbm>> -> memref<1x4x128xi32, #tpu.memory_space<hbm>>
    %dma_start3A_47 = tpu.memref_squeeze %dma_start3A_46 : memref<1x4x128xi32, #tpu.memory_space<hbm>> -> memref<4x128xi32, #tpu.memory_space<hbm>>
    %dma_start3A_48 = arith.constant 12 : i32
    %dma_start3A_49 = arith.constant 0 : i32
    %dma_start3A_50 = tpu.memref_slice %arg6[%dma_start3A_48, %dma_start3A_49] : memref<104x128xi32, #tpu.memory_space<vmem>> -> memref<4x128xi32, #tpu.memory_space<vmem>>
    %dma_start3A_51 = arith.constant 0 : i32
    %dma_start3A_52 = tpu.memref_slice %arg2[%dma_start3A_41, %mul3A_2, %dma_start3A_51] : memref<26x128x128xi32, #tpu.memory_space<hbm>> -> memref<1x4x128xi32, #tpu.memory_space<hbm>>
    %dma_start3A_53 = tpu.memref_squeeze %dma_start3A_52 : memref<1x4x128xi32, #tpu.memory_space<hbm>> -> memref<4x128xi32, #tpu.memory_space<hbm>>
    tpu.enqueue_dma source(%dma_start3A_53 : memref<4x128xi32, #tpu.memory_space<hbm>>) target(%dma_start3A_50 : memref<4x128xi32, #tpu.memory_space<vmem>>) target_semaphore(%arg14 : memref<!tpu.dma_semaphore, #tpu.memory_space<semaphore_mem>>)
    %dma_start3A_54 = arith.constant 4 : i32
    %dma_start3A_55 = arith.constant 16 : i32
    %dma_start3A_56 = arith.constant 0 : i32
    %dma_start3A_57 = tpu.memref_slice %arg6[%dma_start3A_55, %dma_start3A_56] : memref<104x128xi32, #tpu.memory_space<vmem>> -> memref<4x128xi32, #tpu.memory_space<vmem>>
    %dma_start3A_58 = arith.constant 0 : i32
    %dma_start3A_59 = tpu.memref_slice %arg2[%dma_start3A_54, %mul3A_2, %dma_start3A_58] : memref<26x128x128xi32, #tpu.memory_space<hbm>> -> memref<1x4x128xi32, #tpu.memory_space<hbm>>
    %dma_start3A_60 = tpu.memref_squeeze %dma_start3A_59 : memref<1x4x128xi32, #tpu.memory_space<hbm>> -> memref<4x128xi32, #tpu.memory_space<hbm>>
    %dma_start3A_61 = arith.constant 16 : i32
    %dma_start3A_62 = arith.constant 0 : i32
    %dma_start3A_63 = tpu.memref_slice %arg6[%dma_start3A_61, %dma_start3A_62] : memref<104x128xi32, #tpu.memory_space<vmem>> -> memref<4x128xi32, #tpu.memory_space<vmem>>
    %dma_start3A_64 = arith.constant 0 : i32
    %dma_start3A_65 = tpu.memref_slice %arg2[%dma_start3A_54, %mul3A_2, %dma_start3A_64] : memref<26x128x128xi32, #tpu.memory_space<hbm>> -> memref<1x4x128xi32, #tpu.memory_space<hbm>>
    %dma_start3A_66 = tpu.memref_squeeze %dma_start3A_65 : memref<1x4x128xi32, #tpu.memory_space<hbm>> -> memref<4x128xi32, #tpu.memory_space<hbm>>
    tpu.enqueue_dma source(%dma_start3A_66 : memref<4x128xi32, #tpu.memory_space<hbm>>) target(%dma_start3A_63 : memref<4x128xi32, #tpu.memory_space<vmem>>) target_semaphore(%arg14 : memref<!tpu.dma_semaphore, #tpu.memory_space<semaphore_mem>>)
    %dma_start3A_67 = arith.constant 5 : i32
    %dma_start3A_68 = arith.constant 20 : i32
    %dma_start3A_69 = arith.constant 0 : i32
    %dma_start3A_70 = tpu.memref_slice %arg6[%dma_start3A_68, %dma_start3A_69] : memref<104x128xi32, #tpu.memory_space<vmem>> -> memref<4x128xi32, #tpu.memory_space<vmem>>
    %dma_start3A_71 = arith.constant 0 : i32
    %dma_start3A_72 = tpu.memref_slice %arg2[%dma_start3A_67, %mul3A_2, %dma_start3A_71] : memref<26x128x128xi32, #tpu.memory_space<hbm>> -> memref<1x4x128xi32, #tpu.memory_space<hbm>>
    %dma_start3A_73 = tpu.memref_squeeze %dma_start3A_72 : memref<1x4x128xi32, #tpu.memory_space<hbm>> -> memref<4x128xi32, #tpu.memory_space<hbm>>
    %dma_start3A_74 = arith.constant 20 : i32
    %dma_start3A_75 = arith.constant 0 : i32
    %dma_start3A_76 = tpu.memref_slice %arg6[%dma_start3A_74, %dma_start3A_75] : memref<104x128xi32, #tpu.memory_space<vmem>> -> memref<4x128xi32, #tpu.memory_space<vmem>>
    %dma_start3A_77 = arith.constant 0 : i32
    %dma_start3A_78 = tpu.memref_slice %arg2[%dma_start3A_67, %mul3A_2, %dma_start3A_77] : memref<26x128x128xi32, #tpu.memory_space<hbm>> -> memref<1x4x128xi32, #tpu.memory_space<hbm>>
    %dma_start3A_79 = tpu.memref_squeeze %dma_start3A_78 : memref<1x4x128xi32, #tpu.memory_space<hbm>> -> memref<4x128xi32, #tpu.memory_space<hbm>>
    tpu.enqueue_dma source(%dma_start3A_79 : memref<4x128xi32, #tpu.memory_space<hbm>>) target(%dma_start3A_76 : memref<4x128xi32, #tpu.memory_space<vmem>>) target_semaphore(%arg14 : memref<!tpu.dma_semaphore, #tpu.memory_space<semaphore_mem>>)
    %dma_start3A_80 = arith.constant 6 : i32
    %dma_start3A_81 = arith.constant 24 : i32
    %dma_start3A_82 = arith.constant 0 : i32
    %dma_start3A_83 = tpu.memref_slice %arg6[%dma_start3A_81, %dma_start3A_82] : memref<104x128xi32, #tpu.memory_space<vmem>> -> memref<4x128xi32, #tpu.memory_space<vmem>>
    %dma_start3A_84 = arith.constant 0 : i32
    %dma_start3A_85 = tpu.memref_slice %arg2[%dma_start3A_80, %mul3A_2, %dma_start3A_84] : memref<26x128x128xi32, #tpu.memory_space<hbm>> -> memref<1x4x128xi32, #tpu.memory_space<hbm>>
    %dma_start3A_86 = tpu.memref_squeeze %dma_start3A_85 : memref<1x4x128xi32, #tpu.memory_space<hbm>> -> memref<4x128xi32, #tpu.memory_space<hbm>>
    %dma_start3A_87 = arith.constant 24 : i32
    %dma_start3A_88 = arith.constant 0 : i32
    %dma_start3A_89 = tpu.memref_slice %arg6[%dma_start3A_87, %dma_start3A_88] : memref<104x128xi32, #tpu.memory_space<vmem>> -> memref<4x128xi32, #tpu.memory_space<vmem>>
    %dma_start3A_90 = arith.constant 0 : i32
    %dma_start3A_91 = tpu.memref_slice %arg2[%dma_start3A_80, %mul3A_2, %dma_start3A_90] : memref<26x128x128xi32, #tpu.memory_space<hbm>> -> memref<1x4x128xi32, #tpu.memory_space<hbm>>
    %dma_start3A_92 = tpu.memref_squeeze %dma_start3A_91 : memref<1x4x128xi32, #tpu.memory_space<hbm>> -> memref<4x128xi32, #tpu.memory_space<hbm>>
    tpu.enqueue_dma source(%dma_start3A_92 : memref<4x128xi32, #tpu.memory_space<hbm>>) target(%dma_start3A_89 : memref<4x128xi32, #tpu.memory_space<vmem>>) target_semaphore(%arg14 : memref<!tpu.dma_semaphore, #tpu.memory_space<semaphore_mem>>)
    %dma_start3A_93 = arith.constant 7 : i32
    %dma_start3A_94 = arith.constant 28 : i32
    %dma_start3A_95 = arith.constant 0 : i32
    %dma_start3A_96 = tpu.memref_slice %arg6[%dma_start3A_94, %dma_start3A_95] : memref<104x128xi32, #tpu.memory_space<vmem>> -> memref<4x128xi32, #tpu.memory_space<vmem>>
    %dma_start3A_97 = arith.constant 0 : i32
    %dma_start3A_98 = tpu.memref_slice %arg2[%dma_start3A_93, %mul3A_2, %dma_start3A_97] : memref<26x128x128xi32, #tpu.memory_space<hbm>> -> memref<1x4x128xi32, #tpu.memory_space<hbm>>
    %dma_start3A_99 = tpu.memref_squeeze %dma_start3A_98 : memref<1x4x128xi32, #tpu.memory_space<hbm>> -> memref<4x128xi32, #tpu.memory_space<hbm>>
    %dma_start3A_100 = arith.constant 28 : i32
    %dma_start3A_101 = arith.constant 0 : i32
    %dma_start3A_102 = tpu.memref_slice %arg6[%dma_start3A_100, %dma_start3A_101] : memref<104x128xi32, #tpu.memory_space<vmem>> -> memref<4x128xi32, #tpu.memory_space<vmem>>
    %dma_start3A_103 = arith.constant 0 : i32
    %dma_start3A_104 = tpu.memref_slice %arg2[%dma_start3A_93, %mul3A_2, %dma_start3A_103] : memref<26x128x128xi32, #tpu.memory_space<hbm>> -> memref<1x4x128xi32, #tpu.memory_space<hbm>>
    %dma_start3A_105 = tpu.memref_squeeze %dma_start3A_104 : memref<1x4x128xi32, #tpu.memory_space<hbm>> -> memref<4x128xi32, #tpu.memory_space<hbm>>
    tpu.enqueue_dma source(%dma_start3A_105 : memref<4x128xi32, #tpu.memory_space<hbm>>) target(%dma_start3A_102 : memref<4x128xi32, #tpu.memory_space<vmem>>) target_semaphore(%arg14 : memref<!tpu.dma_semaphore, #tpu.memory_space<semaphore_mem>>)
    %dma_start3A_106 = arith.constant 8 : i32
    %dma_start3A_107 = arith.constant 32 : i32
    %dma_start3A_108 = arith.constant 0 : i32
    %dma_start3A_109 = tpu.memref_slice %arg6[%dma_start3A_107, %dma_start3A_108] : memref<104x128xi32, #tpu.memory_space<vmem>> -> memref<4x128xi32, #tpu.memory_space<vmem>>
    %dma_start3A_110 = arith.constant 0 : i32
    %dma_start3A_111 = tpu.memref_slice %arg2[%dma_start3A_106, %mul3A_2, %dma_start3A_110] : memref<26x128x128xi32, #tpu.memory_space<hbm>> -> memref<1x4x128xi32, #tpu.memory_space<hbm>>
    %dma_start3A_112 = tpu.memref_squeeze %dma_start3A_111 : memref<1x4x128xi32, #tpu.memory_space<hbm>> -> memref<4x128xi32, #tpu.memory_space<hbm>>
    %dma_start3A_113 = arith.constant 32 : i32
    %dma_start3A_114 = arith.constant 0 : i32
    %dma_start3A_115 = tpu.memref_slice %arg6[%dma_start3A_113, %dma_start3A_114] : memref<104x128xi32, #tpu.memory_space<vmem>> -> memref<4x128xi32, #tpu.memory_space<vmem>>
    %dma_start3A_116 = arith.constant 0 : i32
    %dma_start3A_117 = tpu.memref_slice %arg2[%dma_start3A_106, %mul3A_2, %dma_start3A_116] : memref<26x128x128xi32, #tpu.memory_space<hbm>> -> memref<1x4x128xi32, #tpu.memory_space<hbm>>
    %dma_start3A_118 = tpu.memref_squeeze %dma_start3A_117 : memref<1x4x128xi32, #tpu.memory_space<hbm>> -> memref<4x128xi32, #tpu.memory_space<hbm>>
    tpu.enqueue_dma source(%dma_start3A_118 : memref<4x128xi32, #tpu.memory_space<hbm>>) target(%dma_start3A_115 : memref<4x128xi32, #tpu.memory_space<vmem>>) target_semaphore(%arg14 : memref<!tpu.dma_semaphore, #tpu.memory_space<semaphore_mem>>)
    %dma_start3A_119 = arith.constant 9 : i32
    %dma_start3A_120 = arith.constant 36 : i32
    %dma_start3A_121 = arith.constant 0 : i32
    %dma_start3A_122 = tpu.memref_slice %arg6[%dma_start3A_120, %dma_start3A_121] : memref<104x128xi32, #tpu.memory_space<vmem>> -> memref<4x128xi32, #tpu.memory_space<vmem>>
    %dma_start3A_123 = arith.constant 0 : i32
    %dma_start3A_124 = tpu.memref_slice %arg2[%dma_start3A_119, %mul3A_2, %dma_start3A_123] : memref<26x128x128xi32, #tpu.memory_space<hbm>> -> memref<1x4x128xi32, #tpu.memory_space<hbm>>
    %dma_start3A_125 = tpu.memref_squeeze %dma_start3A_124 : memref<1x4x128xi32, #tpu.memory_space<hbm>> -> memref<4x128xi32, #tpu.memory_space<hbm>>
    %dma_start3A_126 = arith.constant 36 : i32
    %dma_start3A_127 = arith.constant 0 : i32
    %dma_start3A_128 = tpu.memref_slice %arg6[%dma_start3A_126, %dma_start3A_127] : memref<104x128xi32, #tpu.memory_space<vmem>> -> memref<4x128xi32, #tpu.memory_space<vmem>>
    %dma_start3A_129 = arith.constant 0 : i32
    %dma_start3A_130 = tpu.memref_slice %arg2[%dma_start3A_119, %mul3A_2, %dma_start3A_129] : memref<26x128x128xi32, #tpu.memory_space<hbm>> -> memref<1x4x128xi32, #tpu.memory_space<hbm>>
    %dma_start3A_131 = tpu.memref_squeeze %dma_start3A_130 : memref<1x4x128xi32, #tpu.memory_space<hbm>> -> memref<4x128xi32, #tpu.memory_space<hbm>>
    tpu.enqueue_dma source(%dma_start3A_131 : memref<4x128xi32, #tpu.memory_space<hbm>>) target(%dma_start3A_128 : memref<4x128xi32, #tpu.memory_space<vmem>>) target_semaphore(%arg14 : memref<!tpu.dma_semaphore, #tpu.memory_space<semaphore_mem>>)
    %dma_start3A_132 = arith.constant 10 : i32
    %dma_start3A_133 = arith.constant 40 : i32
    %dma_start3A_134 = arith.constant 0 : i32
    %dma_start3A_135 = tpu.memref_slice %arg6[%dma_start3A_133, %dma_start3A_134] : memref<104x128xi32, #tpu.memory_space<vmem>> -> memref<4x128xi32, #tpu.memory_space<vmem>>
    %dma_start3A_136 = arith.constant 0 : i32
    %dma_start3A_137 = tpu.memref_slice %arg2[%dma_start3A_132, %mul3A_2, %dma_start3A_136] : memref<26x128x128xi32, #tpu.memory_space<hbm>> -> memref<1x4x128xi32, #tpu.memory_space<hbm>>
    %dma_start3A_138 = tpu.memref_squeeze %dma_start3A_137 : memref<1x4x128xi32, #tpu.memory_space<hbm>> -> memref<4x128xi32, #tpu.memory_space<hbm>>
    %dma_start3A_139 = arith.constant 40 : i32
    %dma_start3A_140 = arith.constant 0 : i32
    %dma_start3A_141 = tpu.memref_slice %arg6[%dma_start3A_139, %dma_start3A_140] : memref<104x128xi32, #tpu.memory_space<vmem>> -> memref<4x128xi32, #tpu.memory_space<vmem>>
    %dma_start3A_142 = arith.constant 0 : i32
    %dma_start3A_143 = tpu.memref_slice %arg2[%dma_start3A_132, %mul3A_2, %dma_start3A_142] : memref<26x128x128xi32, #tpu.memory_space<hbm>> -> memref<1x4x128xi32, #tpu.memory_space<hbm>>
    %dma_start3A_144 = tpu.memref_squeeze %dma_start3A_143 : memref<1x4x128xi32, #tpu.memory_space<hbm>> -> memref<4x128xi32, #tpu.memory_space<hbm>>
    tpu.enqueue_dma source(%dma_start3A_144 : memref<4x128xi32, #tpu.memory_space<hbm>>) target(%dma_start3A_141 : memref<4x128xi32, #tpu.memory_space<vmem>>) target_semaphore(%arg14 : memref<!tpu.dma_semaphore, #tpu.memory_space<semaphore_mem>>)
    %dma_start3A_145 = arith.constant 11 : i32
    %dma_start3A_146 = arith.constant 44 : i32
    %dma_start3A_147 = arith.constant 0 : i32
    %dma_start3A_148 = tpu.memref_slice %arg6[%dma_start3A_146, %dma_start3A_147] : memref<104x128xi32, #tpu.memory_space<vmem>> -> memref<4x128xi32, #tpu.memory_space<vmem>>
    %dma_start3A_149 = arith.constant 0 : i32
    %dma_start3A_150 = tpu.memref_slice %arg2[%dma_start3A_145, %mul3A_2, %dma_start3A_149] : memref<26x128x128xi32, #tpu.memory_space<hbm>> -> memref<1x4x128xi32, #tpu.memory_space<hbm>>
    %dma_start3A_151 = tpu.memref_squeeze %dma_start3A_150 : memref<1x4x128xi32, #tpu.memory_space<hbm>> -> memref<4x128xi32, #tpu.memory_space<hbm>>
    %dma_start3A_152 = arith.constant 44 : i32
    %dma_start3A_153 = arith.constant 0 : i32
    %dma_start3A_154 = tpu.memref_slice %arg6[%dma_start3A_152, %dma_start3A_153] : memref<104x128xi32, #tpu.memory_space<vmem>> -> memref<4x128xi32, #tpu.memory_space<vmem>>
    %dma_start3A_155 = arith.constant 0 : i32
    %dma_start3A_156 = tpu.memref_slice %arg2[%dma_start3A_145, %mul3A_2, %dma_start3A_155] : memref<26x128x128xi32, #tpu.memory_space<hbm>> -> memref<1x4x128xi32, #tpu.memory_space<hbm>>
    %dma_start3A_157 = tpu.memref_squeeze %dma_start3A_156 : memref<1x4x128xi32, #tpu.memory_space<hbm>> -> memref<4x128xi32, #tpu.memory_space<hbm>>
    tpu.enqueue_dma source(%dma_start3A_157 : memref<4x128xi32, #tpu.memory_space<hbm>>) target(%dma_start3A_154 : memref<4x128xi32, #tpu.memory_space<vmem>>) target_semaphore(%arg14 : memref<!tpu.dma_semaphore, #tpu.memory_space<semaphore_mem>>)
    %dma_start3A_158 = arith.constant 12 : i32
    %dma_start3A_159 = arith.constant 48 : i32
    %dma_start3A_160 = arith.constant 0 : i32
    %dma_start3A_161 = tpu.memref_slice %arg6[%dma_start3A_159, %dma_start3A_160] : memref<104x128xi32, #tpu.memory_space<vmem>> -> memref<4x128xi32, #tpu.memory_space<vmem>>
    %dma_start3A_162 = arith.constant 0 : i32
    %dma_start3A_163 = tpu.memref_slice %arg2[%dma_start3A_158, %mul3A_2, %dma_start3A_162] : memref<26x128x128xi32, #tpu.memory_space<hbm>> -> memref<1x4x128xi32, #tpu.memory_space<hbm>>
    %dma_start3A_164 = tpu.memref_squeeze %dma_start3A_163 : memref<1x4x128xi32, #tpu.memory_space<hbm>> -> memref<4x128xi32, #tpu.memory_space<hbm>>
    %dma_start3A_165 = arith.constant 48 : i32
    %dma_start3A_166 = arith.constant 0 : i32
    %dma_start3A_167 = tpu.memref_slice %arg6[%dma_start3A_165, %dma_start3A_166] : memref<104x128xi32, #tpu.memory_space<vmem>> -> memref<4x128xi32, #tpu.memory_space<vmem>>
    %dma_start3A_168 = arith.constant 0 : i32
    %dma_start3A_169 = tpu.memref_slice %arg2[%dma_start3A_158, %mul3A_2, %dma_start3A_168] : memref<26x128x128xi32, #tpu.memory_space<hbm>> -> memref<1x4x128xi32, #tpu.memory_space<hbm>>
    %dma_start3A_170 = tpu.memref_squeeze %dma_start3A_169 : memref<1x4x128xi32, #tpu.memory_space<hbm>> -> memref<4x128xi32, #tpu.memory_space<hbm>>
    tpu.enqueue_dma source(%dma_start3A_170 : memref<4x128xi32, #tpu.memory_space<hbm>>) target(%dma_start3A_167 : memref<4x128xi32, #tpu.memory_space<vmem>>) target_semaphore(%arg14 : memref<!tpu.dma_semaphore, #tpu.memory_space<semaphore_mem>>)
    %dma_start3A_171 = arith.constant 13 : i32
    %dma_start3A_172 = arith.constant 52 : i32
    %dma_start3A_173 = arith.constant 0 : i32
    %dma_start3A_174 = tpu.memref_slice %arg6[%dma_start3A_172, %dma_start3A_173] : memref<104x128xi32, #tpu.memory_space<vmem>> -> memref<4x128xi32, #tpu.memory_space<vmem>>
    %dma_start3A_175 = arith.constant 0 : i32
    %dma_start3A_176 = tpu.memref_slice %arg2[%dma_start3A_171, %mul3A_2, %dma_start3A_175] : memref<26x128x128xi32, #tpu.memory_space<hbm>> -> memref<1x4x128xi32, #tpu.memory_space<hbm>>
    %dma_start3A_177 = tpu.memref_squeeze %dma_start3A_176 : memref<1x4x128xi32, #tpu.memory_space<hbm>> -> memref<4x128xi32, #tpu.memory_space<hbm>>
    %dma_start3A_178 = arith.constant 52 : i32
    %dma_start3A_179 = arith.constant 0 : i32
    %dma_start3A_180 = tpu.memref_slice %arg6[%dma_start3A_178, %dma_start3A_179] : memref<104x128xi32, #tpu.memory_space<vmem>> -> memref<4x128xi32, #tpu.memory_space<vmem>>
    %dma_start3A_181 = arith.constant 0 : i32
    %dma_start3A_182 = tpu.memref_slice %arg2[%dma_start3A_171, %mul3A_2, %dma_start3A_181] : memref<26x128x128xi32, #tpu.memory_space<hbm>> -> memref<1x4x128xi32, #tpu.memory_space<hbm>>
    %dma_start3A_183 = tpu.memref_squeeze %dma_start3A_182 : memref<1x4x128xi32, #tpu.memory_space<hbm>> -> memref<4x128xi32, #tpu.memory_space<hbm>>
    tpu.enqueue_dma source(%dma_start3A_183 : memref<4x128xi32, #tpu.memory_space<hbm>>) target(%dma_start3A_180 : memref<4x128xi32, #tpu.memory_space<vmem>>) target_semaphore(%arg14 : memref<!tpu.dma_semaphore, #tpu.memory_space<semaphore_mem>>)
    %dma_start3A_184 = arith.constant 14 : i32
    %dma_start3A_185 = arith.constant 56 : i32
    %dma_start3A_186 = arith.constant 0 : i32
    %dma_start3A_187 = tpu.memref_slice %arg6[%dma_start3A_185, %dma_start3A_186] : memref<104x128xi32, #tpu.memory_space<vmem>> -> memref<4x128xi32, #tpu.memory_space<vmem>>
    %dma_start3A_188 = arith.constant 0 : i32
    %dma_start3A_189 = tpu.memref_slice %arg2[%dma_start3A_184, %mul3A_2, %dma_start3A_188] : memref<26x128x128xi32, #tpu.memory_space<hbm>> -> memref<1x4x128xi32, #tpu.memory_space<hbm>>
    %dma_start3A_190 = tpu.memref_squeeze %dma_start3A_189 : memref<1x4x128xi32, #tpu.memory_space<hbm>> -> memref<4x128xi32, #tpu.memory_space<hbm>>
    %dma_start3A_191 = arith.constant 56 : i32
    %dma_start3A_192 = arith.constant 0 : i32
    %dma_start3A_193 = tpu.memref_slice %arg6[%dma_start3A_191, %dma_start3A_192] : memref<104x128xi32, #tpu.memory_space<vmem>> -> memref<4x128xi32, #tpu.memory_space<vmem>>
    %dma_start3A_194 = arith.constant 0 : i32
    %dma_start3A_195 = tpu.memref_slice %arg2[%dma_start3A_184, %mul3A_2, %dma_start3A_194] : memref<26x128x128xi32, #tpu.memory_space<hbm>> -> memref<1x4x128xi32, #tpu.memory_space<hbm>>
    %dma_start3A_196 = tpu.memref_squeeze %dma_start3A_195 : memref<1x4x128xi32, #tpu.memory_space<hbm>> -> memref<4x128xi32, #tpu.memory_space<hbm>>
    tpu.enqueue_dma source(%dma_start3A_196 : memref<4x128xi32, #tpu.memory_space<hbm>>) target(%dma_start3A_193 : memref<4x128xi32, #tpu.memory_space<vmem>>) target_semaphore(%arg14 : memref<!tpu.dma_semaphore, #tpu.memory_space<semaphore_mem>>)
    %dma_start3A_197 = arith.constant 15 : i32
    %dma_start3A_198 = arith.constant 60 : i32
    %dma_start3A_199 = arith.constant 0 : i32
    %dma_start3A_200 = tpu.memref_slice %arg6[%dma_start3A_198, %dma_start3A_199] : memref<104x128xi32, #tpu.memory_space<vmem>> -> memref<4x128xi32, #tpu.memory_space<vmem>>
    %dma_start3A_201 = arith.constant 0 : i32
    %dma_start3A_202 = tpu.memref_slice %arg2[%dma_start3A_197, %mul3A_2, %dma_start3A_201] : memref<26x128x128xi32, #tpu.memory_space<hbm>> -> memref<1x4x128xi32, #tpu.memory_space<hbm>>
    %dma_start3A_203 = tpu.memref_squeeze %dma_start3A_202 : memref<1x4x128xi32, #tpu.memory_space<hbm>> -> memref<4x128xi32, #tpu.memory_space<hbm>>
    %dma_start3A_204 = arith.constant 60 : i32
    %dma_start3A_205 = arith.constant 0 : i32
    %dma_start3A_206 = tpu.memref_slice %arg6[%dma_start3A_204, %dma_start3A_205] : memref<104x128xi32, #tpu.memory_space<vmem>> -> memref<4x128xi32, #tpu.memory_space<vmem>>
    %dma_start3A_207 = arith.constant 0 : i32
    %dma_start3A_208 = tpu.memref_slice %arg2[%dma_start3A_197, %mul3A_2, %dma_start3A_207] : memref<26x128x128xi32, #tpu.memory_space<hbm>> -> memref<1x4x128xi32, #tpu.memory_space<hbm>>
    %dma_start3A_209 = tpu.memref_squeeze %dma_start3A_208 : memref<1x4x128xi32, #tpu.memory_space<hbm>> -> memref<4x128xi32, #tpu.memory_space<hbm>>
    tpu.enqueue_dma source(%dma_start3A_209 : memref<4x128xi32, #tpu.memory_space<hbm>>) target(%dma_start3A_206 : memref<4x128xi32, #tpu.memory_space<vmem>>) target_semaphore(%arg14 : memref<!tpu.dma_semaphore, #tpu.memory_space<semaphore_mem>>)
    %dma_start3A_210 = arith.constant 16 : i32
    %dma_start3A_211 = arith.constant 64 : i32
    %dma_start3A_212 = arith.constant 0 : i32
    %dma_start3A_213 = tpu.memref_slice %arg6[%dma_start3A_211, %dma_start3A_212] : memref<104x128xi32, #tpu.memory_space<vmem>> -> memref<4x128xi32, #tpu.memory_space<vmem>>
    %dma_start3A_214 = arith.constant 0 : i32
    %dma_start3A_215 = tpu.memref_slice %arg2[%dma_start3A_210, %mul3A_2, %dma_start3A_214] : memref<26x128x128xi32, #tpu.memory_space<hbm>> -> memref<1x4x128xi32, #tpu.memory_space<hbm>>
    %dma_start3A_216 = tpu.memref_squeeze %dma_start3A_215 : memref<1x4x128xi32, #tpu.memory_space<hbm>> -> memref<4x128xi32, #tpu.memory_space<hbm>>
    %dma_start3A_217 = arith.constant 64 : i32
    %dma_start3A_218 = arith.constant 0 : i32
    %dma_start3A_219 = tpu.memref_slice %arg6[%dma_start3A_217, %dma_start3A_218] : memref<104x128xi32, #tpu.memory_space<vmem>> -> memref<4x128xi32, #tpu.memory_space<vmem>>
    %dma_start3A_220 = arith.constant 0 : i32
    %dma_start3A_221 = tpu.memref_slice %arg2[%dma_start3A_210, %mul3A_2, %dma_start3A_220] : memref<26x128x128xi32, #tpu.memory_space<hbm>> -> memref<1x4x128xi32, #tpu.memory_space<hbm>>
    %dma_start3A_222 = tpu.memref_squeeze %dma_start3A_221 : memref<1x4x128xi32, #tpu.memory_space<hbm>> -> memref<4x128xi32, #tpu.memory_space<hbm>>
    tpu.enqueue_dma source(%dma_start3A_222 : memref<4x128xi32, #tpu.memory_space<hbm>>) target(%dma_start3A_219 : memref<4x128xi32, #tpu.memory_space<vmem>>) target_semaphore(%arg14 : memref<!tpu.dma_semaphore, #tpu.memory_space<semaphore_mem>>)
    %dma_start3A_223 = arith.constant 17 : i32
    %dma_start3A_224 = arith.constant 68 : i32
    %dma_start3A_225 = arith.constant 0 : i32
    %dma_start3A_226 = tpu.memref_slice %arg6[%dma_start3A_224, %dma_start3A_225] : memref<104x128xi32, #tpu.memory_space<vmem>> -> memref<4x128xi32, #tpu.memory_space<vmem>>
    %dma_start3A_227 = arith.constant 0 : i32
    %dma_start3A_228 = tpu.memref_slice %arg2[%dma_start3A_223, %mul3A_2, %dma_start3A_227] : memref<26x128x128xi32, #tpu.memory_space<hbm>> -> memref<1x4x128xi32, #tpu.memory_space<hbm>>
    %dma_start3A_229 = tpu.memref_squeeze %dma_start3A_228 : memref<1x4x128xi32, #tpu.memory_space<hbm>> -> memref<4x128xi32, #tpu.memory_space<hbm>>
    %dma_start3A_230 = arith.constant 68 : i32
    %dma_start3A_231 = arith.constant 0 : i32
    %dma_start3A_232 = tpu.memref_slice %arg6[%dma_start3A_230, %dma_start3A_231] : memref<104x128xi32, #tpu.memory_space<vmem>> -> memref<4x128xi32, #tpu.memory_space<vmem>>
    %dma_start3A_233 = arith.constant 0 : i32
    %dma_start3A_234 = tpu.memref_slice %arg2[%dma_start3A_223, %mul3A_2, %dma_start3A_233] : memref<26x128x128xi32, #tpu.memory_space<hbm>> -> memref<1x4x128xi32, #tpu.memory_space<hbm>>
    %dma_start3A_235 = tpu.memref_squeeze %dma_start3A_234 : memref<1x4x128xi32, #tpu.memory_space<hbm>> -> memref<4x128xi32, #tpu.memory_space<hbm>>
    tpu.enqueue_dma source(%dma_start3A_235 : memref<4x128xi32, #tpu.memory_space<hbm>>) target(%dma_start3A_232 : memref<4x128xi32, #tpu.memory_space<vmem>>) target_semaphore(%arg14 : memref<!tpu.dma_semaphore, #tpu.memory_space<semaphore_mem>>)
    %dma_start3A_236 = arith.constant 18 : i32
    %dma_start3A_237 = arith.constant 72 : i32
    %dma_start3A_238 = arith.constant 0 : i32
    %dma_start3A_239 = tpu.memref_slice %arg6[%dma_start3A_237, %dma_start3A_238] : memref<104x128xi32, #tpu.memory_space<vmem>> -> memref<4x128xi32, #tpu.memory_space<vmem>>
    %dma_start3A_240 = arith.constant 0 : i32
    %dma_start3A_241 = tpu.memref_slice %arg2[%dma_start3A_236, %mul3A_2, %dma_start3A_240] : memref<26x128x128xi32, #tpu.memory_space<hbm>> -> memref<1x4x128xi32, #tpu.memory_space<hbm>>
    %dma_start3A_242 = tpu.memref_squeeze %dma_start3A_241 : memref<1x4x128xi32, #tpu.memory_space<hbm>> -> memref<4x128xi32, #tpu.memory_space<hbm>>
    %dma_start3A_243 = arith.constant 72 : i32
    %dma_start3A_244 = arith.constant 0 : i32
    %dma_start3A_245 = tpu.memref_slice %arg6[%dma_start3A_243, %dma_start3A_244] : memref<104x128xi32, #tpu.memory_space<vmem>> -> memref<4x128xi32, #tpu.memory_space<vmem>>
    %dma_start3A_246 = arith.constant 0 : i32
    %dma_start3A_247 = tpu.memref_slice %arg2[%dma_start3A_236, %mul3A_2, %dma_start3A_246] : memref<26x128x128xi32, #tpu.memory_space<hbm>> -> memref<1x4x128xi32, #tpu.memory_space<hbm>>
    %dma_start3A_248 = tpu.memref_squeeze %dma_start3A_247 : memref<1x4x128xi32, #tpu.memory_space<hbm>> -> memref<4x128xi32, #tpu.memory_space<hbm>>
    tpu.enqueue_dma source(%dma_start3A_248 : memref<4x128xi32, #tpu.memory_space<hbm>>) target(%dma_start3A_245 : memref<4x128xi32, #tpu.memory_space<vmem>>) target_semaphore(%arg14 : memref<!tpu.dma_semaphore, #tpu.memory_space<semaphore_mem>>)
    %dma_start3A_249 = arith.constant 19 : i32
    %dma_start3A_250 = arith.constant 76 : i32
    %dma_start3A_251 = arith.constant 0 : i32
    %dma_start3A_252 = tpu.memref_slice %arg6[%dma_start3A_250, %dma_start3A_251] : memref<104x128xi32, #tpu.memory_space<vmem>> -> memref<4x128xi32, #tpu.memory_space<vmem>>
    %dma_start3A_253 = arith.constant 0 : i32
    %dma_start3A_254 = tpu.memref_slice %arg2[%dma_start3A_249, %mul3A_2, %dma_start3A_253] : memref<26x128x128xi32, #tpu.memory_space<hbm>> -> memref<1x4x128xi32, #tpu.memory_space<hbm>>
    %dma_start3A_255 = tpu.memref_squeeze %dma_start3A_254 : memref<1x4x128xi32, #tpu.memory_space<hbm>> -> memref<4x128xi32, #tpu.memory_space<hbm>>
    %dma_start3A_256 = arith.constant 76 : i32
    %dma_start3A_257 = arith.constant 0 : i32
    %dma_start3A_258 = tpu.memref_slice %arg6[%dma_start3A_256, %dma_start3A_257] : memref<104x128xi32, #tpu.memory_space<vmem>> -> memref<4x128xi32, #tpu.memory_space<vmem>>
    %dma_start3A_259 = arith.constant 0 : i32
    %dma_start3A_260 = tpu.memref_slice %arg2[%dma_start3A_249, %mul3A_2, %dma_start3A_259] : memref<26x128x128xi32, #tpu.memory_space<hbm>> -> memref<1x4x128xi32, #tpu.memory_space<hbm>>
    %dma_start3A_261 = tpu.memref_squeeze %dma_start3A_260 : memref<1x4x128xi32, #tpu.memory_space<hbm>> -> memref<4x128xi32, #tpu.memory_space<hbm>>
    tpu.enqueue_dma source(%dma_start3A_261 : memref<4x128xi32, #tpu.memory_space<hbm>>) target(%dma_start3A_258 : memref<4x128xi32, #tpu.memory_space<vmem>>) target_semaphore(%arg14 : memref<!tpu.dma_semaphore, #tpu.memory_space<semaphore_mem>>)
    %dma_start3A_262 = arith.constant 20 : i32
    %dma_start3A_263 = arith.constant 80 : i32
    %dma_start3A_264 = arith.constant 0 : i32
    %dma_start3A_265 = tpu.memref_slice %arg6[%dma_start3A_263, %dma_start3A_264] : memref<104x128xi32, #tpu.memory_space<vmem>> -> memref<4x128xi32, #tpu.memory_space<vmem>>
    %dma_start3A_266 = arith.constant 0 : i32
    %dma_start3A_267 = tpu.memref_slice %arg2[%dma_start3A_262, %mul3A_2, %dma_start3A_266] : memref<26x128x128xi32, #tpu.memory_space<hbm>> -> memref<1x4x128xi32, #tpu.memory_space<hbm>>
    %dma_start3A_268 = tpu.memref_squeeze %dma_start3A_267 : memref<1x4x128xi32, #tpu.memory_space<hbm>> -> memref<4x128xi32, #tpu.memory_space<hbm>>
    %dma_start3A_269 = arith.constant 80 : i32
    %dma_start3A_270 = arith.constant 0 : i32
    %dma_start3A_271 = tpu.memref_slice %arg6[%dma_start3A_269, %dma_start3A_270] : memref<104x128xi32, #tpu.memory_space<vmem>> -> memref<4x128xi32, #tpu.memory_space<vmem>>
    %dma_start3A_272 = arith.constant 0 : i32
    %dma_start3A_273 = tpu.memref_slice %arg2[%dma_start3A_262, %mul3A_2, %dma_start3A_272] : memref<26x128x128xi32, #tpu.memory_space<hbm>> -> memref<1x4x128xi32, #tpu.memory_space<hbm>>
    %dma_start3A_274 = tpu.memref_squeeze %dma_start3A_273 : memref<1x4x128xi32, #tpu.memory_space<hbm>> -> memref<4x128xi32, #tpu.memory_space<hbm>>
    tpu.enqueue_dma source(%dma_start3A_274 : memref<4x128xi32, #tpu.memory_space<hbm>>) target(%dma_start3A_271 : memref<4x128xi32, #tpu.memory_space<vmem>>) target_semaphore(%arg14 : memref<!tpu.dma_semaphore, #tpu.memory_space<semaphore_mem>>)
    %dma_start3A_275 = arith.constant 21 : i32
    %dma_start3A_276 = arith.constant 84 : i32
    %dma_start3A_277 = arith.constant 0 : i32
    %dma_start3A_278 = tpu.memref_slice %arg6[%dma_start3A_276, %dma_start3A_277] : memref<104x128xi32, #tpu.memory_space<vmem>> -> memref<4x128xi32, #tpu.memory_space<vmem>>
    %dma_start3A_279 = arith.constant 0 : i32
    %dma_start3A_280 = tpu.memref_slice %arg2[%dma_start3A_275, %mul3A_2, %dma_start3A_279] : memref<26x128x128xi32, #tpu.memory_space<hbm>> -> memref<1x4x128xi32, #tpu.memory_space<hbm>>
    %dma_start3A_281 = tpu.memref_squeeze %dma_start3A_280 : memref<1x4x128xi32, #tpu.memory_space<hbm>> -> memref<4x128xi32, #tpu.memory_space<hbm>>
    %dma_start3A_282 = arith.constant 84 : i32
    %dma_start3A_283 = arith.constant 0 : i32
    %dma_start3A_284 = tpu.memref_slice %arg6[%dma_start3A_282, %dma_start3A_283] : memref<104x128xi32, #tpu.memory_space<vmem>> -> memref<4x128xi32, #tpu.memory_space<vmem>>
    %dma_start3A_285 = arith.constant 0 : i32
    %dma_start3A_286 = tpu.memref_slice %arg2[%dma_start3A_275, %mul3A_2, %dma_start3A_285] : memref<26x128x128xi32, #tpu.memory_space<hbm>> -> memref<1x4x128xi32, #tpu.memory_space<hbm>>
    %dma_start3A_287 = tpu.memref_squeeze %dma_start3A_286 : memref<1x4x128xi32, #tpu.memory_space<hbm>> -> memref<4x128xi32, #tpu.memory_space<hbm>>
    tpu.enqueue_dma source(%dma_start3A_287 : memref<4x128xi32, #tpu.memory_space<hbm>>) target(%dma_start3A_284 : memref<4x128xi32, #tpu.memory_space<vmem>>) target_semaphore(%arg14 : memref<!tpu.dma_semaphore, #tpu.memory_space<semaphore_mem>>)
    %dma_start3A_288 = arith.constant 22 : i32
    %dma_start3A_289 = arith.constant 88 : i32
    %dma_start3A_290 = arith.constant 0 : i32
    %dma_start3A_291 = tpu.memref_slice %arg6[%dma_start3A_289, %dma_start3A_290] : memref<104x128xi32, #tpu.memory_space<vmem>> -> memref<4x128xi32, #tpu.memory_space<vmem>>
    %dma_start3A_292 = arith.constant 0 : i32
    %dma_start3A_293 = tpu.memref_slice %arg2[%dma_start3A_288, %mul3A_2, %dma_start3A_292] : memref<26x128x128xi32, #tpu.memory_space<hbm>> -> memref<1x4x128xi32, #tpu.memory_space<hbm>>
    %dma_start3A_294 = tpu.memref_squeeze %dma_start3A_293 : memref<1x4x128xi32, #tpu.memory_space<hbm>> -> memref<4x128xi32, #tpu.memory_space<hbm>>
    %dma_start3A_295 = arith.constant 88 : i32
    %dma_start3A_296 = arith.constant 0 : i32
    %dma_start3A_297 = tpu.memref_slice %arg6[%dma_start3A_295, %dma_start3A_296] : memref<104x128xi32, #tpu.memory_space<vmem>> -> memref<4x128xi32, #tpu.memory_space<vmem>>
    %dma_start3A_298 = arith.constant 0 : i32
    %dma_start3A_299 = tpu.memref_slice %arg2[%dma_start3A_288, %mul3A_2, %dma_start3A_298] : memref<26x128x128xi32, #tpu.memory_space<hbm>> -> memref<1x4x128xi32, #tpu.memory_space<hbm>>
    %dma_start3A_300 = tpu.memref_squeeze %dma_start3A_299 : memref<1x4x128xi32, #tpu.memory_space<hbm>> -> memref<4x128xi32, #tpu.memory_space<hbm>>
    tpu.enqueue_dma source(%dma_start3A_300 : memref<4x128xi32, #tpu.memory_space<hbm>>) target(%dma_start3A_297 : memref<4x128xi32, #tpu.memory_space<vmem>>) target_semaphore(%arg14 : memref<!tpu.dma_semaphore, #tpu.memory_space<semaphore_mem>>)
    %dma_start3A_301 = arith.constant 23 : i32
    %dma_start3A_302 = arith.constant 92 : i32
    %dma_start3A_303 = arith.constant 0 : i32
    %dma_start3A_304 = tpu.memref_slice %arg6[%dma_start3A_302, %dma_start3A_303] : memref<104x128xi32, #tpu.memory_space<vmem>> -> memref<4x128xi32, #tpu.memory_space<vmem>>
    %dma_start3A_305 = arith.constant 0 : i32
    %dma_start3A_306 = tpu.memref_slice %arg2[%dma_start3A_301, %mul3A_2, %dma_start3A_305] : memref<26x128x128xi32, #tpu.memory_space<hbm>> -> memref<1x4x128xi32, #tpu.memory_space<hbm>>
    %dma_start3A_307 = tpu.memref_squeeze %dma_start3A_306 : memref<1x4x128xi32, #tpu.memory_space<hbm>> -> memref<4x128xi32, #tpu.memory_space<hbm>>
    %dma_start3A_308 = arith.constant 92 : i32
    %dma_start3A_309 = arith.constant 0 : i32
    %dma_start3A_310 = tpu.memref_slice %arg6[%dma_start3A_308, %dma_start3A_309] : memref<104x128xi32, #tpu.memory_space<vmem>> -> memref<4x128xi32, #tpu.memory_space<vmem>>
    %dma_start3A_311 = arith.constant 0 : i32
    %dma_start3A_312 = tpu.memref_slice %arg2[%dma_start3A_301, %mul3A_2, %dma_start3A_311] : memref<26x128x128xi32, #tpu.memory_space<hbm>> -> memref<1x4x128xi32, #tpu.memory_space<hbm>>
    %dma_start3A_313 = tpu.memref_squeeze %dma_start3A_312 : memref<1x4x128xi32, #tpu.memory_space<hbm>> -> memref<4x128xi32, #tpu.memory_space<hbm>>
    tpu.enqueue_dma source(%dma_start3A_313 : memref<4x128xi32, #tpu.memory_space<hbm>>) target(%dma_start3A_310 : memref<4x128xi32, #tpu.memory_space<vmem>>) target_semaphore(%arg14 : memref<!tpu.dma_semaphore, #tpu.memory_space<semaphore_mem>>)
    %dma_start3A_314 = arith.constant 24 : i32
    %dma_start3A_315 = arith.constant 96 : i32
    %dma_start3A_316 = arith.constant 0 : i32
    %dma_start3A_317 = tpu.memref_slice %arg6[%dma_start3A_315, %dma_start3A_316] : memref<104x128xi32, #tpu.memory_space<vmem>> -> memref<4x128xi32, #tpu.memory_space<vmem>>
    %dma_start3A_318 = arith.constant 0 : i32
    %dma_start3A_319 = tpu.memref_slice %arg2[%dma_start3A_314, %mul3A_2, %dma_start3A_318] : memref<26x128x128xi32, #tpu.memory_space<hbm>> -> memref<1x4x128xi32, #tpu.memory_space<hbm>>
    %dma_start3A_320 = tpu.memref_squeeze %dma_start3A_319 : memref<1x4x128xi32, #tpu.memory_space<hbm>> -> memref<4x128xi32, #tpu.memory_space<hbm>>
    %dma_start3A_321 = arith.constant 96 : i32
    %dma_start3A_322 = arith.constant 0 : i32
    %dma_start3A_323 = tpu.memref_slice %arg6[%dma_start3A_321, %dma_start3A_322] : memref<104x128xi32, #tpu.memory_space<vmem>> -> memref<4x128xi32, #tpu.memory_space<vmem>>
    %dma_start3A_324 = arith.constant 0 : i32
    %dma_start3A_325 = tpu.memref_slice %arg2[%dma_start3A_314, %mul3A_2, %dma_start3A_324] : memref<26x128x128xi32, #tpu.memory_space<hbm>> -> memref<1x4x128xi32, #tpu.memory_space<hbm>>
    %dma_start3A_326 = tpu.memref_squeeze %dma_start3A_325 : memref<1x4x128xi32, #tpu.memory_space<hbm>> -> memref<4x128xi32, #tpu.memory_space<hbm>>
    tpu.enqueue_dma source(%dma_start3A_326 : memref<4x128xi32, #tpu.memory_space<hbm>>) target(%dma_start3A_323 : memref<4x128xi32, #tpu.memory_space<vmem>>) target_semaphore(%arg14 : memref<!tpu.dma_semaphore, #tpu.memory_space<semaphore_mem>>)
    %dma_start3A_327 = arith.constant 25 : i32
    %dma_start3A_328 = arith.constant 100 : i32
    %dma_start3A_329 = arith.constant 0 : i32
    %dma_start3A_330 = tpu.memref_slice %arg6[%dma_start3A_328, %dma_start3A_329] : memref<104x128xi32, #tpu.memory_space<vmem>> -> memref<4x128xi32, #tpu.memory_space<vmem>>
    %dma_start3A_331 = arith.constant 0 : i32
    %dma_start3A_332 = tpu.memref_slice %arg2[%dma_start3A_327, %mul3A_2, %dma_start3A_331] : memref<26x128x128xi32, #tpu.memory_space<hbm>> -> memref<1x4x128xi32, #tpu.memory_space<hbm>>
    %dma_start3A_333 = tpu.memref_squeeze %dma_start3A_332 : memref<1x4x128xi32, #tpu.memory_space<hbm>> -> memref<4x128xi32, #tpu.memory_space<hbm>>
    %dma_start3A_334 = arith.constant 100 : i32
    %dma_start3A_335 = arith.constant 0 : i32
    %dma_start3A_336 = tpu.memref_slice %arg6[%dma_start3A_334, %dma_start3A_335] : memref<104x128xi32, #tpu.memory_space<vmem>> -> memref<4x128xi32, #tpu.memory_space<vmem>>
    %dma_start3A_337 = arith.constant 0 : i32
    %dma_start3A_338 = tpu.memref_slice %arg2[%dma_start3A_327, %mul3A_2, %dma_start3A_337] : memref<26x128x128xi32, #tpu.memory_space<hbm>> -> memref<1x4x128xi32, #tpu.memory_space<hbm>>
    %dma_start3A_339 = tpu.memref_squeeze %dma_start3A_338 : memref<1x4x128xi32, #tpu.memory_space<hbm>> -> memref<4x128xi32, #tpu.memory_space<hbm>>
    tpu.enqueue_dma source(%dma_start3A_339 : memref<4x128xi32, #tpu.memory_space<hbm>>) target(%dma_start3A_336 : memref<4x128xi32, #tpu.memory_space<vmem>>) target_semaphore(%arg14 : memref<!tpu.dma_semaphore, #tpu.memory_space<semaphore_mem>>)
    %dma_start3A_340 = arith.constant 0 : i32
    %dma_start3A_341 = arith.constant 0 : i32
    %dma_start3A_342 = arith.constant 0 : i32
    %dma_start3A_343 = tpu.memref_slice %arg7[%dma_start3A_341, %dma_start3A_342] : memref<104x128xi32, #tpu.memory_space<vmem>> -> memref<4x128xi32, #tpu.memory_space<vmem>>
    %dma_start3A_344 = arith.constant 0 : i32
    %dma_start3A_345 = tpu.memref_slice %arg3[%dma_start3A_340, %mul3A_2, %dma_start3A_344] : memref<26x128x128xi32, #tpu.memory_space<hbm>> -> memref<1x4x128xi32, #tpu.memory_space<hbm>>
    %dma_start3A_346 = tpu.memref_squeeze %dma_start3A_345 : memref<1x4x128xi32, #tpu.memory_space<hbm>> -> memref<4x128xi32, #tpu.memory_space<hbm>>
    %dma_start3A_347 = arith.constant 0 : i32
    %dma_start3A_348 = arith.constant 0 : i32
    %dma_start3A_349 = tpu.memref_slice %arg7[%dma_start3A_347, %dma_start3A_348] : memref<104x128xi32, #tpu.memory_space<vmem>> -> memref<4x128xi32, #tpu.memory_space<vmem>>
    %dma_start3A_350 = arith.constant 0 : i32
    %dma_start3A_351 = tpu.memref_slice %arg3[%dma_start3A_340, %mul3A_2, %dma_start3A_350] : memref<26x128x128xi32, #tpu.memory_space<hbm>> -> memref<1x4x128xi32, #tpu.memory_space<hbm>>
    %dma_start3A_352 = tpu.memref_squeeze %dma_start3A_351 : memref<1x4x128xi32, #tpu.memory_space<hbm>> -> memref<4x128xi32, #tpu.memory_space<hbm>>
    tpu.enqueue_dma source(%dma_start3A_352 : memref<4x128xi32, #tpu.memory_space<hbm>>) target(%dma_start3A_349 : memref<4x128xi32, #tpu.memory_space<vmem>>) target_semaphore(%arg14 : memref<!tpu.dma_semaphore, #tpu.memory_space<semaphore_mem>>)
    %dma_start3A_353 = arith.constant 1 : i32
    %dma_start3A_354 = arith.constant 4 : i32
    %dma_start3A_355 = arith.constant 0 : i32
    %dma_start3A_356 = tpu.memref_slice %arg7[%dma_start3A_354, %dma_start3A_355] : memref<104x128xi32, #tpu.memory_space<vmem>> -> memref<4x128xi32, #tpu.memory_space<vmem>>
    %dma_start3A_357 = arith.constant 0 : i32
    %dma_start3A_358 = tpu.memref_slice %arg3[%dma_start3A_353, %mul3A_2, %dma_start3A_357] : memref<26x128x128xi32, #tpu.memory_space<hbm>> -> memref<1x4x128xi32, #tpu.memory_space<hbm>>
    %dma_start3A_359 = tpu.memref_squeeze %dma_start3A_358 : memref<1x4x128xi32, #tpu.memory_space<hbm>> -> memref<4x128xi32, #tpu.memory_space<hbm>>
    %dma_start3A_360 = arith.constant 4 : i32
    %dma_start3A_361 = arith.constant 0 : i32
    %dma_start3A_362 = tpu.memref_slice %arg7[%dma_start3A_360, %dma_start3A_361] : memref<104x128xi32, #tpu.memory_space<vmem>> -> memref<4x128xi32, #tpu.memory_space<vmem>>
    %dma_start3A_363 = arith.constant 0 : i32
    %dma_start3A_364 = tpu.memref_slice %arg3[%dma_start3A_353, %mul3A_2, %dma_start3A_363] : memref<26x128x128xi32, #tpu.memory_space<hbm>> -> memref<1x4x128xi32, #tpu.memory_space<hbm>>
    %dma_start3A_365 = tpu.memref_squeeze %dma_start3A_364 : memref<1x4x128xi32, #tpu.memory_space<hbm>> -> memref<4x128xi32, #tpu.memory_space<hbm>>
    tpu.enqueue_dma source(%dma_start3A_365 : memref<4x128xi32, #tpu.memory_space<hbm>>) target(%dma_start3A_362 : memref<4x128xi32, #tpu.memory_space<vmem>>) target_semaphore(%arg14 : memref<!tpu.dma_semaphore, #tpu.memory_space<semaphore_mem>>)
    %dma_start3A_366 = arith.constant 2 : i32
    %dma_start3A_367 = arith.constant 8 : i32
    %dma_start3A_368 = arith.constant 0 : i32
    %dma_start3A_369 = tpu.memref_slice %arg7[%dma_start3A_367, %dma_start3A_368] : memref<104x128xi32, #tpu.memory_space<vmem>> -> memref<4x128xi32, #tpu.memory_space<vmem>>
    %dma_start3A_370 = arith.constant 0 : i32
    %dma_start3A_371 = tpu.memref_slice %arg3[%dma_start3A_366, %mul3A_2, %dma_start3A_370] : memref<26x128x128xi32, #tpu.memory_space<hbm>> -> memref<1x4x128xi32, #tpu.memory_space<hbm>>
    %dma_start3A_372 = tpu.memref_squeeze %dma_start3A_371 : memref<1x4x128xi32, #tpu.memory_space<hbm>> -> memref<4x128xi32, #tpu.memory_space<hbm>>
    %dma_start3A_373 = arith.constant 8 : i32
    %dma_start3A_374 = arith.constant 0 : i32
    %dma_start3A_375 = tpu.memref_slice %arg7[%dma_start3A_373, %dma_start3A_374] : memref<104x128xi32, #tpu.memory_space<vmem>> -> memref<4x128xi32, #tpu.memory_space<vmem>>
    %dma_start3A_376 = arith.constant 0 : i32
    %dma_start3A_377 = tpu.memref_slice %arg3[%dma_start3A_366, %mul3A_2, %dma_start3A_376] : memref<26x128x128xi32, #tpu.memory_space<hbm>> -> memref<1x4x128xi32, #tpu.memory_space<hbm>>
    %dma_start3A_378 = tpu.memref_squeeze %dma_start3A_377 : memref<1x4x128xi32, #tpu.memory_space<hbm>> -> memref<4x128xi32, #tpu.memory_space<hbm>>
    tpu.enqueue_dma source(%dma_start3A_378 : memref<4x128xi32, #tpu.memory_space<hbm>>) target(%dma_start3A_375 : memref<4x128xi32, #tpu.memory_space<vmem>>) target_semaphore(%arg14 : memref<!tpu.dma_semaphore, #tpu.memory_space<semaphore_mem>>)
    %dma_start3A_379 = arith.constant 3 : i32
    %dma_start3A_380 = arith.constant 12 : i32
    %dma_start3A_381 = arith.constant 0 : i32
    %dma_start3A_382 = tpu.memref_slice %arg7[%dma_start3A_380, %dma_start3A_381] : memref<104x128xi32, #tpu.memory_space<vmem>> -> memref<4x128xi32, #tpu.memory_space<vmem>>
    %dma_start3A_383 = arith.constant 0 : i32
    %dma_start3A_384 = tpu.memref_slice %arg3[%dma_start3A_379, %mul3A_2, %dma_start3A_383] : memref<26x128x128xi32, #tpu.memory_space<hbm>> -> memref<1x4x128xi32, #tpu.memory_space<hbm>>
    %dma_start3A_385 = tpu.memref_squeeze %dma_start3A_384 : memref<1x4x128xi32, #tpu.memory_space<hbm>> -> memref<4x128xi32, #tpu.memory_space<hbm>>
    %dma_start3A_386 = arith.constant 12 : i32
    %dma_start3A_387 = arith.constant 0 : i32
    %dma_start3A_388 = tpu.memref_slice %arg7[%dma_start3A_386, %dma_start3A_387] : memref<104x128xi32, #tpu.memory_space<vmem>> -> memref<4x128xi32, #tpu.memory_space<vmem>>
    %dma_start3A_389 = arith.constant 0 : i32
    %dma_start3A_390 = tpu.memref_slice %arg3[%dma_start3A_379, %mul3A_2, %dma_start3A_389] : memref<26x128x128xi32, #tpu.memory_space<hbm>> -> memref<1x4x128xi32, #tpu.memory_space<hbm>>
    %dma_start3A_391 = tpu.memref_squeeze %dma_start3A_390 : memref<1x4x128xi32, #tpu.memory_space<hbm>> -> memref<4x128xi32, #tpu.memory_space<hbm>>
    tpu.enqueue_dma source(%dma_start3A_391 : memref<4x128xi32, #tpu.memory_space<hbm>>) target(%dma_start3A_388 : memref<4x128xi32, #tpu.memory_space<vmem>>) target_semaphore(%arg14 : memref<!tpu.dma_semaphore, #tpu.memory_space<semaphore_mem>>)
    %dma_start3A_392 = arith.constant 4 : i32
    %dma_start3A_393 = arith.constant 16 : i32
    %dma_start3A_394 = arith.constant 0 : i32
    %dma_start3A_395 = tpu.memref_slice %arg7[%dma_start3A_393, %dma_start3A_394] : memref<104x128xi32, #tpu.memory_space<vmem>> -> memref<4x128xi32, #tpu.memory_space<vmem>>
    %dma_start3A_396 = arith.constant 0 : i32
    %dma_start3A_397 = tpu.memref_slice %arg3[%dma_start3A_392, %mul3A_2, %dma_start3A_396] : memref<26x128x128xi32, #tpu.memory_space<hbm>> -> memref<1x4x128xi32, #tpu.memory_space<hbm>>
    %dma_start3A_398 = tpu.memref_squeeze %dma_start3A_397 : memref<1x4x128xi32, #tpu.memory_space<hbm>> -> memref<4x128xi32, #tpu.memory_space<hbm>>
    %dma_start3A_399 = arith.constant 16 : i32
    %dma_start3A_400 = arith.constant 0 : i32
    %dma_start3A_401 = tpu.memref_slice %arg7[%dma_start3A_399, %dma_start3A_400] : memref<104x128xi32, #tpu.memory_space<vmem>> -> memref<4x128xi32, #tpu.memory_space<vmem>>
    %dma_start3A_402 = arith.constant 0 : i32
    %dma_start3A_403 = tpu.memref_slice %arg3[%dma_start3A_392, %mul3A_2, %dma_start3A_402] : memref<26x128x128xi32, #tpu.memory_space<hbm>> -> memref<1x4x128xi32, #tpu.memory_space<hbm>>
    %dma_start3A_404 = tpu.memref_squeeze %dma_start3A_403 : memref<1x4x128xi32, #tpu.memory_space<hbm>> -> memref<4x128xi32, #tpu.memory_space<hbm>>
    tpu.enqueue_dma source(%dma_start3A_404 : memref<4x128xi32, #tpu.memory_space<hbm>>) target(%dma_start3A_401 : memref<4x128xi32, #tpu.memory_space<vmem>>) target_semaphore(%arg14 : memref<!tpu.dma_semaphore, #tpu.memory_space<semaphore_mem>>)
    %dma_start3A_405 = arith.constant 5 : i32
    %dma_start3A_406 = arith.constant 20 : i32
    %dma_start3A_407 = arith.constant 0 : i32
    %dma_start3A_408 = tpu.memref_slice %arg7[%dma_start3A_406, %dma_start3A_407] : memref<104x128xi32, #tpu.memory_space<vmem>> -> memref<4x128xi32, #tpu.memory_space<vmem>>
    %dma_start3A_409 = arith.constant 0 : i32
    %dma_start3A_410 = tpu.memref_slice %arg3[%dma_start3A_405, %mul3A_2, %dma_start3A_409] : memref<26x128x128xi32, #tpu.memory_space<hbm>> -> memref<1x4x128xi32, #tpu.memory_space<hbm>>
    %dma_start3A_411 = tpu.memref_squeeze %dma_start3A_410 : memref<1x4x128xi32, #tpu.memory_space<hbm>> -> memref<4x128xi32, #tpu.memory_space<hbm>>
    %dma_start3A_412 = arith.constant 20 : i32
    %dma_start3A_413 = arith.constant 0 : i32
    %dma_start3A_414 = tpu.memref_slice %arg7[%dma_start3A_412, %dma_start3A_413] : memref<104x128xi32, #tpu.memory_space<vmem>> -> memref<4x128xi32, #tpu.memory_space<vmem>>
    %dma_start3A_415 = arith.constant 0 : i32
    %dma_start3A_416 = tpu.memref_slice %arg3[%dma_start3A_405, %mul3A_2, %dma_start3A_415] : memref<26x128x128xi32, #tpu.memory_space<hbm>> -> memref<1x4x128xi32, #tpu.memory_space<hbm>>
    %dma_start3A_417 = tpu.memref_squeeze %dma_start3A_416 : memref<1x4x128xi32, #tpu.memory_space<hbm>> -> memref<4x128xi32, #tpu.memory_space<hbm>>
    tpu.enqueue_dma source(%dma_start3A_417 : memref<4x128xi32, #tpu.memory_space<hbm>>) target(%dma_start3A_414 : memref<4x128xi32, #tpu.memory_space<vmem>>) target_semaphore(%arg14 : memref<!tpu.dma_semaphore, #tpu.memory_space<semaphore_mem>>)
    %dma_start3A_418 = arith.constant 6 : i32
    %dma_start3A_419 = arith.constant 24 : i32
    %dma_start3A_420 = arith.constant 0 : i32
    %dma_start3A_421 = tpu.memref_slice %arg7[%dma_start3A_419, %dma_start3A_420] : memref<104x128xi32, #tpu.memory_space<vmem>> -> memref<4x128xi32, #tpu.memory_space<vmem>>
    %dma_start3A_422 = arith.constant 0 : i32
    %dma_start3A_423 = tpu.memref_slice %arg3[%dma_start3A_418, %mul3A_2, %dma_start3A_422] : memref<26x128x128xi32, #tpu.memory_space<hbm>> -> memref<1x4x128xi32, #tpu.memory_space<hbm>>
    %dma_start3A_424 = tpu.memref_squeeze %dma_start3A_423 : memref<1x4x128xi32, #tpu.memory_space<hbm>> -> memref<4x128xi32, #tpu.memory_space<hbm>>
    %dma_start3A_425 = arith.constant 24 : i32
    %dma_start3A_426 = arith.constant 0 : i32
    %dma_start3A_427 = tpu.memref_slice %arg7[%dma_start3A_425, %dma_start3A_426] : memref<104x128xi32, #tpu.memory_space<vmem>> -> memref<4x128xi32, #tpu.memory_space<vmem>>
    %dma_start3A_428 = arith.constant 0 : i32
    %dma_start3A_429 = tpu.memref_slice %arg3[%dma_start3A_418, %mul3A_2, %dma_start3A_428] : memref<26x128x128xi32, #tpu.memory_space<hbm>> -> memref<1x4x128xi32, #tpu.memory_space<hbm>>
    %dma_start3A_430 = tpu.memref_squeeze %dma_start3A_429 : memref<1x4x128xi32, #tpu.memory_space<hbm>> -> memref<4x128xi32, #tpu.memory_space<hbm>>
    tpu.enqueue_dma source(%dma_start3A_430 : memref<4x128xi32, #tpu.memory_space<hbm>>) target(%dma_start3A_427 : memref<4x128xi32, #tpu.memory_space<vmem>>) target_semaphore(%arg14 : memref<!tpu.dma_semaphore, #tpu.memory_space<semaphore_mem>>)
    %dma_start3A_431 = arith.constant 7 : i32
    %dma_start3A_432 = arith.constant 28 : i32
    %dma_start3A_433 = arith.constant 0 : i32
    %dma_start3A_434 = tpu.memref_slice %arg7[%dma_start3A_432, %dma_start3A_433] : memref<104x128xi32, #tpu.memory_space<vmem>> -> memref<4x128xi32, #tpu.memory_space<vmem>>
    %dma_start3A_435 = arith.constant 0 : i32
    %dma_start3A_436 = tpu.memref_slice %arg3[%dma_start3A_431, %mul3A_2, %dma_start3A_435] : memref<26x128x128xi32, #tpu.memory_space<hbm>> -> memref<1x4x128xi32, #tpu.memory_space<hbm>>
    %dma_start3A_437 = tpu.memref_squeeze %dma_start3A_436 : memref<1x4x128xi32, #tpu.memory_space<hbm>> -> memref<4x128xi32, #tpu.memory_space<hbm>>
    %dma_start3A_438 = arith.constant 28 : i32
    %dma_start3A_439 = arith.constant 0 : i32
    %dma_start3A_440 = tpu.memref_slice %arg7[%dma_start3A_438, %dma_start3A_439] : memref<104x128xi32, #tpu.memory_space<vmem>> -> memref<4x128xi32, #tpu.memory_space<vmem>>
    %dma_start3A_441 = arith.constant 0 : i32
    %dma_start3A_442 = tpu.memref_slice %arg3[%dma_start3A_431, %mul3A_2, %dma_start3A_441] : memref<26x128x128xi32, #tpu.memory_space<hbm>> -> memref<1x4x128xi32, #tpu.memory_space<hbm>>
    %dma_start3A_443 = tpu.memref_squeeze %dma_start3A_442 : memref<1x4x128xi32, #tpu.memory_space<hbm>> -> memref<4x128xi32, #tpu.memory_space<hbm>>
    tpu.enqueue_dma source(%dma_start3A_443 : memref<4x128xi32, #tpu.memory_space<hbm>>) target(%dma_start3A_440 : memref<4x128xi32, #tpu.memory_space<vmem>>) target_semaphore(%arg14 : memref<!tpu.dma_semaphore, #tpu.memory_space<semaphore_mem>>)
    %dma_start3A_444 = arith.constant 8 : i32
    %dma_start3A_445 = arith.constant 32 : i32
    %dma_start3A_446 = arith.constant 0 : i32
    %dma_start3A_447 = tpu.memref_slice %arg7[%dma_start3A_445, %dma_start3A_446] : memref<104x128xi32, #tpu.memory_space<vmem>> -> memref<4x128xi32, #tpu.memory_space<vmem>>
    %dma_start3A_448 = arith.constant 0 : i32
    %dma_start3A_449 = tpu.memref_slice %arg3[%dma_start3A_444, %mul3A_2, %dma_start3A_448] : memref<26x128x128xi32, #tpu.memory_space<hbm>> -> memref<1x4x128xi32, #tpu.memory_space<hbm>>
    %dma_start3A_450 = tpu.memref_squeeze %dma_start3A_449 : memref<1x4x128xi32, #tpu.memory_space<hbm>> -> memref<4x128xi32, #tpu.memory_space<hbm>>
    %dma_start3A_451 = arith.constant 32 : i32
    %dma_start3A_452 = arith.constant 0 : i32
    %dma_start3A_453 = tpu.memref_slice %arg7[%dma_start3A_451, %dma_start3A_452] : memref<104x128xi32, #tpu.memory_space<vmem>> -> memref<4x128xi32, #tpu.memory_space<vmem>>
    %dma_start3A_454 = arith.constant 0 : i32
    %dma_start3A_455 = tpu.memref_slice %arg3[%dma_start3A_444, %mul3A_2, %dma_start3A_454] : memref<26x128x128xi32, #tpu.memory_space<hbm>> -> memref<1x4x128xi32, #tpu.memory_space<hbm>>
    %dma_start3A_456 = tpu.memref_squeeze %dma_start3A_455 : memref<1x4x128xi32, #tpu.memory_space<hbm>> -> memref<4x128xi32, #tpu.memory_space<hbm>>
    tpu.enqueue_dma source(%dma_start3A_456 : memref<4x128xi32, #tpu.memory_space<hbm>>) target(%dma_start3A_453 : memref<4x128xi32, #tpu.memory_space<vmem>>) target_semaphore(%arg14 : memref<!tpu.dma_semaphore, #tpu.memory_space<semaphore_mem>>)
    %dma_start3A_457 = arith.constant 9 : i32
    %dma_start3A_458 = arith.constant 36 : i32
    %dma_start3A_459 = arith.constant 0 : i32
    %dma_start3A_460 = tpu.memref_slice %arg7[%dma_start3A_458, %dma_start3A_459] : memref<104x128xi32, #tpu.memory_space<vmem>> -> memref<4x128xi32, #tpu.memory_space<vmem>>
    %dma_start3A_461 = arith.constant 0 : i32
    %dma_start3A_462 = tpu.memref_slice %arg3[%dma_start3A_457, %mul3A_2, %dma_start3A_461] : memref<26x128x128xi32, #tpu.memory_space<hbm>> -> memref<1x4x128xi32, #tpu.memory_space<hbm>>
    %dma_start3A_463 = tpu.memref_squeeze %dma_start3A_462 : memref<1x4x128xi32, #tpu.memory_space<hbm>> -> memref<4x128xi32, #tpu.memory_space<hbm>>
    %dma_start3A_464 = arith.constant 36 : i32
    %dma_start3A_465 = arith.constant 0 : i32
    %dma_start3A_466 = tpu.memref_slice %arg7[%dma_start3A_464, %dma_start3A_465] : memref<104x128xi32, #tpu.memory_space<vmem>> -> memref<4x128xi32, #tpu.memory_space<vmem>>
    %dma_start3A_467 = arith.constant 0 : i32
    %dma_start3A_468 = tpu.memref_slice %arg3[%dma_start3A_457, %mul3A_2, %dma_start3A_467] : memref<26x128x128xi32, #tpu.memory_space<hbm>> -> memref<1x4x128xi32, #tpu.memory_space<hbm>>
    %dma_start3A_469 = tpu.memref_squeeze %dma_start3A_468 : memref<1x4x128xi32, #tpu.memory_space<hbm>> -> memref<4x128xi32, #tpu.memory_space<hbm>>
    tpu.enqueue_dma source(%dma_start3A_469 : memref<4x128xi32, #tpu.memory_space<hbm>>) target(%dma_start3A_466 : memref<4x128xi32, #tpu.memory_space<vmem>>) target_semaphore(%arg14 : memref<!tpu.dma_semaphore, #tpu.memory_space<semaphore_mem>>)
    %dma_start3A_470 = arith.constant 10 : i32
    %dma_start3A_471 = arith.constant 40 : i32
    %dma_start3A_472 = arith.constant 0 : i32
    %dma_start3A_473 = tpu.memref_slice %arg7[%dma_start3A_471, %dma_start3A_472] : memref<104x128xi32, #tpu.memory_space<vmem>> -> memref<4x128xi32, #tpu.memory_space<vmem>>
    %dma_start3A_474 = arith.constant 0 : i32
    %dma_start3A_475 = tpu.memref_slice %arg3[%dma_start3A_470, %mul3A_2, %dma_start3A_474] : memref<26x128x128xi32, #tpu.memory_space<hbm>> -> memref<1x4x128xi32, #tpu.memory_space<hbm>>
    %dma_start3A_476 = tpu.memref_squeeze %dma_start3A_475 : memref<1x4x128xi32, #tpu.memory_space<hbm>> -> memref<4x128xi32, #tpu.memory_space<hbm>>
    %dma_start3A_477 = arith.constant 40 : i32
    %dma_start3A_478 = arith.constant 0 : i32
    %dma_start3A_479 = tpu.memref_slice %arg7[%dma_start3A_477, %dma_start3A_478] : memref<104x128xi32, #tpu.memory_space<vmem>> -> memref<4x128xi32, #tpu.memory_space<vmem>>
    %dma_start3A_480 = arith.constant 0 : i32
    %dma_start3A_481 = tpu.memref_slice %arg3[%dma_start3A_470, %mul3A_2, %dma_start3A_480] : memref<26x128x128xi32, #tpu.memory_space<hbm>> -> memref<1x4x128xi32, #tpu.memory_space<hbm>>
    %dma_start3A_482 = tpu.memref_squeeze %dma_start3A_481 : memref<1x4x128xi32, #tpu.memory_space<hbm>> -> memref<4x128xi32, #tpu.memory_space<hbm>>
    tpu.enqueue_dma source(%dma_start3A_482 : memref<4x128xi32, #tpu.memory_space<hbm>>) target(%dma_start3A_479 : memref<4x128xi32, #tpu.memory_space<vmem>>) target_semaphore(%arg14 : memref<!tpu.dma_semaphore, #tpu.memory_space<semaphore_mem>>)
    %dma_start3A_483 = arith.constant 11 : i32
    %dma_start3A_484 = arith.constant 44 : i32
    %dma_start3A_485 = arith.constant 0 : i32
    %dma_start3A_486 = tpu.memref_slice %arg7[%dma_start3A_484, %dma_start3A_485] : memref<104x128xi32, #tpu.memory_space<vmem>> -> memref<4x128xi32, #tpu.memory_space<vmem>>
    %dma_start3A_487 = arith.constant 0 : i32
    %dma_start3A_488 = tpu.memref_slice %arg3[%dma_start3A_483, %mul3A_2, %dma_start3A_487] : memref<26x128x128xi32, #tpu.memory_space<hbm>> -> memref<1x4x128xi32, #tpu.memory_space<hbm>>
    %dma_start3A_489 = tpu.memref_squeeze %dma_start3A_488 : memref<1x4x128xi32, #tpu.memory_space<hbm>> -> memref<4x128xi32, #tpu.memory_space<hbm>>
    %dma_start3A_490 = arith.constant 44 : i32
    %dma_start3A_491 = arith.constant 0 : i32
    %dma_start3A_492 = tpu.memref_slice %arg7[%dma_start3A_490, %dma_start3A_491] : memref<104x128xi32, #tpu.memory_space<vmem>> -> memref<4x128xi32, #tpu.memory_space<vmem>>
    %dma_start3A_493 = arith.constant 0 : i32
    %dma_start3A_494 = tpu.memref_slice %arg3[%dma_start3A_483, %mul3A_2, %dma_start3A_493] : memref<26x128x128xi32, #tpu.memory_space<hbm>> -> memref<1x4x128xi32, #tpu.memory_space<hbm>>
    %dma_start3A_495 = tpu.memref_squeeze %dma_start3A_494 : memref<1x4x128xi32, #tpu.memory_space<hbm>> -> memref<4x128xi32, #tpu.memory_space<hbm>>
    tpu.enqueue_dma source(%dma_start3A_495 : memref<4x128xi32, #tpu.memory_space<hbm>>) target(%dma_start3A_492 : memref<4x128xi32, #tpu.memory_space<vmem>>) target_semaphore(%arg14 : memref<!tpu.dma_semaphore, #tpu.memory_space<semaphore_mem>>)
    %dma_start3A_496 = arith.constant 12 : i32
    %dma_start3A_497 = arith.constant 48 : i32
    %dma_start3A_498 = arith.constant 0 : i32
    %dma_start3A_499 = tpu.memref_slice %arg7[%dma_start3A_497, %dma_start3A_498] : memref<104x128xi32, #tpu.memory_space<vmem>> -> memref<4x128xi32, #tpu.memory_space<vmem>>
    %dma_start3A_500 = arith.constant 0 : i32
    %dma_start3A_501 = tpu.memref_slice %arg3[%dma_start3A_496, %mul3A_2, %dma_start3A_500] : memref<26x128x128xi32, #tpu.memory_space<hbm>> -> memref<1x4x128xi32, #tpu.memory_space<hbm>>
    %dma_start3A_502 = tpu.memref_squeeze %dma_start3A_501 : memref<1x4x128xi32, #tpu.memory_space<hbm>> -> memref<4x128xi32, #tpu.memory_space<hbm>>
    %dma_start3A_503 = arith.constant 48 : i32
    %dma_start3A_504 = arith.constant 0 : i32
    %dma_start3A_505 = tpu.memref_slice %arg7[%dma_start3A_503, %dma_start3A_504] : memref<104x128xi32, #tpu.memory_space<vmem>> -> memref<4x128xi32, #tpu.memory_space<vmem>>
    %dma_start3A_506 = arith.constant 0 : i32
    %dma_start3A_507 = tpu.memref_slice %arg3[%dma_start3A_496, %mul3A_2, %dma_start3A_506] : memref<26x128x128xi32, #tpu.memory_space<hbm>> -> memref<1x4x128xi32, #tpu.memory_space<hbm>>
    %dma_start3A_508 = tpu.memref_squeeze %dma_start3A_507 : memref<1x4x128xi32, #tpu.memory_space<hbm>> -> memref<4x128xi32, #tpu.memory_space<hbm>>
    tpu.enqueue_dma source(%dma_start3A_508 : memref<4x128xi32, #tpu.memory_space<hbm>>) target(%dma_start3A_505 : memref<4x128xi32, #tpu.memory_space<vmem>>) target_semaphore(%arg14 : memref<!tpu.dma_semaphore, #tpu.memory_space<semaphore_mem>>)
    %dma_start3A_509 = arith.constant 13 : i32
    %dma_start3A_510 = arith.constant 52 : i32
    %dma_start3A_511 = arith.constant 0 : i32
    %dma_start3A_512 = tpu.memref_slice %arg7[%dma_start3A_510, %dma_start3A_511] : memref<104x128xi32, #tpu.memory_space<vmem>> -> memref<4x128xi32, #tpu.memory_space<vmem>>
    %dma_start3A_513 = arith.constant 0 : i32
    %dma_start3A_514 = tpu.memref_slice %arg3[%dma_start3A_509, %mul3A_2, %dma_start3A_513] : memref<26x128x128xi32, #tpu.memory_space<hbm>> -> memref<1x4x128xi32, #tpu.memory_space<hbm>>
    %dma_start3A_515 = tpu.memref_squeeze %dma_start3A_514 : memref<1x4x128xi32, #tpu.memory_space<hbm>> -> memref<4x128xi32, #tpu.memory_space<hbm>>
    %dma_start3A_516 = arith.constant 52 : i32
    %dma_start3A_517 = arith.constant 0 : i32
    %dma_start3A_518 = tpu.memref_slice %arg7[%dma_start3A_516, %dma_start3A_517] : memref<104x128xi32, #tpu.memory_space<vmem>> -> memref<4x128xi32, #tpu.memory_space<vmem>>
    %dma_start3A_519 = arith.constant 0 : i32
    %dma_start3A_520 = tpu.memref_slice %arg3[%dma_start3A_509, %mul3A_2, %dma_start3A_519] : memref<26x128x128xi32, #tpu.memory_space<hbm>> -> memref<1x4x128xi32, #tpu.memory_space<hbm>>
    %dma_start3A_521 = tpu.memref_squeeze %dma_start3A_520 : memref<1x4x128xi32, #tpu.memory_space<hbm>> -> memref<4x128xi32, #tpu.memory_space<hbm>>
    tpu.enqueue_dma source(%dma_start3A_521 : memref<4x128xi32, #tpu.memory_space<hbm>>) target(%dma_start3A_518 : memref<4x128xi32, #tpu.memory_space<vmem>>) target_semaphore(%arg14 : memref<!tpu.dma_semaphore, #tpu.memory_space<semaphore_mem>>)
    %dma_start3A_522 = arith.constant 14 : i32
    %dma_start3A_523 = arith.constant 56 : i32
    %dma_start3A_524 = arith.constant 0 : i32
    %dma_start3A_525 = tpu.memref_slice %arg7[%dma_start3A_523, %dma_start3A_524] : memref<104x128xi32, #tpu.memory_space<vmem>> -> memref<4x128xi32, #tpu.memory_space<vmem>>
    %dma_start3A_526 = arith.constant 0 : i32
    %dma_start3A_527 = tpu.memref_slice %arg3[%dma_start3A_522, %mul3A_2, %dma_start3A_526] : memref<26x128x128xi32, #tpu.memory_space<hbm>> -> memref<1x4x128xi32, #tpu.memory_space<hbm>>
    %dma_start3A_528 = tpu.memref_squeeze %dma_start3A_527 : memref<1x4x128xi32, #tpu.memory_space<hbm>> -> memref<4x128xi32, #tpu.memory_space<hbm>>
    %dma_start3A_529 = arith.constant 56 : i32
    %dma_start3A_530 = arith.constant 0 : i32
    %dma_start3A_531 = tpu.memref_slice %arg7[%dma_start3A_529, %dma_start3A_530] : memref<104x128xi32, #tpu.memory_space<vmem>> -> memref<4x128xi32, #tpu.memory_space<vmem>>
    %dma_start3A_532 = arith.constant 0 : i32
    %dma_start3A_533 = tpu.memref_slice %arg3[%dma_start3A_522, %mul3A_2, %dma_start3A_532] : memref<26x128x128xi32, #tpu.memory_space<hbm>> -> memref<1x4x128xi32, #tpu.memory_space<hbm>>
    %dma_start3A_534 = tpu.memref_squeeze %dma_start3A_533 : memref<1x4x128xi32, #tpu.memory_space<hbm>> -> memref<4x128xi32, #tpu.memory_space<hbm>>
    tpu.enqueue_dma source(%dma_start3A_534 : memref<4x128xi32, #tpu.memory_space<hbm>>) target(%dma_start3A_531 : memref<4x128xi32, #tpu.memory_space<vmem>>) target_semaphore(%arg14 : memref<!tpu.dma_semaphore, #tpu.memory_space<semaphore_mem>>)
    %dma_start3A_535 = arith.constant 15 : i32
    %dma_start3A_536 = arith.constant 60 : i32
    %dma_start3A_537 = arith.constant 0 : i32
    %dma_start3A_538 = tpu.memref_slice %arg7[%dma_start3A_536, %dma_start3A_537] : memref<104x128xi32, #tpu.memory_space<vmem>> -> memref<4x128xi32, #tpu.memory_space<vmem>>
    %dma_start3A_539 = arith.constant 0 : i32
    %dma_start3A_540 = tpu.memref_slice %arg3[%dma_start3A_535, %mul3A_2, %dma_start3A_539] : memref<26x128x128xi32, #tpu.memory_space<hbm>> -> memref<1x4x128xi32, #tpu.memory_space<hbm>>
    %dma_start3A_541 = tpu.memref_squeeze %dma_start3A_540 : memref<1x4x128xi32, #tpu.memory_space<hbm>> -> memref<4x128xi32, #tpu.memory_space<hbm>>
    %dma_start3A_542 = arith.constant 60 : i32
    %dma_start3A_543 = arith.constant 0 : i32
    %dma_start3A_544 = tpu.memref_slice %arg7[%dma_start3A_542, %dma_start3A_543] : memref<104x128xi32, #tpu.memory_space<vmem>> -> memref<4x128xi32, #tpu.memory_space<vmem>>
    %dma_start3A_545 = arith.constant 0 : i32
    %dma_start3A_546 = tpu.memref_slice %arg3[%dma_start3A_535, %mul3A_2, %dma_start3A_545] : memref<26x128x128xi32, #tpu.memory_space<hbm>> -> memref<1x4x128xi32, #tpu.memory_space<hbm>>
    %dma_start3A_547 = tpu.memref_squeeze %dma_start3A_546 : memref<1x4x128xi32, #tpu.memory_space<hbm>> -> memref<4x128xi32, #tpu.memory_space<hbm>>
    tpu.enqueue_dma source(%dma_start3A_547 : memref<4x128xi32, #tpu.memory_space<hbm>>) target(%dma_start3A_544 : memref<4x128xi32, #tpu.memory_space<vmem>>) target_semaphore(%arg14 : memref<!tpu.dma_semaphore, #tpu.memory_space<semaphore_mem>>)
    %dma_start3A_548 = arith.constant 16 : i32
    %dma_start3A_549 = arith.constant 64 : i32
    %dma_start3A_550 = arith.constant 0 : i32
    %dma_start3A_551 = tpu.memref_slice %arg7[%dma_start3A_549, %dma_start3A_550] : memref<104x128xi32, #tpu.memory_space<vmem>> -> memref<4x128xi32, #tpu.memory_space<vmem>>
    %dma_start3A_552 = arith.constant 0 : i32
    %dma_start3A_553 = tpu.memref_slice %arg3[%dma_start3A_548, %mul3A_2, %dma_start3A_552] : memref<26x128x128xi32, #tpu.memory_space<hbm>> -> memref<1x4x128xi32, #tpu.memory_space<hbm>>
    %dma_start3A_554 = tpu.memref_squeeze %dma_start3A_553 : memref<1x4x128xi32, #tpu.memory_space<hbm>> -> memref<4x128xi32, #tpu.memory_space<hbm>>
    %dma_start3A_555 = arith.constant 64 : i32
    %dma_start3A_556 = arith.constant 0 : i32
    %dma_start3A_557 = tpu.memref_slice %arg7[%dma_start3A_555, %dma_start3A_556] : memref<104x128xi32, #tpu.memory_space<vmem>> -> memref<4x128xi32, #tpu.memory_space<vmem>>
    %dma_start3A_558 = arith.constant 0 : i32
    %dma_start3A_559 = tpu.memref_slice %arg3[%dma_start3A_548, %mul3A_2, %dma_start3A_558] : memref<26x128x128xi32, #tpu.memory_space<hbm>> -> memref<1x4x128xi32, #tpu.memory_space<hbm>>
    %dma_start3A_560 = tpu.memref_squeeze %dma_start3A_559 : memref<1x4x128xi32, #tpu.memory_space<hbm>> -> memref<4x128xi32, #tpu.memory_space<hbm>>
    tpu.enqueue_dma source(%dma_start3A_560 : memref<4x128xi32, #tpu.memory_space<hbm>>) target(%dma_start3A_557 : memref<4x128xi32, #tpu.memory_space<vmem>>) target_semaphore(%arg14 : memref<!tpu.dma_semaphore, #tpu.memory_space<semaphore_mem>>)
    %dma_start3A_561 = arith.constant 17 : i32
    %dma_start3A_562 = arith.constant 68 : i32
    %dma_start3A_563 = arith.constant 0 : i32
    %dma_start3A_564 = tpu.memref_slice %arg7[%dma_start3A_562, %dma_start3A_563] : memref<104x128xi32, #tpu.memory_space<vmem>> -> memref<4x128xi32, #tpu.memory_space<vmem>>
    %dma_start3A_565 = arith.constant 0 : i32
    %dma_start3A_566 = tpu.memref_slice %arg3[%dma_start3A_561, %mul3A_2, %dma_start3A_565] : memref<26x128x128xi32, #tpu.memory_space<hbm>> -> memref<1x4x128xi32, #tpu.memory_space<hbm>>
    %dma_start3A_567 = tpu.memref_squeeze %dma_start3A_566 : memref<1x4x128xi32, #tpu.memory_space<hbm>> -> memref<4x128xi32, #tpu.memory_space<hbm>>
    %dma_start3A_568 = arith.constant 68 : i32
    %dma_start3A_569 = arith.constant 0 : i32
    %dma_start3A_570 = tpu.memref_slice %arg7[%dma_start3A_568, %dma_start3A_569] : memref<104x128xi32, #tpu.memory_space<vmem>> -> memref<4x128xi32, #tpu.memory_space<vmem>>
    %dma_start3A_571 = arith.constant 0 : i32
    %dma_start3A_572 = tpu.memref_slice %arg3[%dma_start3A_561, %mul3A_2, %dma_start3A_571] : memref<26x128x128xi32, #tpu.memory_space<hbm>> -> memref<1x4x128xi32, #tpu.memory_space<hbm>>
    %dma_start3A_573 = tpu.memref_squeeze %dma_start3A_572 : memref<1x4x128xi32, #tpu.memory_space<hbm>> -> memref<4x128xi32, #tpu.memory_space<hbm>>
    tpu.enqueue_dma source(%dma_start3A_573 : memref<4x128xi32, #tpu.memory_space<hbm>>) target(%dma_start3A_570 : memref<4x128xi32, #tpu.memory_space<vmem>>) target_semaphore(%arg14 : memref<!tpu.dma_semaphore, #tpu.memory_space<semaphore_mem>>)
    %dma_start3A_574 = arith.constant 18 : i32
    %dma_start3A_575 = arith.constant 72 : i32
    %dma_start3A_576 = arith.constant 0 : i32
    %dma_start3A_577 = tpu.memref_slice %arg7[%dma_start3A_575, %dma_start3A_576] : memref<104x128xi32, #tpu.memory_space<vmem>> -> memref<4x128xi32, #tpu.memory_space<vmem>>
    %dma_start3A_578 = arith.constant 0 : i32
    %dma_start3A_579 = tpu.memref_slice %arg3[%dma_start3A_574, %mul3A_2, %dma_start3A_578] : memref<26x128x128xi32, #tpu.memory_space<hbm>> -> memref<1x4x128xi32, #tpu.memory_space<hbm>>
    %dma_start3A_580 = tpu.memref_squeeze %dma_start3A_579 : memref<1x4x128xi32, #tpu.memory_space<hbm>> -> memref<4x128xi32, #tpu.memory_space<hbm>>
    %dma_start3A_581 = arith.constant 72 : i32
    %dma_start3A_582 = arith.constant 0 : i32
    %dma_start3A_583 = tpu.memref_slice %arg7[%dma_start3A_581, %dma_start3A_582] : memref<104x128xi32, #tpu.memory_space<vmem>> -> memref<4x128xi32, #tpu.memory_space<vmem>>
    %dma_start3A_584 = arith.constant 0 : i32
    %dma_start3A_585 = tpu.memref_slice %arg3[%dma_start3A_574, %mul3A_2, %dma_start3A_584] : memref<26x128x128xi32, #tpu.memory_space<hbm>> -> memref<1x4x128xi32, #tpu.memory_space<hbm>>
    %dma_start3A_586 = tpu.memref_squeeze %dma_start3A_585 : memref<1x4x128xi32, #tpu.memory_space<hbm>> -> memref<4x128xi32, #tpu.memory_space<hbm>>
    tpu.enqueue_dma source(%dma_start3A_586 : memref<4x128xi32, #tpu.memory_space<hbm>>) target(%dma_start3A_583 : memref<4x128xi32, #tpu.memory_space<vmem>>) target_semaphore(%arg14 : memref<!tpu.dma_semaphore, #tpu.memory_space<semaphore_mem>>)
    %dma_start3A_587 = arith.constant 19 : i32
    %dma_start3A_588 = arith.constant 76 : i32
    %dma_start3A_589 = arith.constant 0 : i32
    %dma_start3A_590 = tpu.memref_slice %arg7[%dma_start3A_588, %dma_start3A_589] : memref<104x128xi32, #tpu.memory_space<vmem>> -> memref<4x128xi32, #tpu.memory_space<vmem>>
    %dma_start3A_591 = arith.constant 0 : i32
    %dma_start3A_592 = tpu.memref_slice %arg3[%dma_start3A_587, %mul3A_2, %dma_start3A_591] : memref<26x128x128xi32, #tpu.memory_space<hbm>> -> memref<1x4x128xi32, #tpu.memory_space<hbm>>
    %dma_start3A_593 = tpu.memref_squeeze %dma_start3A_592 : memref<1x4x128xi32, #tpu.memory_space<hbm>> -> memref<4x128xi32, #tpu.memory_space<hbm>>
    %dma_start3A_594 = arith.constant 76 : i32
    %dma_start3A_595 = arith.constant 0 : i32
    %dma_start3A_596 = tpu.memref_slice %arg7[%dma_start3A_594, %dma_start3A_595] : memref<104x128xi32, #tpu.memory_space<vmem>> -> memref<4x128xi32, #tpu.memory_space<vmem>>
    %dma_start3A_597 = arith.constant 0 : i32
    %dma_start3A_598 = tpu.memref_slice %arg3[%dma_start3A_587, %mul3A_2, %dma_start3A_597] : memref<26x128x128xi32, #tpu.memory_space<hbm>> -> memref<1x4x128xi32, #tpu.memory_space<hbm>>
    %dma_start3A_599 = tpu.memref_squeeze %dma_start3A_598 : memref<1x4x128xi32, #tpu.memory_space<hbm>> -> memref<4x128xi32, #tpu.memory_space<hbm>>
    tpu.enqueue_dma source(%dma_start3A_599 : memref<4x128xi32, #tpu.memory_space<hbm>>) target(%dma_start3A_596 : memref<4x128xi32, #tpu.memory_space<vmem>>) target_semaphore(%arg14 : memref<!tpu.dma_semaphore, #tpu.memory_space<semaphore_mem>>)
    %dma_start3A_600 = arith.constant 20 : i32
    %dma_start3A_601 = arith.constant 80 : i32
    %dma_start3A_602 = arith.constant 0 : i32
    %dma_start3A_603 = tpu.memref_slice %arg7[%dma_start3A_601, %dma_start3A_602] : memref<104x128xi32, #tpu.memory_space<vmem>> -> memref<4x128xi32, #tpu.memory_space<vmem>>
    %dma_start3A_604 = arith.constant 0 : i32
    %dma_start3A_605 = tpu.memref_slice %arg3[%dma_start3A_600, %mul3A_2, %dma_start3A_604] : memref<26x128x128xi32, #tpu.memory_space<hbm>> -> memref<1x4x128xi32, #tpu.memory_space<hbm>>
    %dma_start3A_606 = tpu.memref_squeeze %dma_start3A_605 : memref<1x4x128xi32, #tpu.memory_space<hbm>> -> memref<4x128xi32, #tpu.memory_space<hbm>>
    %dma_start3A_607 = arith.constant 80 : i32
    %dma_start3A_608 = arith.constant 0 : i32
    %dma_start3A_609 = tpu.memref_slice %arg7[%dma_start3A_607, %dma_start3A_608] : memref<104x128xi32, #tpu.memory_space<vmem>> -> memref<4x128xi32, #tpu.memory_space<vmem>>
    %dma_start3A_610 = arith.constant 0 : i32
    %dma_start3A_611 = tpu.memref_slice %arg3[%dma_start3A_600, %mul3A_2, %dma_start3A_610] : memref<26x128x128xi32, #tpu.memory_space<hbm>> -> memref<1x4x128xi32, #tpu.memory_space<hbm>>
    %dma_start3A_612 = tpu.memref_squeeze %dma_start3A_611 : memref<1x4x128xi32, #tpu.memory_space<hbm>> -> memref<4x128xi32, #tpu.memory_space<hbm>>
    tpu.enqueue_dma source(%dma_start3A_612 : memref<4x128xi32, #tpu.memory_space<hbm>>) target(%dma_start3A_609 : memref<4x128xi32, #tpu.memory_space<vmem>>) target_semaphore(%arg14 : memref<!tpu.dma_semaphore, #tpu.memory_space<semaphore_mem>>)
    %dma_start3A_613 = arith.constant 21 : i32
    %dma_start3A_614 = arith.constant 84 : i32
    %dma_start3A_615 = arith.constant 0 : i32
    %dma_start3A_616 = tpu.memref_slice %arg7[%dma_start3A_614, %dma_start3A_615] : memref<104x128xi32, #tpu.memory_space<vmem>> -> memref<4x128xi32, #tpu.memory_space<vmem>>
    %dma_start3A_617 = arith.constant 0 : i32
    %dma_start3A_618 = tpu.memref_slice %arg3[%dma_start3A_613, %mul3A_2, %dma_start3A_617] : memref<26x128x128xi32, #tpu.memory_space<hbm>> -> memref<1x4x128xi32, #tpu.memory_space<hbm>>
    %dma_start3A_619 = tpu.memref_squeeze %dma_start3A_618 : memref<1x4x128xi32, #tpu.memory_space<hbm>> -> memref<4x128xi32, #tpu.memory_space<hbm>>
    %dma_start3A_620 = arith.constant 84 : i32
    %dma_start3A_621 = arith.constant 0 : i32
    %dma_start3A_622 = tpu.memref_slice %arg7[%dma_start3A_620, %dma_start3A_621] : memref<104x128xi32, #tpu.memory_space<vmem>> -> memref<4x128xi32, #tpu.memory_space<vmem>>
    %dma_start3A_623 = arith.constant 0 : i32
    %dma_start3A_624 = tpu.memref_slice %arg3[%dma_start3A_613, %mul3A_2, %dma_start3A_623] : memref<26x128x128xi32, #tpu.memory_space<hbm>> -> memref<1x4x128xi32, #tpu.memory_space<hbm>>
    %dma_start3A_625 = tpu.memref_squeeze %dma_start3A_624 : memref<1x4x128xi32, #tpu.memory_space<hbm>> -> memref<4x128xi32, #tpu.memory_space<hbm>>
    tpu.enqueue_dma source(%dma_start3A_625 : memref<4x128xi32, #tpu.memory_space<hbm>>) target(%dma_start3A_622 : memref<4x128xi32, #tpu.memory_space<vmem>>) target_semaphore(%arg14 : memref<!tpu.dma_semaphore, #tpu.memory_space<semaphore_mem>>)
    %dma_start3A_626 = arith.constant 22 : i32
    %dma_start3A_627 = arith.constant 88 : i32
    %dma_start3A_628 = arith.constant 0 : i32
    %dma_start3A_629 = tpu.memref_slice %arg7[%dma_start3A_627, %dma_start3A_628] : memref<104x128xi32, #tpu.memory_space<vmem>> -> memref<4x128xi32, #tpu.memory_space<vmem>>
    %dma_start3A_630 = arith.constant 0 : i32
    %dma_start3A_631 = tpu.memref_slice %arg3[%dma_start3A_626, %mul3A_2, %dma_start3A_630] : memref<26x128x128xi32, #tpu.memory_space<hbm>> -> memref<1x4x128xi32, #tpu.memory_space<hbm>>
    %dma_start3A_632 = tpu.memref_squeeze %dma_start3A_631 : memref<1x4x128xi32, #tpu.memory_space<hbm>> -> memref<4x128xi32, #tpu.memory_space<hbm>>
    %dma_start3A_633 = arith.constant 88 : i32
    %dma_start3A_634 = arith.constant 0 : i32
    %dma_start3A_635 = tpu.memref_slice %arg7[%dma_start3A_633, %dma_start3A_634] : memref<104x128xi32, #tpu.memory_space<vmem>> -> memref<4x128xi32, #tpu.memory_space<vmem>>
    %dma_start3A_636 = arith.constant 0 : i32
    %dma_start3A_637 = tpu.memref_slice %arg3[%dma_start3A_626, %mul3A_2, %dma_start3A_636] : memref<26x128x128xi32, #tpu.memory_space<hbm>> -> memref<1x4x128xi32, #tpu.memory_space<hbm>>
    %dma_start3A_638 = tpu.memref_squeeze %dma_start3A_637 : memref<1x4x128xi32, #tpu.memory_space<hbm>> -> memref<4x128xi32, #tpu.memory_space<hbm>>
    tpu.enqueue_dma source(%dma_start3A_638 : memref<4x128xi32, #tpu.memory_space<hbm>>) target(%dma_start3A_635 : memref<4x128xi32, #tpu.memory_space<vmem>>) target_semaphore(%arg14 : memref<!tpu.dma_semaphore, #tpu.memory_space<semaphore_mem>>)
    %dma_start3A_639 = arith.constant 23 : i32
    %dma_start3A_640 = arith.constant 92 : i32
    %dma_start3A_641 = arith.constant 0 : i32
    %dma_start3A_642 = tpu.memref_slice %arg7[%dma_start3A_640, %dma_start3A_641] : memref<104x128xi32, #tpu.memory_space<vmem>> -> memref<4x128xi32, #tpu.memory_space<vmem>>
    %dma_start3A_643 = arith.constant 0 : i32
    %dma_start3A_644 = tpu.memref_slice %arg3[%dma_start3A_639, %mul3A_2, %dma_start3A_643] : memref<26x128x128xi32, #tpu.memory_space<hbm>> -> memref<1x4x128xi32, #tpu.memory_space<hbm>>
    %dma_start3A_645 = tpu.memref_squeeze %dma_start3A_644 : memref<1x4x128xi32, #tpu.memory_space<hbm>> -> memref<4x128xi32, #tpu.memory_space<hbm>>
    %dma_start3A_646 = arith.constant 92 : i32
    %dma_start3A_647 = arith.constant 0 : i32
    %dma_start3A_648 = tpu.memref_slice %arg7[%dma_start3A_646, %dma_start3A_647] : memref<104x128xi32, #tpu.memory_space<vmem>> -> memref<4x128xi32, #tpu.memory_space<vmem>>
    %dma_start3A_649 = arith.constant 0 : i32
    %dma_start3A_650 = tpu.memref_slice %arg3[%dma_start3A_639, %mul3A_2, %dma_start3A_649] : memref<26x128x128xi32, #tpu.memory_space<hbm>> -> memref<1x4x128xi32, #tpu.memory_space<hbm>>
    %dma_start3A_651 = tpu.memref_squeeze %dma_start3A_650 : memref<1x4x128xi32, #tpu.memory_space<hbm>> -> memref<4x128xi32, #tpu.memory_space<hbm>>
    tpu.enqueue_dma source(%dma_start3A_651 : memref<4x128xi32, #tpu.memory_space<hbm>>) target(%dma_start3A_648 : memref<4x128xi32, #tpu.memory_space<vmem>>) target_semaphore(%arg14 : memref<!tpu.dma_semaphore, #tpu.memory_space<semaphore_mem>>)
    %dma_start3A_652 = arith.constant 24 : i32
    %dma_start3A_653 = arith.constant 96 : i32
    %dma_start3A_654 = arith.constant 0 : i32
    %dma_start3A_655 = tpu.memref_slice %arg7[%dma_start3A_653, %dma_start3A_654] : memref<104x128xi32, #tpu.memory_space<vmem>> -> memref<4x128xi32, #tpu.memory_space<vmem>>
    %dma_start3A_656 = arith.constant 0 : i32
    %dma_start3A_657 = tpu.memref_slice %arg3[%dma_start3A_652, %mul3A_2, %dma_start3A_656] : memref<26x128x128xi32, #tpu.memory_space<hbm>> -> memref<1x4x128xi32, #tpu.memory_space<hbm>>
    %dma_start3A_658 = tpu.memref_squeeze %dma_start3A_657 : memref<1x4x128xi32, #tpu.memory_space<hbm>> -> memref<4x128xi32, #tpu.memory_space<hbm>>
    %dma_start3A_659 = arith.constant 96 : i32
    %dma_start3A_660 = arith.constant 0 : i32
    %dma_start3A_661 = tpu.memref_slice %arg7[%dma_start3A_659, %dma_start3A_660] : memref<104x128xi32, #tpu.memory_space<vmem>> -> memref<4x128xi32, #tpu.memory_space<vmem>>
    %dma_start3A_662 = arith.constant 0 : i32
    %dma_start3A_663 = tpu.memref_slice %arg3[%dma_start3A_652, %mul3A_2, %dma_start3A_662] : memref<26x128x128xi32, #tpu.memory_space<hbm>> -> memref<1x4x128xi32, #tpu.memory_space<hbm>>
    %dma_start3A_664 = tpu.memref_squeeze %dma_start3A_663 : memref<1x4x128xi32, #tpu.memory_space<hbm>> -> memref<4x128xi32, #tpu.memory_space<hbm>>
    tpu.enqueue_dma source(%dma_start3A_664 : memref<4x128xi32, #tpu.memory_space<hbm>>) target(%dma_start3A_661 : memref<4x128xi32, #tpu.memory_space<vmem>>) target_semaphore(%arg14 : memref<!tpu.dma_semaphore, #tpu.memory_space<semaphore_mem>>)
    %dma_start3A_665 = arith.constant 25 : i32
    %dma_start3A_666 = arith.constant 100 : i32
    %dma_start3A_667 = arith.constant 0 : i32
    %dma_start3A_668 = tpu.memref_slice %arg7[%dma_start3A_666, %dma_start3A_667] : memref<104x128xi32, #tpu.memory_space<vmem>> -> memref<4x128xi32, #tpu.memory_space<vmem>>
    %dma_start3A_669 = arith.constant 0 : i32
    %dma_start3A_670 = tpu.memref_slice %arg3[%dma_start3A_665, %mul3A_2, %dma_start3A_669] : memref<26x128x128xi32, #tpu.memory_space<hbm>> -> memref<1x4x128xi32, #tpu.memory_space<hbm>>
    %dma_start3A_671 = tpu.memref_squeeze %dma_start3A_670 : memref<1x4x128xi32, #tpu.memory_space<hbm>> -> memref<4x128xi32, #tpu.memory_space<hbm>>
    %dma_start3A_672 = arith.constant 100 : i32
    %dma_start3A_673 = arith.constant 0 : i32
    %dma_start3A_674 = tpu.memref_slice %arg7[%dma_start3A_672, %dma_start3A_673] : memref<104x128xi32, #tpu.memory_space<vmem>> -> memref<4x128xi32, #tpu.memory_space<vmem>>
    %dma_start3A_675 = arith.constant 0 : i32
    %dma_start3A_676 = tpu.memref_slice %arg3[%dma_start3A_665, %mul3A_2, %dma_start3A_675] : memref<26x128x128xi32, #tpu.memory_space<hbm>> -> memref<1x4x128xi32, #tpu.memory_space<hbm>>
    %dma_start3A_677 = tpu.memref_squeeze %dma_start3A_676 : memref<1x4x128xi32, #tpu.memory_space<hbm>> -> memref<4x128xi32, #tpu.memory_space<hbm>>
    tpu.enqueue_dma source(%dma_start3A_677 : memref<4x128xi32, #tpu.memory_space<hbm>>) target(%dma_start3A_674 : memref<4x128xi32, #tpu.memory_space<vmem>>) target_semaphore(%arg14 : memref<!tpu.dma_semaphore, #tpu.memory_space<semaphore_mem>>)
    %dma_wait3A = arith.constant 0 : i32
    %dma_wait3A_678 = arith.constant 0 : i32
    %dma_wait3A_679 = arith.constant 0 : i32
    %dma_wait3A_680 = tpu.memref_slice %arg6[%dma_wait3A_678, %dma_wait3A_679] : memref<104x128xi32, #tpu.memory_space<vmem>> -> memref<4x128xi32, #tpu.memory_space<vmem>>
    %dma_wait3A_681 = arith.constant 0 : i32
    %dma_wait3A_682 = tpu.memref_slice %arg2[%dma_wait3A, %mul3A_2, %dma_wait3A_681] : memref<26x128x128xi32, #tpu.memory_space<hbm>> -> memref<1x4x128xi32, #tpu.memory_space<hbm>>
    %dma_wait3A_683 = tpu.memref_squeeze %dma_wait3A_682 : memref<1x4x128xi32, #tpu.memory_space<hbm>> -> memref<4x128xi32, #tpu.memory_space<hbm>>
    %dma_wait3A_684 = arith.constant 0 : i32
    %dma_wait3A_685 = arith.constant 0 : i32
    %dma_wait3A_686 = tpu.memref_slice %arg6[%dma_wait3A_684, %dma_wait3A_685] : memref<104x128xi32, #tpu.memory_space<vmem>> -> memref<4x128xi32, #tpu.memory_space<vmem>>
    %dma_wait3A_687 = arith.constant 0 : i32
    %dma_wait3A_688 = tpu.memref_slice %arg2[%dma_wait3A, %mul3A_2, %dma_wait3A_687] : memref<26x128x128xi32, #tpu.memory_space<hbm>> -> memref<1x4x128xi32, #tpu.memory_space<hbm>>
    %dma_wait3A_689 = tpu.memref_squeeze %dma_wait3A_688 : memref<1x4x128xi32, #tpu.memory_space<hbm>> -> memref<4x128xi32, #tpu.memory_space<hbm>>
    tpu.wait_dma2 semaphore(%arg14 : memref<!tpu.dma_semaphore, #tpu.memory_space<semaphore_mem>>) src(%dma_wait3A_689 : memref<4x128xi32, #tpu.memory_space<hbm>>) dst(%dma_wait3A_686 : memref<4x128xi32, #tpu.memory_space<vmem>>)
    %dma_wait3A_690 = arith.constant 1 : i32
    %dma_wait3A_691 = arith.constant 4 : i32
    %dma_wait3A_692 = arith.constant 0 : i32
    %dma_wait3A_693 = tpu.memref_slice %arg6[%dma_wait3A_691, %dma_wait3A_692] : memref<104x128xi32, #tpu.memory_space<vmem>> -> memref<4x128xi32, #tpu.memory_space<vmem>>
    %dma_wait3A_694 = arith.constant 0 : i32
    %dma_wait3A_695 = tpu.memref_slice %arg2[%dma_wait3A_690, %mul3A_2, %dma_wait3A_694] : memref<26x128x128xi32, #tpu.memory_space<hbm>> -> memref<1x4x128xi32, #tpu.memory_space<hbm>>
    %dma_wait3A_696 = tpu.memref_squeeze %dma_wait3A_695 : memref<1x4x128xi32, #tpu.memory_space<hbm>> -> memref<4x128xi32, #tpu.memory_space<hbm>>
    %dma_wait3A_697 = arith.constant 4 : i32
    %dma_wait3A_698 = arith.constant 0 : i32
    %dma_wait3A_699 = tpu.memref_slice %arg6[%dma_wait3A_697, %dma_wait3A_698] : memref<104x128xi32, #tpu.memory_space<vmem>> -> memref<4x128xi32, #tpu.memory_space<vmem>>
    %dma_wait3A_700 = arith.constant 0 : i32
    %dma_wait3A_701 = tpu.memref_slice %arg2[%dma_wait3A_690, %mul3A_2, %dma_wait3A_700] : memref<26x128x128xi32, #tpu.memory_space<hbm>> -> memref<1x4x128xi32, #tpu.memory_space<hbm>>
    %dma_wait3A_702 = tpu.memref_squeeze %dma_wait3A_701 : memref<1x4x128xi32, #tpu.memory_space<hbm>> -> memref<4x128xi32, #tpu.memory_space<hbm>>
    tpu.wait_dma2 semaphore(%arg14 : memref<!tpu.dma_semaphore, #tpu.memory_space<semaphore_mem>>) src(%dma_wait3A_702 : memref<4x128xi32, #tpu.memory_space<hbm>>) dst(%dma_wait3A_699 : memref<4x128xi32, #tpu.memory_space<vmem>>)
    %dma_wait3A_703 = arith.constant 2 : i32
    %dma_wait3A_704 = arith.constant 8 : i32
    %dma_wait3A_705 = arith.constant 0 : i32
    %dma_wait3A_706 = tpu.memref_slice %arg6[%dma_wait3A_704, %dma_wait3A_705] : memref<104x128xi32, #tpu.memory_space<vmem>> -> memref<4x128xi32, #tpu.memory_space<vmem>>
    %dma_wait3A_707 = arith.constant 0 : i32
    %dma_wait3A_708 = tpu.memref_slice %arg2[%dma_wait3A_703, %mul3A_2, %dma_wait3A_707] : memref<26x128x128xi32, #tpu.memory_space<hbm>> -> memref<1x4x128xi32, #tpu.memory_space<hbm>>
    %dma_wait3A_709 = tpu.memref_squeeze %dma_wait3A_708 : memref<1x4x128xi32, #tpu.memory_space<hbm>> -> memref<4x128xi32, #tpu.memory_space<hbm>>
    %dma_wait3A_710 = arith.constant 8 : i32
    %dma_wait3A_711 = arith.constant 0 : i32
    %dma_wait3A_712 = tpu.memref_slice %arg6[%dma_wait3A_710, %dma_wait3A_711] : memref<104x128xi32, #tpu.memory_space<vmem>> -> memref<4x128xi32, #tpu.memory_space<vmem>>
    %dma_wait3A_713 = arith.constant 0 : i32
    %dma_wait3A_714 = tpu.memref_slice %arg2[%dma_wait3A_703, %mul3A_2, %dma_wait3A_713] : memref<26x128x128xi32, #tpu.memory_space<hbm>> -> memref<1x4x128xi32, #tpu.memory_space<hbm>>
    %dma_wait3A_715 = tpu.memref_squeeze %dma_wait3A_714 : memref<1x4x128xi32, #tpu.memory_space<hbm>> -> memref<4x128xi32, #tpu.memory_space<hbm>>
    tpu.wait_dma2 semaphore(%arg14 : memref<!tpu.dma_semaphore, #tpu.memory_space<semaphore_mem>>) src(%dma_wait3A_715 : memref<4x128xi32, #tpu.memory_space<hbm>>) dst(%dma_wait3A_712 : memref<4x128xi32, #tpu.memory_space<vmem>>)
    %dma_wait3A_716 = arith.constant 3 : i32
    %dma_wait3A_717 = arith.constant 12 : i32
    %dma_wait3A_718 = arith.constant 0 : i32
    %dma_wait3A_719 = tpu.memref_slice %arg6[%dma_wait3A_717, %dma_wait3A_718] : memref<104x128xi32, #tpu.memory_space<vmem>> -> memref<4x128xi32, #tpu.memory_space<vmem>>
    %dma_wait3A_720 = arith.constant 0 : i32
    %dma_wait3A_721 = tpu.memref_slice %arg2[%dma_wait3A_716, %mul3A_2, %dma_wait3A_720] : memref<26x128x128xi32, #tpu.memory_space<hbm>> -> memref<1x4x128xi32, #tpu.memory_space<hbm>>
    %dma_wait3A_722 = tpu.memref_squeeze %dma_wait3A_721 : memref<1x4x128xi32, #tpu.memory_space<hbm>> -> memref<4x128xi32, #tpu.memory_space<hbm>>
    %dma_wait3A_723 = arith.constant 12 : i32
    %dma_wait3A_724 = arith.constant 0 : i32
    %dma_wait3A_725 = tpu.memref_slice %arg6[%dma_wait3A_723, %dma_wait3A_724] : memref<104x128xi32, #tpu.memory_space<vmem>> -> memref<4x128xi32, #tpu.memory_space<vmem>>
    %dma_wait3A_726 = arith.constant 0 : i32
    %dma_wait3A_727 = tpu.memref_slice %arg2[%dma_wait3A_716, %mul3A_2, %dma_wait3A_726] : memref<26x128x128xi32, #tpu.memory_space<hbm>> -> memref<1x4x128xi32, #tpu.memory_space<hbm>>
    %dma_wait3A_728 = tpu.memref_squeeze %dma_wait3A_727 : memref<1x4x128xi32, #tpu.memory_space<hbm>> -> memref<4x128xi32, #tpu.memory_space<hbm>>
    tpu.wait_dma2 semaphore(%arg14 : memref<!tpu.dma_semaphore, #tpu.memory_space<semaphore_mem>>) src(%dma_wait3A_728 : memref<4x128xi32, #tpu.memory_space<hbm>>) dst(%dma_wait3A_725 : memref<4x128xi32, #tpu.memory_space<vmem>>)
    %dma_wait3A_729 = arith.constant 4 : i32
    %dma_wait3A_730 = arith.constant 16 : i32
    %dma_wait3A_731 = arith.constant 0 : i32
    %dma_wait3A_732 = tpu.memref_slice %arg6[%dma_wait3A_730, %dma_wait3A_731] : memref<104x128xi32, #tpu.memory_space<vmem>> -> memref<4x128xi32, #tpu.memory_space<vmem>>
    %dma_wait3A_733 = arith.constant 0 : i32
    %dma_wait3A_734 = tpu.memref_slice %arg2[%dma_wait3A_729, %mul3A_2, %dma_wait3A_733] : memref<26x128x128xi32, #tpu.memory_space<hbm>> -> memref<1x4x128xi32, #tpu.memory_space<hbm>>
    %dma_wait3A_735 = tpu.memref_squeeze %dma_wait3A_734 : memref<1x4x128xi32, #tpu.memory_space<hbm>> -> memref<4x128xi32, #tpu.memory_space<hbm>>
    %dma_wait3A_736 = arith.constant 16 : i32
    %dma_wait3A_737 = arith.constant 0 : i32
    %dma_wait3A_738 = tpu.memref_slice %arg6[%dma_wait3A_736, %dma_wait3A_737] : memref<104x128xi32, #tpu.memory_space<vmem>> -> memref<4x128xi32, #tpu.memory_space<vmem>>
    %dma_wait3A_739 = arith.constant 0 : i32
    %dma_wait3A_740 = tpu.memref_slice %arg2[%dma_wait3A_729, %mul3A_2, %dma_wait3A_739] : memref<26x128x128xi32, #tpu.memory_space<hbm>> -> memref<1x4x128xi32, #tpu.memory_space<hbm>>
    %dma_wait3A_741 = tpu.memref_squeeze %dma_wait3A_740 : memref<1x4x128xi32, #tpu.memory_space<hbm>> -> memref<4x128xi32, #tpu.memory_space<hbm>>
    tpu.wait_dma2 semaphore(%arg14 : memref<!tpu.dma_semaphore, #tpu.memory_space<semaphore_mem>>) src(%dma_wait3A_741 : memref<4x128xi32, #tpu.memory_space<hbm>>) dst(%dma_wait3A_738 : memref<4x128xi32, #tpu.memory_space<vmem>>)
    %dma_wait3A_742 = arith.constant 5 : i32
    %dma_wait3A_743 = arith.constant 20 : i32
    %dma_wait3A_744 = arith.constant 0 : i32
    %dma_wait3A_745 = tpu.memref_slice %arg6[%dma_wait3A_743, %dma_wait3A_744] : memref<104x128xi32, #tpu.memory_space<vmem>> -> memref<4x128xi32, #tpu.memory_space<vmem>>
    %dma_wait3A_746 = arith.constant 0 : i32
    %dma_wait3A_747 = tpu.memref_slice %arg2[%dma_wait3A_742, %mul3A_2, %dma_wait3A_746] : memref<26x128x128xi32, #tpu.memory_space<hbm>> -> memref<1x4x128xi32, #tpu.memory_space<hbm>>
    %dma_wait3A_748 = tpu.memref_squeeze %dma_wait3A_747 : memref<1x4x128xi32, #tpu.memory_space<hbm>> -> memref<4x128xi32, #tpu.memory_space<hbm>>
    %dma_wait3A_749 = arith.constant 20 : i32
    %dma_wait3A_750 = arith.constant 0 : i32
    %dma_wait3A_751 = tpu.memref_slice %arg6[%dma_wait3A_749, %dma_wait3A_750] : memref<104x128xi32, #tpu.memory_space<vmem>> -> memref<4x128xi32, #tpu.memory_space<vmem>>
    %dma_wait3A_752 = arith.constant 0 : i32
    %dma_wait3A_753 = tpu.memref_slice %arg2[%dma_wait3A_742, %mul3A_2, %dma_wait3A_752] : memref<26x128x128xi32, #tpu.memory_space<hbm>> -> memref<1x4x128xi32, #tpu.memory_space<hbm>>
    %dma_wait3A_754 = tpu.memref_squeeze %dma_wait3A_753 : memref<1x4x128xi32, #tpu.memory_space<hbm>> -> memref<4x128xi32, #tpu.memory_space<hbm>>
    tpu.wait_dma2 semaphore(%arg14 : memref<!tpu.dma_semaphore, #tpu.memory_space<semaphore_mem>>) src(%dma_wait3A_754 : memref<4x128xi32, #tpu.memory_space<hbm>>) dst(%dma_wait3A_751 : memref<4x128xi32, #tpu.memory_space<vmem>>)
    %dma_wait3A_755 = arith.constant 6 : i32
    %dma_wait3A_756 = arith.constant 24 : i32
    %dma_wait3A_757 = arith.constant 0 : i32
    %dma_wait3A_758 = tpu.memref_slice %arg6[%dma_wait3A_756, %dma_wait3A_757] : memref<104x128xi32, #tpu.memory_space<vmem>> -> memref<4x128xi32, #tpu.memory_space<vmem>>
    %dma_wait3A_759 = arith.constant 0 : i32
    %dma_wait3A_760 = tpu.memref_slice %arg2[%dma_wait3A_755, %mul3A_2, %dma_wait3A_759] : memref<26x128x128xi32, #tpu.memory_space<hbm>> -> memref<1x4x128xi32, #tpu.memory_space<hbm>>
    %dma_wait3A_761 = tpu.memref_squeeze %dma_wait3A_760 : memref<1x4x128xi32, #tpu.memory_space<hbm>> -> memref<4x128xi32, #tpu.memory_space<hbm>>
    %dma_wait3A_762 = arith.constant 24 : i32
    %dma_wait3A_763 = arith.constant 0 : i32
    %dma_wait3A_764 = tpu.memref_slice %arg6[%dma_wait3A_762, %dma_wait3A_763] : memref<104x128xi32, #tpu.memory_space<vmem>> -> memref<4x128xi32, #tpu.memory_space<vmem>>
    %dma_wait3A_765 = arith.constant 0 : i32
    %dma_wait3A_766 = tpu.memref_slice %arg2[%dma_wait3A_755, %mul3A_2, %dma_wait3A_765] : memref<26x128x128xi32, #tpu.memory_space<hbm>> -> memref<1x4x128xi32, #tpu.memory_space<hbm>>
    %dma_wait3A_767 = tpu.memref_squeeze %dma_wait3A_766 : memref<1x4x128xi32, #tpu.memory_space<hbm>> -> memref<4x128xi32, #tpu.memory_space<hbm>>
    tpu.wait_dma2 semaphore(%arg14 : memref<!tpu.dma_semaphore, #tpu.memory_space<semaphore_mem>>) src(%dma_wait3A_767 : memref<4x128xi32, #tpu.memory_space<hbm>>) dst(%dma_wait3A_764 : memref<4x128xi32, #tpu.memory_space<vmem>>)
    %dma_wait3A_768 = arith.constant 7 : i32
    %dma_wait3A_769 = arith.constant 28 : i32
    %dma_wait3A_770 = arith.constant 0 : i32
    %dma_wait3A_771 = tpu.memref_slice %arg6[%dma_wait3A_769, %dma_wait3A_770] : memref<104x128xi32, #tpu.memory_space<vmem>> -> memref<4x128xi32, #tpu.memory_space<vmem>>
    %dma_wait3A_772 = arith.constant 0 : i32
    %dma_wait3A_773 = tpu.memref_slice %arg2[%dma_wait3A_768, %mul3A_2, %dma_wait3A_772] : memref<26x128x128xi32, #tpu.memory_space<hbm>> -> memref<1x4x128xi32, #tpu.memory_space<hbm>>
    %dma_wait3A_774 = tpu.memref_squeeze %dma_wait3A_773 : memref<1x4x128xi32, #tpu.memory_space<hbm>> -> memref<4x128xi32, #tpu.memory_space<hbm>>
    %dma_wait3A_775 = arith.constant 28 : i32
    %dma_wait3A_776 = arith.constant 0 : i32
    %dma_wait3A_777 = tpu.memref_slice %arg6[%dma_wait3A_775, %dma_wait3A_776] : memref<104x128xi32, #tpu.memory_space<vmem>> -> memref<4x128xi32, #tpu.memory_space<vmem>>
    %dma_wait3A_778 = arith.constant 0 : i32
    %dma_wait3A_779 = tpu.memref_slice %arg2[%dma_wait3A_768, %mul3A_2, %dma_wait3A_778] : memref<26x128x128xi32, #tpu.memory_space<hbm>> -> memref<1x4x128xi32, #tpu.memory_space<hbm>>
    %dma_wait3A_780 = tpu.memref_squeeze %dma_wait3A_779 : memref<1x4x128xi32, #tpu.memory_space<hbm>> -> memref<4x128xi32, #tpu.memory_space<hbm>>
    tpu.wait_dma2 semaphore(%arg14 : memref<!tpu.dma_semaphore, #tpu.memory_space<semaphore_mem>>) src(%dma_wait3A_780 : memref<4x128xi32, #tpu.memory_space<hbm>>) dst(%dma_wait3A_777 : memref<4x128xi32, #tpu.memory_space<vmem>>)
    %dma_wait3A_781 = arith.constant 8 : i32
    %dma_wait3A_782 = arith.constant 32 : i32
    %dma_wait3A_783 = arith.constant 0 : i32
    %dma_wait3A_784 = tpu.memref_slice %arg6[%dma_wait3A_782, %dma_wait3A_783] : memref<104x128xi32, #tpu.memory_space<vmem>> -> memref<4x128xi32, #tpu.memory_space<vmem>>
    %dma_wait3A_785 = arith.constant 0 : i32
    %dma_wait3A_786 = tpu.memref_slice %arg2[%dma_wait3A_781, %mul3A_2, %dma_wait3A_785] : memref<26x128x128xi32, #tpu.memory_space<hbm>> -> memref<1x4x128xi32, #tpu.memory_space<hbm>>
    %dma_wait3A_787 = tpu.memref_squeeze %dma_wait3A_786 : memref<1x4x128xi32, #tpu.memory_space<hbm>> -> memref<4x128xi32, #tpu.memory_space<hbm>>
    %dma_wait3A_788 = arith.constant 32 : i32
    %dma_wait3A_789 = arith.constant 0 : i32
    %dma_wait3A_790 = tpu.memref_slice %arg6[%dma_wait3A_788, %dma_wait3A_789] : memref<104x128xi32, #tpu.memory_space<vmem>> -> memref<4x128xi32, #tpu.memory_space<vmem>>
    %dma_wait3A_791 = arith.constant 0 : i32
    %dma_wait3A_792 = tpu.memref_slice %arg2[%dma_wait3A_781, %mul3A_2, %dma_wait3A_791] : memref<26x128x128xi32, #tpu.memory_space<hbm>> -> memref<1x4x128xi32, #tpu.memory_space<hbm>>
    %dma_wait3A_793 = tpu.memref_squeeze %dma_wait3A_792 : memref<1x4x128xi32, #tpu.memory_space<hbm>> -> memref<4x128xi32, #tpu.memory_space<hbm>>
    tpu.wait_dma2 semaphore(%arg14 : memref<!tpu.dma_semaphore, #tpu.memory_space<semaphore_mem>>) src(%dma_wait3A_793 : memref<4x128xi32, #tpu.memory_space<hbm>>) dst(%dma_wait3A_790 : memref<4x128xi32, #tpu.memory_space<vmem>>)
    %dma_wait3A_794 = arith.constant 9 : i32
    %dma_wait3A_795 = arith.constant 36 : i32
    %dma_wait3A_796 = arith.constant 0 : i32
    %dma_wait3A_797 = tpu.memref_slice %arg6[%dma_wait3A_795, %dma_wait3A_796] : memref<104x128xi32, #tpu.memory_space<vmem>> -> memref<4x128xi32, #tpu.memory_space<vmem>>
    %dma_wait3A_798 = arith.constant 0 : i32
    %dma_wait3A_799 = tpu.memref_slice %arg2[%dma_wait3A_794, %mul3A_2, %dma_wait3A_798] : memref<26x128x128xi32, #tpu.memory_space<hbm>> -> memref<1x4x128xi32, #tpu.memory_space<hbm>>
    %dma_wait3A_800 = tpu.memref_squeeze %dma_wait3A_799 : memref<1x4x128xi32, #tpu.memory_space<hbm>> -> memref<4x128xi32, #tpu.memory_space<hbm>>
    %dma_wait3A_801 = arith.constant 36 : i32
    %dma_wait3A_802 = arith.constant 0 : i32
    %dma_wait3A_803 = tpu.memref_slice %arg6[%dma_wait3A_801, %dma_wait3A_802] : memref<104x128xi32, #tpu.memory_space<vmem>> -> memref<4x128xi32, #tpu.memory_space<vmem>>
    %dma_wait3A_804 = arith.constant 0 : i32
    %dma_wait3A_805 = tpu.memref_slice %arg2[%dma_wait3A_794, %mul3A_2, %dma_wait3A_804] : memref<26x128x128xi32, #tpu.memory_space<hbm>> -> memref<1x4x128xi32, #tpu.memory_space<hbm>>
    %dma_wait3A_806 = tpu.memref_squeeze %dma_wait3A_805 : memref<1x4x128xi32, #tpu.memory_space<hbm>> -> memref<4x128xi32, #tpu.memory_space<hbm>>
    tpu.wait_dma2 semaphore(%arg14 : memref<!tpu.dma_semaphore, #tpu.memory_space<semaphore_mem>>) src(%dma_wait3A_806 : memref<4x128xi32, #tpu.memory_space<hbm>>) dst(%dma_wait3A_803 : memref<4x128xi32, #tpu.memory_space<vmem>>)
    %dma_wait3A_807 = arith.constant 10 : i32
    %dma_wait3A_808 = arith.constant 40 : i32
    %dma_wait3A_809 = arith.constant 0 : i32
    %dma_wait3A_810 = tpu.memref_slice %arg6[%dma_wait3A_808, %dma_wait3A_809] : memref<104x128xi32, #tpu.memory_space<vmem>> -> memref<4x128xi32, #tpu.memory_space<vmem>>
    %dma_wait3A_811 = arith.constant 0 : i32
    %dma_wait3A_812 = tpu.memref_slice %arg2[%dma_wait3A_807, %mul3A_2, %dma_wait3A_811] : memref<26x128x128xi32, #tpu.memory_space<hbm>> -> memref<1x4x128xi32, #tpu.memory_space<hbm>>
    %dma_wait3A_813 = tpu.memref_squeeze %dma_wait3A_812 : memref<1x4x128xi32, #tpu.memory_space<hbm>> -> memref<4x128xi32, #tpu.memory_space<hbm>>
    %dma_wait3A_814 = arith.constant 40 : i32
    %dma_wait3A_815 = arith.constant 0 : i32
    %dma_wait3A_816 = tpu.memref_slice %arg6[%dma_wait3A_814, %dma_wait3A_815] : memref<104x128xi32, #tpu.memory_space<vmem>> -> memref<4x128xi32, #tpu.memory_space<vmem>>
    %dma_wait3A_817 = arith.constant 0 : i32
    %dma_wait3A_818 = tpu.memref_slice %arg2[%dma_wait3A_807, %mul3A_2, %dma_wait3A_817] : memref<26x128x128xi32, #tpu.memory_space<hbm>> -> memref<1x4x128xi32, #tpu.memory_space<hbm>>
    %dma_wait3A_819 = tpu.memref_squeeze %dma_wait3A_818 : memref<1x4x128xi32, #tpu.memory_space<hbm>> -> memref<4x128xi32, #tpu.memory_space<hbm>>
    tpu.wait_dma2 semaphore(%arg14 : memref<!tpu.dma_semaphore, #tpu.memory_space<semaphore_mem>>) src(%dma_wait3A_819 : memref<4x128xi32, #tpu.memory_space<hbm>>) dst(%dma_wait3A_816 : memref<4x128xi32, #tpu.memory_space<vmem>>)
    %dma_wait3A_820 = arith.constant 11 : i32
    %dma_wait3A_821 = arith.constant 44 : i32
    %dma_wait3A_822 = arith.constant 0 : i32
    %dma_wait3A_823 = tpu.memref_slice %arg6[%dma_wait3A_821, %dma_wait3A_822] : memref<104x128xi32, #tpu.memory_space<vmem>> -> memref<4x128xi32, #tpu.memory_space<vmem>>
    %dma_wait3A_824 = arith.constant 0 : i32
    %dma_wait3A_825 = tpu.memref_slice %arg2[%dma_wait3A_820, %mul3A_2, %dma_wait3A_824] : memref<26x128x128xi32, #tpu.memory_space<hbm>> -> memref<1x4x128xi32, #tpu.memory_space<hbm>>
    %dma_wait3A_826 = tpu.memref_squeeze %dma_wait3A_825 : memref<1x4x128xi32, #tpu.memory_space<hbm>> -> memref<4x128xi32, #tpu.memory_space<hbm>>
    %dma_wait3A_827 = arith.constant 44 : i32
    %dma_wait3A_828 = arith.constant 0 : i32
    %dma_wait3A_829 = tpu.memref_slice %arg6[%dma_wait3A_827, %dma_wait3A_828] : memref<104x128xi32, #tpu.memory_space<vmem>> -> memref<4x128xi32, #tpu.memory_space<vmem>>
    %dma_wait3A_830 = arith.constant 0 : i32
    %dma_wait3A_831 = tpu.memref_slice %arg2[%dma_wait3A_820, %mul3A_2, %dma_wait3A_830] : memref<26x128x128xi32, #tpu.memory_space<hbm>> -> memref<1x4x128xi32, #tpu.memory_space<hbm>>
    %dma_wait3A_832 = tpu.memref_squeeze %dma_wait3A_831 : memref<1x4x128xi32, #tpu.memory_space<hbm>> -> memref<4x128xi32, #tpu.memory_space<hbm>>
    tpu.wait_dma2 semaphore(%arg14 : memref<!tpu.dma_semaphore, #tpu.memory_space<semaphore_mem>>) src(%dma_wait3A_832 : memref<4x128xi32, #tpu.memory_space<hbm>>) dst(%dma_wait3A_829 : memref<4x128xi32, #tpu.memory_space<vmem>>)
    %dma_wait3A_833 = arith.constant 12 : i32
    %dma_wait3A_834 = arith.constant 48 : i32
    %dma_wait3A_835 = arith.constant 0 : i32
    %dma_wait3A_836 = tpu.memref_slice %arg6[%dma_wait3A_834, %dma_wait3A_835] : memref<104x128xi32, #tpu.memory_space<vmem>> -> memref<4x128xi32, #tpu.memory_space<vmem>>
    %dma_wait3A_837 = arith.constant 0 : i32
    %dma_wait3A_838 = tpu.memref_slice %arg2[%dma_wait3A_833, %mul3A_2, %dma_wait3A_837] : memref<26x128x128xi32, #tpu.memory_space<hbm>> -> memref<1x4x128xi32, #tpu.memory_space<hbm>>
    %dma_wait3A_839 = tpu.memref_squeeze %dma_wait3A_838 : memref<1x4x128xi32, #tpu.memory_space<hbm>> -> memref<4x128xi32, #tpu.memory_space<hbm>>
    %dma_wait3A_840 = arith.constant 48 : i32
    %dma_wait3A_841 = arith.constant 0 : i32
    %dma_wait3A_842 = tpu.memref_slice %arg6[%dma_wait3A_840, %dma_wait3A_841] : memref<104x128xi32, #tpu.memory_space<vmem>> -> memref<4x128xi32, #tpu.memory_space<vmem>>
    %dma_wait3A_843 = arith.constant 0 : i32
    %dma_wait3A_844 = tpu.memref_slice %arg2[%dma_wait3A_833, %mul3A_2, %dma_wait3A_843] : memref<26x128x128xi32, #tpu.memory_space<hbm>> -> memref<1x4x128xi32, #tpu.memory_space<hbm>>
    %dma_wait3A_845 = tpu.memref_squeeze %dma_wait3A_844 : memref<1x4x128xi32, #tpu.memory_space<hbm>> -> memref<4x128xi32, #tpu.memory_space<hbm>>
    tpu.wait_dma2 semaphore(%arg14 : memref<!tpu.dma_semaphore, #tpu.memory_space<semaphore_mem>>) src(%dma_wait3A_845 : memref<4x128xi32, #tpu.memory_space<hbm>>) dst(%dma_wait3A_842 : memref<4x128xi32, #tpu.memory_space<vmem>>)
    %dma_wait3A_846 = arith.constant 13 : i32
    %dma_wait3A_847 = arith.constant 52 : i32
    %dma_wait3A_848 = arith.constant 0 : i32
    %dma_wait3A_849 = tpu.memref_slice %arg6[%dma_wait3A_847, %dma_wait3A_848] : memref<104x128xi32, #tpu.memory_space<vmem>> -> memref<4x128xi32, #tpu.memory_space<vmem>>
    %dma_wait3A_850 = arith.constant 0 : i32
    %dma_wait3A_851 = tpu.memref_slice %arg2[%dma_wait3A_846, %mul3A_2, %dma_wait3A_850] : memref<26x128x128xi32, #tpu.memory_space<hbm>> -> memref<1x4x128xi32, #tpu.memory_space<hbm>>
    %dma_wait3A_852 = tpu.memref_squeeze %dma_wait3A_851 : memref<1x4x128xi32, #tpu.memory_space<hbm>> -> memref<4x128xi32, #tpu.memory_space<hbm>>
    %dma_wait3A_853 = arith.constant 52 : i32
    %dma_wait3A_854 = arith.constant 0 : i32
    %dma_wait3A_855 = tpu.memref_slice %arg6[%dma_wait3A_853, %dma_wait3A_854] : memref<104x128xi32, #tpu.memory_space<vmem>> -> memref<4x128xi32, #tpu.memory_space<vmem>>
    %dma_wait3A_856 = arith.constant 0 : i32
    %dma_wait3A_857 = tpu.memref_slice %arg2[%dma_wait3A_846, %mul3A_2, %dma_wait3A_856] : memref<26x128x128xi32, #tpu.memory_space<hbm>> -> memref<1x4x128xi32, #tpu.memory_space<hbm>>
    %dma_wait3A_858 = tpu.memref_squeeze %dma_wait3A_857 : memref<1x4x128xi32, #tpu.memory_space<hbm>> -> memref<4x128xi32, #tpu.memory_space<hbm>>
    tpu.wait_dma2 semaphore(%arg14 : memref<!tpu.dma_semaphore, #tpu.memory_space<semaphore_mem>>) src(%dma_wait3A_858 : memref<4x128xi32, #tpu.memory_space<hbm>>) dst(%dma_wait3A_855 : memref<4x128xi32, #tpu.memory_space<vmem>>)
    %dma_wait3A_859 = arith.constant 14 : i32
    %dma_wait3A_860 = arith.constant 56 : i32
    %dma_wait3A_861 = arith.constant 0 : i32
    %dma_wait3A_862 = tpu.memref_slice %arg6[%dma_wait3A_860, %dma_wait3A_861] : memref<104x128xi32, #tpu.memory_space<vmem>> -> memref<4x128xi32, #tpu.memory_space<vmem>>
    %dma_wait3A_863 = arith.constant 0 : i32
    %dma_wait3A_864 = tpu.memref_slice %arg2[%dma_wait3A_859, %mul3A_2, %dma_wait3A_863] : memref<26x128x128xi32, #tpu.memory_space<hbm>> -> memref<1x4x128xi32, #tpu.memory_space<hbm>>
    %dma_wait3A_865 = tpu.memref_squeeze %dma_wait3A_864 : memref<1x4x128xi32, #tpu.memory_space<hbm>> -> memref<4x128xi32, #tpu.memory_space<hbm>>
    %dma_wait3A_866 = arith.constant 56 : i32
    %dma_wait3A_867 = arith.constant 0 : i32
    %dma_wait3A_868 = tpu.memref_slice %arg6[%dma_wait3A_866, %dma_wait3A_867] : memref<104x128xi32, #tpu.memory_space<vmem>> -> memref<4x128xi32, #tpu.memory_space<vmem>>
    %dma_wait3A_869 = arith.constant 0 : i32
    %dma_wait3A_870 = tpu.memref_slice %arg2[%dma_wait3A_859, %mul3A_2, %dma_wait3A_869] : memref<26x128x128xi32, #tpu.memory_space<hbm>> -> memref<1x4x128xi32, #tpu.memory_space<hbm>>
    %dma_wait3A_871 = tpu.memref_squeeze %dma_wait3A_870 : memref<1x4x128xi32, #tpu.memory_space<hbm>> -> memref<4x128xi32, #tpu.memory_space<hbm>>
    tpu.wait_dma2 semaphore(%arg14 : memref<!tpu.dma_semaphore, #tpu.memory_space<semaphore_mem>>) src(%dma_wait3A_871 : memref<4x128xi32, #tpu.memory_space<hbm>>) dst(%dma_wait3A_868 : memref<4x128xi32, #tpu.memory_space<vmem>>)
    %dma_wait3A_872 = arith.constant 15 : i32
    %dma_wait3A_873 = arith.constant 60 : i32
    %dma_wait3A_874 = arith.constant 0 : i32
    %dma_wait3A_875 = tpu.memref_slice %arg6[%dma_wait3A_873, %dma_wait3A_874] : memref<104x128xi32, #tpu.memory_space<vmem>> -> memref<4x128xi32, #tpu.memory_space<vmem>>
    %dma_wait3A_876 = arith.constant 0 : i32
    %dma_wait3A_877 = tpu.memref_slice %arg2[%dma_wait3A_872, %mul3A_2, %dma_wait3A_876] : memref<26x128x128xi32, #tpu.memory_space<hbm>> -> memref<1x4x128xi32, #tpu.memory_space<hbm>>
    %dma_wait3A_878 = tpu.memref_squeeze %dma_wait3A_877 : memref<1x4x128xi32, #tpu.memory_space<hbm>> -> memref<4x128xi32, #tpu.memory_space<hbm>>
    %dma_wait3A_879 = arith.constant 60 : i32
    %dma_wait3A_880 = arith.constant 0 : i32
    %dma_wait3A_881 = tpu.memref_slice %arg6[%dma_wait3A_879, %dma_wait3A_880] : memref<104x128xi32, #tpu.memory_space<vmem>> -> memref<4x128xi32, #tpu.memory_space<vmem>>
    %dma_wait3A_882 = arith.constant 0 : i32
    %dma_wait3A_883 = tpu.memref_slice %arg2[%dma_wait3A_872, %mul3A_2, %dma_wait3A_882] : memref<26x128x128xi32, #tpu.memory_space<hbm>> -> memref<1x4x128xi32, #tpu.memory_space<hbm>>
    %dma_wait3A_884 = tpu.memref_squeeze %dma_wait3A_883 : memref<1x4x128xi32, #tpu.memory_space<hbm>> -> memref<4x128xi32, #tpu.memory_space<hbm>>
    tpu.wait_dma2 semaphore(%arg14 : memref<!tpu.dma_semaphore, #tpu.memory_space<semaphore_mem>>) src(%dma_wait3A_884 : memref<4x128xi32, #tpu.memory_space<hbm>>) dst(%dma_wait3A_881 : memref<4x128xi32, #tpu.memory_space<vmem>>)
    %dma_wait3A_885 = arith.constant 16 : i32
    %dma_wait3A_886 = arith.constant 64 : i32
    %dma_wait3A_887 = arith.constant 0 : i32
    %dma_wait3A_888 = tpu.memref_slice %arg6[%dma_wait3A_886, %dma_wait3A_887] : memref<104x128xi32, #tpu.memory_space<vmem>> -> memref<4x128xi32, #tpu.memory_space<vmem>>
    %dma_wait3A_889 = arith.constant 0 : i32
    %dma_wait3A_890 = tpu.memref_slice %arg2[%dma_wait3A_885, %mul3A_2, %dma_wait3A_889] : memref<26x128x128xi32, #tpu.memory_space<hbm>> -> memref<1x4x128xi32, #tpu.memory_space<hbm>>
    %dma_wait3A_891 = tpu.memref_squeeze %dma_wait3A_890 : memref<1x4x128xi32, #tpu.memory_space<hbm>> -> memref<4x128xi32, #tpu.memory_space<hbm>>
    %dma_wait3A_892 = arith.constant 64 : i32
    %dma_wait3A_893 = arith.constant 0 : i32
    %dma_wait3A_894 = tpu.memref_slice %arg6[%dma_wait3A_892, %dma_wait3A_893] : memref<104x128xi32, #tpu.memory_space<vmem>> -> memref<4x128xi32, #tpu.memory_space<vmem>>
    %dma_wait3A_895 = arith.constant 0 : i32
    %dma_wait3A_896 = tpu.memref_slice %arg2[%dma_wait3A_885, %mul3A_2, %dma_wait3A_895] : memref<26x128x128xi32, #tpu.memory_space<hbm>> -> memref<1x4x128xi32, #tpu.memory_space<hbm>>
    %dma_wait3A_897 = tpu.memref_squeeze %dma_wait3A_896 : memref<1x4x128xi32, #tpu.memory_space<hbm>> -> memref<4x128xi32, #tpu.memory_space<hbm>>
    tpu.wait_dma2 semaphore(%arg14 : memref<!tpu.dma_semaphore, #tpu.memory_space<semaphore_mem>>) src(%dma_wait3A_897 : memref<4x128xi32, #tpu.memory_space<hbm>>) dst(%dma_wait3A_894 : memref<4x128xi32, #tpu.memory_space<vmem>>)
    %dma_wait3A_898 = arith.constant 17 : i32
    %dma_wait3A_899 = arith.constant 68 : i32
    %dma_wait3A_900 = arith.constant 0 : i32
    %dma_wait3A_901 = tpu.memref_slice %arg6[%dma_wait3A_899, %dma_wait3A_900] : memref<104x128xi32, #tpu.memory_space<vmem>> -> memref<4x128xi32, #tpu.memory_space<vmem>>
    %dma_wait3A_902 = arith.constant 0 : i32
    %dma_wait3A_903 = tpu.memref_slice %arg2[%dma_wait3A_898, %mul3A_2, %dma_wait3A_902] : memref<26x128x128xi32, #tpu.memory_space<hbm>> -> memref<1x4x128xi32, #tpu.memory_space<hbm>>
    %dma_wait3A_904 = tpu.memref_squeeze %dma_wait3A_903 : memref<1x4x128xi32, #tpu.memory_space<hbm>> -> memref<4x128xi32, #tpu.memory_space<hbm>>
    %dma_wait3A_905 = arith.constant 68 : i32
    %dma_wait3A_906 = arith.constant 0 : i32
    %dma_wait3A_907 = tpu.memref_slice %arg6[%dma_wait3A_905, %dma_wait3A_906] : memref<104x128xi32, #tpu.memory_space<vmem>> -> memref<4x128xi32, #tpu.memory_space<vmem>>
    %dma_wait3A_908 = arith.constant 0 : i32
    %dma_wait3A_909 = tpu.memref_slice %arg2[%dma_wait3A_898, %mul3A_2, %dma_wait3A_908] : memref<26x128x128xi32, #tpu.memory_space<hbm>> -> memref<1x4x128xi32, #tpu.memory_space<hbm>>
    %dma_wait3A_910 = tpu.memref_squeeze %dma_wait3A_909 : memref<1x4x128xi32, #tpu.memory_space<hbm>> -> memref<4x128xi32, #tpu.memory_space<hbm>>
    tpu.wait_dma2 semaphore(%arg14 : memref<!tpu.dma_semaphore, #tpu.memory_space<semaphore_mem>>) src(%dma_wait3A_910 : memref<4x128xi32, #tpu.memory_space<hbm>>) dst(%dma_wait3A_907 : memref<4x128xi32, #tpu.memory_space<vmem>>)
    %dma_wait3A_911 = arith.constant 18 : i32
    %dma_wait3A_912 = arith.constant 72 : i32
    %dma_wait3A_913 = arith.constant 0 : i32
    %dma_wait3A_914 = tpu.memref_slice %arg6[%dma_wait3A_912, %dma_wait3A_913] : memref<104x128xi32, #tpu.memory_space<vmem>> -> memref<4x128xi32, #tpu.memory_space<vmem>>
    %dma_wait3A_915 = arith.constant 0 : i32
    %dma_wait3A_916 = tpu.memref_slice %arg2[%dma_wait3A_911, %mul3A_2, %dma_wait3A_915] : memref<26x128x128xi32, #tpu.memory_space<hbm>> -> memref<1x4x128xi32, #tpu.memory_space<hbm>>
    %dma_wait3A_917 = tpu.memref_squeeze %dma_wait3A_916 : memref<1x4x128xi32, #tpu.memory_space<hbm>> -> memref<4x128xi32, #tpu.memory_space<hbm>>
    %dma_wait3A_918 = arith.constant 72 : i32
    %dma_wait3A_919 = arith.constant 0 : i32
    %dma_wait3A_920 = tpu.memref_slice %arg6[%dma_wait3A_918, %dma_wait3A_919] : memref<104x128xi32, #tpu.memory_space<vmem>> -> memref<4x128xi32, #tpu.memory_space<vmem>>
    %dma_wait3A_921 = arith.constant 0 : i32
    %dma_wait3A_922 = tpu.memref_slice %arg2[%dma_wait3A_911, %mul3A_2, %dma_wait3A_921] : memref<26x128x128xi32, #tpu.memory_space<hbm>> -> memref<1x4x128xi32, #tpu.memory_space<hbm>>
    %dma_wait3A_923 = tpu.memref_squeeze %dma_wait3A_922 : memref<1x4x128xi32, #tpu.memory_space<hbm>> -> memref<4x128xi32, #tpu.memory_space<hbm>>
    tpu.wait_dma2 semaphore(%arg14 : memref<!tpu.dma_semaphore, #tpu.memory_space<semaphore_mem>>) src(%dma_wait3A_923 : memref<4x128xi32, #tpu.memory_space<hbm>>) dst(%dma_wait3A_920 : memref<4x128xi32, #tpu.memory_space<vmem>>)
    %dma_wait3A_924 = arith.constant 19 : i32
    %dma_wait3A_925 = arith.constant 76 : i32
    %dma_wait3A_926 = arith.constant 0 : i32
    %dma_wait3A_927 = tpu.memref_slice %arg6[%dma_wait3A_925, %dma_wait3A_926] : memref<104x128xi32, #tpu.memory_space<vmem>> -> memref<4x128xi32, #tpu.memory_space<vmem>>
    %dma_wait3A_928 = arith.constant 0 : i32
    %dma_wait3A_929 = tpu.memref_slice %arg2[%dma_wait3A_924, %mul3A_2, %dma_wait3A_928] : memref<26x128x128xi32, #tpu.memory_space<hbm>> -> memref<1x4x128xi32, #tpu.memory_space<hbm>>
    %dma_wait3A_930 = tpu.memref_squeeze %dma_wait3A_929 : memref<1x4x128xi32, #tpu.memory_space<hbm>> -> memref<4x128xi32, #tpu.memory_space<hbm>>
    %dma_wait3A_931 = arith.constant 76 : i32
    %dma_wait3A_932 = arith.constant 0 : i32
    %dma_wait3A_933 = tpu.memref_slice %arg6[%dma_wait3A_931, %dma_wait3A_932] : memref<104x128xi32, #tpu.memory_space<vmem>> -> memref<4x128xi32, #tpu.memory_space<vmem>>
    %dma_wait3A_934 = arith.constant 0 : i32
    %dma_wait3A_935 = tpu.memref_slice %arg2[%dma_wait3A_924, %mul3A_2, %dma_wait3A_934] : memref<26x128x128xi32, #tpu.memory_space<hbm>> -> memref<1x4x128xi32, #tpu.memory_space<hbm>>
    %dma_wait3A_936 = tpu.memref_squeeze %dma_wait3A_935 : memref<1x4x128xi32, #tpu.memory_space<hbm>> -> memref<4x128xi32, #tpu.memory_space<hbm>>
    tpu.wait_dma2 semaphore(%arg14 : memref<!tpu.dma_semaphore, #tpu.memory_space<semaphore_mem>>) src(%dma_wait3A_936 : memref<4x128xi32, #tpu.memory_space<hbm>>) dst(%dma_wait3A_933 : memref<4x128xi32, #tpu.memory_space<vmem>>)
    %dma_wait3A_937 = arith.constant 20 : i32
    %dma_wait3A_938 = arith.constant 80 : i32
    %dma_wait3A_939 = arith.constant 0 : i32
    %dma_wait3A_940 = tpu.memref_slice %arg6[%dma_wait3A_938, %dma_wait3A_939] : memref<104x128xi32, #tpu.memory_space<vmem>> -> memref<4x128xi32, #tpu.memory_space<vmem>>
    %dma_wait3A_941 = arith.constant 0 : i32
    %dma_wait3A_942 = tpu.memref_slice %arg2[%dma_wait3A_937, %mul3A_2, %dma_wait3A_941] : memref<26x128x128xi32, #tpu.memory_space<hbm>> -> memref<1x4x128xi32, #tpu.memory_space<hbm>>
    %dma_wait3A_943 = tpu.memref_squeeze %dma_wait3A_942 : memref<1x4x128xi32, #tpu.memory_space<hbm>> -> memref<4x128xi32, #tpu.memory_space<hbm>>
    %dma_wait3A_944 = arith.constant 80 : i32
    %dma_wait3A_945 = arith.constant 0 : i32
    %dma_wait3A_946 = tpu.memref_slice %arg6[%dma_wait3A_944, %dma_wait3A_945] : memref<104x128xi32, #tpu.memory_space<vmem>> -> memref<4x128xi32, #tpu.memory_space<vmem>>
    %dma_wait3A_947 = arith.constant 0 : i32
    %dma_wait3A_948 = tpu.memref_slice %arg2[%dma_wait3A_937, %mul3A_2, %dma_wait3A_947] : memref<26x128x128xi32, #tpu.memory_space<hbm>> -> memref<1x4x128xi32, #tpu.memory_space<hbm>>
    %dma_wait3A_949 = tpu.memref_squeeze %dma_wait3A_948 : memref<1x4x128xi32, #tpu.memory_space<hbm>> -> memref<4x128xi32, #tpu.memory_space<hbm>>
    tpu.wait_dma2 semaphore(%arg14 : memref<!tpu.dma_semaphore, #tpu.memory_space<semaphore_mem>>) src(%dma_wait3A_949 : memref<4x128xi32, #tpu.memory_space<hbm>>) dst(%dma_wait3A_946 : memref<4x128xi32, #tpu.memory_space<vmem>>)
    %dma_wait3A_950 = arith.constant 21 : i32
    %dma_wait3A_951 = arith.constant 84 : i32
    %dma_wait3A_952 = arith.constant 0 : i32
    %dma_wait3A_953 = tpu.memref_slice %arg6[%dma_wait3A_951, %dma_wait3A_952] : memref<104x128xi32, #tpu.memory_space<vmem>> -> memref<4x128xi32, #tpu.memory_space<vmem>>
    %dma_wait3A_954 = arith.constant 0 : i32
    %dma_wait3A_955 = tpu.memref_slice %arg2[%dma_wait3A_950, %mul3A_2, %dma_wait3A_954] : memref<26x128x128xi32, #tpu.memory_space<hbm>> -> memref<1x4x128xi32, #tpu.memory_space<hbm>>
    %dma_wait3A_956 = tpu.memref_squeeze %dma_wait3A_955 : memref<1x4x128xi32, #tpu.memory_space<hbm>> -> memref<4x128xi32, #tpu.memory_space<hbm>>
    %dma_wait3A_957 = arith.constant 84 : i32
    %dma_wait3A_958 = arith.constant 0 : i32
    %dma_wait3A_959 = tpu.memref_slice %arg6[%dma_wait3A_957, %dma_wait3A_958] : memref<104x128xi32, #tpu.memory_space<vmem>> -> memref<4x128xi32, #tpu.memory_space<vmem>>
    %dma_wait3A_960 = arith.constant 0 : i32
    %dma_wait3A_961 = tpu.memref_slice %arg2[%dma_wait3A_950, %mul3A_2, %dma_wait3A_960] : memref<26x128x128xi32, #tpu.memory_space<hbm>> -> memref<1x4x128xi32, #tpu.memory_space<hbm>>
    %dma_wait3A_962 = tpu.memref_squeeze %dma_wait3A_961 : memref<1x4x128xi32, #tpu.memory_space<hbm>> -> memref<4x128xi32, #tpu.memory_space<hbm>>
    tpu.wait_dma2 semaphore(%arg14 : memref<!tpu.dma_semaphore, #tpu.memory_space<semaphore_mem>>) src(%dma_wait3A_962 : memref<4x128xi32, #tpu.memory_space<hbm>>) dst(%dma_wait3A_959 : memref<4x128xi32, #tpu.memory_space<vmem>>)
    %dma_wait3A_963 = arith.constant 22 : i32
    %dma_wait3A_964 = arith.constant 88 : i32
    %dma_wait3A_965 = arith.constant 0 : i32
    %dma_wait3A_966 = tpu.memref_slice %arg6[%dma_wait3A_964, %dma_wait3A_965] : memref<104x128xi32, #tpu.memory_space<vmem>> -> memref<4x128xi32, #tpu.memory_space<vmem>>
    %dma_wait3A_967 = arith.constant 0 : i32
    %dma_wait3A_968 = tpu.memref_slice %arg2[%dma_wait3A_963, %mul3A_2, %dma_wait3A_967] : memref<26x128x128xi32, #tpu.memory_space<hbm>> -> memref<1x4x128xi32, #tpu.memory_space<hbm>>
    %dma_wait3A_969 = tpu.memref_squeeze %dma_wait3A_968 : memref<1x4x128xi32, #tpu.memory_space<hbm>> -> memref<4x128xi32, #tpu.memory_space<hbm>>
    %dma_wait3A_970 = arith.constant 88 : i32
    %dma_wait3A_971 = arith.constant 0 : i32
    %dma_wait3A_972 = tpu.memref_slice %arg6[%dma_wait3A_970, %dma_wait3A_971] : memref<104x128xi32, #tpu.memory_space<vmem>> -> memref<4x128xi32, #tpu.memory_space<vmem>>
    %dma_wait3A_973 = arith.constant 0 : i32
    %dma_wait3A_974 = tpu.memref_slice %arg2[%dma_wait3A_963, %mul3A_2, %dma_wait3A_973] : memref<26x128x128xi32, #tpu.memory_space<hbm>> -> memref<1x4x128xi32, #tpu.memory_space<hbm>>
    %dma_wait3A_975 = tpu.memref_squeeze %dma_wait3A_974 : memref<1x4x128xi32, #tpu.memory_space<hbm>> -> memref<4x128xi32, #tpu.memory_space<hbm>>
    tpu.wait_dma2 semaphore(%arg14 : memref<!tpu.dma_semaphore, #tpu.memory_space<semaphore_mem>>) src(%dma_wait3A_975 : memref<4x128xi32, #tpu.memory_space<hbm>>) dst(%dma_wait3A_972 : memref<4x128xi32, #tpu.memory_space<vmem>>)
    %dma_wait3A_976 = arith.constant 23 : i32
    %dma_wait3A_977 = arith.constant 92 : i32
    %dma_wait3A_978 = arith.constant 0 : i32
    %dma_wait3A_979 = tpu.memref_slice %arg6[%dma_wait3A_977, %dma_wait3A_978] : memref<104x128xi32, #tpu.memory_space<vmem>> -> memref<4x128xi32, #tpu.memory_space<vmem>>
    %dma_wait3A_980 = arith.constant 0 : i32
    %dma_wait3A_981 = tpu.memref_slice %arg2[%dma_wait3A_976, %mul3A_2, %dma_wait3A_980] : memref<26x128x128xi32, #tpu.memory_space<hbm>> -> memref<1x4x128xi32, #tpu.memory_space<hbm>>
    %dma_wait3A_982 = tpu.memref_squeeze %dma_wait3A_981 : memref<1x4x128xi32, #tpu.memory_space<hbm>> -> memref<4x128xi32, #tpu.memory_space<hbm>>
    %dma_wait3A_983 = arith.constant 92 : i32
    %dma_wait3A_984 = arith.constant 0 : i32
    %dma_wait3A_985 = tpu.memref_slice %arg6[%dma_wait3A_983, %dma_wait3A_984] : memref<104x128xi32, #tpu.memory_space<vmem>> -> memref<4x128xi32, #tpu.memory_space<vmem>>
    %dma_wait3A_986 = arith.constant 0 : i32
    %dma_wait3A_987 = tpu.memref_slice %arg2[%dma_wait3A_976, %mul3A_2, %dma_wait3A_986] : memref<26x128x128xi32, #tpu.memory_space<hbm>> -> memref<1x4x128xi32, #tpu.memory_space<hbm>>
    %dma_wait3A_988 = tpu.memref_squeeze %dma_wait3A_987 : memref<1x4x128xi32, #tpu.memory_space<hbm>> -> memref<4x128xi32, #tpu.memory_space<hbm>>
    tpu.wait_dma2 semaphore(%arg14 : memref<!tpu.dma_semaphore, #tpu.memory_space<semaphore_mem>>) src(%dma_wait3A_988 : memref<4x128xi32, #tpu.memory_space<hbm>>) dst(%dma_wait3A_985 : memref<4x128xi32, #tpu.memory_space<vmem>>)
    %dma_wait3A_989 = arith.constant 24 : i32
    %dma_wait3A_990 = arith.constant 96 : i32
    %dma_wait3A_991 = arith.constant 0 : i32
    %dma_wait3A_992 = tpu.memref_slice %arg6[%dma_wait3A_990, %dma_wait3A_991] : memref<104x128xi32, #tpu.memory_space<vmem>> -> memref<4x128xi32, #tpu.memory_space<vmem>>
    %dma_wait3A_993 = arith.constant 0 : i32
    %dma_wait3A_994 = tpu.memref_slice %arg2[%dma_wait3A_989, %mul3A_2, %dma_wait3A_993] : memref<26x128x128xi32, #tpu.memory_space<hbm>> -> memref<1x4x128xi32, #tpu.memory_space<hbm>>
    %dma_wait3A_995 = tpu.memref_squeeze %dma_wait3A_994 : memref<1x4x128xi32, #tpu.memory_space<hbm>> -> memref<4x128xi32, #tpu.memory_space<hbm>>
    %dma_wait3A_996 = arith.constant 96 : i32
    %dma_wait3A_997 = arith.constant 0 : i32
    %dma_wait3A_998 = tpu.memref_slice %arg6[%dma_wait3A_996, %dma_wait3A_997] : memref<104x128xi32, #tpu.memory_space<vmem>> -> memref<4x128xi32, #tpu.memory_space<vmem>>
    %dma_wait3A_999 = arith.constant 0 : i32
    %dma_wait3A_1000 = tpu.memref_slice %arg2[%dma_wait3A_989, %mul3A_2, %dma_wait3A_999] : memref<26x128x128xi32, #tpu.memory_space<hbm>> -> memref<1x4x128xi32, #tpu.memory_space<hbm>>
    %dma_wait3A_1001 = tpu.memref_squeeze %dma_wait3A_1000 : memref<1x4x128xi32, #tpu.memory_space<hbm>> -> memref<4x128xi32, #tpu.memory_space<hbm>>
    tpu.wait_dma2 semaphore(%arg14 : memref<!tpu.dma_semaphore, #tpu.memory_space<semaphore_mem>>) src(%dma_wait3A_1001 : memref<4x128xi32, #tpu.memory_space<hbm>>) dst(%dma_wait3A_998 : memref<4x128xi32, #tpu.memory_space<vmem>>)
    %dma_wait3A_1002 = arith.constant 25 : i32
    %dma_wait3A_1003 = arith.constant 100 : i32
    %dma_wait3A_1004 = arith.constant 0 : i32
    %dma_wait3A_1005 = tpu.memref_slice %arg6[%dma_wait3A_1003, %dma_wait3A_1004] : memref<104x128xi32, #tpu.memory_space<vmem>> -> memref<4x128xi32, #tpu.memory_space<vmem>>
    %dma_wait3A_1006 = arith.constant 0 : i32
    %dma_wait3A_1007 = tpu.memref_slice %arg2[%dma_wait3A_1002, %mul3A_2, %dma_wait3A_1006] : memref<26x128x128xi32, #tpu.memory_space<hbm>> -> memref<1x4x128xi32, #tpu.memory_space<hbm>>
    %dma_wait3A_1008 = tpu.memref_squeeze %dma_wait3A_1007 : memref<1x4x128xi32, #tpu.memory_space<hbm>> -> memref<4x128xi32, #tpu.memory_space<hbm>>
    %dma_wait3A_1009 = arith.constant 100 : i32
    %dma_wait3A_1010 = arith.constant 0 : i32
    %dma_wait3A_1011 = tpu.memref_slice %arg6[%dma_wait3A_1009, %dma_wait3A_1010] : memref<104x128xi32, #tpu.memory_space<vmem>> -> memref<4x128xi32, #tpu.memory_space<vmem>>
    %dma_wait3A_1012 = arith.constant 0 : i32
    %dma_wait3A_1013 = tpu.memref_slice %arg2[%dma_wait3A_1002, %mul3A_2, %dma_wait3A_1012] : memref<26x128x128xi32, #tpu.memory_space<hbm>> -> memref<1x4x128xi32, #tpu.memory_space<hbm>>
    %dma_wait3A_1014 = tpu.memref_squeeze %dma_wait3A_1013 : memref<1x4x128xi32, #tpu.memory_space<hbm>> -> memref<4x128xi32, #tpu.memory_space<hbm>>
    tpu.wait_dma2 semaphore(%arg14 : memref<!tpu.dma_semaphore, #tpu.memory_space<semaphore_mem>>) src(%dma_wait3A_1014 : memref<4x128xi32, #tpu.memory_space<hbm>>) dst(%dma_wait3A_1011 : memref<4x128xi32, #tpu.memory_space<vmem>>)
    %dma_wait3A_1015 = arith.constant 0 : i32
    %dma_wait3A_1016 = arith.constant 0 : i32
    %dma_wait3A_1017 = arith.constant 0 : i32
    %dma_wait3A_1018 = tpu.memref_slice %arg7[%dma_wait3A_1016, %dma_wait3A_1017] : memref<104x128xi32, #tpu.memory_space<vmem>> -> memref<4x128xi32, #tpu.memory_space<vmem>>
    %dma_wait3A_1019 = arith.constant 0 : i32
    %dma_wait3A_1020 = tpu.memref_slice %arg3[%dma_wait3A_1015, %mul3A_2, %dma_wait3A_1019] : memref<26x128x128xi32, #tpu.memory_space<hbm>> -> memref<1x4x128xi32, #tpu.memory_space<hbm>>
    %dma_wait3A_1021 = tpu.memref_squeeze %dma_wait3A_1020 : memref<1x4x128xi32, #tpu.memory_space<hbm>> -> memref<4x128xi32, #tpu.memory_space<hbm>>
    %dma_wait3A_1022 = arith.constant 0 : i32
    %dma_wait3A_1023 = arith.constant 0 : i32
    %dma_wait3A_1024 = tpu.memref_slice %arg7[%dma_wait3A_1022, %dma_wait3A_1023] : memref<104x128xi32, #tpu.memory_space<vmem>> -> memref<4x128xi32, #tpu.memory_space<vmem>>
    %dma_wait3A_1025 = arith.constant 0 : i32
    %dma_wait3A_1026 = tpu.memref_slice %arg3[%dma_wait3A_1015, %mul3A_2, %dma_wait3A_1025] : memref<26x128x128xi32, #tpu.memory_space<hbm>> -> memref<1x4x128xi32, #tpu.memory_space<hbm>>
    %dma_wait3A_1027 = tpu.memref_squeeze %dma_wait3A_1026 : memref<1x4x128xi32, #tpu.memory_space<hbm>> -> memref<4x128xi32, #tpu.memory_space<hbm>>
    tpu.wait_dma2 semaphore(%arg14 : memref<!tpu.dma_semaphore, #tpu.memory_space<semaphore_mem>>) src(%dma_wait3A_1027 : memref<4x128xi32, #tpu.memory_space<hbm>>) dst(%dma_wait3A_1024 : memref<4x128xi32, #tpu.memory_space<vmem>>)
    %dma_wait3A_1028 = arith.constant 1 : i32
    %dma_wait3A_1029 = arith.constant 4 : i32
    %dma_wait3A_1030 = arith.constant 0 : i32
    %dma_wait3A_1031 = tpu.memref_slice %arg7[%dma_wait3A_1029, %dma_wait3A_1030] : memref<104x128xi32, #tpu.memory_space<vmem>> -> memref<4x128xi32, #tpu.memory_space<vmem>>
    %dma_wait3A_1032 = arith.constant 0 : i32
    %dma_wait3A_1033 = tpu.memref_slice %arg3[%dma_wait3A_1028, %mul3A_2, %dma_wait3A_1032] : memref<26x128x128xi32, #tpu.memory_space<hbm>> -> memref<1x4x128xi32, #tpu.memory_space<hbm>>
    %dma_wait3A_1034 = tpu.memref_squeeze %dma_wait3A_1033 : memref<1x4x128xi32, #tpu.memory_space<hbm>> -> memref<4x128xi32, #tpu.memory_space<hbm>>
    %dma_wait3A_1035 = arith.constant 4 : i32
    %dma_wait3A_1036 = arith.constant 0 : i32
    %dma_wait3A_1037 = tpu.memref_slice %arg7[%dma_wait3A_1035, %dma_wait3A_1036] : memref<104x128xi32, #tpu.memory_space<vmem>> -> memref<4x128xi32, #tpu.memory_space<vmem>>
    %dma_wait3A_1038 = arith.constant 0 : i32
    %dma_wait3A_1039 = tpu.memref_slice %arg3[%dma_wait3A_1028, %mul3A_2, %dma_wait3A_1038] : memref<26x128x128xi32, #tpu.memory_space<hbm>> -> memref<1x4x128xi32, #tpu.memory_space<hbm>>
    %dma_wait3A_1040 = tpu.memref_squeeze %dma_wait3A_1039 : memref<1x4x128xi32, #tpu.memory_space<hbm>> -> memref<4x128xi32, #tpu.memory_space<hbm>>
    tpu.wait_dma2 semaphore(%arg14 : memref<!tpu.dma_semaphore, #tpu.memory_space<semaphore_mem>>) src(%dma_wait3A_1040 : memref<4x128xi32, #tpu.memory_space<hbm>>) dst(%dma_wait3A_1037 : memref<4x128xi32, #tpu.memory_space<vmem>>)
    %dma_wait3A_1041 = arith.constant 2 : i32
    %dma_wait3A_1042 = arith.constant 8 : i32
    %dma_wait3A_1043 = arith.constant 0 : i32
    %dma_wait3A_1044 = tpu.memref_slice %arg7[%dma_wait3A_1042, %dma_wait3A_1043] : memref<104x128xi32, #tpu.memory_space<vmem>> -> memref<4x128xi32, #tpu.memory_space<vmem>>
    %dma_wait3A_1045 = arith.constant 0 : i32
    %dma_wait3A_1046 = tpu.memref_slice %arg3[%dma_wait3A_1041, %mul3A_2, %dma_wait3A_1045] : memref<26x128x128xi32, #tpu.memory_space<hbm>> -> memref<1x4x128xi32, #tpu.memory_space<hbm>>
    %dma_wait3A_1047 = tpu.memref_squeeze %dma_wait3A_1046 : memref<1x4x128xi32, #tpu.memory_space<hbm>> -> memref<4x128xi32, #tpu.memory_space<hbm>>
    %dma_wait3A_1048 = arith.constant 8 : i32
    %dma_wait3A_1049 = arith.constant 0 : i32
    %dma_wait3A_1050 = tpu.memref_slice %arg7[%dma_wait3A_1048, %dma_wait3A_1049] : memref<104x128xi32, #tpu.memory_space<vmem>> -> memref<4x128xi32, #tpu.memory_space<vmem>>
    %dma_wait3A_1051 = arith.constant 0 : i32
    %dma_wait3A_1052 = tpu.memref_slice %arg3[%dma_wait3A_1041, %mul3A_2, %dma_wait3A_1051] : memref<26x128x128xi32, #tpu.memory_space<hbm>> -> memref<1x4x128xi32, #tpu.memory_space<hbm>>
    %dma_wait3A_1053 = tpu.memref_squeeze %dma_wait3A_1052 : memref<1x4x128xi32, #tpu.memory_space<hbm>> -> memref<4x128xi32, #tpu.memory_space<hbm>>
    tpu.wait_dma2 semaphore(%arg14 : memref<!tpu.dma_semaphore, #tpu.memory_space<semaphore_mem>>) src(%dma_wait3A_1053 : memref<4x128xi32, #tpu.memory_space<hbm>>) dst(%dma_wait3A_1050 : memref<4x128xi32, #tpu.memory_space<vmem>>)
    %dma_wait3A_1054 = arith.constant 3 : i32
    %dma_wait3A_1055 = arith.constant 12 : i32
    %dma_wait3A_1056 = arith.constant 0 : i32
    %dma_wait3A_1057 = tpu.memref_slice %arg7[%dma_wait3A_1055, %dma_wait3A_1056] : memref<104x128xi32, #tpu.memory_space<vmem>> -> memref<4x128xi32, #tpu.memory_space<vmem>>
    %dma_wait3A_1058 = arith.constant 0 : i32
    %dma_wait3A_1059 = tpu.memref_slice %arg3[%dma_wait3A_1054, %mul3A_2, %dma_wait3A_1058] : memref<26x128x128xi32, #tpu.memory_space<hbm>> -> memref<1x4x128xi32, #tpu.memory_space<hbm>>
    %dma_wait3A_1060 = tpu.memref_squeeze %dma_wait3A_1059 : memref<1x4x128xi32, #tpu.memory_space<hbm>> -> memref<4x128xi32, #tpu.memory_space<hbm>>
    %dma_wait3A_1061 = arith.constant 12 : i32
    %dma_wait3A_1062 = arith.constant 0 : i32
    %dma_wait3A_1063 = tpu.memref_slice %arg7[%dma_wait3A_1061, %dma_wait3A_1062] : memref<104x128xi32, #tpu.memory_space<vmem>> -> memref<4x128xi32, #tpu.memory_space<vmem>>
    %dma_wait3A_1064 = arith.constant 0 : i32
    %dma_wait3A_1065 = tpu.memref_slice %arg3[%dma_wait3A_1054, %mul3A_2, %dma_wait3A_1064] : memref<26x128x128xi32, #tpu.memory_space<hbm>> -> memref<1x4x128xi32, #tpu.memory_space<hbm>>
    %dma_wait3A_1066 = tpu.memref_squeeze %dma_wait3A_1065 : memref<1x4x128xi32, #tpu.memory_space<hbm>> -> memref<4x128xi32, #tpu.memory_space<hbm>>
    tpu.wait_dma2 semaphore(%arg14 : memref<!tpu.dma_semaphore, #tpu.memory_space<semaphore_mem>>) src(%dma_wait3A_1066 : memref<4x128xi32, #tpu.memory_space<hbm>>) dst(%dma_wait3A_1063 : memref<4x128xi32, #tpu.memory_space<vmem>>)
    %dma_wait3A_1067 = arith.constant 4 : i32
    %dma_wait3A_1068 = arith.constant 16 : i32
    %dma_wait3A_1069 = arith.constant 0 : i32
    %dma_wait3A_1070 = tpu.memref_slice %arg7[%dma_wait3A_1068, %dma_wait3A_1069] : memref<104x128xi32, #tpu.memory_space<vmem>> -> memref<4x128xi32, #tpu.memory_space<vmem>>
    %dma_wait3A_1071 = arith.constant 0 : i32
    %dma_wait3A_1072 = tpu.memref_slice %arg3[%dma_wait3A_1067, %mul3A_2, %dma_wait3A_1071] : memref<26x128x128xi32, #tpu.memory_space<hbm>> -> memref<1x4x128xi32, #tpu.memory_space<hbm>>
    %dma_wait3A_1073 = tpu.memref_squeeze %dma_wait3A_1072 : memref<1x4x128xi32, #tpu.memory_space<hbm>> -> memref<4x128xi32, #tpu.memory_space<hbm>>
    %dma_wait3A_1074 = arith.constant 16 : i32
    %dma_wait3A_1075 = arith.constant 0 : i32
    %dma_wait3A_1076 = tpu.memref_slice %arg7[%dma_wait3A_1074, %dma_wait3A_1075] : memref<104x128xi32, #tpu.memory_space<vmem>> -> memref<4x128xi32, #tpu.memory_space<vmem>>
    %dma_wait3A_1077 = arith.constant 0 : i32
    %dma_wait3A_1078 = tpu.memref_slice %arg3[%dma_wait3A_1067, %mul3A_2, %dma_wait3A_1077] : memref<26x128x128xi32, #tpu.memory_space<hbm>> -> memref<1x4x128xi32, #tpu.memory_space<hbm>>
    %dma_wait3A_1079 = tpu.memref_squeeze %dma_wait3A_1078 : memref<1x4x128xi32, #tpu.memory_space<hbm>> -> memref<4x128xi32, #tpu.memory_space<hbm>>
    tpu.wait_dma2 semaphore(%arg14 : memref<!tpu.dma_semaphore, #tpu.memory_space<semaphore_mem>>) src(%dma_wait3A_1079 : memref<4x128xi32, #tpu.memory_space<hbm>>) dst(%dma_wait3A_1076 : memref<4x128xi32, #tpu.memory_space<vmem>>)
    %dma_wait3A_1080 = arith.constant 5 : i32
    %dma_wait3A_1081 = arith.constant 20 : i32
    %dma_wait3A_1082 = arith.constant 0 : i32
    %dma_wait3A_1083 = tpu.memref_slice %arg7[%dma_wait3A_1081, %dma_wait3A_1082] : memref<104x128xi32, #tpu.memory_space<vmem>> -> memref<4x128xi32, #tpu.memory_space<vmem>>
    %dma_wait3A_1084 = arith.constant 0 : i32
    %dma_wait3A_1085 = tpu.memref_slice %arg3[%dma_wait3A_1080, %mul3A_2, %dma_wait3A_1084] : memref<26x128x128xi32, #tpu.memory_space<hbm>> -> memref<1x4x128xi32, #tpu.memory_space<hbm>>
    %dma_wait3A_1086 = tpu.memref_squeeze %dma_wait3A_1085 : memref<1x4x128xi32, #tpu.memory_space<hbm>> -> memref<4x128xi32, #tpu.memory_space<hbm>>
    %dma_wait3A_1087 = arith.constant 20 : i32
    %dma_wait3A_1088 = arith.constant 0 : i32
    %dma_wait3A_1089 = tpu.memref_slice %arg7[%dma_wait3A_1087, %dma_wait3A_1088] : memref<104x128xi32, #tpu.memory_space<vmem>> -> memref<4x128xi32, #tpu.memory_space<vmem>>
    %dma_wait3A_1090 = arith.constant 0 : i32
    %dma_wait3A_1091 = tpu.memref_slice %arg3[%dma_wait3A_1080, %mul3A_2, %dma_wait3A_1090] : memref<26x128x128xi32, #tpu.memory_space<hbm>> -> memref<1x4x128xi32, #tpu.memory_space<hbm>>
    %dma_wait3A_1092 = tpu.memref_squeeze %dma_wait3A_1091 : memref<1x4x128xi32, #tpu.memory_space<hbm>> -> memref<4x128xi32, #tpu.memory_space<hbm>>
    tpu.wait_dma2 semaphore(%arg14 : memref<!tpu.dma_semaphore, #tpu.memory_space<semaphore_mem>>) src(%dma_wait3A_1092 : memref<4x128xi32, #tpu.memory_space<hbm>>) dst(%dma_wait3A_1089 : memref<4x128xi32, #tpu.memory_space<vmem>>)
    %dma_wait3A_1093 = arith.constant 6 : i32
    %dma_wait3A_1094 = arith.constant 24 : i32
    %dma_wait3A_1095 = arith.constant 0 : i32
    %dma_wait3A_1096 = tpu.memref_slice %arg7[%dma_wait3A_1094, %dma_wait3A_1095] : memref<104x128xi32, #tpu.memory_space<vmem>> -> memref<4x128xi32, #tpu.memory_space<vmem>>
    %dma_wait3A_1097 = arith.constant 0 : i32
    %dma_wait3A_1098 = tpu.memref_slice %arg3[%dma_wait3A_1093, %mul3A_2, %dma_wait3A_1097] : memref<26x128x128xi32, #tpu.memory_space<hbm>> -> memref<1x4x128xi32, #tpu.memory_space<hbm>>
    %dma_wait3A_1099 = tpu.memref_squeeze %dma_wait3A_1098 : memref<1x4x128xi32, #tpu.memory_space<hbm>> -> memref<4x128xi32, #tpu.memory_space<hbm>>
    %dma_wait3A_1100 = arith.constant 24 : i32
    %dma_wait3A_1101 = arith.constant 0 : i32
    %dma_wait3A_1102 = tpu.memref_slice %arg7[%dma_wait3A_1100, %dma_wait3A_1101] : memref<104x128xi32, #tpu.memory_space<vmem>> -> memref<4x128xi32, #tpu.memory_space<vmem>>
    %dma_wait3A_1103 = arith.constant 0 : i32
    %dma_wait3A_1104 = tpu.memref_slice %arg3[%dma_wait3A_1093, %mul3A_2, %dma_wait3A_1103] : memref<26x128x128xi32, #tpu.memory_space<hbm>> -> memref<1x4x128xi32, #tpu.memory_space<hbm>>
    %dma_wait3A_1105 = tpu.memref_squeeze %dma_wait3A_1104 : memref<1x4x128xi32, #tpu.memory_space<hbm>> -> memref<4x128xi32, #tpu.memory_space<hbm>>
    tpu.wait_dma2 semaphore(%arg14 : memref<!tpu.dma_semaphore, #tpu.memory_space<semaphore_mem>>) src(%dma_wait3A_1105 : memref<4x128xi32, #tpu.memory_space<hbm>>) dst(%dma_wait3A_1102 : memref<4x128xi32, #tpu.memory_space<vmem>>)
    %dma_wait3A_1106 = arith.constant 7 : i32
    %dma_wait3A_1107 = arith.constant 28 : i32
    %dma_wait3A_1108 = arith.constant 0 : i32
    %dma_wait3A_1109 = tpu.memref_slice %arg7[%dma_wait3A_1107, %dma_wait3A_1108] : memref<104x128xi32, #tpu.memory_space<vmem>> -> memref<4x128xi32, #tpu.memory_space<vmem>>
    %dma_wait3A_1110 = arith.constant 0 : i32
    %dma_wait3A_1111 = tpu.memref_slice %arg3[%dma_wait3A_1106, %mul3A_2, %dma_wait3A_1110] : memref<26x128x128xi32, #tpu.memory_space<hbm>> -> memref<1x4x128xi32, #tpu.memory_space<hbm>>
    %dma_wait3A_1112 = tpu.memref_squeeze %dma_wait3A_1111 : memref<1x4x128xi32, #tpu.memory_space<hbm>> -> memref<4x128xi32, #tpu.memory_space<hbm>>
    %dma_wait3A_1113 = arith.constant 28 : i32
    %dma_wait3A_1114 = arith.constant 0 : i32
    %dma_wait3A_1115 = tpu.memref_slice %arg7[%dma_wait3A_1113, %dma_wait3A_1114] : memref<104x128xi32, #tpu.memory_space<vmem>> -> memref<4x128xi32, #tpu.memory_space<vmem>>
    %dma_wait3A_1116 = arith.constant 0 : i32
    %dma_wait3A_1117 = tpu.memref_slice %arg3[%dma_wait3A_1106, %mul3A_2, %dma_wait3A_1116] : memref<26x128x128xi32, #tpu.memory_space<hbm>> -> memref<1x4x128xi32, #tpu.memory_space<hbm>>
    %dma_wait3A_1118 = tpu.memref_squeeze %dma_wait3A_1117 : memref<1x4x128xi32, #tpu.memory_space<hbm>> -> memref<4x128xi32, #tpu.memory_space<hbm>>
    tpu.wait_dma2 semaphore(%arg14 : memref<!tpu.dma_semaphore, #tpu.memory_space<semaphore_mem>>) src(%dma_wait3A_1118 : memref<4x128xi32, #tpu.memory_space<hbm>>) dst(%dma_wait3A_1115 : memref<4x128xi32, #tpu.memory_space<vmem>>)
    %dma_wait3A_1119 = arith.constant 8 : i32
    %dma_wait3A_1120 = arith.constant 32 : i32
    %dma_wait3A_1121 = arith.constant 0 : i32
    %dma_wait3A_1122 = tpu.memref_slice %arg7[%dma_wait3A_1120, %dma_wait3A_1121] : memref<104x128xi32, #tpu.memory_space<vmem>> -> memref<4x128xi32, #tpu.memory_space<vmem>>
    %dma_wait3A_1123 = arith.constant 0 : i32
    %dma_wait3A_1124 = tpu.memref_slice %arg3[%dma_wait3A_1119, %mul3A_2, %dma_wait3A_1123] : memref<26x128x128xi32, #tpu.memory_space<hbm>> -> memref<1x4x128xi32, #tpu.memory_space<hbm>>
    %dma_wait3A_1125 = tpu.memref_squeeze %dma_wait3A_1124 : memref<1x4x128xi32, #tpu.memory_space<hbm>> -> memref<4x128xi32, #tpu.memory_space<hbm>>
    %dma_wait3A_1126 = arith.constant 32 : i32
    %dma_wait3A_1127 = arith.constant 0 : i32
    %dma_wait3A_1128 = tpu.memref_slice %arg7[%dma_wait3A_1126, %dma_wait3A_1127] : memref<104x128xi32, #tpu.memory_space<vmem>> -> memref<4x128xi32, #tpu.memory_space<vmem>>
    %dma_wait3A_1129 = arith.constant 0 : i32
    %dma_wait3A_1130 = tpu.memref_slice %arg3[%dma_wait3A_1119, %mul3A_2, %dma_wait3A_1129] : memref<26x128x128xi32, #tpu.memory_space<hbm>> -> memref<1x4x128xi32, #tpu.memory_space<hbm>>
    %dma_wait3A_1131 = tpu.memref_squeeze %dma_wait3A_1130 : memref<1x4x128xi32, #tpu.memory_space<hbm>> -> memref<4x128xi32, #tpu.memory_space<hbm>>
    tpu.wait_dma2 semaphore(%arg14 : memref<!tpu.dma_semaphore, #tpu.memory_space<semaphore_mem>>) src(%dma_wait3A_1131 : memref<4x128xi32, #tpu.memory_space<hbm>>) dst(%dma_wait3A_1128 : memref<4x128xi32, #tpu.memory_space<vmem>>)
    %dma_wait3A_1132 = arith.constant 9 : i32
    %dma_wait3A_1133 = arith.constant 36 : i32
    %dma_wait3A_1134 = arith.constant 0 : i32
    %dma_wait3A_1135 = tpu.memref_slice %arg7[%dma_wait3A_1133, %dma_wait3A_1134] : memref<104x128xi32, #tpu.memory_space<vmem>> -> memref<4x128xi32, #tpu.memory_space<vmem>>
    %dma_wait3A_1136 = arith.constant 0 : i32
    %dma_wait3A_1137 = tpu.memref_slice %arg3[%dma_wait3A_1132, %mul3A_2, %dma_wait3A_1136] : memref<26x128x128xi32, #tpu.memory_space<hbm>> -> memref<1x4x128xi32, #tpu.memory_space<hbm>>
    %dma_wait3A_1138 = tpu.memref_squeeze %dma_wait3A_1137 : memref<1x4x128xi32, #tpu.memory_space<hbm>> -> memref<4x128xi32, #tpu.memory_space<hbm>>
    %dma_wait3A_1139 = arith.constant 36 : i32
    %dma_wait3A_1140 = arith.constant 0 : i32
    %dma_wait3A_1141 = tpu.memref_slice %arg7[%dma_wait3A_1139, %dma_wait3A_1140] : memref<104x128xi32, #tpu.memory_space<vmem>> -> memref<4x128xi32, #tpu.memory_space<vmem>>
    %dma_wait3A_1142 = arith.constant 0 : i32
    %dma_wait3A_1143 = tpu.memref_slice %arg3[%dma_wait3A_1132, %mul3A_2, %dma_wait3A_1142] : memref<26x128x128xi32, #tpu.memory_space<hbm>> -> memref<1x4x128xi32, #tpu.memory_space<hbm>>
    %dma_wait3A_1144 = tpu.memref_squeeze %dma_wait3A_1143 : memref<1x4x128xi32, #tpu.memory_space<hbm>> -> memref<4x128xi32, #tpu.memory_space<hbm>>
    tpu.wait_dma2 semaphore(%arg14 : memref<!tpu.dma_semaphore, #tpu.memory_space<semaphore_mem>>) src(%dma_wait3A_1144 : memref<4x128xi32, #tpu.memory_space<hbm>>) dst(%dma_wait3A_1141 : memref<4x128xi32, #tpu.memory_space<vmem>>)
    %dma_wait3A_1145 = arith.constant 10 : i32
    %dma_wait3A_1146 = arith.constant 40 : i32
    %dma_wait3A_1147 = arith.constant 0 : i32
    %dma_wait3A_1148 = tpu.memref_slice %arg7[%dma_wait3A_1146, %dma_wait3A_1147] : memref<104x128xi32, #tpu.memory_space<vmem>> -> memref<4x128xi32, #tpu.memory_space<vmem>>
    %dma_wait3A_1149 = arith.constant 0 : i32
    %dma_wait3A_1150 = tpu.memref_slice %arg3[%dma_wait3A_1145, %mul3A_2, %dma_wait3A_1149] : memref<26x128x128xi32, #tpu.memory_space<hbm>> -> memref<1x4x128xi32, #tpu.memory_space<hbm>>
    %dma_wait3A_1151 = tpu.memref_squeeze %dma_wait3A_1150 : memref<1x4x128xi32, #tpu.memory_space<hbm>> -> memref<4x128xi32, #tpu.memory_space<hbm>>
    %dma_wait3A_1152 = arith.constant 40 : i32
    %dma_wait3A_1153 = arith.constant 0 : i32
    %dma_wait3A_1154 = tpu.memref_slice %arg7[%dma_wait3A_1152, %dma_wait3A_1153] : memref<104x128xi32, #tpu.memory_space<vmem>> -> memref<4x128xi32, #tpu.memory_space<vmem>>
    %dma_wait3A_1155 = arith.constant 0 : i32
    %dma_wait3A_1156 = tpu.memref_slice %arg3[%dma_wait3A_1145, %mul3A_2, %dma_wait3A_1155] : memref<26x128x128xi32, #tpu.memory_space<hbm>> -> memref<1x4x128xi32, #tpu.memory_space<hbm>>
    %dma_wait3A_1157 = tpu.memref_squeeze %dma_wait3A_1156 : memref<1x4x128xi32, #tpu.memory_space<hbm>> -> memref<4x128xi32, #tpu.memory_space<hbm>>
    tpu.wait_dma2 semaphore(%arg14 : memref<!tpu.dma_semaphore, #tpu.memory_space<semaphore_mem>>) src(%dma_wait3A_1157 : memref<4x128xi32, #tpu.memory_space<hbm>>) dst(%dma_wait3A_1154 : memref<4x128xi32, #tpu.memory_space<vmem>>)
    %dma_wait3A_1158 = arith.constant 11 : i32
    %dma_wait3A_1159 = arith.constant 44 : i32
    %dma_wait3A_1160 = arith.constant 0 : i32
    %dma_wait3A_1161 = tpu.memref_slice %arg7[%dma_wait3A_1159, %dma_wait3A_1160] : memref<104x128xi32, #tpu.memory_space<vmem>> -> memref<4x128xi32, #tpu.memory_space<vmem>>
    %dma_wait3A_1162 = arith.constant 0 : i32
    %dma_wait3A_1163 = tpu.memref_slice %arg3[%dma_wait3A_1158, %mul3A_2, %dma_wait3A_1162] : memref<26x128x128xi32, #tpu.memory_space<hbm>> -> memref<1x4x128xi32, #tpu.memory_space<hbm>>
    %dma_wait3A_1164 = tpu.memref_squeeze %dma_wait3A_1163 : memref<1x4x128xi32, #tpu.memory_space<hbm>> -> memref<4x128xi32, #tpu.memory_space<hbm>>
    %dma_wait3A_1165 = arith.constant 44 : i32
    %dma_wait3A_1166 = arith.constant 0 : i32
    %dma_wait3A_1167 = tpu.memref_slice %arg7[%dma_wait3A_1165, %dma_wait3A_1166] : memref<104x128xi32, #tpu.memory_space<vmem>> -> memref<4x128xi32, #tpu.memory_space<vmem>>
    %dma_wait3A_1168 = arith.constant 0 : i32
    %dma_wait3A_1169 = tpu.memref_slice %arg3[%dma_wait3A_1158, %mul3A_2, %dma_wait3A_1168] : memref<26x128x128xi32, #tpu.memory_space<hbm>> -> memref<1x4x128xi32, #tpu.memory_space<hbm>>
    %dma_wait3A_1170 = tpu.memref_squeeze %dma_wait3A_1169 : memref<1x4x128xi32, #tpu.memory_space<hbm>> -> memref<4x128xi32, #tpu.memory_space<hbm>>
    tpu.wait_dma2 semaphore(%arg14 : memref<!tpu.dma_semaphore, #tpu.memory_space<semaphore_mem>>) src(%dma_wait3A_1170 : memref<4x128xi32, #tpu.memory_space<hbm>>) dst(%dma_wait3A_1167 : memref<4x128xi32, #tpu.memory_space<vmem>>)
    %dma_wait3A_1171 = arith.constant 12 : i32
    %dma_wait3A_1172 = arith.constant 48 : i32
    %dma_wait3A_1173 = arith.constant 0 : i32
    %dma_wait3A_1174 = tpu.memref_slice %arg7[%dma_wait3A_1172, %dma_wait3A_1173] : memref<104x128xi32, #tpu.memory_space<vmem>> -> memref<4x128xi32, #tpu.memory_space<vmem>>
    %dma_wait3A_1175 = arith.constant 0 : i32
    %dma_wait3A_1176 = tpu.memref_slice %arg3[%dma_wait3A_1171, %mul3A_2, %dma_wait3A_1175] : memref<26x128x128xi32, #tpu.memory_space<hbm>> -> memref<1x4x128xi32, #tpu.memory_space<hbm>>
    %dma_wait3A_1177 = tpu.memref_squeeze %dma_wait3A_1176 : memref<1x4x128xi32, #tpu.memory_space<hbm>> -> memref<4x128xi32, #tpu.memory_space<hbm>>
    %dma_wait3A_1178 = arith.constant 48 : i32
    %dma_wait3A_1179 = arith.constant 0 : i32
    %dma_wait3A_1180 = tpu.memref_slice %arg7[%dma_wait3A_1178, %dma_wait3A_1179] : memref<104x128xi32, #tpu.memory_space<vmem>> -> memref<4x128xi32, #tpu.memory_space<vmem>>
    %dma_wait3A_1181 = arith.constant 0 : i32
    %dma_wait3A_1182 = tpu.memref_slice %arg3[%dma_wait3A_1171, %mul3A_2, %dma_wait3A_1181] : memref<26x128x128xi32, #tpu.memory_space<hbm>> -> memref<1x4x128xi32, #tpu.memory_space<hbm>>
    %dma_wait3A_1183 = tpu.memref_squeeze %dma_wait3A_1182 : memref<1x4x128xi32, #tpu.memory_space<hbm>> -> memref<4x128xi32, #tpu.memory_space<hbm>>
    tpu.wait_dma2 semaphore(%arg14 : memref<!tpu.dma_semaphore, #tpu.memory_space<semaphore_mem>>) src(%dma_wait3A_1183 : memref<4x128xi32, #tpu.memory_space<hbm>>) dst(%dma_wait3A_1180 : memref<4x128xi32, #tpu.memory_space<vmem>>)
    %dma_wait3A_1184 = arith.constant 13 : i32
    %dma_wait3A_1185 = arith.constant 52 : i32
    %dma_wait3A_1186 = arith.constant 0 : i32
    %dma_wait3A_1187 = tpu.memref_slice %arg7[%dma_wait3A_1185, %dma_wait3A_1186] : memref<104x128xi32, #tpu.memory_space<vmem>> -> memref<4x128xi32, #tpu.memory_space<vmem>>
    %dma_wait3A_1188 = arith.constant 0 : i32
    %dma_wait3A_1189 = tpu.memref_slice %arg3[%dma_wait3A_1184, %mul3A_2, %dma_wait3A_1188] : memref<26x128x128xi32, #tpu.memory_space<hbm>> -> memref<1x4x128xi32, #tpu.memory_space<hbm>>
    %dma_wait3A_1190 = tpu.memref_squeeze %dma_wait3A_1189 : memref<1x4x128xi32, #tpu.memory_space<hbm>> -> memref<4x128xi32, #tpu.memory_space<hbm>>
    %dma_wait3A_1191 = arith.constant 52 : i32
    %dma_wait3A_1192 = arith.constant 0 : i32
    %dma_wait3A_1193 = tpu.memref_slice %arg7[%dma_wait3A_1191, %dma_wait3A_1192] : memref<104x128xi32, #tpu.memory_space<vmem>> -> memref<4x128xi32, #tpu.memory_space<vmem>>
    %dma_wait3A_1194 = arith.constant 0 : i32
    %dma_wait3A_1195 = tpu.memref_slice %arg3[%dma_wait3A_1184, %mul3A_2, %dma_wait3A_1194] : memref<26x128x128xi32, #tpu.memory_space<hbm>> -> memref<1x4x128xi32, #tpu.memory_space<hbm>>
    %dma_wait3A_1196 = tpu.memref_squeeze %dma_wait3A_1195 : memref<1x4x128xi32, #tpu.memory_space<hbm>> -> memref<4x128xi32, #tpu.memory_space<hbm>>
    tpu.wait_dma2 semaphore(%arg14 : memref<!tpu.dma_semaphore, #tpu.memory_space<semaphore_mem>>) src(%dma_wait3A_1196 : memref<4x128xi32, #tpu.memory_space<hbm>>) dst(%dma_wait3A_1193 : memref<4x128xi32, #tpu.memory_space<vmem>>)
    %dma_wait3A_1197 = arith.constant 14 : i32
    %dma_wait3A_1198 = arith.constant 56 : i32
    %dma_wait3A_1199 = arith.constant 0 : i32
    %dma_wait3A_1200 = tpu.memref_slice %arg7[%dma_wait3A_1198, %dma_wait3A_1199] : memref<104x128xi32, #tpu.memory_space<vmem>> -> memref<4x128xi32, #tpu.memory_space<vmem>>
    %dma_wait3A_1201 = arith.constant 0 : i32
    %dma_wait3A_1202 = tpu.memref_slice %arg3[%dma_wait3A_1197, %mul3A_2, %dma_wait3A_1201] : memref<26x128x128xi32, #tpu.memory_space<hbm>> -> memref<1x4x128xi32, #tpu.memory_space<hbm>>
    %dma_wait3A_1203 = tpu.memref_squeeze %dma_wait3A_1202 : memref<1x4x128xi32, #tpu.memory_space<hbm>> -> memref<4x128xi32, #tpu.memory_space<hbm>>
    %dma_wait3A_1204 = arith.constant 56 : i32
    %dma_wait3A_1205 = arith.constant 0 : i32
    %dma_wait3A_1206 = tpu.memref_slice %arg7[%dma_wait3A_1204, %dma_wait3A_1205] : memref<104x128xi32, #tpu.memory_space<vmem>> -> memref<4x128xi32, #tpu.memory_space<vmem>>
    %dma_wait3A_1207 = arith.constant 0 : i32
    %dma_wait3A_1208 = tpu.memref_slice %arg3[%dma_wait3A_1197, %mul3A_2, %dma_wait3A_1207] : memref<26x128x128xi32, #tpu.memory_space<hbm>> -> memref<1x4x128xi32, #tpu.memory_space<hbm>>
    %dma_wait3A_1209 = tpu.memref_squeeze %dma_wait3A_1208 : memref<1x4x128xi32, #tpu.memory_space<hbm>> -> memref<4x128xi32, #tpu.memory_space<hbm>>
    tpu.wait_dma2 semaphore(%arg14 : memref<!tpu.dma_semaphore, #tpu.memory_space<semaphore_mem>>) src(%dma_wait3A_1209 : memref<4x128xi32, #tpu.memory_space<hbm>>) dst(%dma_wait3A_1206 : memref<4x128xi32, #tpu.memory_space<vmem>>)
    %dma_wait3A_1210 = arith.constant 15 : i32
    %dma_wait3A_1211 = arith.constant 60 : i32
    %dma_wait3A_1212 = arith.constant 0 : i32
    %dma_wait3A_1213 = tpu.memref_slice %arg7[%dma_wait3A_1211, %dma_wait3A_1212] : memref<104x128xi32, #tpu.memory_space<vmem>> -> memref<4x128xi32, #tpu.memory_space<vmem>>
    %dma_wait3A_1214 = arith.constant 0 : i32
    %dma_wait3A_1215 = tpu.memref_slice %arg3[%dma_wait3A_1210, %mul3A_2, %dma_wait3A_1214] : memref<26x128x128xi32, #tpu.memory_space<hbm>> -> memref<1x4x128xi32, #tpu.memory_space<hbm>>
    %dma_wait3A_1216 = tpu.memref_squeeze %dma_wait3A_1215 : memref<1x4x128xi32, #tpu.memory_space<hbm>> -> memref<4x128xi32, #tpu.memory_space<hbm>>
    %dma_wait3A_1217 = arith.constant 60 : i32
    %dma_wait3A_1218 = arith.constant 0 : i32
    %dma_wait3A_1219 = tpu.memref_slice %arg7[%dma_wait3A_1217, %dma_wait3A_1218] : memref<104x128xi32, #tpu.memory_space<vmem>> -> memref<4x128xi32, #tpu.memory_space<vmem>>
    %dma_wait3A_1220 = arith.constant 0 : i32
    %dma_wait3A_1221 = tpu.memref_slice %arg3[%dma_wait3A_1210, %mul3A_2, %dma_wait3A_1220] : memref<26x128x128xi32, #tpu.memory_space<hbm>> -> memref<1x4x128xi32, #tpu.memory_space<hbm>>
    %dma_wait3A_1222 = tpu.memref_squeeze %dma_wait3A_1221 : memref<1x4x128xi32, #tpu.memory_space<hbm>> -> memref<4x128xi32, #tpu.memory_space<hbm>>
    tpu.wait_dma2 semaphore(%arg14 : memref<!tpu.dma_semaphore, #tpu.memory_space<semaphore_mem>>) src(%dma_wait3A_1222 : memref<4x128xi32, #tpu.memory_space<hbm>>) dst(%dma_wait3A_1219 : memref<4x128xi32, #tpu.memory_space<vmem>>)
    %dma_wait3A_1223 = arith.constant 16 : i32
    %dma_wait3A_1224 = arith.constant 64 : i32
    %dma_wait3A_1225 = arith.constant 0 : i32
    %dma_wait3A_1226 = tpu.memref_slice %arg7[%dma_wait3A_1224, %dma_wait3A_1225] : memref<104x128xi32, #tpu.memory_space<vmem>> -> memref<4x128xi32, #tpu.memory_space<vmem>>
    %dma_wait3A_1227 = arith.constant 0 : i32
    %dma_wait3A_1228 = tpu.memref_slice %arg3[%dma_wait3A_1223, %mul3A_2, %dma_wait3A_1227] : memref<26x128x128xi32, #tpu.memory_space<hbm>> -> memref<1x4x128xi32, #tpu.memory_space<hbm>>
    %dma_wait3A_1229 = tpu.memref_squeeze %dma_wait3A_1228 : memref<1x4x128xi32, #tpu.memory_space<hbm>> -> memref<4x128xi32, #tpu.memory_space<hbm>>
    %dma_wait3A_1230 = arith.constant 64 : i32
    %dma_wait3A_1231 = arith.constant 0 : i32
    %dma_wait3A_1232 = tpu.memref_slice %arg7[%dma_wait3A_1230, %dma_wait3A_1231] : memref<104x128xi32, #tpu.memory_space<vmem>> -> memref<4x128xi32, #tpu.memory_space<vmem>>
    %dma_wait3A_1233 = arith.constant 0 : i32
    %dma_wait3A_1234 = tpu.memref_slice %arg3[%dma_wait3A_1223, %mul3A_2, %dma_wait3A_1233] : memref<26x128x128xi32, #tpu.memory_space<hbm>> -> memref<1x4x128xi32, #tpu.memory_space<hbm>>
    %dma_wait3A_1235 = tpu.memref_squeeze %dma_wait3A_1234 : memref<1x4x128xi32, #tpu.memory_space<hbm>> -> memref<4x128xi32, #tpu.memory_space<hbm>>
    tpu.wait_dma2 semaphore(%arg14 : memref<!tpu.dma_semaphore, #tpu.memory_space<semaphore_mem>>) src(%dma_wait3A_1235 : memref<4x128xi32, #tpu.memory_space<hbm>>) dst(%dma_wait3A_1232 : memref<4x128xi32, #tpu.memory_space<vmem>>)
    %dma_wait3A_1236 = arith.constant 17 : i32
    %dma_wait3A_1237 = arith.constant 68 : i32
    %dma_wait3A_1238 = arith.constant 0 : i32
    %dma_wait3A_1239 = tpu.memref_slice %arg7[%dma_wait3A_1237, %dma_wait3A_1238] : memref<104x128xi32, #tpu.memory_space<vmem>> -> memref<4x128xi32, #tpu.memory_space<vmem>>
    %dma_wait3A_1240 = arith.constant 0 : i32
    %dma_wait3A_1241 = tpu.memref_slice %arg3[%dma_wait3A_1236, %mul3A_2, %dma_wait3A_1240] : memref<26x128x128xi32, #tpu.memory_space<hbm>> -> memref<1x4x128xi32, #tpu.memory_space<hbm>>
    %dma_wait3A_1242 = tpu.memref_squeeze %dma_wait3A_1241 : memref<1x4x128xi32, #tpu.memory_space<hbm>> -> memref<4x128xi32, #tpu.memory_space<hbm>>
    %dma_wait3A_1243 = arith.constant 68 : i32
    %dma_wait3A_1244 = arith.constant 0 : i32
    %dma_wait3A_1245 = tpu.memref_slice %arg7[%dma_wait3A_1243, %dma_wait3A_1244] : memref<104x128xi32, #tpu.memory_space<vmem>> -> memref<4x128xi32, #tpu.memory_space<vmem>>
    %dma_wait3A_1246 = arith.constant 0 : i32
    %dma_wait3A_1247 = tpu.memref_slice %arg3[%dma_wait3A_1236, %mul3A_2, %dma_wait3A_1246] : memref<26x128x128xi32, #tpu.memory_space<hbm>> -> memref<1x4x128xi32, #tpu.memory_space<hbm>>
    %dma_wait3A_1248 = tpu.memref_squeeze %dma_wait3A_1247 : memref<1x4x128xi32, #tpu.memory_space<hbm>> -> memref<4x128xi32, #tpu.memory_space<hbm>>
    tpu.wait_dma2 semaphore(%arg14 : memref<!tpu.dma_semaphore, #tpu.memory_space<semaphore_mem>>) src(%dma_wait3A_1248 : memref<4x128xi32, #tpu.memory_space<hbm>>) dst(%dma_wait3A_1245 : memref<4x128xi32, #tpu.memory_space<vmem>>)
    %dma_wait3A_1249 = arith.constant 18 : i32
    %dma_wait3A_1250 = arith.constant 72 : i32
    %dma_wait3A_1251 = arith.constant 0 : i32
    %dma_wait3A_1252 = tpu.memref_slice %arg7[%dma_wait3A_1250, %dma_wait3A_1251] : memref<104x128xi32, #tpu.memory_space<vmem>> -> memref<4x128xi32, #tpu.memory_space<vmem>>
    %dma_wait3A_1253 = arith.constant 0 : i32
    %dma_wait3A_1254 = tpu.memref_slice %arg3[%dma_wait3A_1249, %mul3A_2, %dma_wait3A_1253] : memref<26x128x128xi32, #tpu.memory_space<hbm>> -> memref<1x4x128xi32, #tpu.memory_space<hbm>>
    %dma_wait3A_1255 = tpu.memref_squeeze %dma_wait3A_1254 : memref<1x4x128xi32, #tpu.memory_space<hbm>> -> memref<4x128xi32, #tpu.memory_space<hbm>>
    %dma_wait3A_1256 = arith.constant 72 : i32
    %dma_wait3A_1257 = arith.constant 0 : i32
    %dma_wait3A_1258 = tpu.memref_slice %arg7[%dma_wait3A_1256, %dma_wait3A_1257] : memref<104x128xi32, #tpu.memory_space<vmem>> -> memref<4x128xi32, #tpu.memory_space<vmem>>
    %dma_wait3A_1259 = arith.constant 0 : i32
    %dma_wait3A_1260 = tpu.memref_slice %arg3[%dma_wait3A_1249, %mul3A_2, %dma_wait3A_1259] : memref<26x128x128xi32, #tpu.memory_space<hbm>> -> memref<1x4x128xi32, #tpu.memory_space<hbm>>
    %dma_wait3A_1261 = tpu.memref_squeeze %dma_wait3A_1260 : memref<1x4x128xi32, #tpu.memory_space<hbm>> -> memref<4x128xi32, #tpu.memory_space<hbm>>
    tpu.wait_dma2 semaphore(%arg14 : memref<!tpu.dma_semaphore, #tpu.memory_space<semaphore_mem>>) src(%dma_wait3A_1261 : memref<4x128xi32, #tpu.memory_space<hbm>>) dst(%dma_wait3A_1258 : memref<4x128xi32, #tpu.memory_space<vmem>>)
    %dma_wait3A_1262 = arith.constant 19 : i32
    %dma_wait3A_1263 = arith.constant 76 : i32
    %dma_wait3A_1264 = arith.constant 0 : i32
    %dma_wait3A_1265 = tpu.memref_slice %arg7[%dma_wait3A_1263, %dma_wait3A_1264] : memref<104x128xi32, #tpu.memory_space<vmem>> -> memref<4x128xi32, #tpu.memory_space<vmem>>
    %dma_wait3A_1266 = arith.constant 0 : i32
    %dma_wait3A_1267 = tpu.memref_slice %arg3[%dma_wait3A_1262, %mul3A_2, %dma_wait3A_1266] : memref<26x128x128xi32, #tpu.memory_space<hbm>> -> memref<1x4x128xi32, #tpu.memory_space<hbm>>
    %dma_wait3A_1268 = tpu.memref_squeeze %dma_wait3A_1267 : memref<1x4x128xi32, #tpu.memory_space<hbm>> -> memref<4x128xi32, #tpu.memory_space<hbm>>
    %dma_wait3A_1269 = arith.constant 76 : i32
    %dma_wait3A_1270 = arith.constant 0 : i32
    %dma_wait3A_1271 = tpu.memref_slice %arg7[%dma_wait3A_1269, %dma_wait3A_1270] : memref<104x128xi32, #tpu.memory_space<vmem>> -> memref<4x128xi32, #tpu.memory_space<vmem>>
    %dma_wait3A_1272 = arith.constant 0 : i32
    %dma_wait3A_1273 = tpu.memref_slice %arg3[%dma_wait3A_1262, %mul3A_2, %dma_wait3A_1272] : memref<26x128x128xi32, #tpu.memory_space<hbm>> -> memref<1x4x128xi32, #tpu.memory_space<hbm>>
    %dma_wait3A_1274 = tpu.memref_squeeze %dma_wait3A_1273 : memref<1x4x128xi32, #tpu.memory_space<hbm>> -> memref<4x128xi32, #tpu.memory_space<hbm>>
    tpu.wait_dma2 semaphore(%arg14 : memref<!tpu.dma_semaphore, #tpu.memory_space<semaphore_mem>>) src(%dma_wait3A_1274 : memref<4x128xi32, #tpu.memory_space<hbm>>) dst(%dma_wait3A_1271 : memref<4x128xi32, #tpu.memory_space<vmem>>)
    %dma_wait3A_1275 = arith.constant 20 : i32
    %dma_wait3A_1276 = arith.constant 80 : i32
    %dma_wait3A_1277 = arith.constant 0 : i32
    %dma_wait3A_1278 = tpu.memref_slice %arg7[%dma_wait3A_1276, %dma_wait3A_1277] : memref<104x128xi32, #tpu.memory_space<vmem>> -> memref<4x128xi32, #tpu.memory_space<vmem>>
    %dma_wait3A_1279 = arith.constant 0 : i32
    %dma_wait3A_1280 = tpu.memref_slice %arg3[%dma_wait3A_1275, %mul3A_2, %dma_wait3A_1279] : memref<26x128x128xi32, #tpu.memory_space<hbm>> -> memref<1x4x128xi32, #tpu.memory_space<hbm>>
    %dma_wait3A_1281 = tpu.memref_squeeze %dma_wait3A_1280 : memref<1x4x128xi32, #tpu.memory_space<hbm>> -> memref<4x128xi32, #tpu.memory_space<hbm>>
    %dma_wait3A_1282 = arith.constant 80 : i32
    %dma_wait3A_1283 = arith.constant 0 : i32
    %dma_wait3A_1284 = tpu.memref_slice %arg7[%dma_wait3A_1282, %dma_wait3A_1283] : memref<104x128xi32, #tpu.memory_space<vmem>> -> memref<4x128xi32, #tpu.memory_space<vmem>>
    %dma_wait3A_1285 = arith.constant 0 : i32
    %dma_wait3A_1286 = tpu.memref_slice %arg3[%dma_wait3A_1275, %mul3A_2, %dma_wait3A_1285] : memref<26x128x128xi32, #tpu.memory_space<hbm>> -> memref<1x4x128xi32, #tpu.memory_space<hbm>>
    %dma_wait3A_1287 = tpu.memref_squeeze %dma_wait3A_1286 : memref<1x4x128xi32, #tpu.memory_space<hbm>> -> memref<4x128xi32, #tpu.memory_space<hbm>>
    tpu.wait_dma2 semaphore(%arg14 : memref<!tpu.dma_semaphore, #tpu.memory_space<semaphore_mem>>) src(%dma_wait3A_1287 : memref<4x128xi32, #tpu.memory_space<hbm>>) dst(%dma_wait3A_1284 : memref<4x128xi32, #tpu.memory_space<vmem>>)
    %dma_wait3A_1288 = arith.constant 21 : i32
    %dma_wait3A_1289 = arith.constant 84 : i32
    %dma_wait3A_1290 = arith.constant 0 : i32
    %dma_wait3A_1291 = tpu.memref_slice %arg7[%dma_wait3A_1289, %dma_wait3A_1290] : memref<104x128xi32, #tpu.memory_space<vmem>> -> memref<4x128xi32, #tpu.memory_space<vmem>>
    %dma_wait3A_1292 = arith.constant 0 : i32
    %dma_wait3A_1293 = tpu.memref_slice %arg3[%dma_wait3A_1288, %mul3A_2, %dma_wait3A_1292] : memref<26x128x128xi32, #tpu.memory_space<hbm>> -> memref<1x4x128xi32, #tpu.memory_space<hbm>>
    %dma_wait3A_1294 = tpu.memref_squeeze %dma_wait3A_1293 : memref<1x4x128xi32, #tpu.memory_space<hbm>> -> memref<4x128xi32, #tpu.memory_space<hbm>>
    %dma_wait3A_1295 = arith.constant 84 : i32
    %dma_wait3A_1296 = arith.constant 0 : i32
    %dma_wait3A_1297 = tpu.memref_slice %arg7[%dma_wait3A_1295, %dma_wait3A_1296] : memref<104x128xi32, #tpu.memory_space<vmem>> -> memref<4x128xi32, #tpu.memory_space<vmem>>
    %dma_wait3A_1298 = arith.constant 0 : i32
    %dma_wait3A_1299 = tpu.memref_slice %arg3[%dma_wait3A_1288, %mul3A_2, %dma_wait3A_1298] : memref<26x128x128xi32, #tpu.memory_space<hbm>> -> memref<1x4x128xi32, #tpu.memory_space<hbm>>
    %dma_wait3A_1300 = tpu.memref_squeeze %dma_wait3A_1299 : memref<1x4x128xi32, #tpu.memory_space<hbm>> -> memref<4x128xi32, #tpu.memory_space<hbm>>
    tpu.wait_dma2 semaphore(%arg14 : memref<!tpu.dma_semaphore, #tpu.memory_space<semaphore_mem>>) src(%dma_wait3A_1300 : memref<4x128xi32, #tpu.memory_space<hbm>>) dst(%dma_wait3A_1297 : memref<4x128xi32, #tpu.memory_space<vmem>>)
    %dma_wait3A_1301 = arith.constant 22 : i32
    %dma_wait3A_1302 = arith.constant 88 : i32
    %dma_wait3A_1303 = arith.constant 0 : i32
    %dma_wait3A_1304 = tpu.memref_slice %arg7[%dma_wait3A_1302, %dma_wait3A_1303] : memref<104x128xi32, #tpu.memory_space<vmem>> -> memref<4x128xi32, #tpu.memory_space<vmem>>
    %dma_wait3A_1305 = arith.constant 0 : i32
    %dma_wait3A_1306 = tpu.memref_slice %arg3[%dma_wait3A_1301, %mul3A_2, %dma_wait3A_1305] : memref<26x128x128xi32, #tpu.memory_space<hbm>> -> memref<1x4x128xi32, #tpu.memory_space<hbm>>
    %dma_wait3A_1307 = tpu.memref_squeeze %dma_wait3A_1306 : memref<1x4x128xi32, #tpu.memory_space<hbm>> -> memref<4x128xi32, #tpu.memory_space<hbm>>
    %dma_wait3A_1308 = arith.constant 88 : i32
    %dma_wait3A_1309 = arith.constant 0 : i32
    %dma_wait3A_1310 = tpu.memref_slice %arg7[%dma_wait3A_1308, %dma_wait3A_1309] : memref<104x128xi32, #tpu.memory_space<vmem>> -> memref<4x128xi32, #tpu.memory_space<vmem>>
    %dma_wait3A_1311 = arith.constant 0 : i32
    %dma_wait3A_1312 = tpu.memref_slice %arg3[%dma_wait3A_1301, %mul3A_2, %dma_wait3A_1311] : memref<26x128x128xi32, #tpu.memory_space<hbm>> -> memref<1x4x128xi32, #tpu.memory_space<hbm>>
    %dma_wait3A_1313 = tpu.memref_squeeze %dma_wait3A_1312 : memref<1x4x128xi32, #tpu.memory_space<hbm>> -> memref<4x128xi32, #tpu.memory_space<hbm>>
    tpu.wait_dma2 semaphore(%arg14 : memref<!tpu.dma_semaphore, #tpu.memory_space<semaphore_mem>>) src(%dma_wait3A_1313 : memref<4x128xi32, #tpu.memory_space<hbm>>) dst(%dma_wait3A_1310 : memref<4x128xi32, #tpu.memory_space<vmem>>)
    %dma_wait3A_1314 = arith.constant 23 : i32
    %dma_wait3A_1315 = arith.constant 92 : i32
    %dma_wait3A_1316 = arith.constant 0 : i32
    %dma_wait3A_1317 = tpu.memref_slice %arg7[%dma_wait3A_1315, %dma_wait3A_1316] : memref<104x128xi32, #tpu.memory_space<vmem>> -> memref<4x128xi32, #tpu.memory_space<vmem>>
    %dma_wait3A_1318 = arith.constant 0 : i32
    %dma_wait3A_1319 = tpu.memref_slice %arg3[%dma_wait3A_1314, %mul3A_2, %dma_wait3A_1318] : memref<26x128x128xi32, #tpu.memory_space<hbm>> -> memref<1x4x128xi32, #tpu.memory_space<hbm>>
    %dma_wait3A_1320 = tpu.memref_squeeze %dma_wait3A_1319 : memref<1x4x128xi32, #tpu.memory_space<hbm>> -> memref<4x128xi32, #tpu.memory_space<hbm>>
    %dma_wait3A_1321 = arith.constant 92 : i32
    %dma_wait3A_1322 = arith.constant 0 : i32
    %dma_wait3A_1323 = tpu.memref_slice %arg7[%dma_wait3A_1321, %dma_wait3A_1322] : memref<104x128xi32, #tpu.memory_space<vmem>> -> memref<4x128xi32, #tpu.memory_space<vmem>>
    %dma_wait3A_1324 = arith.constant 0 : i32
    %dma_wait3A_1325 = tpu.memref_slice %arg3[%dma_wait3A_1314, %mul3A_2, %dma_wait3A_1324] : memref<26x128x128xi32, #tpu.memory_space<hbm>> -> memref<1x4x128xi32, #tpu.memory_space<hbm>>
    %dma_wait3A_1326 = tpu.memref_squeeze %dma_wait3A_1325 : memref<1x4x128xi32, #tpu.memory_space<hbm>> -> memref<4x128xi32, #tpu.memory_space<hbm>>
    tpu.wait_dma2 semaphore(%arg14 : memref<!tpu.dma_semaphore, #tpu.memory_space<semaphore_mem>>) src(%dma_wait3A_1326 : memref<4x128xi32, #tpu.memory_space<hbm>>) dst(%dma_wait3A_1323 : memref<4x128xi32, #tpu.memory_space<vmem>>)
    %dma_wait3A_1327 = arith.constant 24 : i32
    %dma_wait3A_1328 = arith.constant 96 : i32
    %dma_wait3A_1329 = arith.constant 0 : i32
    %dma_wait3A_1330 = tpu.memref_slice %arg7[%dma_wait3A_1328, %dma_wait3A_1329] : memref<104x128xi32, #tpu.memory_space<vmem>> -> memref<4x128xi32, #tpu.memory_space<vmem>>
    %dma_wait3A_1331 = arith.constant 0 : i32
    %dma_wait3A_1332 = tpu.memref_slice %arg3[%dma_wait3A_1327, %mul3A_2, %dma_wait3A_1331] : memref<26x128x128xi32, #tpu.memory_space<hbm>> -> memref<1x4x128xi32, #tpu.memory_space<hbm>>
    %dma_wait3A_1333 = tpu.memref_squeeze %dma_wait3A_1332 : memref<1x4x128xi32, #tpu.memory_space<hbm>> -> memref<4x128xi32, #tpu.memory_space<hbm>>
    %dma_wait3A_1334 = arith.constant 96 : i32
    %dma_wait3A_1335 = arith.constant 0 : i32
    %dma_wait3A_1336 = tpu.memref_slice %arg7[%dma_wait3A_1334, %dma_wait3A_1335] : memref<104x128xi32, #tpu.memory_space<vmem>> -> memref<4x128xi32, #tpu.memory_space<vmem>>
    %dma_wait3A_1337 = arith.constant 0 : i32
    %dma_wait3A_1338 = tpu.memref_slice %arg3[%dma_wait3A_1327, %mul3A_2, %dma_wait3A_1337] : memref<26x128x128xi32, #tpu.memory_space<hbm>> -> memref<1x4x128xi32, #tpu.memory_space<hbm>>
    %dma_wait3A_1339 = tpu.memref_squeeze %dma_wait3A_1338 : memref<1x4x128xi32, #tpu.memory_space<hbm>> -> memref<4x128xi32, #tpu.memory_space<hbm>>
    tpu.wait_dma2 semaphore(%arg14 : memref<!tpu.dma_semaphore, #tpu.memory_space<semaphore_mem>>) src(%dma_wait3A_1339 : memref<4x128xi32, #tpu.memory_space<hbm>>) dst(%dma_wait3A_1336 : memref<4x128xi32, #tpu.memory_space<vmem>>)
    %dma_wait3A_1340 = arith.constant 25 : i32
    %dma_wait3A_1341 = arith.constant 100 : i32
    %dma_wait3A_1342 = arith.constant 0 : i32
    %dma_wait3A_1343 = tpu.memref_slice %arg7[%dma_wait3A_1341, %dma_wait3A_1342] : memref<104x128xi32, #tpu.memory_space<vmem>> -> memref<4x128xi32, #tpu.memory_space<vmem>>
    %dma_wait3A_1344 = arith.constant 0 : i32
    %dma_wait3A_1345 = tpu.memref_slice %arg3[%dma_wait3A_1340, %mul3A_2, %dma_wait3A_1344] : memref<26x128x128xi32, #tpu.memory_space<hbm>> -> memref<1x4x128xi32, #tpu.memory_space<hbm>>
    %dma_wait3A_1346 = tpu.memref_squeeze %dma_wait3A_1345 : memref<1x4x128xi32, #tpu.memory_space<hbm>> -> memref<4x128xi32, #tpu.memory_space<hbm>>
    %dma_wait3A_1347 = arith.constant 100 : i32
    %dma_wait3A_1348 = arith.constant 0 : i32
    %dma_wait3A_1349 = tpu.memref_slice %arg7[%dma_wait3A_1347, %dma_wait3A_1348] : memref<104x128xi32, #tpu.memory_space<vmem>> -> memref<4x128xi32, #tpu.memory_space<vmem>>
    %dma_wait3A_1350 = arith.constant 0 : i32
    %dma_wait3A_1351 = tpu.memref_slice %arg3[%dma_wait3A_1340, %mul3A_2, %dma_wait3A_1350] : memref<26x128x128xi32, #tpu.memory_space<hbm>> -> memref<1x4x128xi32, #tpu.memory_space<hbm>>
    %dma_wait3A_1352 = tpu.memref_squeeze %dma_wait3A_1351 : memref<1x4x128xi32, #tpu.memory_space<hbm>> -> memref<4x128xi32, #tpu.memory_space<hbm>>
    tpu.wait_dma2 semaphore(%arg14 : memref<!tpu.dma_semaphore, #tpu.memory_space<semaphore_mem>>) src(%dma_wait3A_1352 : memref<4x128xi32, #tpu.memory_space<hbm>>) dst(%dma_wait3A_1349 : memref<4x128xi32, #tpu.memory_space<vmem>>)
    %iota3A = tpu.iota {dimensions = array<i32: 0>} : vector<16xi32>
    %add3A_1353 = arith.constant 0 : i32
    %add3A_1354 = vector.broadcast %add3A_1353 : i32 to vector<16xi32>
    %add3A_1355 = arith.addi %add3A_1354, %iota3A : vector<16xi32>
    %add3A_1356 = arith.constant 16 : i32
    %add3A_1357 = vector.broadcast %add3A_1356 : i32 to vector<16xi32>
    %add3A_1358 = arith.addi %add3A_1357, %iota3A : vector<16xi32>
    %add3A_1359 = arith.constant 32 : i32
    %add3A_1360 = vector.broadcast %add3A_1359 : i32 to vector<16xi32>
    %add3A_1361 = arith.addi %add3A_1360, %iota3A : vector<16xi32>
    %add3A_1362 = arith.constant 48 : i32
    %add3A_1363 = vector.broadcast %add3A_1362 : i32 to vector<16xi32>
    %add3A_1364 = arith.addi %add3A_1363, %iota3A : vector<16xi32>
    %add3A_1365 = arith.constant 64 : i32
    %add3A_1366 = vector.broadcast %add3A_1365 : i32 to vector<16xi32>
    %add3A_1367 = arith.addi %add3A_1366, %iota3A : vector<16xi32>
    %add3A_1368 = arith.constant 80 : i32
    %add3A_1369 = vector.broadcast %add3A_1368 : i32 to vector<16xi32>
    %add3A_1370 = arith.addi %add3A_1369, %iota3A : vector<16xi32>
    %add3A_1371 = arith.constant 96 : i32
    %add3A_1372 = vector.broadcast %add3A_1371 : i32 to vector<16xi32>
    %add3A_1373 = arith.addi %add3A_1372, %iota3A : vector<16xi32>
    %add3A_1374 = arith.constant 112 : i32
    %add3A_1375 = vector.broadcast %add3A_1374 : i32 to vector<16xi32>
    %add3A_1376 = arith.addi %add3A_1375, %iota3A : vector<16xi32>
    %dma_start3A_1377 = arith.constant 0 : i32
    %dma_start3A_1378 = arith.constant 0 : i32
    %dma_start3A_1379 = tpu.memref_slice %arg7[%dma_start3A_1377, %dma_start3A_1378] : memref<104x128xi32, #tpu.memory_space<vmem>> -> memref<1x128xi32, #tpu.memory_space<vmem>>
    %dma_start3A_1380 = tpu.memref_squeeze %dma_start3A_1379 : memref<1x128xi32, #tpu.memory_space<vmem>> -> memref<128xi32, #tpu.memory_space<vmem>>
    %dma_start3A_1381 = arith.constant 0 : i32
    %dma_start3A_1382 = arith.constant 0 : i32
    %dma_start3A_1383 = tpu.memref_slice %arg4[%dma_start3A_1381, %dma_start3A_1382] : memref<250000x128xf32, #tpu.memory_space<hbm>> -> memref<250000x128xf32, #tpu.memory_space<hbm>>
    tpu.enqueue_indirect_dma source(%dma_start3A_1383 : memref<250000x128xf32, #tpu.memory_space<hbm>>) target(%arg8 : memref<128x128xf32, #tpu.memory_space<vmem>>) offsets(%dma_start3A_1380 : memref<128xi32, #tpu.memory_space<vmem>>) semaphore(%arg15 : memref<!tpu.dma_semaphore, #tpu.memory_space<semaphore_mem>>)
    %dma_start3A_1384 = arith.constant 1 : i32
    %dma_start3A_1385 = arith.constant 0 : i32
    %dma_start3A_1386 = tpu.memref_slice %arg7[%dma_start3A_1384, %dma_start3A_1385] : memref<104x128xi32, #tpu.memory_space<vmem>> -> memref<1x128xi32, #tpu.memory_space<vmem>>
    %dma_start3A_1387 = tpu.memref_squeeze %dma_start3A_1386 : memref<1x128xi32, #tpu.memory_space<vmem>> -> memref<128xi32, #tpu.memory_space<vmem>>
    %dma_start3A_1388 = arith.constant 0 : i32
    %dma_start3A_1389 = arith.constant 0 : i32
    %dma_start3A_1390 = tpu.memref_slice %arg4[%dma_start3A_1388, %dma_start3A_1389] : memref<250000x128xf32, #tpu.memory_space<hbm>> -> memref<250000x128xf32, #tpu.memory_space<hbm>>
    tpu.enqueue_indirect_dma source(%dma_start3A_1390 : memref<250000x128xf32, #tpu.memory_space<hbm>>) target(%arg9 : memref<128x128xf32, #tpu.memory_space<vmem>>) offsets(%dma_start3A_1387 : memref<128xi32, #tpu.memory_space<vmem>>) semaphore(%arg16 : memref<!tpu.dma_semaphore, #tpu.memory_space<semaphore_mem>>)
    %dma_start3A_1391 = arith.constant 2 : i32
    %dma_start3A_1392 = arith.constant 0 : i32
    %dma_start3A_1393 = tpu.memref_slice %arg7[%dma_start3A_1391, %dma_start3A_1392] : memref<104x128xi32, #tpu.memory_space<vmem>> -> memref<1x128xi32, #tpu.memory_space<vmem>>
    %dma_start3A_1394 = tpu.memref_squeeze %dma_start3A_1393 : memref<1x128xi32, #tpu.memory_space<vmem>> -> memref<128xi32, #tpu.memory_space<vmem>>
    %dma_start3A_1395 = arith.constant 0 : i32
    %dma_start3A_1396 = arith.constant 0 : i32
    %dma_start3A_1397 = tpu.memref_slice %arg4[%dma_start3A_1395, %dma_start3A_1396] : memref<250000x128xf32, #tpu.memory_space<hbm>> -> memref<250000x128xf32, #tpu.memory_space<hbm>>
    tpu.enqueue_indirect_dma source(%dma_start3A_1397 : memref<250000x128xf32, #tpu.memory_space<hbm>>) target(%arg10 : memref<128x128xf32, #tpu.memory_space<vmem>>) offsets(%dma_start3A_1394 : memref<128xi32, #tpu.memory_space<vmem>>) semaphore(%arg17 : memref<!tpu.dma_semaphore, #tpu.memory_space<semaphore_mem>>)
    %scan3A = arith.constant 0 : i32
    %scan3A_1398 = arith.constant 25 : i32
    %scan3A_1399 = arith.addi %scan3A, %scan3A_1398 : i32
    %scan3A_1400 = arith.constant 1 : i32
    scf.for %scan3A_1981 = %scan3A to %scan3A_1399 step %scan3A_1400  : i32 {
      %mul3A_1982 = arith.constant 4 : i32
      %mul3A_1983 = arith.muli %scan3A_1981, %mul3A_1982 : i32
      %add3A_1984 = arith.constant 0 : i32
      %add3A_1985 = arith.addi %mul3A_1983, %add3A_1984 : i32
      %add3A_1986 = arith.constant 3 : i32
      %add3A_1987 = arith.addi %add3A_1985, %add3A_1986 : i32
      %dma_start3A_1988 = arith.constant 0 : i32
      %dma_start3A_1989 = tpu.memref_slice %arg7[%add3A_1987, %dma_start3A_1988] : memref<104x128xi32, #tpu.memory_space<vmem>> -> memref<1x128xi32, #tpu.memory_space<vmem>>
      %dma_start3A_1990 = tpu.memref_squeeze %dma_start3A_1989 : memref<1x128xi32, #tpu.memory_space<vmem>> -> memref<128xi32, #tpu.memory_space<vmem>>
      %dma_start3A_1991 = arith.constant 0 : i32
      %dma_start3A_1992 = arith.constant 0 : i32
      %dma_start3A_1993 = tpu.memref_slice %arg4[%dma_start3A_1991, %dma_start3A_1992] : memref<250000x128xf32, #tpu.memory_space<hbm>> -> memref<250000x128xf32, #tpu.memory_space<hbm>>
      tpu.enqueue_indirect_dma source(%dma_start3A_1993 : memref<250000x128xf32, #tpu.memory_space<hbm>>) target(%arg11 : memref<128x128xf32, #tpu.memory_space<vmem>>) offsets(%dma_start3A_1990 : memref<128xi32, #tpu.memory_space<vmem>>) semaphore(%arg18 : memref<!tpu.dma_semaphore, #tpu.memory_space<semaphore_mem>>)
      %gt3A = arith.constant 0 : i32
      %gt3A_1994 = arith.cmpi sgt, %scan3A_1981, %gt3A : i32
      %convert_element_type3A = arith.extui %gt3A_1994 : i1 to i32
      %cond3A = arith.constant 0 : i32
      %cond3A_1995 = arith.cmpi ne, %convert_element_type3A, %cond3A : i32
      scf.if %cond3A_1995 {
        %dma_wait3A_2533 = arith.constant 0 : i32
        %dma_wait3A_2534 = arith.constant 0 : i32
        %dma_wait3A_2535 = arith.constant 0 : i32
        %dma_wait3A_2536 = tpu.memref_slice %arg5[%dma_wait3A_2533, %dma_wait3A_2534, %dma_wait3A_2535] : memref<26x32x16384xf32, #tpu.memory_space<hbm>> -> memref<1x32x128xf32, #tpu.memory_space<hbm>>
        %dma_wait3A_2537 = tpu.memref_squeeze %dma_wait3A_2536 : memref<1x32x128xf32, #tpu.memory_space<hbm>> -> memref<32x128xf32, #tpu.memory_space<hbm>>
        %dma_wait3A_2538 = arith.constant 0 : i32
        %dma_wait3A_2539 = arith.constant 0 : i32
        %dma_wait3A_2540 = tpu.memref_slice %arg5[%dma_wait3A_2533, %dma_wait3A_2538, %dma_wait3A_2539] : memref<26x32x16384xf32, #tpu.memory_space<hbm>> -> memref<1x32x128xf32, #tpu.memory_space<hbm>>
        %dma_wait3A_2541 = tpu.memref_squeeze %dma_wait3A_2540 : memref<1x32x128xf32, #tpu.memory_space<hbm>> -> memref<32x128xf32, #tpu.memory_space<hbm>>
        tpu.wait_dma2 semaphore(%arg19 : memref<!tpu.dma_semaphore, #tpu.memory_space<semaphore_mem>>) src(%arg12 : memref<32x128xf32, #tpu.memory_space<vmem>>) dst(%dma_wait3A_2541 : memref<32x128xf32, #tpu.memory_space<hbm>>)
      } else {
      }
      %dma_wait3A_1996 = arith.constant 0 : i32
      %dma_wait3A_1997 = tpu.memref_slice %arg7[%add3A_1985, %dma_wait3A_1996] : memref<104x128xi32, #tpu.memory_space<vmem>> -> memref<1x128xi32, #tpu.memory_space<vmem>>
      %dma_wait3A_1998 = tpu.memref_squeeze %dma_wait3A_1997 : memref<1x128xi32, #tpu.memory_space<vmem>> -> memref<128xi32, #tpu.memory_space<vmem>>
      %dma_wait3A_1999 = arith.constant 0 : i32
      %dma_wait3A_2000 = arith.constant 0 : i32
      %dma_wait3A_2001 = tpu.memref_slice %arg4[%dma_wait3A_1999, %dma_wait3A_2000] : memref<250000x128xf32, #tpu.memory_space<hbm>> -> memref<250000x128xf32, #tpu.memory_space<hbm>>
      tpu.wait_indirect_dma semaphore(%arg15 : memref<!tpu.dma_semaphore, #tpu.memory_space<semaphore_mem>>) src(%dma_wait3A_2001 : memref<250000x128xf32, #tpu.memory_space<hbm>>) dst(%arg8 : memref<128x128xf32, #tpu.memory_space<vmem>>)
      %get3A_2002 = arith.index_cast %add3A_1985 : i32 to index
      %get3A_2003 = arith.constant 0 : index
      %get3A_2004 = tpu.vector_load %arg6[%get3A_2002, %get3A_2003] {strides = array<i32>} : memref<104x128xi32, #tpu.memory_space<vmem>>, vector<16xi32>,
      %and3A_2005 = arith.constant 3 : i32
      %and3A_2006 = vector.broadcast %and3A_2005 : i32 to vector<16xi32>
      %and3A_2007 = arith.andi %get3A_2004, %and3A_2006 : vector<16xi32>
      %shift_left3A_2008 = arith.constant 5 : i32
      %shift_left3A_2009 = vector.broadcast %shift_left3A_2008 : i32 to vector<16xi32>
      %shift_left3A_2010 = arith.shli %and3A_2007, %shift_left3A_2009 : vector<16xi32>
      %get3A_2011 = arith.index_cast %add3A_1985 : i32 to index
      %get3A_2012 = arith.constant 16 : index
      %get3A_2013 = tpu.vector_load %arg6[%get3A_2011, %get3A_2012] {strides = array<i32>} : memref<104x128xi32, #tpu.memory_space<vmem>>, vector<16xi32>,
      %and3A_2014 = arith.constant 3 : i32
      %and3A_2015 = vector.broadcast %and3A_2014 : i32 to vector<16xi32>
      %and3A_2016 = arith.andi %get3A_2013, %and3A_2015 : vector<16xi32>
      %shift_left3A_2017 = arith.constant 5 : i32
      %shift_left3A_2018 = vector.broadcast %shift_left3A_2017 : i32 to vector<16xi32>
      %shift_left3A_2019 = arith.shli %and3A_2016, %shift_left3A_2018 : vector<16xi32>
      %get3A_2020 = arith.index_cast %add3A_1985 : i32 to index
      %get3A_2021 = arith.constant 32 : index
      %get3A_2022 = tpu.vector_load %arg6[%get3A_2020, %get3A_2021] {strides = array<i32>} : memref<104x128xi32, #tpu.memory_space<vmem>>, vector<16xi32>,
      %and3A_2023 = arith.constant 3 : i32
      %and3A_2024 = vector.broadcast %and3A_2023 : i32 to vector<16xi32>
      %and3A_2025 = arith.andi %get3A_2022, %and3A_2024 : vector<16xi32>
      %shift_left3A_2026 = arith.constant 5 : i32
      %shift_left3A_2027 = vector.broadcast %shift_left3A_2026 : i32 to vector<16xi32>
      %shift_left3A_2028 = arith.shli %and3A_2025, %shift_left3A_2027 : vector<16xi32>
      %get3A_2029 = arith.index_cast %add3A_1985 : i32 to index
      %get3A_2030 = arith.constant 48 : index
      %get3A_2031 = tpu.vector_load %arg6[%get3A_2029, %get3A_2030] {strides = array<i32>} : memref<104x128xi32, #tpu.memory_space<vmem>>, vector<16xi32>,
      %and3A_2032 = arith.constant 3 : i32
      %and3A_2033 = vector.broadcast %and3A_2032 : i32 to vector<16xi32>
      %and3A_2034 = arith.andi %get3A_2031, %and3A_2033 : vector<16xi32>
      %shift_left3A_2035 = arith.constant 5 : i32
      %shift_left3A_2036 = vector.broadcast %shift_left3A_2035 : i32 to vector<16xi32>
      %shift_left3A_2037 = arith.shli %and3A_2034, %shift_left3A_2036 : vector<16xi32>
      %get3A_2038 = arith.index_cast %add3A_1985 : i32 to index
      %get3A_2039 = arith.constant 64 : index
      %get3A_2040 = tpu.vector_load %arg6[%get3A_2038, %get3A_2039] {strides = array<i32>} : memref<104x128xi32, #tpu.memory_space<vmem>>, vector<16xi32>,
      %and3A_2041 = arith.constant 3 : i32
      %and3A_2042 = vector.broadcast %and3A_2041 : i32 to vector<16xi32>
      %and3A_2043 = arith.andi %get3A_2040, %and3A_2042 : vector<16xi32>
      %shift_left3A_2044 = arith.constant 5 : i32
      %shift_left3A_2045 = vector.broadcast %shift_left3A_2044 : i32 to vector<16xi32>
      %shift_left3A_2046 = arith.shli %and3A_2043, %shift_left3A_2045 : vector<16xi32>
      %get3A_2047 = arith.index_cast %add3A_1985 : i32 to index
      %get3A_2048 = arith.constant 80 : index
      %get3A_2049 = tpu.vector_load %arg6[%get3A_2047, %get3A_2048] {strides = array<i32>} : memref<104x128xi32, #tpu.memory_space<vmem>>, vector<16xi32>,
      %and3A_2050 = arith.constant 3 : i32
      %and3A_2051 = vector.broadcast %and3A_2050 : i32 to vector<16xi32>
      %and3A_2052 = arith.andi %get3A_2049, %and3A_2051 : vector<16xi32>
      %shift_left3A_2053 = arith.constant 5 : i32
      %shift_left3A_2054 = vector.broadcast %shift_left3A_2053 : i32 to vector<16xi32>
      %shift_left3A_2055 = arith.shli %and3A_2052, %shift_left3A_2054 : vector<16xi32>
      %get3A_2056 = arith.index_cast %add3A_1985 : i32 to index
      %get3A_2057 = arith.constant 96 : index
      %get3A_2058 = tpu.vector_load %arg6[%get3A_2056, %get3A_2057] {strides = array<i32>} : memref<104x128xi32, #tpu.memory_space<vmem>>, vector<16xi32>,
      %and3A_2059 = arith.constant 3 : i32
      %and3A_2060 = vector.broadcast %and3A_2059 : i32 to vector<16xi32>
      %and3A_2061 = arith.andi %get3A_2058, %and3A_2060 : vector<16xi32>
      %shift_left3A_2062 = arith.constant 5 : i32
      %shift_left3A_2063 = vector.broadcast %shift_left3A_2062 : i32 to vector<16xi32>
      %shift_left3A_2064 = arith.shli %and3A_2061, %shift_left3A_2063 : vector<16xi32>
      %get3A_2065 = arith.index_cast %add3A_1985 : i32 to index
      %get3A_2066 = arith.constant 112 : index
      %get3A_2067 = tpu.vector_load %arg6[%get3A_2065, %get3A_2066] {strides = array<i32>} : memref<104x128xi32, #tpu.memory_space<vmem>>, vector<16xi32>,
      %and3A_2068 = arith.constant 3 : i32
      %and3A_2069 = vector.broadcast %and3A_2068 : i32 to vector<16xi32>
      %and3A_2070 = arith.andi %get3A_2067, %and3A_2069 : vector<16xi32>
      %shift_left3A_2071 = arith.constant 5 : i32
      %shift_left3A_2072 = vector.broadcast %shift_left3A_2071 : i32 to vector<16xi32>
      %shift_left3A_2073 = arith.shli %and3A_2070, %shift_left3A_2072 : vector<16xi32>
      %scan3A_2074 = arith.constant 0 : i32
      %scan3A_2075 = arith.constant 16 : i32
      %scan3A_2076 = arith.addi %scan3A_2074, %scan3A_2075 : i32
      %scan3A_2077 = arith.constant 1 : i32
      scf.for %scan3A_2533 = %scan3A_2074 to %scan3A_2076 step %scan3A_2077  : i32 {
        %add3A_2534 = vector.broadcast %scan3A_2533 : i32 to vector<16xi32>
        %add3A_2535 = arith.addi %iota3A, %add3A_2534 : vector<16xi32>
        %and3A_2536 = arith.constant 15 : i32
        %and3A_2537 = vector.broadcast %and3A_2536 : i32 to vector<16xi32>
        %and3A_2538 = arith.andi %add3A_2535, %and3A_2537 : vector<16xi32>
        %add3A_2539 = arith.constant 0 : i32
        %add3A_2540 = vector.broadcast %add3A_2539 : i32 to vector<16xi32>
        %add3A_2541 = arith.addi %add3A_2540, %and3A_2538 : vector<16xi32>
        %add3A_2542 = arith.addi %shift_left3A_2010, %add3A_2541 : vector<16xi32>
        %gather3A = tpu.vector_load_idx %arg8[%add3A_1355, %add3A_2542] : memref<128x128xf32, #tpu.memory_space<vmem>>[vector<16xi32>, vector<16xi32>], vector<16xf32>,
        tpu.vector_store_idx %arg12[%add3A_2541, %add3A_1355], %gather3A : memref<32x128xf32, #tpu.memory_space<vmem>>[vector<16xi32>, vector<16xi32>], vector<16xf32>,
        %add3A_2543 = arith.constant 16 : i32
        %add3A_2544 = vector.broadcast %add3A_2543 : i32 to vector<16xi32>
        %add3A_2545 = arith.addi %add3A_2544, %and3A_2538 : vector<16xi32>
        %add3A_2546 = arith.addi %shift_left3A_2010, %add3A_2545 : vector<16xi32>
        %gather3A_2547 = tpu.vector_load_idx %arg8[%add3A_1355, %add3A_2546] : memref<128x128xf32, #tpu.memory_space<vmem>>[vector<16xi32>, vector<16xi32>], vector<16xf32>,
        tpu.vector_store_idx %arg12[%add3A_2545, %add3A_1355], %gather3A_2547 : memref<32x128xf32, #tpu.memory_space<vmem>>[vector<16xi32>, vector<16xi32>], vector<16xf32>,
        %add3A_2548 = arith.constant 0 : i32
        %add3A_2549 = vector.broadcast %add3A_2548 : i32 to vector<16xi32>
        %add3A_2550 = arith.addi %add3A_2549, %and3A_2538 : vector<16xi32>
        %add3A_2551 = arith.addi %shift_left3A_2019, %add3A_2550 : vector<16xi32>
        %gather3A_2552 = tpu.vector_load_idx %arg8[%add3A_1358, %add3A_2551] : memref<128x128xf32, #tpu.memory_space<vmem>>[vector<16xi32>, vector<16xi32>], vector<16xf32>,
        tpu.vector_store_idx %arg12[%add3A_2550, %add3A_1358], %gather3A_2552 : memref<32x128xf32, #tpu.memory_space<vmem>>[vector<16xi32>, vector<16xi32>], vector<16xf32>,
        %add3A_2553 = arith.constant 16 : i32
        %add3A_2554 = vector.broadcast %add3A_2553 : i32 to vector<16xi32>
        %add3A_2555 = arith.addi %add3A_2554, %and3A_2538 : vector<16xi32>
        %add3A_2556 = arith.addi %shift_left3A_2019, %add3A_2555 : vector<16xi32>
        %gather3A_2557 = tpu.vector_load_idx %arg8[%add3A_1358, %add3A_2556] : memref<128x128xf32, #tpu.memory_space<vmem>>[vector<16xi32>, vector<16xi32>], vector<16xf32>,
        tpu.vector_store_idx %arg12[%add3A_2555, %add3A_1358], %gather3A_2557 : memref<32x128xf32, #tpu.memory_space<vmem>>[vector<16xi32>, vector<16xi32>], vector<16xf32>,
        %add3A_2558 = arith.constant 0 : i32
        %add3A_2559 = vector.broadcast %add3A_2558 : i32 to vector<16xi32>
        %add3A_2560 = arith.addi %add3A_2559, %and3A_2538 : vector<16xi32>
        %add3A_2561 = arith.addi %shift_left3A_2028, %add3A_2560 : vector<16xi32>
        %gather3A_2562 = tpu.vector_load_idx %arg8[%add3A_1361, %add3A_2561] : memref<128x128xf32, #tpu.memory_space<vmem>>[vector<16xi32>, vector<16xi32>], vector<16xf32>,
        tpu.vector_store_idx %arg12[%add3A_2560, %add3A_1361], %gather3A_2562 : memref<32x128xf32, #tpu.memory_space<vmem>>[vector<16xi32>, vector<16xi32>], vector<16xf32>,
        %add3A_2563 = arith.constant 16 : i32
        %add3A_2564 = vector.broadcast %add3A_2563 : i32 to vector<16xi32>
        %add3A_2565 = arith.addi %add3A_2564, %and3A_2538 : vector<16xi32>
        %add3A_2566 = arith.addi %shift_left3A_2028, %add3A_2565 : vector<16xi32>
        %gather3A_2567 = tpu.vector_load_idx %arg8[%add3A_1361, %add3A_2566] : memref<128x128xf32, #tpu.memory_space<vmem>>[vector<16xi32>, vector<16xi32>], vector<16xf32>,
        tpu.vector_store_idx %arg12[%add3A_2565, %add3A_1361], %gather3A_2567 : memref<32x128xf32, #tpu.memory_space<vmem>>[vector<16xi32>, vector<16xi32>], vector<16xf32>,
        %add3A_2568 = arith.constant 0 : i32
        %add3A_2569 = vector.broadcast %add3A_2568 : i32 to vector<16xi32>
        %add3A_2570 = arith.addi %add3A_2569, %and3A_2538 : vector<16xi32>
        %add3A_2571 = arith.addi %shift_left3A_2037, %add3A_2570 : vector<16xi32>
        %gather3A_2572 = tpu.vector_load_idx %arg8[%add3A_1364, %add3A_2571] : memref<128x128xf32, #tpu.memory_space<vmem>>[vector<16xi32>, vector<16xi32>], vector<16xf32>,
        tpu.vector_store_idx %arg12[%add3A_2570, %add3A_1364], %gather3A_2572 : memref<32x128xf32, #tpu.memory_space<vmem>>[vector<16xi32>, vector<16xi32>], vector<16xf32>,
        %add3A_2573 = arith.constant 16 : i32
        %add3A_2574 = vector.broadcast %add3A_2573 : i32 to vector<16xi32>
        %add3A_2575 = arith.addi %add3A_2574, %and3A_2538 : vector<16xi32>
        %add3A_2576 = arith.addi %shift_left3A_2037, %add3A_2575 : vector<16xi32>
        %gather3A_2577 = tpu.vector_load_idx %arg8[%add3A_1364, %add3A_2576] : memref<128x128xf32, #tpu.memory_space<vmem>>[vector<16xi32>, vector<16xi32>], vector<16xf32>,
        tpu.vector_store_idx %arg12[%add3A_2575, %add3A_1364], %gather3A_2577 : memref<32x128xf32, #tpu.memory_space<vmem>>[vector<16xi32>, vector<16xi32>], vector<16xf32>,
        %add3A_2578 = arith.constant 0 : i32
        %add3A_2579 = vector.broadcast %add3A_2578 : i32 to vector<16xi32>
        %add3A_2580 = arith.addi %add3A_2579, %and3A_2538 : vector<16xi32>
        %add3A_2581 = arith.addi %shift_left3A_2046, %add3A_2580 : vector<16xi32>
        %gather3A_2582 = tpu.vector_load_idx %arg8[%add3A_1367, %add3A_2581] : memref<128x128xf32, #tpu.memory_space<vmem>>[vector<16xi32>, vector<16xi32>], vector<16xf32>,
        tpu.vector_store_idx %arg12[%add3A_2580, %add3A_1367], %gather3A_2582 : memref<32x128xf32, #tpu.memory_space<vmem>>[vector<16xi32>, vector<16xi32>], vector<16xf32>,
        %add3A_2583 = arith.constant 16 : i32
        %add3A_2584 = vector.broadcast %add3A_2583 : i32 to vector<16xi32>
        %add3A_2585 = arith.addi %add3A_2584, %and3A_2538 : vector<16xi32>
        %add3A_2586 = arith.addi %shift_left3A_2046, %add3A_2585 : vector<16xi32>
        %gather3A_2587 = tpu.vector_load_idx %arg8[%add3A_1367, %add3A_2586] : memref<128x128xf32, #tpu.memory_space<vmem>>[vector<16xi32>, vector<16xi32>], vector<16xf32>,
        tpu.vector_store_idx %arg12[%add3A_2585, %add3A_1367], %gather3A_2587 : memref<32x128xf32, #tpu.memory_space<vmem>>[vector<16xi32>, vector<16xi32>], vector<16xf32>,
        %add3A_2588 = arith.constant 0 : i32
        %add3A_2589 = vector.broadcast %add3A_2588 : i32 to vector<16xi32>
        %add3A_2590 = arith.addi %add3A_2589, %and3A_2538 : vector<16xi32>
        %add3A_2591 = arith.addi %shift_left3A_2055, %add3A_2590 : vector<16xi32>
        %gather3A_2592 = tpu.vector_load_idx %arg8[%add3A_1370, %add3A_2591] : memref<128x128xf32, #tpu.memory_space<vmem>>[vector<16xi32>, vector<16xi32>], vector<16xf32>,
        tpu.vector_store_idx %arg12[%add3A_2590, %add3A_1370], %gather3A_2592 : memref<32x128xf32, #tpu.memory_space<vmem>>[vector<16xi32>, vector<16xi32>], vector<16xf32>,
        %add3A_2593 = arith.constant 16 : i32
        %add3A_2594 = vector.broadcast %add3A_2593 : i32 to vector<16xi32>
        %add3A_2595 = arith.addi %add3A_2594, %and3A_2538 : vector<16xi32>
        %add3A_2596 = arith.addi %shift_left3A_2055, %add3A_2595 : vector<16xi32>
        %gather3A_2597 = tpu.vector_load_idx %arg8[%add3A_1370, %add3A_2596] : memref<128x128xf32, #tpu.memory_space<vmem>>[vector<16xi32>, vector<16xi32>], vector<16xf32>,
        tpu.vector_store_idx %arg12[%add3A_2595, %add3A_1370], %gather3A_2597 : memref<32x128xf32, #tpu.memory_space<vmem>>[vector<16xi32>, vector<16xi32>], vector<16xf32>,
        %add3A_2598 = arith.constant 0 : i32
        %add3A_2599 = vector.broadcast %add3A_2598 : i32 to vector<16xi32>
        %add3A_2600 = arith.addi %add3A_2599, %and3A_2538 : vector<16xi32>
        %add3A_2601 = arith.addi %shift_left3A_2064, %add3A_2600 : vector<16xi32>
        %gather3A_2602 = tpu.vector_load_idx %arg8[%add3A_1373, %add3A_2601] : memref<128x128xf32, #tpu.memory_space<vmem>>[vector<16xi32>, vector<16xi32>], vector<16xf32>,
        tpu.vector_store_idx %arg12[%add3A_2600, %add3A_1373], %gather3A_2602 : memref<32x128xf32, #tpu.memory_space<vmem>>[vector<16xi32>, vector<16xi32>], vector<16xf32>,
        %add3A_2603 = arith.constant 16 : i32
        %add3A_2604 = vector.broadcast %add3A_2603 : i32 to vector<16xi32>
        %add3A_2605 = arith.addi %add3A_2604, %and3A_2538 : vector<16xi32>
        %add3A_2606 = arith.addi %shift_left3A_2064, %add3A_2605 : vector<16xi32>
        %gather3A_2607 = tpu.vector_load_idx %arg8[%add3A_1373, %add3A_2606] : memref<128x128xf32, #tpu.memory_space<vmem>>[vector<16xi32>, vector<16xi32>], vector<16xf32>,
        tpu.vector_store_idx %arg12[%add3A_2605, %add3A_1373], %gather3A_2607 : memref<32x128xf32, #tpu.memory_space<vmem>>[vector<16xi32>, vector<16xi32>], vector<16xf32>,
        %add3A_2608 = arith.constant 0 : i32
        %add3A_2609 = vector.broadcast %add3A_2608 : i32 to vector<16xi32>
        %add3A_2610 = arith.addi %add3A_2609, %and3A_2538 : vector<16xi32>
        %add3A_2611 = arith.addi %shift_left3A_2073, %add3A_2610 : vector<16xi32>
        %gather3A_2612 = tpu.vector_load_idx %arg8[%add3A_1376, %add3A_2611] : memref<128x128xf32, #tpu.memory_space<vmem>>[vector<16xi32>, vector<16xi32>], vector<16xf32>,
        tpu.vector_store_idx %arg12[%add3A_2610, %add3A_1376], %gather3A_2612 : memref<32x128xf32, #tpu.memory_space<vmem>>[vector<16xi32>, vector<16xi32>], vector<16xf32>,
        %add3A_2613 = arith.constant 16 : i32
        %add3A_2614 = vector.broadcast %add3A_2613 : i32 to vector<16xi32>
        %add3A_2615 = arith.addi %add3A_2614, %and3A_2538 : vector<16xi32>
        %add3A_2616 = arith.addi %shift_left3A_2073, %add3A_2615 : vector<16xi32>
        %gather3A_2617 = tpu.vector_load_idx %arg8[%add3A_1376, %add3A_2616] : memref<128x128xf32, #tpu.memory_space<vmem>>[vector<16xi32>, vector<16xi32>], vector<16xf32>,
        tpu.vector_store_idx %arg12[%add3A_2615, %add3A_1376], %gather3A_2617 : memref<32x128xf32, #tpu.memory_space<vmem>>[vector<16xi32>, vector<16xi32>], vector<16xf32>,
      }
      %scan3A_2078 = arith.constant 16 : i32
      %jit3A_2079 = arith.constant 4 : i32
      %div3A_2080 = arith.divsi %add3A_1985, %jit3A_2079 : i32
      %sign3A_2081 = arith.constant 0 : i32
      %sign3A_2082 = arith.cmpi sgt, %add3A_1985, %sign3A_2081 : i32
      %sign3A_2083 = arith.extui %sign3A_2082 : i1 to i32
      %sign3A_2084 = arith.constant 0 : i32
      %sign3A_2085 = arith.cmpi slt, %add3A_1985, %sign3A_2084 : i32
      %sign3A_2086 = arith.extui %sign3A_2085 : i1 to i32
      %sign3A_2087 = arith.subi %sign3A_2083, %sign3A_2086 : i32
      %sign3A_2088 = arith.constant 0 : i32
      %sign3A_2089 = arith.cmpi sgt, %jit3A_2079, %sign3A_2088 : i32
      %sign3A_2090 = arith.extui %sign3A_2089 : i1 to i32
      %sign3A_2091 = arith.constant 0 : i32
      %sign3A_2092 = arith.cmpi slt, %jit3A_2079, %sign3A_2091 : i32
      %sign3A_2093 = arith.extui %sign3A_2092 : i1 to i32
      %sign3A_2094 = arith.subi %sign3A_2090, %sign3A_2093 : i32
      %ne3A_2095 = arith.cmpi ne, %sign3A_2087, %sign3A_2094 : i32
      %rem3A_2096 = arith.remsi %add3A_1985, %jit3A_2079 : i32
      %ne3A_2097 = arith.constant 0 : i32
      %ne3A_2098 = arith.cmpi ne, %rem3A_2096, %ne3A_2097 : i32
      %and3A_2099 = arith.andi %ne3A_2095, %ne3A_2098 : i1
      %sub3A_2100 = arith.constant 1 : i32
      %sub3A_2101 = arith.subi %div3A_2080, %sub3A_2100 : i32
      %select_n3A_2102 = arith.select %and3A_2099, %sub3A_2101, %div3A_2080 : i32
      %mul3A_2103 = arith.constant 4 : i32
      %mul3A_2104 = arith.muli %select_n3A_2102, %mul3A_2103 : i32
      %sub3A_2105 = arith.subi %add3A_1985, %mul3A_2104 : i32
      %mul3A_2106 = arith.constant 512 : i32
      %mul3A_2107 = arith.muli %add3A, %mul3A_2106 : i32
      %mul3A_2108 = arith.constant 128 : i32
      %mul3A_2109 = arith.muli %sub3A_2105, %mul3A_2108 : i32
      %add3A_2110 = arith.addi %mul3A_2107, %mul3A_2109 : i32
      %dma_start3A_2111 = arith.constant 0 : i32
      %dma_start3A_2112 = tpu.memref_slice %arg5[%select_n3A_2102, %dma_start3A_2111, %add3A_2110] : memref<26x32x16384xf32, #tpu.memory_space<hbm>> -> memref<1x32x128xf32, #tpu.memory_space<hbm>>
      %dma_start3A_2113 = tpu.memref_squeeze %dma_start3A_2112 : memref<1x32x128xf32, #tpu.memory_space<hbm>> -> memref<32x128xf32, #tpu.memory_space<hbm>>
      %dma_start3A_2114 = arith.constant 0 : i32
      %dma_start3A_2115 = tpu.memref_slice %arg5[%select_n3A_2102, %dma_start3A_2114, %add3A_2110] : memref<26x32x16384xf32, #tpu.memory_space<hbm>> -> memref<1x32x128xf32, #tpu.memory_space<hbm>>
      %dma_start3A_2116 = tpu.memref_squeeze %dma_start3A_2115 : memref<1x32x128xf32, #tpu.memory_space<hbm>> -> memref<32x128xf32, #tpu.memory_space<hbm>>
      tpu.enqueue_dma source(%arg12 : memref<32x128xf32, #tpu.memory_space<vmem>>) target(%dma_start3A_2116 : memref<32x128xf32, #tpu.memory_space<hbm>>) target_semaphore(%arg19 : memref<!tpu.dma_semaphore, #tpu.memory_space<semaphore_mem>>)
      %add3A_2117 = arith.constant 1 : i32
      %add3A_2118 = arith.addi %mul3A_1983, %add3A_2117 : i32
      %add3A_2119 = arith.constant 3 : i32
      %add3A_2120 = arith.addi %add3A_2118, %add3A_2119 : i32
      %dma_start3A_2121 = arith.constant 0 : i32
      %dma_start3A_2122 = tpu.memref_slice %arg7[%add3A_2120, %dma_start3A_2121] : memref<104x128xi32, #tpu.memory_space<vmem>> -> memref<1x128xi32, #tpu.memory_space<vmem>>
      %dma_start3A_2123 = tpu.memref_squeeze %dma_start3A_2122 : memref<1x128xi32, #tpu.memory_space<vmem>> -> memref<128xi32, #tpu.memory_space<vmem>>
      %dma_start3A_2124 = arith.constant 0 : i32
      %dma_start3A_2125 = arith.constant 0 : i32
      %dma_start3A_2126 = tpu.memref_slice %arg4[%dma_start3A_2124, %dma_start3A_2125] : memref<250000x128xf32, #tpu.memory_space<hbm>> -> memref<250000x128xf32, #tpu.memory_space<hbm>>
      tpu.enqueue_indirect_dma source(%dma_start3A_2126 : memref<250000x128xf32, #tpu.memory_space<hbm>>) target(%arg8 : memref<128x128xf32, #tpu.memory_space<vmem>>) offsets(%dma_start3A_2123 : memref<128xi32, #tpu.memory_space<vmem>>) semaphore(%arg15 : memref<!tpu.dma_semaphore, #tpu.memory_space<semaphore_mem>>)
      %gt3A_2127 = arith.constant 0 : i32
      %gt3A_2128 = arith.cmpi sgt, %scan3A_1981, %gt3A_2127 : i32
      %convert_element_type3A_2129 = arith.extui %gt3A_2128 : i1 to i32
      %cond3A_2130 = arith.constant 0 : i32
      %cond3A_2131 = arith.cmpi ne, %convert_element_type3A_2129, %cond3A_2130 : i32
      scf.if %cond3A_2131 {
        %dma_wait3A_2533 = arith.constant 0 : i32
        %dma_wait3A_2534 = arith.constant 0 : i32
        %dma_wait3A_2535 = arith.constant 128 : i32
        %dma_wait3A_2536 = tpu.memref_slice %arg5[%dma_wait3A_2533, %dma_wait3A_2534, %dma_wait3A_2535] : memref<26x32x16384xf32, #tpu.memory_space<hbm>> -> memref<1x32x128xf32, #tpu.memory_space<hbm>>
        %dma_wait3A_2537 = tpu.memref_squeeze %dma_wait3A_2536 : memref<1x32x128xf32, #tpu.memory_space<hbm>> -> memref<32x128xf32, #tpu.memory_space<hbm>>
        %dma_wait3A_2538 = arith.constant 0 : i32
        %dma_wait3A_2539 = arith.constant 128 : i32
        %dma_wait3A_2540 = tpu.memref_slice %arg5[%dma_wait3A_2533, %dma_wait3A_2538, %dma_wait3A_2539] : memref<26x32x16384xf32, #tpu.memory_space<hbm>> -> memref<1x32x128xf32, #tpu.memory_space<hbm>>
        %dma_wait3A_2541 = tpu.memref_squeeze %dma_wait3A_2540 : memref<1x32x128xf32, #tpu.memory_space<hbm>> -> memref<32x128xf32, #tpu.memory_space<hbm>>
        tpu.wait_dma2 semaphore(%arg20 : memref<!tpu.dma_semaphore, #tpu.memory_space<semaphore_mem>>) src(%arg13 : memref<32x128xf32, #tpu.memory_space<vmem>>) dst(%dma_wait3A_2541 : memref<32x128xf32, #tpu.memory_space<hbm>>)
      } else {
      }
      %dma_wait3A_2132 = arith.constant 0 : i32
      %dma_wait3A_2133 = tpu.memref_slice %arg7[%add3A_2118, %dma_wait3A_2132] : memref<104x128xi32, #tpu.memory_space<vmem>> -> memref<1x128xi32, #tpu.memory_space<vmem>>
      %dma_wait3A_2134 = tpu.memref_squeeze %dma_wait3A_2133 : memref<1x128xi32, #tpu.memory_space<vmem>> -> memref<128xi32, #tpu.memory_space<vmem>>
      %dma_wait3A_2135 = arith.constant 0 : i32
      %dma_wait3A_2136 = arith.constant 0 : i32
      %dma_wait3A_2137 = tpu.memref_slice %arg4[%dma_wait3A_2135, %dma_wait3A_2136] : memref<250000x128xf32, #tpu.memory_space<hbm>> -> memref<250000x128xf32, #tpu.memory_space<hbm>>
      tpu.wait_indirect_dma semaphore(%arg16 : memref<!tpu.dma_semaphore, #tpu.memory_space<semaphore_mem>>) src(%dma_wait3A_2137 : memref<250000x128xf32, #tpu.memory_space<hbm>>) dst(%arg9 : memref<128x128xf32, #tpu.memory_space<vmem>>)
      %get3A_2138 = arith.index_cast %add3A_2118 : i32 to index
      %get3A_2139 = arith.constant 0 : index
      %get3A_2140 = tpu.vector_load %arg6[%get3A_2138, %get3A_2139] {strides = array<i32>} : memref<104x128xi32, #tpu.memory_space<vmem>>, vector<16xi32>,
      %and3A_2141 = arith.constant 3 : i32
      %and3A_2142 = vector.broadcast %and3A_2141 : i32 to vector<16xi32>
      %and3A_2143 = arith.andi %get3A_2140, %and3A_2142 : vector<16xi32>
      %shift_left3A_2144 = arith.constant 5 : i32
      %shift_left3A_2145 = vector.broadcast %shift_left3A_2144 : i32 to vector<16xi32>
      %shift_left3A_2146 = arith.shli %and3A_2143, %shift_left3A_2145 : vector<16xi32>
      %get3A_2147 = arith.index_cast %add3A_2118 : i32 to index
      %get3A_2148 = arith.constant 16 : index
      %get3A_2149 = tpu.vector_load %arg6[%get3A_2147, %get3A_2148] {strides = array<i32>} : memref<104x128xi32, #tpu.memory_space<vmem>>, vector<16xi32>,
      %and3A_2150 = arith.constant 3 : i32
      %and3A_2151 = vector.broadcast %and3A_2150 : i32 to vector<16xi32>
      %and3A_2152 = arith.andi %get3A_2149, %and3A_2151 : vector<16xi32>
      %shift_left3A_2153 = arith.constant 5 : i32
      %shift_left3A_2154 = vector.broadcast %shift_left3A_2153 : i32 to vector<16xi32>
      %shift_left3A_2155 = arith.shli %and3A_2152, %shift_left3A_2154 : vector<16xi32>
      %get3A_2156 = arith.index_cast %add3A_2118 : i32 to index
      %get3A_2157 = arith.constant 32 : index
      %get3A_2158 = tpu.vector_load %arg6[%get3A_2156, %get3A_2157] {strides = array<i32>} : memref<104x128xi32, #tpu.memory_space<vmem>>, vector<16xi32>,
      %and3A_2159 = arith.constant 3 : i32
      %and3A_2160 = vector.broadcast %and3A_2159 : i32 to vector<16xi32>
      %and3A_2161 = arith.andi %get3A_2158, %and3A_2160 : vector<16xi32>
      %shift_left3A_2162 = arith.constant 5 : i32
      %shift_left3A_2163 = vector.broadcast %shift_left3A_2162 : i32 to vector<16xi32>
      %shift_left3A_2164 = arith.shli %and3A_2161, %shift_left3A_2163 : vector<16xi32>
      %get3A_2165 = arith.index_cast %add3A_2118 : i32 to index
      %get3A_2166 = arith.constant 48 : index
      %get3A_2167 = tpu.vector_load %arg6[%get3A_2165, %get3A_2166] {strides = array<i32>} : memref<104x128xi32, #tpu.memory_space<vmem>>, vector<16xi32>,
      %and3A_2168 = arith.constant 3 : i32
      %and3A_2169 = vector.broadcast %and3A_2168 : i32 to vector<16xi32>
      %and3A_2170 = arith.andi %get3A_2167, %and3A_2169 : vector<16xi32>
      %shift_left3A_2171 = arith.constant 5 : i32
      %shift_left3A_2172 = vector.broadcast %shift_left3A_2171 : i32 to vector<16xi32>
      %shift_left3A_2173 = arith.shli %and3A_2170, %shift_left3A_2172 : vector<16xi32>
      %get3A_2174 = arith.index_cast %add3A_2118 : i32 to index
      %get3A_2175 = arith.constant 64 : index
      %get3A_2176 = tpu.vector_load %arg6[%get3A_2174, %get3A_2175] {strides = array<i32>} : memref<104x128xi32, #tpu.memory_space<vmem>>, vector<16xi32>,
      %and3A_2177 = arith.constant 3 : i32
      %and3A_2178 = vector.broadcast %and3A_2177 : i32 to vector<16xi32>
      %and3A_2179 = arith.andi %get3A_2176, %and3A_2178 : vector<16xi32>
      %shift_left3A_2180 = arith.constant 5 : i32
      %shift_left3A_2181 = vector.broadcast %shift_left3A_2180 : i32 to vector<16xi32>
      %shift_left3A_2182 = arith.shli %and3A_2179, %shift_left3A_2181 : vector<16xi32>
      %get3A_2183 = arith.index_cast %add3A_2118 : i32 to index
      %get3A_2184 = arith.constant 80 : index
      %get3A_2185 = tpu.vector_load %arg6[%get3A_2183, %get3A_2184] {strides = array<i32>} : memref<104x128xi32, #tpu.memory_space<vmem>>, vector<16xi32>,
      %and3A_2186 = arith.constant 3 : i32
      %and3A_2187 = vector.broadcast %and3A_2186 : i32 to vector<16xi32>
      %and3A_2188 = arith.andi %get3A_2185, %and3A_2187 : vector<16xi32>
      %shift_left3A_2189 = arith.constant 5 : i32
      %shift_left3A_2190 = vector.broadcast %shift_left3A_2189 : i32 to vector<16xi32>
      %shift_left3A_2191 = arith.shli %and3A_2188, %shift_left3A_2190 : vector<16xi32>
      %get3A_2192 = arith.index_cast %add3A_2118 : i32 to index
      %get3A_2193 = arith.constant 96 : index
      %get3A_2194 = tpu.vector_load %arg6[%get3A_2192, %get3A_2193] {strides = array<i32>} : memref<104x128xi32, #tpu.memory_space<vmem>>, vector<16xi32>,
      %and3A_2195 = arith.constant 3 : i32
      %and3A_2196 = vector.broadcast %and3A_2195 : i32 to vector<16xi32>
      %and3A_2197 = arith.andi %get3A_2194, %and3A_2196 : vector<16xi32>
      %shift_left3A_2198 = arith.constant 5 : i32
      %shift_left3A_2199 = vector.broadcast %shift_left3A_2198 : i32 to vector<16xi32>
      %shift_left3A_2200 = arith.shli %and3A_2197, %shift_left3A_2199 : vector<16xi32>
      %get3A_2201 = arith.index_cast %add3A_2118 : i32 to index
      %get3A_2202 = arith.constant 112 : index
      %get3A_2203 = tpu.vector_load %arg6[%get3A_2201, %get3A_2202] {strides = array<i32>} : memref<104x128xi32, #tpu.memory_space<vmem>>, vector<16xi32>,
      %and3A_2204 = arith.constant 3 : i32
      %and3A_2205 = vector.broadcast %and3A_2204 : i32 to vector<16xi32>
      %and3A_2206 = arith.andi %get3A_2203, %and3A_2205 : vector<16xi32>
      %shift_left3A_2207 = arith.constant 5 : i32
      %shift_left3A_2208 = vector.broadcast %shift_left3A_2207 : i32 to vector<16xi32>
      %shift_left3A_2209 = arith.shli %and3A_2206, %shift_left3A_2208 : vector<16xi32>
      %scan3A_2210 = arith.constant 0 : i32
      %scan3A_2211 = arith.constant 16 : i32
      %scan3A_2212 = arith.addi %scan3A_2210, %scan3A_2211 : i32
      %scan3A_2213 = arith.constant 1 : i32
      scf.for %scan3A_2533 = %scan3A_2210 to %scan3A_2212 step %scan3A_2213  : i32 {
        %add3A_2534 = vector.broadcast %scan3A_2533 : i32 to vector<16xi32>
        %add3A_2535 = arith.addi %iota3A, %add3A_2534 : vector<16xi32>
        %and3A_2536 = arith.constant 15 : i32
        %and3A_2537 = vector.broadcast %and3A_2536 : i32 to vector<16xi32>
        %and3A_2538 = arith.andi %add3A_2535, %and3A_2537 : vector<16xi32>
        %add3A_2539 = arith.constant 0 : i32
        %add3A_2540 = vector.broadcast %add3A_2539 : i32 to vector<16xi32>
        %add3A_2541 = arith.addi %add3A_2540, %and3A_2538 : vector<16xi32>
        %add3A_2542 = arith.addi %shift_left3A_2146, %add3A_2541 : vector<16xi32>
        %gather3A = tpu.vector_load_idx %arg9[%add3A_1355, %add3A_2542] : memref<128x128xf32, #tpu.memory_space<vmem>>[vector<16xi32>, vector<16xi32>], vector<16xf32>,
        tpu.vector_store_idx %arg13[%add3A_2541, %add3A_1355], %gather3A : memref<32x128xf32, #tpu.memory_space<vmem>>[vector<16xi32>, vector<16xi32>], vector<16xf32>,
        %add3A_2543 = arith.constant 16 : i32
        %add3A_2544 = vector.broadcast %add3A_2543 : i32 to vector<16xi32>
        %add3A_2545 = arith.addi %add3A_2544, %and3A_2538 : vector<16xi32>
        %add3A_2546 = arith.addi %shift_left3A_2146, %add3A_2545 : vector<16xi32>
        %gather3A_2547 = tpu.vector_load_idx %arg9[%add3A_1355, %add3A_2546] : memref<128x128xf32, #tpu.memory_space<vmem>>[vector<16xi32>, vector<16xi32>], vector<16xf32>,
        tpu.vector_store_idx %arg13[%add3A_2545, %add3A_1355], %gather3A_2547 : memref<32x128xf32, #tpu.memory_space<vmem>>[vector<16xi32>, vector<16xi32>], vector<16xf32>,
        %add3A_2548 = arith.constant 0 : i32
        %add3A_2549 = vector.broadcast %add3A_2548 : i32 to vector<16xi32>
        %add3A_2550 = arith.addi %add3A_2549, %and3A_2538 : vector<16xi32>
        %add3A_2551 = arith.addi %shift_left3A_2155, %add3A_2550 : vector<16xi32>
        %gather3A_2552 = tpu.vector_load_idx %arg9[%add3A_1358, %add3A_2551] : memref<128x128xf32, #tpu.memory_space<vmem>>[vector<16xi32>, vector<16xi32>], vector<16xf32>,
        tpu.vector_store_idx %arg13[%add3A_2550, %add3A_1358], %gather3A_2552 : memref<32x128xf32, #tpu.memory_space<vmem>>[vector<16xi32>, vector<16xi32>], vector<16xf32>,
        %add3A_2553 = arith.constant 16 : i32
        %add3A_2554 = vector.broadcast %add3A_2553 : i32 to vector<16xi32>
        %add3A_2555 = arith.addi %add3A_2554, %and3A_2538 : vector<16xi32>
        %add3A_2556 = arith.addi %shift_left3A_2155, %add3A_2555 : vector<16xi32>
        %gather3A_2557 = tpu.vector_load_idx %arg9[%add3A_1358, %add3A_2556] : memref<128x128xf32, #tpu.memory_space<vmem>>[vector<16xi32>, vector<16xi32>], vector<16xf32>,
        tpu.vector_store_idx %arg13[%add3A_2555, %add3A_1358], %gather3A_2557 : memref<32x128xf32, #tpu.memory_space<vmem>>[vector<16xi32>, vector<16xi32>], vector<16xf32>,
        %add3A_2558 = arith.constant 0 : i32
        %add3A_2559 = vector.broadcast %add3A_2558 : i32 to vector<16xi32>
        %add3A_2560 = arith.addi %add3A_2559, %and3A_2538 : vector<16xi32>
        %add3A_2561 = arith.addi %shift_left3A_2164, %add3A_2560 : vector<16xi32>
        %gather3A_2562 = tpu.vector_load_idx %arg9[%add3A_1361, %add3A_2561] : memref<128x128xf32, #tpu.memory_space<vmem>>[vector<16xi32>, vector<16xi32>], vector<16xf32>,
        tpu.vector_store_idx %arg13[%add3A_2560, %add3A_1361], %gather3A_2562 : memref<32x128xf32, #tpu.memory_space<vmem>>[vector<16xi32>, vector<16xi32>], vector<16xf32>,
        %add3A_2563 = arith.constant 16 : i32
        %add3A_2564 = vector.broadcast %add3A_2563 : i32 to vector<16xi32>
        %add3A_2565 = arith.addi %add3A_2564, %and3A_2538 : vector<16xi32>
        %add3A_2566 = arith.addi %shift_left3A_2164, %add3A_2565 : vector<16xi32>
        %gather3A_2567 = tpu.vector_load_idx %arg9[%add3A_1361, %add3A_2566] : memref<128x128xf32, #tpu.memory_space<vmem>>[vector<16xi32>, vector<16xi32>], vector<16xf32>,
        tpu.vector_store_idx %arg13[%add3A_2565, %add3A_1361], %gather3A_2567 : memref<32x128xf32, #tpu.memory_space<vmem>>[vector<16xi32>, vector<16xi32>], vector<16xf32>,
        %add3A_2568 = arith.constant 0 : i32
        %add3A_2569 = vector.broadcast %add3A_2568 : i32 to vector<16xi32>
        %add3A_2570 = arith.addi %add3A_2569, %and3A_2538 : vector<16xi32>
        %add3A_2571 = arith.addi %shift_left3A_2173, %add3A_2570 : vector<16xi32>
        %gather3A_2572 = tpu.vector_load_idx %arg9[%add3A_1364, %add3A_2571] : memref<128x128xf32, #tpu.memory_space<vmem>>[vector<16xi32>, vector<16xi32>], vector<16xf32>,
        tpu.vector_store_idx %arg13[%add3A_2570, %add3A_1364], %gather3A_2572 : memref<32x128xf32, #tpu.memory_space<vmem>>[vector<16xi32>, vector<16xi32>], vector<16xf32>,
        %add3A_2573 = arith.constant 16 : i32
        %add3A_2574 = vector.broadcast %add3A_2573 : i32 to vector<16xi32>
        %add3A_2575 = arith.addi %add3A_2574, %and3A_2538 : vector<16xi32>
        %add3A_2576 = arith.addi %shift_left3A_2173, %add3A_2575 : vector<16xi32>
        %gather3A_2577 = tpu.vector_load_idx %arg9[%add3A_1364, %add3A_2576] : memref<128x128xf32, #tpu.memory_space<vmem>>[vector<16xi32>, vector<16xi32>], vector<16xf32>,
        tpu.vector_store_idx %arg13[%add3A_2575, %add3A_1364], %gather3A_2577 : memref<32x128xf32, #tpu.memory_space<vmem>>[vector<16xi32>, vector<16xi32>], vector<16xf32>,
        %add3A_2578 = arith.constant 0 : i32
        %add3A_2579 = vector.broadcast %add3A_2578 : i32 to vector<16xi32>
        %add3A_2580 = arith.addi %add3A_2579, %and3A_2538 : vector<16xi32>
        %add3A_2581 = arith.addi %shift_left3A_2182, %add3A_2580 : vector<16xi32>
        %gather3A_2582 = tpu.vector_load_idx %arg9[%add3A_1367, %add3A_2581] : memref<128x128xf32, #tpu.memory_space<vmem>>[vector<16xi32>, vector<16xi32>], vector<16xf32>,
        tpu.vector_store_idx %arg13[%add3A_2580, %add3A_1367], %gather3A_2582 : memref<32x128xf32, #tpu.memory_space<vmem>>[vector<16xi32>, vector<16xi32>], vector<16xf32>,
        %add3A_2583 = arith.constant 16 : i32
        %add3A_2584 = vector.broadcast %add3A_2583 : i32 to vector<16xi32>
        %add3A_2585 = arith.addi %add3A_2584, %and3A_2538 : vector<16xi32>
        %add3A_2586 = arith.addi %shift_left3A_2182, %add3A_2585 : vector<16xi32>
        %gather3A_2587 = tpu.vector_load_idx %arg9[%add3A_1367, %add3A_2586] : memref<128x128xf32, #tpu.memory_space<vmem>>[vector<16xi32>, vector<16xi32>], vector<16xf32>,
        tpu.vector_store_idx %arg13[%add3A_2585, %add3A_1367], %gather3A_2587 : memref<32x128xf32, #tpu.memory_space<vmem>>[vector<16xi32>, vector<16xi32>], vector<16xf32>,
        %add3A_2588 = arith.constant 0 : i32
        %add3A_2589 = vector.broadcast %add3A_2588 : i32 to vector<16xi32>
        %add3A_2590 = arith.addi %add3A_2589, %and3A_2538 : vector<16xi32>
        %add3A_2591 = arith.addi %shift_left3A_2191, %add3A_2590 : vector<16xi32>
        %gather3A_2592 = tpu.vector_load_idx %arg9[%add3A_1370, %add3A_2591] : memref<128x128xf32, #tpu.memory_space<vmem>>[vector<16xi32>, vector<16xi32>], vector<16xf32>,
        tpu.vector_store_idx %arg13[%add3A_2590, %add3A_1370], %gather3A_2592 : memref<32x128xf32, #tpu.memory_space<vmem>>[vector<16xi32>, vector<16xi32>], vector<16xf32>,
        %add3A_2593 = arith.constant 16 : i32
        %add3A_2594 = vector.broadcast %add3A_2593 : i32 to vector<16xi32>
        %add3A_2595 = arith.addi %add3A_2594, %and3A_2538 : vector<16xi32>
        %add3A_2596 = arith.addi %shift_left3A_2191, %add3A_2595 : vector<16xi32>
        %gather3A_2597 = tpu.vector_load_idx %arg9[%add3A_1370, %add3A_2596] : memref<128x128xf32, #tpu.memory_space<vmem>>[vector<16xi32>, vector<16xi32>], vector<16xf32>,
        tpu.vector_store_idx %arg13[%add3A_2595, %add3A_1370], %gather3A_2597 : memref<32x128xf32, #tpu.memory_space<vmem>>[vector<16xi32>, vector<16xi32>], vector<16xf32>,
        %add3A_2598 = arith.constant 0 : i32
        %add3A_2599 = vector.broadcast %add3A_2598 : i32 to vector<16xi32>
        %add3A_2600 = arith.addi %add3A_2599, %and3A_2538 : vector<16xi32>
        %add3A_2601 = arith.addi %shift_left3A_2200, %add3A_2600 : vector<16xi32>
        %gather3A_2602 = tpu.vector_load_idx %arg9[%add3A_1373, %add3A_2601] : memref<128x128xf32, #tpu.memory_space<vmem>>[vector<16xi32>, vector<16xi32>], vector<16xf32>,
        tpu.vector_store_idx %arg13[%add3A_2600, %add3A_1373], %gather3A_2602 : memref<32x128xf32, #tpu.memory_space<vmem>>[vector<16xi32>, vector<16xi32>], vector<16xf32>,
        %add3A_2603 = arith.constant 16 : i32
        %add3A_2604 = vector.broadcast %add3A_2603 : i32 to vector<16xi32>
        %add3A_2605 = arith.addi %add3A_2604, %and3A_2538 : vector<16xi32>
        %add3A_2606 = arith.addi %shift_left3A_2200, %add3A_2605 : vector<16xi32>
        %gather3A_2607 = tpu.vector_load_idx %arg9[%add3A_1373, %add3A_2606] : memref<128x128xf32, #tpu.memory_space<vmem>>[vector<16xi32>, vector<16xi32>], vector<16xf32>,
        tpu.vector_store_idx %arg13[%add3A_2605, %add3A_1373], %gather3A_2607 : memref<32x128xf32, #tpu.memory_space<vmem>>[vector<16xi32>, vector<16xi32>], vector<16xf32>,
        %add3A_2608 = arith.constant 0 : i32
        %add3A_2609 = vector.broadcast %add3A_2608 : i32 to vector<16xi32>
        %add3A_2610 = arith.addi %add3A_2609, %and3A_2538 : vector<16xi32>
        %add3A_2611 = arith.addi %shift_left3A_2209, %add3A_2610 : vector<16xi32>
        %gather3A_2612 = tpu.vector_load_idx %arg9[%add3A_1376, %add3A_2611] : memref<128x128xf32, #tpu.memory_space<vmem>>[vector<16xi32>, vector<16xi32>], vector<16xf32>,
        tpu.vector_store_idx %arg13[%add3A_2610, %add3A_1376], %gather3A_2612 : memref<32x128xf32, #tpu.memory_space<vmem>>[vector<16xi32>, vector<16xi32>], vector<16xf32>,
        %add3A_2613 = arith.constant 16 : i32
        %add3A_2614 = vector.broadcast %add3A_2613 : i32 to vector<16xi32>
        %add3A_2615 = arith.addi %add3A_2614, %and3A_2538 : vector<16xi32>
        %add3A_2616 = arith.addi %shift_left3A_2209, %add3A_2615 : vector<16xi32>
        %gather3A_2617 = tpu.vector_load_idx %arg9[%add3A_1376, %add3A_2616] : memref<128x128xf32, #tpu.memory_space<vmem>>[vector<16xi32>, vector<16xi32>], vector<16xf32>,
        tpu.vector_store_idx %arg13[%add3A_2615, %add3A_1376], %gather3A_2617 : memref<32x128xf32, #tpu.memory_space<vmem>>[vector<16xi32>, vector<16xi32>], vector<16xf32>,
      }
      %scan3A_2214 = arith.constant 16 : i32
      %jit3A_2215 = arith.constant 4 : i32
      %div3A_2216 = arith.divsi %add3A_2118, %jit3A_2215 : i32
      %sign3A_2217 = arith.constant 0 : i32
      %sign3A_2218 = arith.cmpi sgt, %add3A_2118, %sign3A_2217 : i32
      %sign3A_2219 = arith.extui %sign3A_2218 : i1 to i32
      %sign3A_2220 = arith.constant 0 : i32
      %sign3A_2221 = arith.cmpi slt, %add3A_2118, %sign3A_2220 : i32
      %sign3A_2222 = arith.extui %sign3A_2221 : i1 to i32
      %sign3A_2223 = arith.subi %sign3A_2219, %sign3A_2222 : i32
      %sign3A_2224 = arith.constant 0 : i32
      %sign3A_2225 = arith.cmpi sgt, %jit3A_2215, %sign3A_2224 : i32
      %sign3A_2226 = arith.extui %sign3A_2225 : i1 to i32
      %sign3A_2227 = arith.constant 0 : i32
      %sign3A_2228 = arith.cmpi slt, %jit3A_2215, %sign3A_2227 : i32
      %sign3A_2229 = arith.extui %sign3A_2228 : i1 to i32
      %sign3A_2230 = arith.subi %sign3A_2226, %sign3A_2229 : i32
      %ne3A_2231 = arith.cmpi ne, %sign3A_2223, %sign3A_2230 : i32
      %rem3A_2232 = arith.remsi %add3A_2118, %jit3A_2215 : i32
      %ne3A_2233 = arith.constant 0 : i32
      %ne3A_2234 = arith.cmpi ne, %rem3A_2232, %ne3A_2233 : i32
      %and3A_2235 = arith.andi %ne3A_2231, %ne3A_2234 : i1
      %sub3A_2236 = arith.constant 1 : i32
      %sub3A_2237 = arith.subi %div3A_2216, %sub3A_2236 : i32
      %select_n3A_2238 = arith.select %and3A_2235, %sub3A_2237, %div3A_2216 : i32
      %mul3A_2239 = arith.constant 4 : i32
      %mul3A_2240 = arith.muli %select_n3A_2238, %mul3A_2239 : i32
      %sub3A_2241 = arith.subi %add3A_2118, %mul3A_2240 : i32
      %mul3A_2242 = arith.constant 512 : i32
      %mul3A_2243 = arith.muli %add3A, %mul3A_2242 : i32
      %mul3A_2244 = arith.constant 128 : i32
      %mul3A_2245 = arith.muli %sub3A_2241, %mul3A_2244 : i32
      %add3A_2246 = arith.addi %mul3A_2243, %mul3A_2245 : i32
      %dma_start3A_2247 = arith.constant 0 : i32
      %dma_start3A_2248 = tpu.memref_slice %arg5[%select_n3A_2238, %dma_start3A_2247, %add3A_2246] : memref<26x32x16384xf32, #tpu.memory_space<hbm>> -> memref<1x32x128xf32, #tpu.memory_space<hbm>>
      %dma_start3A_2249 = tpu.memref_squeeze %dma_start3A_2248 : memref<1x32x128xf32, #tpu.memory_space<hbm>> -> memref<32x128xf32, #tpu.memory_space<hbm>>
      %dma_start3A_2250 = arith.constant 0 : i32
      %dma_start3A_2251 = tpu.memref_slice %arg5[%select_n3A_2238, %dma_start3A_2250, %add3A_2246] : memref<26x32x16384xf32, #tpu.memory_space<hbm>> -> memref<1x32x128xf32, #tpu.memory_space<hbm>>
      %dma_start3A_2252 = tpu.memref_squeeze %dma_start3A_2251 : memref<1x32x128xf32, #tpu.memory_space<hbm>> -> memref<32x128xf32, #tpu.memory_space<hbm>>
      tpu.enqueue_dma source(%arg13 : memref<32x128xf32, #tpu.memory_space<vmem>>) target(%dma_start3A_2252 : memref<32x128xf32, #tpu.memory_space<hbm>>) target_semaphore(%arg20 : memref<!tpu.dma_semaphore, #tpu.memory_space<semaphore_mem>>)
      %add3A_2253 = arith.constant 2 : i32
      %add3A_2254 = arith.addi %mul3A_1983, %add3A_2253 : i32
      %add3A_2255 = arith.constant 3 : i32
      %add3A_2256 = arith.addi %add3A_2254, %add3A_2255 : i32
      %dma_start3A_2257 = arith.constant 0 : i32
      %dma_start3A_2258 = tpu.memref_slice %arg7[%add3A_2256, %dma_start3A_2257] : memref<104x128xi32, #tpu.memory_space<vmem>> -> memref<1x128xi32, #tpu.memory_space<vmem>>
      %dma_start3A_2259 = tpu.memref_squeeze %dma_start3A_2258 : memref<1x128xi32, #tpu.memory_space<vmem>> -> memref<128xi32, #tpu.memory_space<vmem>>
      %dma_start3A_2260 = arith.constant 0 : i32
      %dma_start3A_2261 = arith.constant 0 : i32
      %dma_start3A_2262 = tpu.memref_slice %arg4[%dma_start3A_2260, %dma_start3A_2261] : memref<250000x128xf32, #tpu.memory_space<hbm>> -> memref<250000x128xf32, #tpu.memory_space<hbm>>
      tpu.enqueue_indirect_dma source(%dma_start3A_2262 : memref<250000x128xf32, #tpu.memory_space<hbm>>) target(%arg9 : memref<128x128xf32, #tpu.memory_space<vmem>>) offsets(%dma_start3A_2259 : memref<128xi32, #tpu.memory_space<vmem>>) semaphore(%arg16 : memref<!tpu.dma_semaphore, #tpu.memory_space<semaphore_mem>>)
      %dma_wait3A_2263 = arith.constant 0 : i32
      %dma_wait3A_2264 = arith.constant 0 : i32
      %dma_wait3A_2265 = arith.constant 0 : i32
      %dma_wait3A_2266 = tpu.memref_slice %arg5[%dma_wait3A_2263, %dma_wait3A_2264, %dma_wait3A_2265] : memref<26x32x16384xf32, #tpu.memory_space<hbm>> -> memref<1x32x128xf32, #tpu.memory_space<hbm>>
      %dma_wait3A_2267 = tpu.memref_squeeze %dma_wait3A_2266 : memref<1x32x128xf32, #tpu.memory_space<hbm>> -> memref<32x128xf32, #tpu.memory_space<hbm>>
      %dma_wait3A_2268 = arith.constant 0 : i32
      %dma_wait3A_2269 = arith.constant 0 : i32
      %dma_wait3A_2270 = tpu.memref_slice %arg5[%dma_wait3A_2263, %dma_wait3A_2268, %dma_wait3A_2269] : memref<26x32x16384xf32, #tpu.memory_space<hbm>> -> memref<1x32x128xf32, #tpu.memory_space<hbm>>
      %dma_wait3A_2271 = tpu.memref_squeeze %dma_wait3A_2270 : memref<1x32x128xf32, #tpu.memory_space<hbm>> -> memref<32x128xf32, #tpu.memory_space<hbm>>
      tpu.wait_dma2 semaphore(%arg19 : memref<!tpu.dma_semaphore, #tpu.memory_space<semaphore_mem>>) src(%arg12 : memref<32x128xf32, #tpu.memory_space<vmem>>) dst(%dma_wait3A_2271 : memref<32x128xf32, #tpu.memory_space<hbm>>)
      %dma_wait3A_2272 = arith.constant 0 : i32
      %dma_wait3A_2273 = tpu.memref_slice %arg7[%add3A_2254, %dma_wait3A_2272] : memref<104x128xi32, #tpu.memory_space<vmem>> -> memref<1x128xi32, #tpu.memory_space<vmem>>
      %dma_wait3A_2274 = tpu.memref_squeeze %dma_wait3A_2273 : memref<1x128xi32, #tpu.memory_space<vmem>> -> memref<128xi32, #tpu.memory_space<vmem>>
      %dma_wait3A_2275 = arith.constant 0 : i32
      %dma_wait3A_2276 = arith.constant 0 : i32
      %dma_wait3A_2277 = tpu.memref_slice %arg4[%dma_wait3A_2275, %dma_wait3A_2276] : memref<250000x128xf32, #tpu.memory_space<hbm>> -> memref<250000x128xf32, #tpu.memory_space<hbm>>
      tpu.wait_indirect_dma semaphore(%arg17 : memref<!tpu.dma_semaphore, #tpu.memory_space<semaphore_mem>>) src(%dma_wait3A_2277 : memref<250000x128xf32, #tpu.memory_space<hbm>>) dst(%arg10 : memref<128x128xf32, #tpu.memory_space<vmem>>)
      %get3A_2278 = arith.index_cast %add3A_2254 : i32 to index
      %get3A_2279 = arith.constant 0 : index
      %get3A_2280 = tpu.vector_load %arg6[%get3A_2278, %get3A_2279] {strides = array<i32>} : memref<104x128xi32, #tpu.memory_space<vmem>>, vector<16xi32>,
      %and3A_2281 = arith.constant 3 : i32
      %and3A_2282 = vector.broadcast %and3A_2281 : i32 to vector<16xi32>
      %and3A_2283 = arith.andi %get3A_2280, %and3A_2282 : vector<16xi32>
      %shift_left3A_2284 = arith.constant 5 : i32
      %shift_left3A_2285 = vector.broadcast %shift_left3A_2284 : i32 to vector<16xi32>
      %shift_left3A_2286 = arith.shli %and3A_2283, %shift_left3A_2285 : vector<16xi32>
      %get3A_2287 = arith.index_cast %add3A_2254 : i32 to index
      %get3A_2288 = arith.constant 16 : index
      %get3A_2289 = tpu.vector_load %arg6[%get3A_2287, %get3A_2288] {strides = array<i32>} : memref<104x128xi32, #tpu.memory_space<vmem>>, vector<16xi32>,
      %and3A_2290 = arith.constant 3 : i32
      %and3A_2291 = vector.broadcast %and3A_2290 : i32 to vector<16xi32>
      %and3A_2292 = arith.andi %get3A_2289, %and3A_2291 : vector<16xi32>
      %shift_left3A_2293 = arith.constant 5 : i32
      %shift_left3A_2294 = vector.broadcast %shift_left3A_2293 : i32 to vector<16xi32>
      %shift_left3A_2295 = arith.shli %and3A_2292, %shift_left3A_2294 : vector<16xi32>
      %get3A_2296 = arith.index_cast %add3A_2254 : i32 to index
      %get3A_2297 = arith.constant 32 : index
      %get3A_2298 = tpu.vector_load %arg6[%get3A_2296, %get3A_2297] {strides = array<i32>} : memref<104x128xi32, #tpu.memory_space<vmem>>, vector<16xi32>,
      %and3A_2299 = arith.constant 3 : i32
      %and3A_2300 = vector.broadcast %and3A_2299 : i32 to vector<16xi32>
      %and3A_2301 = arith.andi %get3A_2298, %and3A_2300 : vector<16xi32>
      %shift_left3A_2302 = arith.constant 5 : i32
      %shift_left3A_2303 = vector.broadcast %shift_left3A_2302 : i32 to vector<16xi32>
      %shift_left3A_2304 = arith.shli %and3A_2301, %shift_left3A_2303 : vector<16xi32>
      %get3A_2305 = arith.index_cast %add3A_2254 : i32 to index
      %get3A_2306 = arith.constant 48 : index
      %get3A_2307 = tpu.vector_load %arg6[%get3A_2305, %get3A_2306] {strides = array<i32>} : memref<104x128xi32, #tpu.memory_space<vmem>>, vector<16xi32>,
      %and3A_2308 = arith.constant 3 : i32
      %and3A_2309 = vector.broadcast %and3A_2308 : i32 to vector<16xi32>
      %and3A_2310 = arith.andi %get3A_2307, %and3A_2309 : vector<16xi32>
      %shift_left3A_2311 = arith.constant 5 : i32
      %shift_left3A_2312 = vector.broadcast %shift_left3A_2311 : i32 to vector<16xi32>
      %shift_left3A_2313 = arith.shli %and3A_2310, %shift_left3A_2312 : vector<16xi32>
      %get3A_2314 = arith.index_cast %add3A_2254 : i32 to index
      %get3A_2315 = arith.constant 64 : index
      %get3A_2316 = tpu.vector_load %arg6[%get3A_2314, %get3A_2315] {strides = array<i32>} : memref<104x128xi32, #tpu.memory_space<vmem>>, vector<16xi32>,
      %and3A_2317 = arith.constant 3 : i32
      %and3A_2318 = vector.broadcast %and3A_2317 : i32 to vector<16xi32>
      %and3A_2319 = arith.andi %get3A_2316, %and3A_2318 : vector<16xi32>
      %shift_left3A_2320 = arith.constant 5 : i32
      %shift_left3A_2321 = vector.broadcast %shift_left3A_2320 : i32 to vector<16xi32>
      %shift_left3A_2322 = arith.shli %and3A_2319, %shift_left3A_2321 : vector<16xi32>
      %get3A_2323 = arith.index_cast %add3A_2254 : i32 to index
      %get3A_2324 = arith.constant 80 : index
      %get3A_2325 = tpu.vector_load %arg6[%get3A_2323, %get3A_2324] {strides = array<i32>} : memref<104x128xi32, #tpu.memory_space<vmem>>, vector<16xi32>,
      %and3A_2326 = arith.constant 3 : i32
      %and3A_2327 = vector.broadcast %and3A_2326 : i32 to vector<16xi32>
      %and3A_2328 = arith.andi %get3A_2325, %and3A_2327 : vector<16xi32>
      %shift_left3A_2329 = arith.constant 5 : i32
      %shift_left3A_2330 = vector.broadcast %shift_left3A_2329 : i32 to vector<16xi32>
      %shift_left3A_2331 = arith.shli %and3A_2328, %shift_left3A_2330 : vector<16xi32>
      %get3A_2332 = arith.index_cast %add3A_2254 : i32 to index
      %get3A_2333 = arith.constant 96 : index
      %get3A_2334 = tpu.vector_load %arg6[%get3A_2332, %get3A_2333] {strides = array<i32>} : memref<104x128xi32, #tpu.memory_space<vmem>>, vector<16xi32>,
      %and3A_2335 = arith.constant 3 : i32
      %and3A_2336 = vector.broadcast %and3A_2335 : i32 to vector<16xi32>
      %and3A_2337 = arith.andi %get3A_2334, %and3A_2336 : vector<16xi32>
      %shift_left3A_2338 = arith.constant 5 : i32
      %shift_left3A_2339 = vector.broadcast %shift_left3A_2338 : i32 to vector<16xi32>
      %shift_left3A_2340 = arith.shli %and3A_2337, %shift_left3A_2339 : vector<16xi32>
      %get3A_2341 = arith.index_cast %add3A_2254 : i32 to index
      %get3A_2342 = arith.constant 112 : index
      %get3A_2343 = tpu.vector_load %arg6[%get3A_2341, %get3A_2342] {strides = array<i32>} : memref<104x128xi32, #tpu.memory_space<vmem>>, vector<16xi32>,
      %and3A_2344 = arith.constant 3 : i32
      %and3A_2345 = vector.broadcast %and3A_2344 : i32 to vector<16xi32>
      %and3A_2346 = arith.andi %get3A_2343, %and3A_2345 : vector<16xi32>
      %shift_left3A_2347 = arith.constant 5 : i32
      %shift_left3A_2348 = vector.broadcast %shift_left3A_2347 : i32 to vector<16xi32>
      %shift_left3A_2349 = arith.shli %and3A_2346, %shift_left3A_2348 : vector<16xi32>
      %scan3A_2350 = arith.constant 0 : i32
      %scan3A_2351 = arith.constant 16 : i32
      %scan3A_2352 = arith.addi %scan3A_2350, %scan3A_2351 : i32
      %scan3A_2353 = arith.constant 1 : i32
      scf.for %scan3A_2533 = %scan3A_2350 to %scan3A_2352 step %scan3A_2353  : i32 {
        %add3A_2534 = vector.broadcast %scan3A_2533 : i32 to vector<16xi32>
        %add3A_2535 = arith.addi %iota3A, %add3A_2534 : vector<16xi32>
        %and3A_2536 = arith.constant 15 : i32
        %and3A_2537 = vector.broadcast %and3A_2536 : i32 to vector<16xi32>
        %and3A_2538 = arith.andi %add3A_2535, %and3A_2537 : vector<16xi32>
        %add3A_2539 = arith.constant 0 : i32
        %add3A_2540 = vector.broadcast %add3A_2539 : i32 to vector<16xi32>
        %add3A_2541 = arith.addi %add3A_2540, %and3A_2538 : vector<16xi32>
        %add3A_2542 = arith.addi %shift_left3A_2286, %add3A_2541 : vector<16xi32>
        %gather3A = tpu.vector_load_idx %arg10[%add3A_1355, %add3A_2542] : memref<128x128xf32, #tpu.memory_space<vmem>>[vector<16xi32>, vector<16xi32>], vector<16xf32>,
        tpu.vector_store_idx %arg12[%add3A_2541, %add3A_1355], %gather3A : memref<32x128xf32, #tpu.memory_space<vmem>>[vector<16xi32>, vector<16xi32>], vector<16xf32>,
        %add3A_2543 = arith.constant 16 : i32
        %add3A_2544 = vector.broadcast %add3A_2543 : i32 to vector<16xi32>
        %add3A_2545 = arith.addi %add3A_2544, %and3A_2538 : vector<16xi32>
        %add3A_2546 = arith.addi %shift_left3A_2286, %add3A_2545 : vector<16xi32>
        %gather3A_2547 = tpu.vector_load_idx %arg10[%add3A_1355, %add3A_2546] : memref<128x128xf32, #tpu.memory_space<vmem>>[vector<16xi32>, vector<16xi32>], vector<16xf32>,
        tpu.vector_store_idx %arg12[%add3A_2545, %add3A_1355], %gather3A_2547 : memref<32x128xf32, #tpu.memory_space<vmem>>[vector<16xi32>, vector<16xi32>], vector<16xf32>,
        %add3A_2548 = arith.constant 0 : i32
        %add3A_2549 = vector.broadcast %add3A_2548 : i32 to vector<16xi32>
        %add3A_2550 = arith.addi %add3A_2549, %and3A_2538 : vector<16xi32>
        %add3A_2551 = arith.addi %shift_left3A_2295, %add3A_2550 : vector<16xi32>
        %gather3A_2552 = tpu.vector_load_idx %arg10[%add3A_1358, %add3A_2551] : memref<128x128xf32, #tpu.memory_space<vmem>>[vector<16xi32>, vector<16xi32>], vector<16xf32>,
        tpu.vector_store_idx %arg12[%add3A_2550, %add3A_1358], %gather3A_2552 : memref<32x128xf32, #tpu.memory_space<vmem>>[vector<16xi32>, vector<16xi32>], vector<16xf32>,
        %add3A_2553 = arith.constant 16 : i32
        %add3A_2554 = vector.broadcast %add3A_2553 : i32 to vector<16xi32>
        %add3A_2555 = arith.addi %add3A_2554, %and3A_2538 : vector<16xi32>
        %add3A_2556 = arith.addi %shift_left3A_2295, %add3A_2555 : vector<16xi32>
        %gather3A_2557 = tpu.vector_load_idx %arg10[%add3A_1358, %add3A_2556] : memref<128x128xf32, #tpu.memory_space<vmem>>[vector<16xi32>, vector<16xi32>], vector<16xf32>,
        tpu.vector_store_idx %arg12[%add3A_2555, %add3A_1358], %gather3A_2557 : memref<32x128xf32, #tpu.memory_space<vmem>>[vector<16xi32>, vector<16xi32>], vector<16xf32>,
        %add3A_2558 = arith.constant 0 : i32
        %add3A_2559 = vector.broadcast %add3A_2558 : i32 to vector<16xi32>
        %add3A_2560 = arith.addi %add3A_2559, %and3A_2538 : vector<16xi32>
        %add3A_2561 = arith.addi %shift_left3A_2304, %add3A_2560 : vector<16xi32>
        %gather3A_2562 = tpu.vector_load_idx %arg10[%add3A_1361, %add3A_2561] : memref<128x128xf32, #tpu.memory_space<vmem>>[vector<16xi32>, vector<16xi32>], vector<16xf32>,
        tpu.vector_store_idx %arg12[%add3A_2560, %add3A_1361], %gather3A_2562 : memref<32x128xf32, #tpu.memory_space<vmem>>[vector<16xi32>, vector<16xi32>], vector<16xf32>,
        %add3A_2563 = arith.constant 16 : i32
        %add3A_2564 = vector.broadcast %add3A_2563 : i32 to vector<16xi32>
        %add3A_2565 = arith.addi %add3A_2564, %and3A_2538 : vector<16xi32>
        %add3A_2566 = arith.addi %shift_left3A_2304, %add3A_2565 : vector<16xi32>
        %gather3A_2567 = tpu.vector_load_idx %arg10[%add3A_1361, %add3A_2566] : memref<128x128xf32, #tpu.memory_space<vmem>>[vector<16xi32>, vector<16xi32>], vector<16xf32>,
        tpu.vector_store_idx %arg12[%add3A_2565, %add3A_1361], %gather3A_2567 : memref<32x128xf32, #tpu.memory_space<vmem>>[vector<16xi32>, vector<16xi32>], vector<16xf32>,
        %add3A_2568 = arith.constant 0 : i32
        %add3A_2569 = vector.broadcast %add3A_2568 : i32 to vector<16xi32>
        %add3A_2570 = arith.addi %add3A_2569, %and3A_2538 : vector<16xi32>
        %add3A_2571 = arith.addi %shift_left3A_2313, %add3A_2570 : vector<16xi32>
        %gather3A_2572 = tpu.vector_load_idx %arg10[%add3A_1364, %add3A_2571] : memref<128x128xf32, #tpu.memory_space<vmem>>[vector<16xi32>, vector<16xi32>], vector<16xf32>,
        tpu.vector_store_idx %arg12[%add3A_2570, %add3A_1364], %gather3A_2572 : memref<32x128xf32, #tpu.memory_space<vmem>>[vector<16xi32>, vector<16xi32>], vector<16xf32>,
        %add3A_2573 = arith.constant 16 : i32
        %add3A_2574 = vector.broadcast %add3A_2573 : i32 to vector<16xi32>
        %add3A_2575 = arith.addi %add3A_2574, %and3A_2538 : vector<16xi32>
        %add3A_2576 = arith.addi %shift_left3A_2313, %add3A_2575 : vector<16xi32>
        %gather3A_2577 = tpu.vector_load_idx %arg10[%add3A_1364, %add3A_2576] : memref<128x128xf32, #tpu.memory_space<vmem>>[vector<16xi32>, vector<16xi32>], vector<16xf32>,
        tpu.vector_store_idx %arg12[%add3A_2575, %add3A_1364], %gather3A_2577 : memref<32x128xf32, #tpu.memory_space<vmem>>[vector<16xi32>, vector<16xi32>], vector<16xf32>,
        %add3A_2578 = arith.constant 0 : i32
        %add3A_2579 = vector.broadcast %add3A_2578 : i32 to vector<16xi32>
        %add3A_2580 = arith.addi %add3A_2579, %and3A_2538 : vector<16xi32>
        %add3A_2581 = arith.addi %shift_left3A_2322, %add3A_2580 : vector<16xi32>
        %gather3A_2582 = tpu.vector_load_idx %arg10[%add3A_1367, %add3A_2581] : memref<128x128xf32, #tpu.memory_space<vmem>>[vector<16xi32>, vector<16xi32>], vector<16xf32>,
        tpu.vector_store_idx %arg12[%add3A_2580, %add3A_1367], %gather3A_2582 : memref<32x128xf32, #tpu.memory_space<vmem>>[vector<16xi32>, vector<16xi32>], vector<16xf32>,
        %add3A_2583 = arith.constant 16 : i32
        %add3A_2584 = vector.broadcast %add3A_2583 : i32 to vector<16xi32>
        %add3A_2585 = arith.addi %add3A_2584, %and3A_2538 : vector<16xi32>
        %add3A_2586 = arith.addi %shift_left3A_2322, %add3A_2585 : vector<16xi32>
        %gather3A_2587 = tpu.vector_load_idx %arg10[%add3A_1367, %add3A_2586] : memref<128x128xf32, #tpu.memory_space<vmem>>[vector<16xi32>, vector<16xi32>], vector<16xf32>,
        tpu.vector_store_idx %arg12[%add3A_2585, %add3A_1367], %gather3A_2587 : memref<32x128xf32, #tpu.memory_space<vmem>>[vector<16xi32>, vector<16xi32>], vector<16xf32>,
        %add3A_2588 = arith.constant 0 : i32
        %add3A_2589 = vector.broadcast %add3A_2588 : i32 to vector<16xi32>
        %add3A_2590 = arith.addi %add3A_2589, %and3A_2538 : vector<16xi32>
        %add3A_2591 = arith.addi %shift_left3A_2331, %add3A_2590 : vector<16xi32>
        %gather3A_2592 = tpu.vector_load_idx %arg10[%add3A_1370, %add3A_2591] : memref<128x128xf32, #tpu.memory_space<vmem>>[vector<16xi32>, vector<16xi32>], vector<16xf32>,
        tpu.vector_store_idx %arg12[%add3A_2590, %add3A_1370], %gather3A_2592 : memref<32x128xf32, #tpu.memory_space<vmem>>[vector<16xi32>, vector<16xi32>], vector<16xf32>,
        %add3A_2593 = arith.constant 16 : i32
        %add3A_2594 = vector.broadcast %add3A_2593 : i32 to vector<16xi32>
        %add3A_2595 = arith.addi %add3A_2594, %and3A_2538 : vector<16xi32>
        %add3A_2596 = arith.addi %shift_left3A_2331, %add3A_2595 : vector<16xi32>
        %gather3A_2597 = tpu.vector_load_idx %arg10[%add3A_1370, %add3A_2596] : memref<128x128xf32, #tpu.memory_space<vmem>>[vector<16xi32>, vector<16xi32>], vector<16xf32>,
        tpu.vector_store_idx %arg12[%add3A_2595, %add3A_1370], %gather3A_2597 : memref<32x128xf32, #tpu.memory_space<vmem>>[vector<16xi32>, vector<16xi32>], vector<16xf32>,
        %add3A_2598 = arith.constant 0 : i32
        %add3A_2599 = vector.broadcast %add3A_2598 : i32 to vector<16xi32>
        %add3A_2600 = arith.addi %add3A_2599, %and3A_2538 : vector<16xi32>
        %add3A_2601 = arith.addi %shift_left3A_2340, %add3A_2600 : vector<16xi32>
        %gather3A_2602 = tpu.vector_load_idx %arg10[%add3A_1373, %add3A_2601] : memref<128x128xf32, #tpu.memory_space<vmem>>[vector<16xi32>, vector<16xi32>], vector<16xf32>,
        tpu.vector_store_idx %arg12[%add3A_2600, %add3A_1373], %gather3A_2602 : memref<32x128xf32, #tpu.memory_space<vmem>>[vector<16xi32>, vector<16xi32>], vector<16xf32>,
        %add3A_2603 = arith.constant 16 : i32
        %add3A_2604 = vector.broadcast %add3A_2603 : i32 to vector<16xi32>
        %add3A_2605 = arith.addi %add3A_2604, %and3A_2538 : vector<16xi32>
        %add3A_2606 = arith.addi %shift_left3A_2340, %add3A_2605 : vector<16xi32>
        %gather3A_2607 = tpu.vector_load_idx %arg10[%add3A_1373, %add3A_2606] : memref<128x128xf32, #tpu.memory_space<vmem>>[vector<16xi32>, vector<16xi32>], vector<16xf32>,
        tpu.vector_store_idx %arg12[%add3A_2605, %add3A_1373], %gather3A_2607 : memref<32x128xf32, #tpu.memory_space<vmem>>[vector<16xi32>, vector<16xi32>], vector<16xf32>,
        %add3A_2608 = arith.constant 0 : i32
        %add3A_2609 = vector.broadcast %add3A_2608 : i32 to vector<16xi32>
        %add3A_2610 = arith.addi %add3A_2609, %and3A_2538 : vector<16xi32>
        %add3A_2611 = arith.addi %shift_left3A_2349, %add3A_2610 : vector<16xi32>
        %gather3A_2612 = tpu.vector_load_idx %arg10[%add3A_1376, %add3A_2611] : memref<128x128xf32, #tpu.memory_space<vmem>>[vector<16xi32>, vector<16xi32>], vector<16xf32>,
        tpu.vector_store_idx %arg12[%add3A_2610, %add3A_1376], %gather3A_2612 : memref<32x128xf32, #tpu.memory_space<vmem>>[vector<16xi32>, vector<16xi32>], vector<16xf32>,
        %add3A_2613 = arith.constant 16 : i32
        %add3A_2614 = vector.broadcast %add3A_2613 : i32 to vector<16xi32>
        %add3A_2615 = arith.addi %add3A_2614, %and3A_2538 : vector<16xi32>
        %add3A_2616 = arith.addi %shift_left3A_2349, %add3A_2615 : vector<16xi32>
        %gather3A_2617 = tpu.vector_load_idx %arg10[%add3A_1376, %add3A_2616] : memref<128x128xf32, #tpu.memory_space<vmem>>[vector<16xi32>, vector<16xi32>], vector<16xf32>,
        tpu.vector_store_idx %arg12[%add3A_2615, %add3A_1376], %gather3A_2617 : memref<32x128xf32, #tpu.memory_space<vmem>>[vector<16xi32>, vector<16xi32>], vector<16xf32>,
      }
      %scan3A_2354 = arith.constant 16 : i32
      %jit3A_2355 = arith.constant 4 : i32
      %div3A_2356 = arith.divsi %add3A_2254, %jit3A_2355 : i32
      %sign3A_2357 = arith.constant 0 : i32
      %sign3A_2358 = arith.cmpi sgt, %add3A_2254, %sign3A_2357 : i32
      %sign3A_2359 = arith.extui %sign3A_2358 : i1 to i32
      %sign3A_2360 = arith.constant 0 : i32
      %sign3A_2361 = arith.cmpi slt, %add3A_2254, %sign3A_2360 : i32
      %sign3A_2362 = arith.extui %sign3A_2361 : i1 to i32
      %sign3A_2363 = arith.subi %sign3A_2359, %sign3A_2362 : i32
      %sign3A_2364 = arith.constant 0 : i32
      %sign3A_2365 = arith.cmpi sgt, %jit3A_2355, %sign3A_2364 : i32
      %sign3A_2366 = arith.extui %sign3A_2365 : i1 to i32
      %sign3A_2367 = arith.constant 0 : i32
      %sign3A_2368 = arith.cmpi slt, %jit3A_2355, %sign3A_2367 : i32
      %sign3A_2369 = arith.extui %sign3A_2368 : i1 to i32
      %sign3A_2370 = arith.subi %sign3A_2366, %sign3A_2369 : i32
      %ne3A_2371 = arith.cmpi ne, %sign3A_2363, %sign3A_2370 : i32
      %rem3A_2372 = arith.remsi %add3A_2254, %jit3A_2355 : i32
      %ne3A_2373 = arith.constant 0 : i32
      %ne3A_2374 = arith.cmpi ne, %rem3A_2372, %ne3A_2373 : i32
      %and3A_2375 = arith.andi %ne3A_2371, %ne3A_2374 : i1
      %sub3A_2376 = arith.constant 1 : i32
      %sub3A_2377 = arith.subi %div3A_2356, %sub3A_2376 : i32
      %select_n3A_2378 = arith.select %and3A_2375, %sub3A_2377, %div3A_2356 : i32
      %mul3A_2379 = arith.constant 4 : i32
      %mul3A_2380 = arith.muli %select_n3A_2378, %mul3A_2379 : i32
      %sub3A_2381 = arith.subi %add3A_2254, %mul3A_2380 : i32
      %mul3A_2382 = arith.constant 512 : i32
      %mul3A_2383 = arith.muli %add3A, %mul3A_2382 : i32
      %mul3A_2384 = arith.constant 128 : i32
      %mul3A_2385 = arith.muli %sub3A_2381, %mul3A_2384 : i32
      %add3A_2386 = arith.addi %mul3A_2383, %mul3A_2385 : i32
      %dma_start3A_2387 = arith.constant 0 : i32
      %dma_start3A_2388 = tpu.memref_slice %arg5[%select_n3A_2378, %dma_start3A_2387, %add3A_2386] : memref<26x32x16384xf32, #tpu.memory_space<hbm>> -> memref<1x32x128xf32, #tpu.memory_space<hbm>>
      %dma_start3A_2389 = tpu.memref_squeeze %dma_start3A_2388 : memref<1x32x128xf32, #tpu.memory_space<hbm>> -> memref<32x128xf32, #tpu.memory_space<hbm>>
      %dma_start3A_2390 = arith.constant 0 : i32
      %dma_start3A_2391 = tpu.memref_slice %arg5[%select_n3A_2378, %dma_start3A_2390, %add3A_2386] : memref<26x32x16384xf32, #tpu.memory_space<hbm>> -> memref<1x32x128xf32, #tpu.memory_space<hbm>>
      %dma_start3A_2392 = tpu.memref_squeeze %dma_start3A_2391 : memref<1x32x128xf32, #tpu.memory_space<hbm>> -> memref<32x128xf32, #tpu.memory_space<hbm>>
      tpu.enqueue_dma source(%arg12 : memref<32x128xf32, #tpu.memory_space<vmem>>) target(%dma_start3A_2392 : memref<32x128xf32, #tpu.memory_space<hbm>>) target_semaphore(%arg19 : memref<!tpu.dma_semaphore, #tpu.memory_space<semaphore_mem>>)
      %add3A_2393 = arith.constant 3 : i32
      %add3A_2394 = arith.addi %mul3A_1983, %add3A_2393 : i32
      %add3A_2395 = arith.constant 3 : i32
      %add3A_2396 = arith.addi %add3A_2394, %add3A_2395 : i32
      %dma_start3A_2397 = arith.constant 0 : i32
      %dma_start3A_2398 = tpu.memref_slice %arg7[%add3A_2396, %dma_start3A_2397] : memref<104x128xi32, #tpu.memory_space<vmem>> -> memref<1x128xi32, #tpu.memory_space<vmem>>
      %dma_start3A_2399 = tpu.memref_squeeze %dma_start3A_2398 : memref<1x128xi32, #tpu.memory_space<vmem>> -> memref<128xi32, #tpu.memory_space<vmem>>
      %dma_start3A_2400 = arith.constant 0 : i32
      %dma_start3A_2401 = arith.constant 0 : i32
      %dma_start3A_2402 = tpu.memref_slice %arg4[%dma_start3A_2400, %dma_start3A_2401] : memref<250000x128xf32, #tpu.memory_space<hbm>> -> memref<250000x128xf32, #tpu.memory_space<hbm>>
      tpu.enqueue_indirect_dma source(%dma_start3A_2402 : memref<250000x128xf32, #tpu.memory_space<hbm>>) target(%arg10 : memref<128x128xf32, #tpu.memory_space<vmem>>) offsets(%dma_start3A_2399 : memref<128xi32, #tpu.memory_space<vmem>>) semaphore(%arg17 : memref<!tpu.dma_semaphore, #tpu.memory_space<semaphore_mem>>)
      %dma_wait3A_2403 = arith.constant 0 : i32
      %dma_wait3A_2404 = arith.constant 0 : i32
      %dma_wait3A_2405 = arith.constant 128 : i32
      %dma_wait3A_2406 = tpu.memref_slice %arg5[%dma_wait3A_2403, %dma_wait3A_2404, %dma_wait3A_2405] : memref<26x32x16384xf32, #tpu.memory_space<hbm>> -> memref<1x32x128xf32, #tpu.memory_space<hbm>>
      %dma_wait3A_2407 = tpu.memref_squeeze %dma_wait3A_2406 : memref<1x32x128xf32, #tpu.memory_space<hbm>> -> memref<32x128xf32, #tpu.memory_space<hbm>>
      %dma_wait3A_2408 = arith.constant 0 : i32
      %dma_wait3A_2409 = arith.constant 128 : i32
      %dma_wait3A_2410 = tpu.memref_slice %arg5[%dma_wait3A_2403, %dma_wait3A_2408, %dma_wait3A_2409] : memref<26x32x16384xf32, #tpu.memory_space<hbm>> -> memref<1x32x128xf32, #tpu.memory_space<hbm>>
      %dma_wait3A_2411 = tpu.memref_squeeze %dma_wait3A_2410 : memref<1x32x128xf32, #tpu.memory_space<hbm>> -> memref<32x128xf32, #tpu.memory_space<hbm>>
      tpu.wait_dma2 semaphore(%arg20 : memref<!tpu.dma_semaphore, #tpu.memory_space<semaphore_mem>>) src(%arg13 : memref<32x128xf32, #tpu.memory_space<vmem>>) dst(%dma_wait3A_2411 : memref<32x128xf32, #tpu.memory_space<hbm>>)
      %dma_wait3A_2412 = arith.constant 0 : i32
      %dma_wait3A_2413 = tpu.memref_slice %arg7[%add3A_2394, %dma_wait3A_2412] : memref<104x128xi32, #tpu.memory_space<vmem>> -> memref<1x128xi32, #tpu.memory_space<vmem>>
      %dma_wait3A_2414 = tpu.memref_squeeze %dma_wait3A_2413 : memref<1x128xi32, #tpu.memory_space<vmem>> -> memref<128xi32, #tpu.memory_space<vmem>>
      %dma_wait3A_2415 = arith.constant 0 : i32
      %dma_wait3A_2416 = arith.constant 0 : i32
      %dma_wait3A_2417 = tpu.memref_slice %arg4[%dma_wait3A_2415, %dma_wait3A_2416] : memref<250000x128xf32, #tpu.memory_space<hbm>> -> memref<250000x128xf32, #tpu.memory_space<hbm>>
      tpu.wait_indirect_dma semaphore(%arg18 : memref<!tpu.dma_semaphore, #tpu.memory_space<semaphore_mem>>) src(%dma_wait3A_2417 : memref<250000x128xf32, #tpu.memory_space<hbm>>) dst(%arg11 : memref<128x128xf32, #tpu.memory_space<vmem>>)
      %get3A_2418 = arith.index_cast %add3A_2394 : i32 to index
      %get3A_2419 = arith.constant 0 : index
      %get3A_2420 = tpu.vector_load %arg6[%get3A_2418, %get3A_2419] {strides = array<i32>} : memref<104x128xi32, #tpu.memory_space<vmem>>, vector<16xi32>,
      %and3A_2421 = arith.constant 3 : i32
      %and3A_2422 = vector.broadcast %and3A_2421 : i32 to vector<16xi32>
      %and3A_2423 = arith.andi %get3A_2420, %and3A_2422 : vector<16xi32>
      %shift_left3A_2424 = arith.constant 5 : i32
      %shift_left3A_2425 = vector.broadcast %shift_left3A_2424 : i32 to vector<16xi32>
      %shift_left3A_2426 = arith.shli %and3A_2423, %shift_left3A_2425 : vector<16xi32>
      %get3A_2427 = arith.index_cast %add3A_2394 : i32 to index
      %get3A_2428 = arith.constant 16 : index
      %get3A_2429 = tpu.vector_load %arg6[%get3A_2427, %get3A_2428] {strides = array<i32>} : memref<104x128xi32, #tpu.memory_space<vmem>>, vector<16xi32>,
      %and3A_2430 = arith.constant 3 : i32
      %and3A_2431 = vector.broadcast %and3A_2430 : i32 to vector<16xi32>
      %and3A_2432 = arith.andi %get3A_2429, %and3A_2431 : vector<16xi32>
      %shift_left3A_2433 = arith.constant 5 : i32
      %shift_left3A_2434 = vector.broadcast %shift_left3A_2433 : i32 to vector<16xi32>
      %shift_left3A_2435 = arith.shli %and3A_2432, %shift_left3A_2434 : vector<16xi32>
      %get3A_2436 = arith.index_cast %add3A_2394 : i32 to index
      %get3A_2437 = arith.constant 32 : index
      %get3A_2438 = tpu.vector_load %arg6[%get3A_2436, %get3A_2437] {strides = array<i32>} : memref<104x128xi32, #tpu.memory_space<vmem>>, vector<16xi32>,
      %and3A_2439 = arith.constant 3 : i32
      %and3A_2440 = vector.broadcast %and3A_2439 : i32 to vector<16xi32>
      %and3A_2441 = arith.andi %get3A_2438, %and3A_2440 : vector<16xi32>
      %shift_left3A_2442 = arith.constant 5 : i32
      %shift_left3A_2443 = vector.broadcast %shift_left3A_2442 : i32 to vector<16xi32>
      %shift_left3A_2444 = arith.shli %and3A_2441, %shift_left3A_2443 : vector<16xi32>
      %get3A_2445 = arith.index_cast %add3A_2394 : i32 to index
      %get3A_2446 = arith.constant 48 : index
      %get3A_2447 = tpu.vector_load %arg6[%get3A_2445, %get3A_2446] {strides = array<i32>} : memref<104x128xi32, #tpu.memory_space<vmem>>, vector<16xi32>,
      %and3A_2448 = arith.constant 3 : i32
      %and3A_2449 = vector.broadcast %and3A_2448 : i32 to vector<16xi32>
      %and3A_2450 = arith.andi %get3A_2447, %and3A_2449 : vector<16xi32>
      %shift_left3A_2451 = arith.constant 5 : i32
      %shift_left3A_2452 = vector.broadcast %shift_left3A_2451 : i32 to vector<16xi32>
      %shift_left3A_2453 = arith.shli %and3A_2450, %shift_left3A_2452 : vector<16xi32>
      %get3A_2454 = arith.index_cast %add3A_2394 : i32 to index
      %get3A_2455 = arith.constant 64 : index
      %get3A_2456 = tpu.vector_load %arg6[%get3A_2454, %get3A_2455] {strides = array<i32>} : memref<104x128xi32, #tpu.memory_space<vmem>>, vector<16xi32>,
      %and3A_2457 = arith.constant 3 : i32
      %and3A_2458 = vector.broadcast %and3A_2457 : i32 to vector<16xi32>
      %and3A_2459 = arith.andi %get3A_2456, %and3A_2458 : vector<16xi32>
      %shift_left3A_2460 = arith.constant 5 : i32
      %shift_left3A_2461 = vector.broadcast %shift_left3A_2460 : i32 to vector<16xi32>
      %shift_left3A_2462 = arith.shli %and3A_2459, %shift_left3A_2461 : vector<16xi32>
      %get3A_2463 = arith.index_cast %add3A_2394 : i32 to index
      %get3A_2464 = arith.constant 80 : index
      %get3A_2465 = tpu.vector_load %arg6[%get3A_2463, %get3A_2464] {strides = array<i32>} : memref<104x128xi32, #tpu.memory_space<vmem>>, vector<16xi32>,
      %and3A_2466 = arith.constant 3 : i32
      %and3A_2467 = vector.broadcast %and3A_2466 : i32 to vector<16xi32>
      %and3A_2468 = arith.andi %get3A_2465, %and3A_2467 : vector<16xi32>
      %shift_left3A_2469 = arith.constant 5 : i32
      %shift_left3A_2470 = vector.broadcast %shift_left3A_2469 : i32 to vector<16xi32>
      %shift_left3A_2471 = arith.shli %and3A_2468, %shift_left3A_2470 : vector<16xi32>
      %get3A_2472 = arith.index_cast %add3A_2394 : i32 to index
      %get3A_2473 = arith.constant 96 : index
      %get3A_2474 = tpu.vector_load %arg6[%get3A_2472, %get3A_2473] {strides = array<i32>} : memref<104x128xi32, #tpu.memory_space<vmem>>, vector<16xi32>,
      %and3A_2475 = arith.constant 3 : i32
      %and3A_2476 = vector.broadcast %and3A_2475 : i32 to vector<16xi32>
      %and3A_2477 = arith.andi %get3A_2474, %and3A_2476 : vector<16xi32>
      %shift_left3A_2478 = arith.constant 5 : i32
      %shift_left3A_2479 = vector.broadcast %shift_left3A_2478 : i32 to vector<16xi32>
      %shift_left3A_2480 = arith.shli %and3A_2477, %shift_left3A_2479 : vector<16xi32>
      %get3A_2481 = arith.index_cast %add3A_2394 : i32 to index
      %get3A_2482 = arith.constant 112 : index
      %get3A_2483 = tpu.vector_load %arg6[%get3A_2481, %get3A_2482] {strides = array<i32>} : memref<104x128xi32, #tpu.memory_space<vmem>>, vector<16xi32>,
      %and3A_2484 = arith.constant 3 : i32
      %and3A_2485 = vector.broadcast %and3A_2484 : i32 to vector<16xi32>
      %and3A_2486 = arith.andi %get3A_2483, %and3A_2485 : vector<16xi32>
      %shift_left3A_2487 = arith.constant 5 : i32
      %shift_left3A_2488 = vector.broadcast %shift_left3A_2487 : i32 to vector<16xi32>
      %shift_left3A_2489 = arith.shli %and3A_2486, %shift_left3A_2488 : vector<16xi32>
      %scan3A_2490 = arith.constant 0 : i32
      %scan3A_2491 = arith.constant 16 : i32
      %scan3A_2492 = arith.addi %scan3A_2490, %scan3A_2491 : i32
      %scan3A_2493 = arith.constant 1 : i32
      scf.for %scan3A_2533 = %scan3A_2490 to %scan3A_2492 step %scan3A_2493  : i32 {
        %add3A_2534 = vector.broadcast %scan3A_2533 : i32 to vector<16xi32>
        %add3A_2535 = arith.addi %iota3A, %add3A_2534 : vector<16xi32>
        %and3A_2536 = arith.constant 15 : i32
        %and3A_2537 = vector.broadcast %and3A_2536 : i32 to vector<16xi32>
        %and3A_2538 = arith.andi %add3A_2535, %and3A_2537 : vector<16xi32>
        %add3A_2539 = arith.constant 0 : i32
        %add3A_2540 = vector.broadcast %add3A_2539 : i32 to vector<16xi32>
        %add3A_2541 = arith.addi %add3A_2540, %and3A_2538 : vector<16xi32>
        %add3A_2542 = arith.addi %shift_left3A_2426, %add3A_2541 : vector<16xi32>
        %gather3A = tpu.vector_load_idx %arg11[%add3A_1355, %add3A_2542] : memref<128x128xf32, #tpu.memory_space<vmem>>[vector<16xi32>, vector<16xi32>], vector<16xf32>,
        tpu.vector_store_idx %arg13[%add3A_2541, %add3A_1355], %gather3A : memref<32x128xf32, #tpu.memory_space<vmem>>[vector<16xi32>, vector<16xi32>], vector<16xf32>,
        %add3A_2543 = arith.constant 16 : i32
        %add3A_2544 = vector.broadcast %add3A_2543 : i32 to vector<16xi32>
        %add3A_2545 = arith.addi %add3A_2544, %and3A_2538 : vector<16xi32>
        %add3A_2546 = arith.addi %shift_left3A_2426, %add3A_2545 : vector<16xi32>
        %gather3A_2547 = tpu.vector_load_idx %arg11[%add3A_1355, %add3A_2546] : memref<128x128xf32, #tpu.memory_space<vmem>>[vector<16xi32>, vector<16xi32>], vector<16xf32>,
        tpu.vector_store_idx %arg13[%add3A_2545, %add3A_1355], %gather3A_2547 : memref<32x128xf32, #tpu.memory_space<vmem>>[vector<16xi32>, vector<16xi32>], vector<16xf32>,
        %add3A_2548 = arith.constant 0 : i32
        %add3A_2549 = vector.broadcast %add3A_2548 : i32 to vector<16xi32>
        %add3A_2550 = arith.addi %add3A_2549, %and3A_2538 : vector<16xi32>
        %add3A_2551 = arith.addi %shift_left3A_2435, %add3A_2550 : vector<16xi32>
        %gather3A_2552 = tpu.vector_load_idx %arg11[%add3A_1358, %add3A_2551] : memref<128x128xf32, #tpu.memory_space<vmem>>[vector<16xi32>, vector<16xi32>], vector<16xf32>,
        tpu.vector_store_idx %arg13[%add3A_2550, %add3A_1358], %gather3A_2552 : memref<32x128xf32, #tpu.memory_space<vmem>>[vector<16xi32>, vector<16xi32>], vector<16xf32>,
        %add3A_2553 = arith.constant 16 : i32
        %add3A_2554 = vector.broadcast %add3A_2553 : i32 to vector<16xi32>
        %add3A_2555 = arith.addi %add3A_2554, %and3A_2538 : vector<16xi32>
        %add3A_2556 = arith.addi %shift_left3A_2435, %add3A_2555 : vector<16xi32>
        %gather3A_2557 = tpu.vector_load_idx %arg11[%add3A_1358, %add3A_2556] : memref<128x128xf32, #tpu.memory_space<vmem>>[vector<16xi32>, vector<16xi32>], vector<16xf32>,
        tpu.vector_store_idx %arg13[%add3A_2555, %add3A_1358], %gather3A_2557 : memref<32x128xf32, #tpu.memory_space<vmem>>[vector<16xi32>, vector<16xi32>], vector<16xf32>,
        %add3A_2558 = arith.constant 0 : i32
        %add3A_2559 = vector.broadcast %add3A_2558 : i32 to vector<16xi32>
        %add3A_2560 = arith.addi %add3A_2559, %and3A_2538 : vector<16xi32>
        %add3A_2561 = arith.addi %shift_left3A_2444, %add3A_2560 : vector<16xi32>
        %gather3A_2562 = tpu.vector_load_idx %arg11[%add3A_1361, %add3A_2561] : memref<128x128xf32, #tpu.memory_space<vmem>>[vector<16xi32>, vector<16xi32>], vector<16xf32>,
        tpu.vector_store_idx %arg13[%add3A_2560, %add3A_1361], %gather3A_2562 : memref<32x128xf32, #tpu.memory_space<vmem>>[vector<16xi32>, vector<16xi32>], vector<16xf32>,
        %add3A_2563 = arith.constant 16 : i32
        %add3A_2564 = vector.broadcast %add3A_2563 : i32 to vector<16xi32>
        %add3A_2565 = arith.addi %add3A_2564, %and3A_2538 : vector<16xi32>
        %add3A_2566 = arith.addi %shift_left3A_2444, %add3A_2565 : vector<16xi32>
        %gather3A_2567 = tpu.vector_load_idx %arg11[%add3A_1361, %add3A_2566] : memref<128x128xf32, #tpu.memory_space<vmem>>[vector<16xi32>, vector<16xi32>], vector<16xf32>,
        tpu.vector_store_idx %arg13[%add3A_2565, %add3A_1361], %gather3A_2567 : memref<32x128xf32, #tpu.memory_space<vmem>>[vector<16xi32>, vector<16xi32>], vector<16xf32>,
        %add3A_2568 = arith.constant 0 : i32
        %add3A_2569 = vector.broadcast %add3A_2568 : i32 to vector<16xi32>
        %add3A_2570 = arith.addi %add3A_2569, %and3A_2538 : vector<16xi32>
        %add3A_2571 = arith.addi %shift_left3A_2453, %add3A_2570 : vector<16xi32>
        %gather3A_2572 = tpu.vector_load_idx %arg11[%add3A_1364, %add3A_2571] : memref<128x128xf32, #tpu.memory_space<vmem>>[vector<16xi32>, vector<16xi32>], vector<16xf32>,
        tpu.vector_store_idx %arg13[%add3A_2570, %add3A_1364], %gather3A_2572 : memref<32x128xf32, #tpu.memory_space<vmem>>[vector<16xi32>, vector<16xi32>], vector<16xf32>,
        %add3A_2573 = arith.constant 16 : i32
        %add3A_2574 = vector.broadcast %add3A_2573 : i32 to vector<16xi32>
        %add3A_2575 = arith.addi %add3A_2574, %and3A_2538 : vector<16xi32>
        %add3A_2576 = arith.addi %shift_left3A_2453, %add3A_2575 : vector<16xi32>
        %gather3A_2577 = tpu.vector_load_idx %arg11[%add3A_1364, %add3A_2576] : memref<128x128xf32, #tpu.memory_space<vmem>>[vector<16xi32>, vector<16xi32>], vector<16xf32>,
        tpu.vector_store_idx %arg13[%add3A_2575, %add3A_1364], %gather3A_2577 : memref<32x128xf32, #tpu.memory_space<vmem>>[vector<16xi32>, vector<16xi32>], vector<16xf32>,
        %add3A_2578 = arith.constant 0 : i32
        %add3A_2579 = vector.broadcast %add3A_2578 : i32 to vector<16xi32>
        %add3A_2580 = arith.addi %add3A_2579, %and3A_2538 : vector<16xi32>
        %add3A_2581 = arith.addi %shift_left3A_2462, %add3A_2580 : vector<16xi32>
        %gather3A_2582 = tpu.vector_load_idx %arg11[%add3A_1367, %add3A_2581] : memref<128x128xf32, #tpu.memory_space<vmem>>[vector<16xi32>, vector<16xi32>], vector<16xf32>,
        tpu.vector_store_idx %arg13[%add3A_2580, %add3A_1367], %gather3A_2582 : memref<32x128xf32, #tpu.memory_space<vmem>>[vector<16xi32>, vector<16xi32>], vector<16xf32>,
        %add3A_2583 = arith.constant 16 : i32
        %add3A_2584 = vector.broadcast %add3A_2583 : i32 to vector<16xi32>
        %add3A_2585 = arith.addi %add3A_2584, %and3A_2538 : vector<16xi32>
        %add3A_2586 = arith.addi %shift_left3A_2462, %add3A_2585 : vector<16xi32>
        %gather3A_2587 = tpu.vector_load_idx %arg11[%add3A_1367, %add3A_2586] : memref<128x128xf32, #tpu.memory_space<vmem>>[vector<16xi32>, vector<16xi32>], vector<16xf32>,
        tpu.vector_store_idx %arg13[%add3A_2585, %add3A_1367], %gather3A_2587 : memref<32x128xf32, #tpu.memory_space<vmem>>[vector<16xi32>, vector<16xi32>], vector<16xf32>,
        %add3A_2588 = arith.constant 0 : i32
        %add3A_2589 = vector.broadcast %add3A_2588 : i32 to vector<16xi32>
        %add3A_2590 = arith.addi %add3A_2589, %and3A_2538 : vector<16xi32>
        %add3A_2591 = arith.addi %shift_left3A_2471, %add3A_2590 : vector<16xi32>
        %gather3A_2592 = tpu.vector_load_idx %arg11[%add3A_1370, %add3A_2591] : memref<128x128xf32, #tpu.memory_space<vmem>>[vector<16xi32>, vector<16xi32>], vector<16xf32>,
        tpu.vector_store_idx %arg13[%add3A_2590, %add3A_1370], %gather3A_2592 : memref<32x128xf32, #tpu.memory_space<vmem>>[vector<16xi32>, vector<16xi32>], vector<16xf32>,
        %add3A_2593 = arith.constant 16 : i32
        %add3A_2594 = vector.broadcast %add3A_2593 : i32 to vector<16xi32>
        %add3A_2595 = arith.addi %add3A_2594, %and3A_2538 : vector<16xi32>
        %add3A_2596 = arith.addi %shift_left3A_2471, %add3A_2595 : vector<16xi32>
        %gather3A_2597 = tpu.vector_load_idx %arg11[%add3A_1370, %add3A_2596] : memref<128x128xf32, #tpu.memory_space<vmem>>[vector<16xi32>, vector<16xi32>], vector<16xf32>,
        tpu.vector_store_idx %arg13[%add3A_2595, %add3A_1370], %gather3A_2597 : memref<32x128xf32, #tpu.memory_space<vmem>>[vector<16xi32>, vector<16xi32>], vector<16xf32>,
        %add3A_2598 = arith.constant 0 : i32
        %add3A_2599 = vector.broadcast %add3A_2598 : i32 to vector<16xi32>
        %add3A_2600 = arith.addi %add3A_2599, %and3A_2538 : vector<16xi32>
        %add3A_2601 = arith.addi %shift_left3A_2480, %add3A_2600 : vector<16xi32>
        %gather3A_2602 = tpu.vector_load_idx %arg11[%add3A_1373, %add3A_2601] : memref<128x128xf32, #tpu.memory_space<vmem>>[vector<16xi32>, vector<16xi32>], vector<16xf32>,
        tpu.vector_store_idx %arg13[%add3A_2600, %add3A_1373], %gather3A_2602 : memref<32x128xf32, #tpu.memory_space<vmem>>[vector<16xi32>, vector<16xi32>], vector<16xf32>,
        %add3A_2603 = arith.constant 16 : i32
        %add3A_2604 = vector.broadcast %add3A_2603 : i32 to vector<16xi32>
        %add3A_2605 = arith.addi %add3A_2604, %and3A_2538 : vector<16xi32>
        %add3A_2606 = arith.addi %shift_left3A_2480, %add3A_2605 : vector<16xi32>
        %gather3A_2607 = tpu.vector_load_idx %arg11[%add3A_1373, %add3A_2606] : memref<128x128xf32, #tpu.memory_space<vmem>>[vector<16xi32>, vector<16xi32>], vector<16xf32>,
        tpu.vector_store_idx %arg13[%add3A_2605, %add3A_1373], %gather3A_2607 : memref<32x128xf32, #tpu.memory_space<vmem>>[vector<16xi32>, vector<16xi32>], vector<16xf32>,
        %add3A_2608 = arith.constant 0 : i32
        %add3A_2609 = vector.broadcast %add3A_2608 : i32 to vector<16xi32>
        %add3A_2610 = arith.addi %add3A_2609, %and3A_2538 : vector<16xi32>
        %add3A_2611 = arith.addi %shift_left3A_2489, %add3A_2610 : vector<16xi32>
        %gather3A_2612 = tpu.vector_load_idx %arg11[%add3A_1376, %add3A_2611] : memref<128x128xf32, #tpu.memory_space<vmem>>[vector<16xi32>, vector<16xi32>], vector<16xf32>,
        tpu.vector_store_idx %arg13[%add3A_2610, %add3A_1376], %gather3A_2612 : memref<32x128xf32, #tpu.memory_space<vmem>>[vector<16xi32>, vector<16xi32>], vector<16xf32>,
        %add3A_2613 = arith.constant 16 : i32
        %add3A_2614 = vector.broadcast %add3A_2613 : i32 to vector<16xi32>
        %add3A_2615 = arith.addi %add3A_2614, %and3A_2538 : vector<16xi32>
        %add3A_2616 = arith.addi %shift_left3A_2489, %add3A_2615 : vector<16xi32>
        %gather3A_2617 = tpu.vector_load_idx %arg11[%add3A_1376, %add3A_2616] : memref<128x128xf32, #tpu.memory_space<vmem>>[vector<16xi32>, vector<16xi32>], vector<16xf32>,
        tpu.vector_store_idx %arg13[%add3A_2615, %add3A_1376], %gather3A_2617 : memref<32x128xf32, #tpu.memory_space<vmem>>[vector<16xi32>, vector<16xi32>], vector<16xf32>,
      }
      %scan3A_2494 = arith.constant 16 : i32
      %jit3A_2495 = arith.constant 4 : i32
      %div3A_2496 = arith.divsi %add3A_2394, %jit3A_2495 : i32
      %sign3A_2497 = arith.constant 0 : i32
      %sign3A_2498 = arith.cmpi sgt, %add3A_2394, %sign3A_2497 : i32
      %sign3A_2499 = arith.extui %sign3A_2498 : i1 to i32
      %sign3A_2500 = arith.constant 0 : i32
      %sign3A_2501 = arith.cmpi slt, %add3A_2394, %sign3A_2500 : i32
      %sign3A_2502 = arith.extui %sign3A_2501 : i1 to i32
      %sign3A_2503 = arith.subi %sign3A_2499, %sign3A_2502 : i32
      %sign3A_2504 = arith.constant 0 : i32
      %sign3A_2505 = arith.cmpi sgt, %jit3A_2495, %sign3A_2504 : i32
      %sign3A_2506 = arith.extui %sign3A_2505 : i1 to i32
      %sign3A_2507 = arith.constant 0 : i32
      %sign3A_2508 = arith.cmpi slt, %jit3A_2495, %sign3A_2507 : i32
      %sign3A_2509 = arith.extui %sign3A_2508 : i1 to i32
      %sign3A_2510 = arith.subi %sign3A_2506, %sign3A_2509 : i32
      %ne3A_2511 = arith.cmpi ne, %sign3A_2503, %sign3A_2510 : i32
      %rem3A_2512 = arith.remsi %add3A_2394, %jit3A_2495 : i32
      %ne3A_2513 = arith.constant 0 : i32
      %ne3A_2514 = arith.cmpi ne, %rem3A_2512, %ne3A_2513 : i32
      %and3A_2515 = arith.andi %ne3A_2511, %ne3A_2514 : i1
      %sub3A_2516 = arith.constant 1 : i32
      %sub3A_2517 = arith.subi %div3A_2496, %sub3A_2516 : i32
      %select_n3A_2518 = arith.select %and3A_2515, %sub3A_2517, %div3A_2496 : i32
      %mul3A_2519 = arith.constant 4 : i32
      %mul3A_2520 = arith.muli %select_n3A_2518, %mul3A_2519 : i32
      %sub3A_2521 = arith.subi %add3A_2394, %mul3A_2520 : i32
      %mul3A_2522 = arith.constant 512 : i32
      %mul3A_2523 = arith.muli %add3A, %mul3A_2522 : i32
      %mul3A_2524 = arith.constant 128 : i32
      %mul3A_2525 = arith.muli %sub3A_2521, %mul3A_2524 : i32
      %add3A_2526 = arith.addi %mul3A_2523, %mul3A_2525 : i32
      %dma_start3A_2527 = arith.constant 0 : i32
      %dma_start3A_2528 = tpu.memref_slice %arg5[%select_n3A_2518, %dma_start3A_2527, %add3A_2526] : memref<26x32x16384xf32, #tpu.memory_space<hbm>> -> memref<1x32x128xf32, #tpu.memory_space<hbm>>
      %dma_start3A_2529 = tpu.memref_squeeze %dma_start3A_2528 : memref<1x32x128xf32, #tpu.memory_space<hbm>> -> memref<32x128xf32, #tpu.memory_space<hbm>>
      %dma_start3A_2530 = arith.constant 0 : i32
      %dma_start3A_2531 = tpu.memref_slice %arg5[%select_n3A_2518, %dma_start3A_2530, %add3A_2526] : memref<26x32x16384xf32, #tpu.memory_space<hbm>> -> memref<1x32x128xf32, #tpu.memory_space<hbm>>
      %dma_start3A_2532 = tpu.memref_squeeze %dma_start3A_2531 : memref<1x32x128xf32, #tpu.memory_space<hbm>> -> memref<32x128xf32, #tpu.memory_space<hbm>>
      tpu.enqueue_dma source(%arg13 : memref<32x128xf32, #tpu.memory_space<vmem>>) target(%dma_start3A_2532 : memref<32x128xf32, #tpu.memory_space<hbm>>) target_semaphore(%arg20 : memref<!tpu.dma_semaphore, #tpu.memory_space<semaphore_mem>>)
    }
    %scan3A_1401 = arith.constant 25 : i32
    %dma_start3A_1402 = arith.constant 103 : i32
    %dma_start3A_1403 = arith.constant 0 : i32
    %dma_start3A_1404 = tpu.memref_slice %arg7[%dma_start3A_1402, %dma_start3A_1403] : memref<104x128xi32, #tpu.memory_space<vmem>> -> memref<1x128xi32, #tpu.memory_space<vmem>>
    %dma_start3A_1405 = tpu.memref_squeeze %dma_start3A_1404 : memref<1x128xi32, #tpu.memory_space<vmem>> -> memref<128xi32, #tpu.memory_space<vmem>>
    %dma_start3A_1406 = arith.constant 0 : i32
    %dma_start3A_1407 = arith.constant 0 : i32
    %dma_start3A_1408 = tpu.memref_slice %arg4[%dma_start3A_1406, %dma_start3A_1407] : memref<250000x128xf32, #tpu.memory_space<hbm>> -> memref<250000x128xf32, #tpu.memory_space<hbm>>
    tpu.enqueue_indirect_dma source(%dma_start3A_1408 : memref<250000x128xf32, #tpu.memory_space<hbm>>) target(%arg11 : memref<128x128xf32, #tpu.memory_space<vmem>>) offsets(%dma_start3A_1405 : memref<128xi32, #tpu.memory_space<vmem>>) semaphore(%arg18 : memref<!tpu.dma_semaphore, #tpu.memory_space<semaphore_mem>>)
    %dma_wait3A_1409 = arith.constant 0 : i32
    %dma_wait3A_1410 = arith.constant 0 : i32
    %dma_wait3A_1411 = arith.constant 0 : i32
    %dma_wait3A_1412 = tpu.memref_slice %arg5[%dma_wait3A_1409, %dma_wait3A_1410, %dma_wait3A_1411] : memref<26x32x16384xf32, #tpu.memory_space<hbm>> -> memref<1x32x128xf32, #tpu.memory_space<hbm>>
    %dma_wait3A_1413 = tpu.memref_squeeze %dma_wait3A_1412 : memref<1x32x128xf32, #tpu.memory_space<hbm>> -> memref<32x128xf32, #tpu.memory_space<hbm>>
    %dma_wait3A_1414 = arith.constant 0 : i32
    %dma_wait3A_1415 = arith.constant 0 : i32
    %dma_wait3A_1416 = tpu.memref_slice %arg5[%dma_wait3A_1409, %dma_wait3A_1414, %dma_wait3A_1415] : memref<26x32x16384xf32, #tpu.memory_space<hbm>> -> memref<1x32x128xf32, #tpu.memory_space<hbm>>
    %dma_wait3A_1417 = tpu.memref_squeeze %dma_wait3A_1416 : memref<1x32x128xf32, #tpu.memory_space<hbm>> -> memref<32x128xf32, #tpu.memory_space<hbm>>
    tpu.wait_dma2 semaphore(%arg19 : memref<!tpu.dma_semaphore, #tpu.memory_space<semaphore_mem>>) src(%arg12 : memref<32x128xf32, #tpu.memory_space<vmem>>) dst(%dma_wait3A_1417 : memref<32x128xf32, #tpu.memory_space<hbm>>)
    %dma_wait3A_1418 = arith.constant 100 : i32
    %dma_wait3A_1419 = arith.constant 0 : i32
    %dma_wait3A_1420 = tpu.memref_slice %arg7[%dma_wait3A_1418, %dma_wait3A_1419] : memref<104x128xi32, #tpu.memory_space<vmem>> -> memref<1x128xi32, #tpu.memory_space<vmem>>
    %dma_wait3A_1421 = tpu.memref_squeeze %dma_wait3A_1420 : memref<1x128xi32, #tpu.memory_space<vmem>> -> memref<128xi32, #tpu.memory_space<vmem>>
    %dma_wait3A_1422 = arith.constant 0 : i32
    %dma_wait3A_1423 = arith.constant 0 : i32
    %dma_wait3A_1424 = tpu.memref_slice %arg4[%dma_wait3A_1422, %dma_wait3A_1423] : memref<250000x128xf32, #tpu.memory_space<hbm>> -> memref<250000x128xf32, #tpu.memory_space<hbm>>
    tpu.wait_indirect_dma semaphore(%arg15 : memref<!tpu.dma_semaphore, #tpu.memory_space<semaphore_mem>>) src(%dma_wait3A_1424 : memref<250000x128xf32, #tpu.memory_space<hbm>>) dst(%arg8 : memref<128x128xf32, #tpu.memory_space<vmem>>)
    %get3A = arith.constant 100 : i32
    %get3A_1425 = arith.index_cast %get3A : i32 to index
    %get3A_1426 = arith.constant 0 : index
    %get3A_1427 = tpu.vector_load %arg6[%get3A_1425, %get3A_1426] {strides = array<i32>} : memref<104x128xi32, #tpu.memory_space<vmem>>, vector<16xi32>,
    %and3A = arith.constant 3 : i32
    %and3A_1428 = vector.broadcast %and3A : i32 to vector<16xi32>
    %and3A_1429 = arith.andi %get3A_1427, %and3A_1428 : vector<16xi32>
    %shift_left3A = arith.constant 5 : i32
    %shift_left3A_1430 = vector.broadcast %shift_left3A : i32 to vector<16xi32>
    %shift_left3A_1431 = arith.shli %and3A_1429, %shift_left3A_1430 : vector<16xi32>
    %get3A_1432 = arith.constant 100 : i32
    %get3A_1433 = arith.index_cast %get3A_1432 : i32 to index
    %get3A_1434 = arith.constant 16 : index
    %get3A_1435 = tpu.vector_load %arg6[%get3A_1433, %get3A_1434] {strides = array<i32>} : memref<104x128xi32, #tpu.memory_space<vmem>>, vector<16xi32>,
    %and3A_1436 = arith.constant 3 : i32
    %and3A_1437 = vector.broadcast %and3A_1436 : i32 to vector<16xi32>
    %and3A_1438 = arith.andi %get3A_1435, %and3A_1437 : vector<16xi32>
    %shift_left3A_1439 = arith.constant 5 : i32
    %shift_left3A_1440 = vector.broadcast %shift_left3A_1439 : i32 to vector<16xi32>
    %shift_left3A_1441 = arith.shli %and3A_1438, %shift_left3A_1440 : vector<16xi32>
    %get3A_1442 = arith.constant 100 : i32
    %get3A_1443 = arith.index_cast %get3A_1442 : i32 to index
    %get3A_1444 = arith.constant 32 : index
    %get3A_1445 = tpu.vector_load %arg6[%get3A_1443, %get3A_1444] {strides = array<i32>} : memref<104x128xi32, #tpu.memory_space<vmem>>, vector<16xi32>,
    %and3A_1446 = arith.constant 3 : i32
    %and3A_1447 = vector.broadcast %and3A_1446 : i32 to vector<16xi32>
    %and3A_1448 = arith.andi %get3A_1445, %and3A_1447 : vector<16xi32>
    %shift_left3A_1449 = arith.constant 5 : i32
    %shift_left3A_1450 = vector.broadcast %shift_left3A_1449 : i32 to vector<16xi32>
    %shift_left3A_1451 = arith.shli %and3A_1448, %shift_left3A_1450 : vector<16xi32>
    %get3A_1452 = arith.constant 100 : i32
    %get3A_1453 = arith.index_cast %get3A_1452 : i32 to index
    %get3A_1454 = arith.constant 48 : index
    %get3A_1455 = tpu.vector_load %arg6[%get3A_1453, %get3A_1454] {strides = array<i32>} : memref<104x128xi32, #tpu.memory_space<vmem>>, vector<16xi32>,
    %and3A_1456 = arith.constant 3 : i32
    %and3A_1457 = vector.broadcast %and3A_1456 : i32 to vector<16xi32>
    %and3A_1458 = arith.andi %get3A_1455, %and3A_1457 : vector<16xi32>
    %shift_left3A_1459 = arith.constant 5 : i32
    %shift_left3A_1460 = vector.broadcast %shift_left3A_1459 : i32 to vector<16xi32>
    %shift_left3A_1461 = arith.shli %and3A_1458, %shift_left3A_1460 : vector<16xi32>
    %get3A_1462 = arith.constant 100 : i32
    %get3A_1463 = arith.index_cast %get3A_1462 : i32 to index
    %get3A_1464 = arith.constant 64 : index
    %get3A_1465 = tpu.vector_load %arg6[%get3A_1463, %get3A_1464] {strides = array<i32>} : memref<104x128xi32, #tpu.memory_space<vmem>>, vector<16xi32>,
    %and3A_1466 = arith.constant 3 : i32
    %and3A_1467 = vector.broadcast %and3A_1466 : i32 to vector<16xi32>
    %and3A_1468 = arith.andi %get3A_1465, %and3A_1467 : vector<16xi32>
    %shift_left3A_1469 = arith.constant 5 : i32
    %shift_left3A_1470 = vector.broadcast %shift_left3A_1469 : i32 to vector<16xi32>
    %shift_left3A_1471 = arith.shli %and3A_1468, %shift_left3A_1470 : vector<16xi32>
    %get3A_1472 = arith.constant 100 : i32
    %get3A_1473 = arith.index_cast %get3A_1472 : i32 to index
    %get3A_1474 = arith.constant 80 : index
    %get3A_1475 = tpu.vector_load %arg6[%get3A_1473, %get3A_1474] {strides = array<i32>} : memref<104x128xi32, #tpu.memory_space<vmem>>, vector<16xi32>,
    %and3A_1476 = arith.constant 3 : i32
    %and3A_1477 = vector.broadcast %and3A_1476 : i32 to vector<16xi32>
    %and3A_1478 = arith.andi %get3A_1475, %and3A_1477 : vector<16xi32>
    %shift_left3A_1479 = arith.constant 5 : i32
    %shift_left3A_1480 = vector.broadcast %shift_left3A_1479 : i32 to vector<16xi32>
    %shift_left3A_1481 = arith.shli %and3A_1478, %shift_left3A_1480 : vector<16xi32>
    %get3A_1482 = arith.constant 100 : i32
    %get3A_1483 = arith.index_cast %get3A_1482 : i32 to index
    %get3A_1484 = arith.constant 96 : index
    %get3A_1485 = tpu.vector_load %arg6[%get3A_1483, %get3A_1484] {strides = array<i32>} : memref<104x128xi32, #tpu.memory_space<vmem>>, vector<16xi32>,
    %and3A_1486 = arith.constant 3 : i32
    %and3A_1487 = vector.broadcast %and3A_1486 : i32 to vector<16xi32>
    %and3A_1488 = arith.andi %get3A_1485, %and3A_1487 : vector<16xi32>
    %shift_left3A_1489 = arith.constant 5 : i32
    %shift_left3A_1490 = vector.broadcast %shift_left3A_1489 : i32 to vector<16xi32>
    %shift_left3A_1491 = arith.shli %and3A_1488, %shift_left3A_1490 : vector<16xi32>
    %get3A_1492 = arith.constant 100 : i32
    %get3A_1493 = arith.index_cast %get3A_1492 : i32 to index
    %get3A_1494 = arith.constant 112 : index
    %get3A_1495 = tpu.vector_load %arg6[%get3A_1493, %get3A_1494] {strides = array<i32>} : memref<104x128xi32, #tpu.memory_space<vmem>>, vector<16xi32>,
    %and3A_1496 = arith.constant 3 : i32
    %and3A_1497 = vector.broadcast %and3A_1496 : i32 to vector<16xi32>
    %and3A_1498 = arith.andi %get3A_1495, %and3A_1497 : vector<16xi32>
    %shift_left3A_1499 = arith.constant 5 : i32
    %shift_left3A_1500 = vector.broadcast %shift_left3A_1499 : i32 to vector<16xi32>
    %shift_left3A_1501 = arith.shli %and3A_1498, %shift_left3A_1500 : vector<16xi32>
    %scan3A_1502 = arith.constant 0 : i32
    %scan3A_1503 = arith.constant 16 : i32
    %scan3A_1504 = arith.addi %scan3A_1502, %scan3A_1503 : i32
    %scan3A_1505 = arith.constant 1 : i32
    scf.for %scan3A_1981 = %scan3A_1502 to %scan3A_1504 step %scan3A_1505  : i32 {
      %add3A_1982 = vector.broadcast %scan3A_1981 : i32 to vector<16xi32>
      %add3A_1983 = arith.addi %iota3A, %add3A_1982 : vector<16xi32>
      %and3A_1984 = arith.constant 15 : i32
      %and3A_1985 = vector.broadcast %and3A_1984 : i32 to vector<16xi32>
      %and3A_1986 = arith.andi %add3A_1983, %and3A_1985 : vector<16xi32>
      %add3A_1987 = arith.constant 0 : i32
      %add3A_1988 = vector.broadcast %add3A_1987 : i32 to vector<16xi32>
      %add3A_1989 = arith.addi %add3A_1988, %and3A_1986 : vector<16xi32>
      %add3A_1990 = arith.addi %shift_left3A_1431, %add3A_1989 : vector<16xi32>
      %gather3A = tpu.vector_load_idx %arg8[%add3A_1355, %add3A_1990] : memref<128x128xf32, #tpu.memory_space<vmem>>[vector<16xi32>, vector<16xi32>], vector<16xf32>,
      tpu.vector_store_idx %arg12[%add3A_1989, %add3A_1355], %gather3A : memref<32x128xf32, #tpu.memory_space<vmem>>[vector<16xi32>, vector<16xi32>], vector<16xf32>,
      %add3A_1991 = arith.constant 16 : i32
      %add3A_1992 = vector.broadcast %add3A_1991 : i32 to vector<16xi32>
      %add3A_1993 = arith.addi %add3A_1992, %and3A_1986 : vector<16xi32>
      %add3A_1994 = arith.addi %shift_left3A_1431, %add3A_1993 : vector<16xi32>
      %gather3A_1995 = tpu.vector_load_idx %arg8[%add3A_1355, %add3A_1994] : memref<128x128xf32, #tpu.memory_space<vmem>>[vector<16xi32>, vector<16xi32>], vector<16xf32>,
      tpu.vector_store_idx %arg12[%add3A_1993, %add3A_1355], %gather3A_1995 : memref<32x128xf32, #tpu.memory_space<vmem>>[vector<16xi32>, vector<16xi32>], vector<16xf32>,
      %add3A_1996 = arith.constant 0 : i32
      %add3A_1997 = vector.broadcast %add3A_1996 : i32 to vector<16xi32>
      %add3A_1998 = arith.addi %add3A_1997, %and3A_1986 : vector<16xi32>
      %add3A_1999 = arith.addi %shift_left3A_1441, %add3A_1998 : vector<16xi32>
      %gather3A_2000 = tpu.vector_load_idx %arg8[%add3A_1358, %add3A_1999] : memref<128x128xf32, #tpu.memory_space<vmem>>[vector<16xi32>, vector<16xi32>], vector<16xf32>,
      tpu.vector_store_idx %arg12[%add3A_1998, %add3A_1358], %gather3A_2000 : memref<32x128xf32, #tpu.memory_space<vmem>>[vector<16xi32>, vector<16xi32>], vector<16xf32>,
      %add3A_2001 = arith.constant 16 : i32
      %add3A_2002 = vector.broadcast %add3A_2001 : i32 to vector<16xi32>
      %add3A_2003 = arith.addi %add3A_2002, %and3A_1986 : vector<16xi32>
      %add3A_2004 = arith.addi %shift_left3A_1441, %add3A_2003 : vector<16xi32>
      %gather3A_2005 = tpu.vector_load_idx %arg8[%add3A_1358, %add3A_2004] : memref<128x128xf32, #tpu.memory_space<vmem>>[vector<16xi32>, vector<16xi32>], vector<16xf32>,
      tpu.vector_store_idx %arg12[%add3A_2003, %add3A_1358], %gather3A_2005 : memref<32x128xf32, #tpu.memory_space<vmem>>[vector<16xi32>, vector<16xi32>], vector<16xf32>,
      %add3A_2006 = arith.constant 0 : i32
      %add3A_2007 = vector.broadcast %add3A_2006 : i32 to vector<16xi32>
      %add3A_2008 = arith.addi %add3A_2007, %and3A_1986 : vector<16xi32>
      %add3A_2009 = arith.addi %shift_left3A_1451, %add3A_2008 : vector<16xi32>
      %gather3A_2010 = tpu.vector_load_idx %arg8[%add3A_1361, %add3A_2009] : memref<128x128xf32, #tpu.memory_space<vmem>>[vector<16xi32>, vector<16xi32>], vector<16xf32>,
      tpu.vector_store_idx %arg12[%add3A_2008, %add3A_1361], %gather3A_2010 : memref<32x128xf32, #tpu.memory_space<vmem>>[vector<16xi32>, vector<16xi32>], vector<16xf32>,
      %add3A_2011 = arith.constant 16 : i32
      %add3A_2012 = vector.broadcast %add3A_2011 : i32 to vector<16xi32>
      %add3A_2013 = arith.addi %add3A_2012, %and3A_1986 : vector<16xi32>
      %add3A_2014 = arith.addi %shift_left3A_1451, %add3A_2013 : vector<16xi32>
      %gather3A_2015 = tpu.vector_load_idx %arg8[%add3A_1361, %add3A_2014] : memref<128x128xf32, #tpu.memory_space<vmem>>[vector<16xi32>, vector<16xi32>], vector<16xf32>,
      tpu.vector_store_idx %arg12[%add3A_2013, %add3A_1361], %gather3A_2015 : memref<32x128xf32, #tpu.memory_space<vmem>>[vector<16xi32>, vector<16xi32>], vector<16xf32>,
      %add3A_2016 = arith.constant 0 : i32
      %add3A_2017 = vector.broadcast %add3A_2016 : i32 to vector<16xi32>
      %add3A_2018 = arith.addi %add3A_2017, %and3A_1986 : vector<16xi32>
      %add3A_2019 = arith.addi %shift_left3A_1461, %add3A_2018 : vector<16xi32>
      %gather3A_2020 = tpu.vector_load_idx %arg8[%add3A_1364, %add3A_2019] : memref<128x128xf32, #tpu.memory_space<vmem>>[vector<16xi32>, vector<16xi32>], vector<16xf32>,
      tpu.vector_store_idx %arg12[%add3A_2018, %add3A_1364], %gather3A_2020 : memref<32x128xf32, #tpu.memory_space<vmem>>[vector<16xi32>, vector<16xi32>], vector<16xf32>,
      %add3A_2021 = arith.constant 16 : i32
      %add3A_2022 = vector.broadcast %add3A_2021 : i32 to vector<16xi32>
      %add3A_2023 = arith.addi %add3A_2022, %and3A_1986 : vector<16xi32>
      %add3A_2024 = arith.addi %shift_left3A_1461, %add3A_2023 : vector<16xi32>
      %gather3A_2025 = tpu.vector_load_idx %arg8[%add3A_1364, %add3A_2024] : memref<128x128xf32, #tpu.memory_space<vmem>>[vector<16xi32>, vector<16xi32>], vector<16xf32>,
      tpu.vector_store_idx %arg12[%add3A_2023, %add3A_1364], %gather3A_2025 : memref<32x128xf32, #tpu.memory_space<vmem>>[vector<16xi32>, vector<16xi32>], vector<16xf32>,
      %add3A_2026 = arith.constant 0 : i32
      %add3A_2027 = vector.broadcast %add3A_2026 : i32 to vector<16xi32>
      %add3A_2028 = arith.addi %add3A_2027, %and3A_1986 : vector<16xi32>
      %add3A_2029 = arith.addi %shift_left3A_1471, %add3A_2028 : vector<16xi32>
      %gather3A_2030 = tpu.vector_load_idx %arg8[%add3A_1367, %add3A_2029] : memref<128x128xf32, #tpu.memory_space<vmem>>[vector<16xi32>, vector<16xi32>], vector<16xf32>,
      tpu.vector_store_idx %arg12[%add3A_2028, %add3A_1367], %gather3A_2030 : memref<32x128xf32, #tpu.memory_space<vmem>>[vector<16xi32>, vector<16xi32>], vector<16xf32>,
      %add3A_2031 = arith.constant 16 : i32
      %add3A_2032 = vector.broadcast %add3A_2031 : i32 to vector<16xi32>
      %add3A_2033 = arith.addi %add3A_2032, %and3A_1986 : vector<16xi32>
      %add3A_2034 = arith.addi %shift_left3A_1471, %add3A_2033 : vector<16xi32>
      %gather3A_2035 = tpu.vector_load_idx %arg8[%add3A_1367, %add3A_2034] : memref<128x128xf32, #tpu.memory_space<vmem>>[vector<16xi32>, vector<16xi32>], vector<16xf32>,
      tpu.vector_store_idx %arg12[%add3A_2033, %add3A_1367], %gather3A_2035 : memref<32x128xf32, #tpu.memory_space<vmem>>[vector<16xi32>, vector<16xi32>], vector<16xf32>,
      %add3A_2036 = arith.constant 0 : i32
      %add3A_2037 = vector.broadcast %add3A_2036 : i32 to vector<16xi32>
      %add3A_2038 = arith.addi %add3A_2037, %and3A_1986 : vector<16xi32>
      %add3A_2039 = arith.addi %shift_left3A_1481, %add3A_2038 : vector<16xi32>
      %gather3A_2040 = tpu.vector_load_idx %arg8[%add3A_1370, %add3A_2039] : memref<128x128xf32, #tpu.memory_space<vmem>>[vector<16xi32>, vector<16xi32>], vector<16xf32>,
      tpu.vector_store_idx %arg12[%add3A_2038, %add3A_1370], %gather3A_2040 : memref<32x128xf32, #tpu.memory_space<vmem>>[vector<16xi32>, vector<16xi32>], vector<16xf32>,
      %add3A_2041 = arith.constant 16 : i32
      %add3A_2042 = vector.broadcast %add3A_2041 : i32 to vector<16xi32>
      %add3A_2043 = arith.addi %add3A_2042, %and3A_1986 : vector<16xi32>
      %add3A_2044 = arith.addi %shift_left3A_1481, %add3A_2043 : vector<16xi32>
      %gather3A_2045 = tpu.vector_load_idx %arg8[%add3A_1370, %add3A_2044] : memref<128x128xf32, #tpu.memory_space<vmem>>[vector<16xi32>, vector<16xi32>], vector<16xf32>,
      tpu.vector_store_idx %arg12[%add3A_2043, %add3A_1370], %gather3A_2045 : memref<32x128xf32, #tpu.memory_space<vmem>>[vector<16xi32>, vector<16xi32>], vector<16xf32>,
      %add3A_2046 = arith.constant 0 : i32
      %add3A_2047 = vector.broadcast %add3A_2046 : i32 to vector<16xi32>
      %add3A_2048 = arith.addi %add3A_2047, %and3A_1986 : vector<16xi32>
      %add3A_2049 = arith.addi %shift_left3A_1491, %add3A_2048 : vector<16xi32>
      %gather3A_2050 = tpu.vector_load_idx %arg8[%add3A_1373, %add3A_2049] : memref<128x128xf32, #tpu.memory_space<vmem>>[vector<16xi32>, vector<16xi32>], vector<16xf32>,
      tpu.vector_store_idx %arg12[%add3A_2048, %add3A_1373], %gather3A_2050 : memref<32x128xf32, #tpu.memory_space<vmem>>[vector<16xi32>, vector<16xi32>], vector<16xf32>,
      %add3A_2051 = arith.constant 16 : i32
      %add3A_2052 = vector.broadcast %add3A_2051 : i32 to vector<16xi32>
      %add3A_2053 = arith.addi %add3A_2052, %and3A_1986 : vector<16xi32>
      %add3A_2054 = arith.addi %shift_left3A_1491, %add3A_2053 : vector<16xi32>
      %gather3A_2055 = tpu.vector_load_idx %arg8[%add3A_1373, %add3A_2054] : memref<128x128xf32, #tpu.memory_space<vmem>>[vector<16xi32>, vector<16xi32>], vector<16xf32>,
      tpu.vector_store_idx %arg12[%add3A_2053, %add3A_1373], %gather3A_2055 : memref<32x128xf32, #tpu.memory_space<vmem>>[vector<16xi32>, vector<16xi32>], vector<16xf32>,
      %add3A_2056 = arith.constant 0 : i32
      %add3A_2057 = vector.broadcast %add3A_2056 : i32 to vector<16xi32>
      %add3A_2058 = arith.addi %add3A_2057, %and3A_1986 : vector<16xi32>
      %add3A_2059 = arith.addi %shift_left3A_1501, %add3A_2058 : vector<16xi32>
      %gather3A_2060 = tpu.vector_load_idx %arg8[%add3A_1376, %add3A_2059] : memref<128x128xf32, #tpu.memory_space<vmem>>[vector<16xi32>, vector<16xi32>], vector<16xf32>,
      tpu.vector_store_idx %arg12[%add3A_2058, %add3A_1376], %gather3A_2060 : memref<32x128xf32, #tpu.memory_space<vmem>>[vector<16xi32>, vector<16xi32>], vector<16xf32>,
      %add3A_2061 = arith.constant 16 : i32
      %add3A_2062 = vector.broadcast %add3A_2061 : i32 to vector<16xi32>
      %add3A_2063 = arith.addi %add3A_2062, %and3A_1986 : vector<16xi32>
      %add3A_2064 = arith.addi %shift_left3A_1501, %add3A_2063 : vector<16xi32>
      %gather3A_2065 = tpu.vector_load_idx %arg8[%add3A_1376, %add3A_2064] : memref<128x128xf32, #tpu.memory_space<vmem>>[vector<16xi32>, vector<16xi32>], vector<16xf32>,
      tpu.vector_store_idx %arg12[%add3A_2063, %add3A_1376], %gather3A_2065 : memref<32x128xf32, #tpu.memory_space<vmem>>[vector<16xi32>, vector<16xi32>], vector<16xf32>,
    }
    %scan3A_1506 = arith.constant 16 : i32
    %jit3A = arith.constant 100 : i32
    %jit3A_1507 = arith.constant 4 : i32
    %div3A = arith.divsi %jit3A, %jit3A_1507 : i32
    %sign3A = arith.constant 0 : i32
    %sign3A_1508 = arith.cmpi sgt, %jit3A, %sign3A : i32
    %sign3A_1509 = arith.extui %sign3A_1508 : i1 to i32
    %sign3A_1510 = arith.constant 0 : i32
    %sign3A_1511 = arith.cmpi slt, %jit3A, %sign3A_1510 : i32
    %sign3A_1512 = arith.extui %sign3A_1511 : i1 to i32
    %sign3A_1513 = arith.subi %sign3A_1509, %sign3A_1512 : i32
    %sign3A_1514 = arith.constant 0 : i32
    %sign3A_1515 = arith.cmpi sgt, %jit3A_1507, %sign3A_1514 : i32
    %sign3A_1516 = arith.extui %sign3A_1515 : i1 to i32
    %sign3A_1517 = arith.constant 0 : i32
    %sign3A_1518 = arith.cmpi slt, %jit3A_1507, %sign3A_1517 : i32
    %sign3A_1519 = arith.extui %sign3A_1518 : i1 to i32
    %sign3A_1520 = arith.subi %sign3A_1516, %sign3A_1519 : i32
    %ne3A = arith.cmpi ne, %sign3A_1513, %sign3A_1520 : i32
    %rem3A = arith.remsi %jit3A, %jit3A_1507 : i32
    %ne3A_1521 = arith.constant 0 : i32
    %ne3A_1522 = arith.cmpi ne, %rem3A, %ne3A_1521 : i32
    %and3A_1523 = arith.andi %ne3A, %ne3A_1522 : i1
    %sub3A = arith.constant 1 : i32
    %sub3A_1524 = arith.subi %div3A, %sub3A : i32
    %select_n3A = arith.select %and3A_1523, %sub3A_1524, %div3A : i32
    %mul3A_1525 = arith.constant 4 : i32
    %mul3A_1526 = arith.muli %select_n3A, %mul3A_1525 : i32
    %sub3A_1527 = arith.constant 100 : i32
    %sub3A_1528 = arith.subi %sub3A_1527, %mul3A_1526 : i32
    %mul3A_1529 = arith.constant 512 : i32
    %mul3A_1530 = arith.muli %add3A, %mul3A_1529 : i32
    %mul3A_1531 = arith.constant 128 : i32
    %mul3A_1532 = arith.muli %sub3A_1528, %mul3A_1531 : i32
    %add3A_1533 = arith.addi %mul3A_1530, %mul3A_1532 : i32
    %dma_start3A_1534 = arith.constant 0 : i32
    %dma_start3A_1535 = tpu.memref_slice %arg5[%select_n3A, %dma_start3A_1534, %add3A_1533] : memref<26x32x16384xf32, #tpu.memory_space<hbm>> -> memref<1x32x128xf32, #tpu.memory_space<hbm>>
    %dma_start3A_1536 = tpu.memref_squeeze %dma_start3A_1535 : memref<1x32x128xf32, #tpu.memory_space<hbm>> -> memref<32x128xf32, #tpu.memory_space<hbm>>
    %dma_start3A_1537 = arith.constant 0 : i32
    %dma_start3A_1538 = tpu.memref_slice %arg5[%select_n3A, %dma_start3A_1537, %add3A_1533] : memref<26x32x16384xf32, #tpu.memory_space<hbm>> -> memref<1x32x128xf32, #tpu.memory_space<hbm>>
    %dma_start3A_1539 = tpu.memref_squeeze %dma_start3A_1538 : memref<1x32x128xf32, #tpu.memory_space<hbm>> -> memref<32x128xf32, #tpu.memory_space<hbm>>
    tpu.enqueue_dma source(%arg12 : memref<32x128xf32, #tpu.memory_space<vmem>>) target(%dma_start3A_1539 : memref<32x128xf32, #tpu.memory_space<hbm>>) target_semaphore(%arg19 : memref<!tpu.dma_semaphore, #tpu.memory_space<semaphore_mem>>)
    %dma_wait3A_1540 = arith.constant 0 : i32
    %dma_wait3A_1541 = arith.constant 0 : i32
    %dma_wait3A_1542 = arith.constant 128 : i32
    %dma_wait3A_1543 = tpu.memref_slice %arg5[%dma_wait3A_1540, %dma_wait3A_1541, %dma_wait3A_1542] : memref<26x32x16384xf32, #tpu.memory_space<hbm>> -> memref<1x32x128xf32, #tpu.memory_space<hbm>>
    %dma_wait3A_1544 = tpu.memref_squeeze %dma_wait3A_1543 : memref<1x32x128xf32, #tpu.memory_space<hbm>> -> memref<32x128xf32, #tpu.memory_space<hbm>>
    %dma_wait3A_1545 = arith.constant 0 : i32
    %dma_wait3A_1546 = arith.constant 128 : i32
    %dma_wait3A_1547 = tpu.memref_slice %arg5[%dma_wait3A_1540, %dma_wait3A_1545, %dma_wait3A_1546] : memref<26x32x16384xf32, #tpu.memory_space<hbm>> -> memref<1x32x128xf32, #tpu.memory_space<hbm>>
    %dma_wait3A_1548 = tpu.memref_squeeze %dma_wait3A_1547 : memref<1x32x128xf32, #tpu.memory_space<hbm>> -> memref<32x128xf32, #tpu.memory_space<hbm>>
    tpu.wait_dma2 semaphore(%arg20 : memref<!tpu.dma_semaphore, #tpu.memory_space<semaphore_mem>>) src(%arg13 : memref<32x128xf32, #tpu.memory_space<vmem>>) dst(%dma_wait3A_1548 : memref<32x128xf32, #tpu.memory_space<hbm>>)
    %dma_wait3A_1549 = arith.constant 101 : i32
    %dma_wait3A_1550 = arith.constant 0 : i32
    %dma_wait3A_1551 = tpu.memref_slice %arg7[%dma_wait3A_1549, %dma_wait3A_1550] : memref<104x128xi32, #tpu.memory_space<vmem>> -> memref<1x128xi32, #tpu.memory_space<vmem>>
    %dma_wait3A_1552 = tpu.memref_squeeze %dma_wait3A_1551 : memref<1x128xi32, #tpu.memory_space<vmem>> -> memref<128xi32, #tpu.memory_space<vmem>>
    %dma_wait3A_1553 = arith.constant 0 : i32
    %dma_wait3A_1554 = arith.constant 0 : i32
    %dma_wait3A_1555 = tpu.memref_slice %arg4[%dma_wait3A_1553, %dma_wait3A_1554] : memref<250000x128xf32, #tpu.memory_space<hbm>> -> memref<250000x128xf32, #tpu.memory_space<hbm>>
    tpu.wait_indirect_dma semaphore(%arg16 : memref<!tpu.dma_semaphore, #tpu.memory_space<semaphore_mem>>) src(%dma_wait3A_1555 : memref<250000x128xf32, #tpu.memory_space<hbm>>) dst(%arg9 : memref<128x128xf32, #tpu.memory_space<vmem>>)
    %get3A_1556 = arith.constant 101 : i32
    %get3A_1557 = arith.index_cast %get3A_1556 : i32 to index
    %get3A_1558 = arith.constant 0 : index
    %get3A_1559 = tpu.vector_load %arg6[%get3A_1557, %get3A_1558] {strides = array<i32>} : memref<104x128xi32, #tpu.memory_space<vmem>>, vector<16xi32>,
    %and3A_1560 = arith.constant 3 : i32
    %and3A_1561 = vector.broadcast %and3A_1560 : i32 to vector<16xi32>
    %and3A_1562 = arith.andi %get3A_1559, %and3A_1561 : vector<16xi32>
    %shift_left3A_1563 = arith.constant 5 : i32
    %shift_left3A_1564 = vector.broadcast %shift_left3A_1563 : i32 to vector<16xi32>
    %shift_left3A_1565 = arith.shli %and3A_1562, %shift_left3A_1564 : vector<16xi32>
    %get3A_1566 = arith.constant 101 : i32
    %get3A_1567 = arith.index_cast %get3A_1566 : i32 to index
    %get3A_1568 = arith.constant 16 : index
    %get3A_1569 = tpu.vector_load %arg6[%get3A_1567, %get3A_1568] {strides = array<i32>} : memref<104x128xi32, #tpu.memory_space<vmem>>, vector<16xi32>,
    %and3A_1570 = arith.constant 3 : i32
    %and3A_1571 = vector.broadcast %and3A_1570 : i32 to vector<16xi32>
    %and3A_1572 = arith.andi %get3A_1569, %and3A_1571 : vector<16xi32>
    %shift_left3A_1573 = arith.constant 5 : i32
    %shift_left3A_1574 = vector.broadcast %shift_left3A_1573 : i32 to vector<16xi32>
    %shift_left3A_1575 = arith.shli %and3A_1572, %shift_left3A_1574 : vector<16xi32>
    %get3A_1576 = arith.constant 101 : i32
    %get3A_1577 = arith.index_cast %get3A_1576 : i32 to index
    %get3A_1578 = arith.constant 32 : index
    %get3A_1579 = tpu.vector_load %arg6[%get3A_1577, %get3A_1578] {strides = array<i32>} : memref<104x128xi32, #tpu.memory_space<vmem>>, vector<16xi32>,
    %and3A_1580 = arith.constant 3 : i32
    %and3A_1581 = vector.broadcast %and3A_1580 : i32 to vector<16xi32>
    %and3A_1582 = arith.andi %get3A_1579, %and3A_1581 : vector<16xi32>
    %shift_left3A_1583 = arith.constant 5 : i32
    %shift_left3A_1584 = vector.broadcast %shift_left3A_1583 : i32 to vector<16xi32>
    %shift_left3A_1585 = arith.shli %and3A_1582, %shift_left3A_1584 : vector<16xi32>
    %get3A_1586 = arith.constant 101 : i32
    %get3A_1587 = arith.index_cast %get3A_1586 : i32 to index
    %get3A_1588 = arith.constant 48 : index
    %get3A_1589 = tpu.vector_load %arg6[%get3A_1587, %get3A_1588] {strides = array<i32>} : memref<104x128xi32, #tpu.memory_space<vmem>>, vector<16xi32>,
    %and3A_1590 = arith.constant 3 : i32
    %and3A_1591 = vector.broadcast %and3A_1590 : i32 to vector<16xi32>
    %and3A_1592 = arith.andi %get3A_1589, %and3A_1591 : vector<16xi32>
    %shift_left3A_1593 = arith.constant 5 : i32
    %shift_left3A_1594 = vector.broadcast %shift_left3A_1593 : i32 to vector<16xi32>
    %shift_left3A_1595 = arith.shli %and3A_1592, %shift_left3A_1594 : vector<16xi32>
    %get3A_1596 = arith.constant 101 : i32
    %get3A_1597 = arith.index_cast %get3A_1596 : i32 to index
    %get3A_1598 = arith.constant 64 : index
    %get3A_1599 = tpu.vector_load %arg6[%get3A_1597, %get3A_1598] {strides = array<i32>} : memref<104x128xi32, #tpu.memory_space<vmem>>, vector<16xi32>,
    %and3A_1600 = arith.constant 3 : i32
    %and3A_1601 = vector.broadcast %and3A_1600 : i32 to vector<16xi32>
    %and3A_1602 = arith.andi %get3A_1599, %and3A_1601 : vector<16xi32>
    %shift_left3A_1603 = arith.constant 5 : i32
    %shift_left3A_1604 = vector.broadcast %shift_left3A_1603 : i32 to vector<16xi32>
    %shift_left3A_1605 = arith.shli %and3A_1602, %shift_left3A_1604 : vector<16xi32>
    %get3A_1606 = arith.constant 101 : i32
    %get3A_1607 = arith.index_cast %get3A_1606 : i32 to index
    %get3A_1608 = arith.constant 80 : index
    %get3A_1609 = tpu.vector_load %arg6[%get3A_1607, %get3A_1608] {strides = array<i32>} : memref<104x128xi32, #tpu.memory_space<vmem>>, vector<16xi32>,
    %and3A_1610 = arith.constant 3 : i32
    %and3A_1611 = vector.broadcast %and3A_1610 : i32 to vector<16xi32>
    %and3A_1612 = arith.andi %get3A_1609, %and3A_1611 : vector<16xi32>
    %shift_left3A_1613 = arith.constant 5 : i32
    %shift_left3A_1614 = vector.broadcast %shift_left3A_1613 : i32 to vector<16xi32>
    %shift_left3A_1615 = arith.shli %and3A_1612, %shift_left3A_1614 : vector<16xi32>
    %get3A_1616 = arith.constant 101 : i32
    %get3A_1617 = arith.index_cast %get3A_1616 : i32 to index
    %get3A_1618 = arith.constant 96 : index
    %get3A_1619 = tpu.vector_load %arg6[%get3A_1617, %get3A_1618] {strides = array<i32>} : memref<104x128xi32, #tpu.memory_space<vmem>>, vector<16xi32>,
    %and3A_1620 = arith.constant 3 : i32
    %and3A_1621 = vector.broadcast %and3A_1620 : i32 to vector<16xi32>
    %and3A_1622 = arith.andi %get3A_1619, %and3A_1621 : vector<16xi32>
    %shift_left3A_1623 = arith.constant 5 : i32
    %shift_left3A_1624 = vector.broadcast %shift_left3A_1623 : i32 to vector<16xi32>
    %shift_left3A_1625 = arith.shli %and3A_1622, %shift_left3A_1624 : vector<16xi32>
    %get3A_1626 = arith.constant 101 : i32
    %get3A_1627 = arith.index_cast %get3A_1626 : i32 to index
    %get3A_1628 = arith.constant 112 : index
    %get3A_1629 = tpu.vector_load %arg6[%get3A_1627, %get3A_1628] {strides = array<i32>} : memref<104x128xi32, #tpu.memory_space<vmem>>, vector<16xi32>,
    %and3A_1630 = arith.constant 3 : i32
    %and3A_1631 = vector.broadcast %and3A_1630 : i32 to vector<16xi32>
    %and3A_1632 = arith.andi %get3A_1629, %and3A_1631 : vector<16xi32>
    %shift_left3A_1633 = arith.constant 5 : i32
    %shift_left3A_1634 = vector.broadcast %shift_left3A_1633 : i32 to vector<16xi32>
    %shift_left3A_1635 = arith.shli %and3A_1632, %shift_left3A_1634 : vector<16xi32>
    %scan3A_1636 = arith.constant 0 : i32
    %scan3A_1637 = arith.constant 16 : i32
    %scan3A_1638 = arith.addi %scan3A_1636, %scan3A_1637 : i32
    %scan3A_1639 = arith.constant 1 : i32
    scf.for %scan3A_1981 = %scan3A_1636 to %scan3A_1638 step %scan3A_1639  : i32 {
      %add3A_1982 = vector.broadcast %scan3A_1981 : i32 to vector<16xi32>
      %add3A_1983 = arith.addi %iota3A, %add3A_1982 : vector<16xi32>
      %and3A_1984 = arith.constant 15 : i32
      %and3A_1985 = vector.broadcast %and3A_1984 : i32 to vector<16xi32>
      %and3A_1986 = arith.andi %add3A_1983, %and3A_1985 : vector<16xi32>
      %add3A_1987 = arith.constant 0 : i32
      %add3A_1988 = vector.broadcast %add3A_1987 : i32 to vector<16xi32>
      %add3A_1989 = arith.addi %add3A_1988, %and3A_1986 : vector<16xi32>
      %add3A_1990 = arith.addi %shift_left3A_1565, %add3A_1989 : vector<16xi32>
      %gather3A = tpu.vector_load_idx %arg9[%add3A_1355, %add3A_1990] : memref<128x128xf32, #tpu.memory_space<vmem>>[vector<16xi32>, vector<16xi32>], vector<16xf32>,
      tpu.vector_store_idx %arg13[%add3A_1989, %add3A_1355], %gather3A : memref<32x128xf32, #tpu.memory_space<vmem>>[vector<16xi32>, vector<16xi32>], vector<16xf32>,
      %add3A_1991 = arith.constant 16 : i32
      %add3A_1992 = vector.broadcast %add3A_1991 : i32 to vector<16xi32>
      %add3A_1993 = arith.addi %add3A_1992, %and3A_1986 : vector<16xi32>
      %add3A_1994 = arith.addi %shift_left3A_1565, %add3A_1993 : vector<16xi32>
      %gather3A_1995 = tpu.vector_load_idx %arg9[%add3A_1355, %add3A_1994] : memref<128x128xf32, #tpu.memory_space<vmem>>[vector<16xi32>, vector<16xi32>], vector<16xf32>,
      tpu.vector_store_idx %arg13[%add3A_1993, %add3A_1355], %gather3A_1995 : memref<32x128xf32, #tpu.memory_space<vmem>>[vector<16xi32>, vector<16xi32>], vector<16xf32>,
      %add3A_1996 = arith.constant 0 : i32
      %add3A_1997 = vector.broadcast %add3A_1996 : i32 to vector<16xi32>
      %add3A_1998 = arith.addi %add3A_1997, %and3A_1986 : vector<16xi32>
      %add3A_1999 = arith.addi %shift_left3A_1575, %add3A_1998 : vector<16xi32>
      %gather3A_2000 = tpu.vector_load_idx %arg9[%add3A_1358, %add3A_1999] : memref<128x128xf32, #tpu.memory_space<vmem>>[vector<16xi32>, vector<16xi32>], vector<16xf32>,
      tpu.vector_store_idx %arg13[%add3A_1998, %add3A_1358], %gather3A_2000 : memref<32x128xf32, #tpu.memory_space<vmem>>[vector<16xi32>, vector<16xi32>], vector<16xf32>,
      %add3A_2001 = arith.constant 16 : i32
      %add3A_2002 = vector.broadcast %add3A_2001 : i32 to vector<16xi32>
      %add3A_2003 = arith.addi %add3A_2002, %and3A_1986 : vector<16xi32>
      %add3A_2004 = arith.addi %shift_left3A_1575, %add3A_2003 : vector<16xi32>
      %gather3A_2005 = tpu.vector_load_idx %arg9[%add3A_1358, %add3A_2004] : memref<128x128xf32, #tpu.memory_space<vmem>>[vector<16xi32>, vector<16xi32>], vector<16xf32>,
      tpu.vector_store_idx %arg13[%add3A_2003, %add3A_1358], %gather3A_2005 : memref<32x128xf32, #tpu.memory_space<vmem>>[vector<16xi32>, vector<16xi32>], vector<16xf32>,
      %add3A_2006 = arith.constant 0 : i32
      %add3A_2007 = vector.broadcast %add3A_2006 : i32 to vector<16xi32>
      %add3A_2008 = arith.addi %add3A_2007, %and3A_1986 : vector<16xi32>
      %add3A_2009 = arith.addi %shift_left3A_1585, %add3A_2008 : vector<16xi32>
      %gather3A_2010 = tpu.vector_load_idx %arg9[%add3A_1361, %add3A_2009] : memref<128x128xf32, #tpu.memory_space<vmem>>[vector<16xi32>, vector<16xi32>], vector<16xf32>,
      tpu.vector_store_idx %arg13[%add3A_2008, %add3A_1361], %gather3A_2010 : memref<32x128xf32, #tpu.memory_space<vmem>>[vector<16xi32>, vector<16xi32>], vector<16xf32>,
      %add3A_2011 = arith.constant 16 : i32
      %add3A_2012 = vector.broadcast %add3A_2011 : i32 to vector<16xi32>
      %add3A_2013 = arith.addi %add3A_2012, %and3A_1986 : vector<16xi32>
      %add3A_2014 = arith.addi %shift_left3A_1585, %add3A_2013 : vector<16xi32>
      %gather3A_2015 = tpu.vector_load_idx %arg9[%add3A_1361, %add3A_2014] : memref<128x128xf32, #tpu.memory_space<vmem>>[vector<16xi32>, vector<16xi32>], vector<16xf32>,
      tpu.vector_store_idx %arg13[%add3A_2013, %add3A_1361], %gather3A_2015 : memref<32x128xf32, #tpu.memory_space<vmem>>[vector<16xi32>, vector<16xi32>], vector<16xf32>,
      %add3A_2016 = arith.constant 0 : i32
      %add3A_2017 = vector.broadcast %add3A_2016 : i32 to vector<16xi32>
      %add3A_2018 = arith.addi %add3A_2017, %and3A_1986 : vector<16xi32>
      %add3A_2019 = arith.addi %shift_left3A_1595, %add3A_2018 : vector<16xi32>
      %gather3A_2020 = tpu.vector_load_idx %arg9[%add3A_1364, %add3A_2019] : memref<128x128xf32, #tpu.memory_space<vmem>>[vector<16xi32>, vector<16xi32>], vector<16xf32>,
      tpu.vector_store_idx %arg13[%add3A_2018, %add3A_1364], %gather3A_2020 : memref<32x128xf32, #tpu.memory_space<vmem>>[vector<16xi32>, vector<16xi32>], vector<16xf32>,
      %add3A_2021 = arith.constant 16 : i32
      %add3A_2022 = vector.broadcast %add3A_2021 : i32 to vector<16xi32>
      %add3A_2023 = arith.addi %add3A_2022, %and3A_1986 : vector<16xi32>
      %add3A_2024 = arith.addi %shift_left3A_1595, %add3A_2023 : vector<16xi32>
      %gather3A_2025 = tpu.vector_load_idx %arg9[%add3A_1364, %add3A_2024] : memref<128x128xf32, #tpu.memory_space<vmem>>[vector<16xi32>, vector<16xi32>], vector<16xf32>,
      tpu.vector_store_idx %arg13[%add3A_2023, %add3A_1364], %gather3A_2025 : memref<32x128xf32, #tpu.memory_space<vmem>>[vector<16xi32>, vector<16xi32>], vector<16xf32>,
      %add3A_2026 = arith.constant 0 : i32
      %add3A_2027 = vector.broadcast %add3A_2026 : i32 to vector<16xi32>
      %add3A_2028 = arith.addi %add3A_2027, %and3A_1986 : vector<16xi32>
      %add3A_2029 = arith.addi %shift_left3A_1605, %add3A_2028 : vector<16xi32>
      %gather3A_2030 = tpu.vector_load_idx %arg9[%add3A_1367, %add3A_2029] : memref<128x128xf32, #tpu.memory_space<vmem>>[vector<16xi32>, vector<16xi32>], vector<16xf32>,
      tpu.vector_store_idx %arg13[%add3A_2028, %add3A_1367], %gather3A_2030 : memref<32x128xf32, #tpu.memory_space<vmem>>[vector<16xi32>, vector<16xi32>], vector<16xf32>,
      %add3A_2031 = arith.constant 16 : i32
      %add3A_2032 = vector.broadcast %add3A_2031 : i32 to vector<16xi32>
      %add3A_2033 = arith.addi %add3A_2032, %and3A_1986 : vector<16xi32>
      %add3A_2034 = arith.addi %shift_left3A_1605, %add3A_2033 : vector<16xi32>
      %gather3A_2035 = tpu.vector_load_idx %arg9[%add3A_1367, %add3A_2034] : memref<128x128xf32, #tpu.memory_space<vmem>>[vector<16xi32>, vector<16xi32>], vector<16xf32>,
      tpu.vector_store_idx %arg13[%add3A_2033, %add3A_1367], %gather3A_2035 : memref<32x128xf32, #tpu.memory_space<vmem>>[vector<16xi32>, vector<16xi32>], vector<16xf32>,
      %add3A_2036 = arith.constant 0 : i32
      %add3A_2037 = vector.broadcast %add3A_2036 : i32 to vector<16xi32>
      %add3A_2038 = arith.addi %add3A_2037, %and3A_1986 : vector<16xi32>
      %add3A_2039 = arith.addi %shift_left3A_1615, %add3A_2038 : vector<16xi32>
      %gather3A_2040 = tpu.vector_load_idx %arg9[%add3A_1370, %add3A_2039] : memref<128x128xf32, #tpu.memory_space<vmem>>[vector<16xi32>, vector<16xi32>], vector<16xf32>,
      tpu.vector_store_idx %arg13[%add3A_2038, %add3A_1370], %gather3A_2040 : memref<32x128xf32, #tpu.memory_space<vmem>>[vector<16xi32>, vector<16xi32>], vector<16xf32>,
      %add3A_2041 = arith.constant 16 : i32
      %add3A_2042 = vector.broadcast %add3A_2041 : i32 to vector<16xi32>
      %add3A_2043 = arith.addi %add3A_2042, %and3A_1986 : vector<16xi32>
      %add3A_2044 = arith.addi %shift_left3A_1615, %add3A_2043 : vector<16xi32>
      %gather3A_2045 = tpu.vector_load_idx %arg9[%add3A_1370, %add3A_2044] : memref<128x128xf32, #tpu.memory_space<vmem>>[vector<16xi32>, vector<16xi32>], vector<16xf32>,
      tpu.vector_store_idx %arg13[%add3A_2043, %add3A_1370], %gather3A_2045 : memref<32x128xf32, #tpu.memory_space<vmem>>[vector<16xi32>, vector<16xi32>], vector<16xf32>,
      %add3A_2046 = arith.constant 0 : i32
      %add3A_2047 = vector.broadcast %add3A_2046 : i32 to vector<16xi32>
      %add3A_2048 = arith.addi %add3A_2047, %and3A_1986 : vector<16xi32>
      %add3A_2049 = arith.addi %shift_left3A_1625, %add3A_2048 : vector<16xi32>
      %gather3A_2050 = tpu.vector_load_idx %arg9[%add3A_1373, %add3A_2049] : memref<128x128xf32, #tpu.memory_space<vmem>>[vector<16xi32>, vector<16xi32>], vector<16xf32>,
      tpu.vector_store_idx %arg13[%add3A_2048, %add3A_1373], %gather3A_2050 : memref<32x128xf32, #tpu.memory_space<vmem>>[vector<16xi32>, vector<16xi32>], vector<16xf32>,
      %add3A_2051 = arith.constant 16 : i32
      %add3A_2052 = vector.broadcast %add3A_2051 : i32 to vector<16xi32>
      %add3A_2053 = arith.addi %add3A_2052, %and3A_1986 : vector<16xi32>
      %add3A_2054 = arith.addi %shift_left3A_1625, %add3A_2053 : vector<16xi32>
      %gather3A_2055 = tpu.vector_load_idx %arg9[%add3A_1373, %add3A_2054] : memref<128x128xf32, #tpu.memory_space<vmem>>[vector<16xi32>, vector<16xi32>], vector<16xf32>,
      tpu.vector_store_idx %arg13[%add3A_2053, %add3A_1373], %gather3A_2055 : memref<32x128xf32, #tpu.memory_space<vmem>>[vector<16xi32>, vector<16xi32>], vector<16xf32>,
      %add3A_2056 = arith.constant 0 : i32
      %add3A_2057 = vector.broadcast %add3A_2056 : i32 to vector<16xi32>
      %add3A_2058 = arith.addi %add3A_2057, %and3A_1986 : vector<16xi32>
      %add3A_2059 = arith.addi %shift_left3A_1635, %add3A_2058 : vector<16xi32>
      %gather3A_2060 = tpu.vector_load_idx %arg9[%add3A_1376, %add3A_2059] : memref<128x128xf32, #tpu.memory_space<vmem>>[vector<16xi32>, vector<16xi32>], vector<16xf32>,
      tpu.vector_store_idx %arg13[%add3A_2058, %add3A_1376], %gather3A_2060 : memref<32x128xf32, #tpu.memory_space<vmem>>[vector<16xi32>, vector<16xi32>], vector<16xf32>,
      %add3A_2061 = arith.constant 16 : i32
      %add3A_2062 = vector.broadcast %add3A_2061 : i32 to vector<16xi32>
      %add3A_2063 = arith.addi %add3A_2062, %and3A_1986 : vector<16xi32>
      %add3A_2064 = arith.addi %shift_left3A_1635, %add3A_2063 : vector<16xi32>
      %gather3A_2065 = tpu.vector_load_idx %arg9[%add3A_1376, %add3A_2064] : memref<128x128xf32, #tpu.memory_space<vmem>>[vector<16xi32>, vector<16xi32>], vector<16xf32>,
      tpu.vector_store_idx %arg13[%add3A_2063, %add3A_1376], %gather3A_2065 : memref<32x128xf32, #tpu.memory_space<vmem>>[vector<16xi32>, vector<16xi32>], vector<16xf32>,
    }
    %scan3A_1640 = arith.constant 16 : i32
    %jit3A_1641 = arith.constant 101 : i32
    %jit3A_1642 = arith.constant 4 : i32
    %div3A_1643 = arith.divsi %jit3A_1641, %jit3A_1642 : i32
    %sign3A_1644 = arith.constant 0 : i32
    %sign3A_1645 = arith.cmpi sgt, %jit3A_1641, %sign3A_1644 : i32
    %sign3A_1646 = arith.extui %sign3A_1645 : i1 to i32
    %sign3A_1647 = arith.constant 0 : i32
    %sign3A_1648 = arith.cmpi slt, %jit3A_1641, %sign3A_1647 : i32
    %sign3A_1649 = arith.extui %sign3A_1648 : i1 to i32
    %sign3A_1650 = arith.subi %sign3A_1646, %sign3A_1649 : i32
    %sign3A_1651 = arith.constant 0 : i32
    %sign3A_1652 = arith.cmpi sgt, %jit3A_1642, %sign3A_1651 : i32
    %sign3A_1653 = arith.extui %sign3A_1652 : i1 to i32
    %sign3A_1654 = arith.constant 0 : i32
    %sign3A_1655 = arith.cmpi slt, %jit3A_1642, %sign3A_1654 : i32
    %sign3A_1656 = arith.extui %sign3A_1655 : i1 to i32
    %sign3A_1657 = arith.subi %sign3A_1653, %sign3A_1656 : i32
    %ne3A_1658 = arith.cmpi ne, %sign3A_1650, %sign3A_1657 : i32
    %rem3A_1659 = arith.remsi %jit3A_1641, %jit3A_1642 : i32
    %ne3A_1660 = arith.constant 0 : i32
    %ne3A_1661 = arith.cmpi ne, %rem3A_1659, %ne3A_1660 : i32
    %and3A_1662 = arith.andi %ne3A_1658, %ne3A_1661 : i1
    %sub3A_1663 = arith.constant 1 : i32
    %sub3A_1664 = arith.subi %div3A_1643, %sub3A_1663 : i32
    %select_n3A_1665 = arith.select %and3A_1662, %sub3A_1664, %div3A_1643 : i32
    %mul3A_1666 = arith.constant 4 : i32
    %mul3A_1667 = arith.muli %select_n3A_1665, %mul3A_1666 : i32
    %sub3A_1668 = arith.constant 101 : i32
    %sub3A_1669 = arith.subi %sub3A_1668, %mul3A_1667 : i32
    %mul3A_1670 = arith.constant 512 : i32
    %mul3A_1671 = arith.muli %add3A, %mul3A_1670 : i32
    %mul3A_1672 = arith.constant 128 : i32
    %mul3A_1673 = arith.muli %sub3A_1669, %mul3A_1672 : i32
    %add3A_1674 = arith.addi %mul3A_1671, %mul3A_1673 : i32
    %dma_start3A_1675 = arith.constant 0 : i32
    %dma_start3A_1676 = tpu.memref_slice %arg5[%select_n3A_1665, %dma_start3A_1675, %add3A_1674] : memref<26x32x16384xf32, #tpu.memory_space<hbm>> -> memref<1x32x128xf32, #tpu.memory_space<hbm>>
    %dma_start3A_1677 = tpu.memref_squeeze %dma_start3A_1676 : memref<1x32x128xf32, #tpu.memory_space<hbm>> -> memref<32x128xf32, #tpu.memory_space<hbm>>
    %dma_start3A_1678 = arith.constant 0 : i32
    %dma_start3A_1679 = tpu.memref_slice %arg5[%select_n3A_1665, %dma_start3A_1678, %add3A_1674] : memref<26x32x16384xf32, #tpu.memory_space<hbm>> -> memref<1x32x128xf32, #tpu.memory_space<hbm>>
    %dma_start3A_1680 = tpu.memref_squeeze %dma_start3A_1679 : memref<1x32x128xf32, #tpu.memory_space<hbm>> -> memref<32x128xf32, #tpu.memory_space<hbm>>
    tpu.enqueue_dma source(%arg13 : memref<32x128xf32, #tpu.memory_space<vmem>>) target(%dma_start3A_1680 : memref<32x128xf32, #tpu.memory_space<hbm>>) target_semaphore(%arg20 : memref<!tpu.dma_semaphore, #tpu.memory_space<semaphore_mem>>)
    %dma_wait3A_1681 = arith.constant 0 : i32
    %dma_wait3A_1682 = arith.constant 0 : i32
    %dma_wait3A_1683 = arith.constant 0 : i32
    %dma_wait3A_1684 = tpu.memref_slice %arg5[%dma_wait3A_1681, %dma_wait3A_1682, %dma_wait3A_1683] : memref<26x32x16384xf32, #tpu.memory_space<hbm>> -> memref<1x32x128xf32, #tpu.memory_space<hbm>>
    %dma_wait3A_1685 = tpu.memref_squeeze %dma_wait3A_1684 : memref<1x32x128xf32, #tpu.memory_space<hbm>> -> memref<32x128xf32, #tpu.memory_space<hbm>>
    %dma_wait3A_1686 = arith.constant 0 : i32
    %dma_wait3A_1687 = arith.constant 0 : i32
    %dma_wait3A_1688 = tpu.memref_slice %arg5[%dma_wait3A_1681, %dma_wait3A_1686, %dma_wait3A_1687] : memref<26x32x16384xf32, #tpu.memory_space<hbm>> -> memref<1x32x128xf32, #tpu.memory_space<hbm>>
    %dma_wait3A_1689 = tpu.memref_squeeze %dma_wait3A_1688 : memref<1x32x128xf32, #tpu.memory_space<hbm>> -> memref<32x128xf32, #tpu.memory_space<hbm>>
    tpu.wait_dma2 semaphore(%arg19 : memref<!tpu.dma_semaphore, #tpu.memory_space<semaphore_mem>>) src(%arg12 : memref<32x128xf32, #tpu.memory_space<vmem>>) dst(%dma_wait3A_1689 : memref<32x128xf32, #tpu.memory_space<hbm>>)
    %dma_wait3A_1690 = arith.constant 102 : i32
    %dma_wait3A_1691 = arith.constant 0 : i32
    %dma_wait3A_1692 = tpu.memref_slice %arg7[%dma_wait3A_1690, %dma_wait3A_1691] : memref<104x128xi32, #tpu.memory_space<vmem>> -> memref<1x128xi32, #tpu.memory_space<vmem>>
    %dma_wait3A_1693 = tpu.memref_squeeze %dma_wait3A_1692 : memref<1x128xi32, #tpu.memory_space<vmem>> -> memref<128xi32, #tpu.memory_space<vmem>>
    %dma_wait3A_1694 = arith.constant 0 : i32
    %dma_wait3A_1695 = arith.constant 0 : i32
    %dma_wait3A_1696 = tpu.memref_slice %arg4[%dma_wait3A_1694, %dma_wait3A_1695] : memref<250000x128xf32, #tpu.memory_space<hbm>> -> memref<250000x128xf32, #tpu.memory_space<hbm>>
    tpu.wait_indirect_dma semaphore(%arg17 : memref<!tpu.dma_semaphore, #tpu.memory_space<semaphore_mem>>) src(%dma_wait3A_1696 : memref<250000x128xf32, #tpu.memory_space<hbm>>) dst(%arg10 : memref<128x128xf32, #tpu.memory_space<vmem>>)
    %get3A_1697 = arith.constant 102 : i32
    %get3A_1698 = arith.index_cast %get3A_1697 : i32 to index
    %get3A_1699 = arith.constant 0 : index
    %get3A_1700 = tpu.vector_load %arg6[%get3A_1698, %get3A_1699] {strides = array<i32>} : memref<104x128xi32, #tpu.memory_space<vmem>>, vector<16xi32>,
    %and3A_1701 = arith.constant 3 : i32
    %and3A_1702 = vector.broadcast %and3A_1701 : i32 to vector<16xi32>
    %and3A_1703 = arith.andi %get3A_1700, %and3A_1702 : vector<16xi32>
    %shift_left3A_1704 = arith.constant 5 : i32
    %shift_left3A_1705 = vector.broadcast %shift_left3A_1704 : i32 to vector<16xi32>
    %shift_left3A_1706 = arith.shli %and3A_1703, %shift_left3A_1705 : vector<16xi32>
    %get3A_1707 = arith.constant 102 : i32
    %get3A_1708 = arith.index_cast %get3A_1707 : i32 to index
    %get3A_1709 = arith.constant 16 : index
    %get3A_1710 = tpu.vector_load %arg6[%get3A_1708, %get3A_1709] {strides = array<i32>} : memref<104x128xi32, #tpu.memory_space<vmem>>, vector<16xi32>,
    %and3A_1711 = arith.constant 3 : i32
    %and3A_1712 = vector.broadcast %and3A_1711 : i32 to vector<16xi32>
    %and3A_1713 = arith.andi %get3A_1710, %and3A_1712 : vector<16xi32>
    %shift_left3A_1714 = arith.constant 5 : i32
    %shift_left3A_1715 = vector.broadcast %shift_left3A_1714 : i32 to vector<16xi32>
    %shift_left3A_1716 = arith.shli %and3A_1713, %shift_left3A_1715 : vector<16xi32>
    %get3A_1717 = arith.constant 102 : i32
    %get3A_1718 = arith.index_cast %get3A_1717 : i32 to index
    %get3A_1719 = arith.constant 32 : index
    %get3A_1720 = tpu.vector_load %arg6[%get3A_1718, %get3A_1719] {strides = array<i32>} : memref<104x128xi32, #tpu.memory_space<vmem>>, vector<16xi32>,
    %and3A_1721 = arith.constant 3 : i32
    %and3A_1722 = vector.broadcast %and3A_1721 : i32 to vector<16xi32>
    %and3A_1723 = arith.andi %get3A_1720, %and3A_1722 : vector<16xi32>
    %shift_left3A_1724 = arith.constant 5 : i32
    %shift_left3A_1725 = vector.broadcast %shift_left3A_1724 : i32 to vector<16xi32>
    %shift_left3A_1726 = arith.shli %and3A_1723, %shift_left3A_1725 : vector<16xi32>
    %get3A_1727 = arith.constant 102 : i32
    %get3A_1728 = arith.index_cast %get3A_1727 : i32 to index
    %get3A_1729 = arith.constant 48 : index
    %get3A_1730 = tpu.vector_load %arg6[%get3A_1728, %get3A_1729] {strides = array<i32>} : memref<104x128xi32, #tpu.memory_space<vmem>>, vector<16xi32>,
    %and3A_1731 = arith.constant 3 : i32
    %and3A_1732 = vector.broadcast %and3A_1731 : i32 to vector<16xi32>
    %and3A_1733 = arith.andi %get3A_1730, %and3A_1732 : vector<16xi32>
    %shift_left3A_1734 = arith.constant 5 : i32
    %shift_left3A_1735 = vector.broadcast %shift_left3A_1734 : i32 to vector<16xi32>
    %shift_left3A_1736 = arith.shli %and3A_1733, %shift_left3A_1735 : vector<16xi32>
    %get3A_1737 = arith.constant 102 : i32
    %get3A_1738 = arith.index_cast %get3A_1737 : i32 to index
    %get3A_1739 = arith.constant 64 : index
    %get3A_1740 = tpu.vector_load %arg6[%get3A_1738, %get3A_1739] {strides = array<i32>} : memref<104x128xi32, #tpu.memory_space<vmem>>, vector<16xi32>,
    %and3A_1741 = arith.constant 3 : i32
    %and3A_1742 = vector.broadcast %and3A_1741 : i32 to vector<16xi32>
    %and3A_1743 = arith.andi %get3A_1740, %and3A_1742 : vector<16xi32>
    %shift_left3A_1744 = arith.constant 5 : i32
    %shift_left3A_1745 = vector.broadcast %shift_left3A_1744 : i32 to vector<16xi32>
    %shift_left3A_1746 = arith.shli %and3A_1743, %shift_left3A_1745 : vector<16xi32>
    %get3A_1747 = arith.constant 102 : i32
    %get3A_1748 = arith.index_cast %get3A_1747 : i32 to index
    %get3A_1749 = arith.constant 80 : index
    %get3A_1750 = tpu.vector_load %arg6[%get3A_1748, %get3A_1749] {strides = array<i32>} : memref<104x128xi32, #tpu.memory_space<vmem>>, vector<16xi32>,
    %and3A_1751 = arith.constant 3 : i32
    %and3A_1752 = vector.broadcast %and3A_1751 : i32 to vector<16xi32>
    %and3A_1753 = arith.andi %get3A_1750, %and3A_1752 : vector<16xi32>
    %shift_left3A_1754 = arith.constant 5 : i32
    %shift_left3A_1755 = vector.broadcast %shift_left3A_1754 : i32 to vector<16xi32>
    %shift_left3A_1756 = arith.shli %and3A_1753, %shift_left3A_1755 : vector<16xi32>
    %get3A_1757 = arith.constant 102 : i32
    %get3A_1758 = arith.index_cast %get3A_1757 : i32 to index
    %get3A_1759 = arith.constant 96 : index
    %get3A_1760 = tpu.vector_load %arg6[%get3A_1758, %get3A_1759] {strides = array<i32>} : memref<104x128xi32, #tpu.memory_space<vmem>>, vector<16xi32>,
    %and3A_1761 = arith.constant 3 : i32
    %and3A_1762 = vector.broadcast %and3A_1761 : i32 to vector<16xi32>
    %and3A_1763 = arith.andi %get3A_1760, %and3A_1762 : vector<16xi32>
    %shift_left3A_1764 = arith.constant 5 : i32
    %shift_left3A_1765 = vector.broadcast %shift_left3A_1764 : i32 to vector<16xi32>
    %shift_left3A_1766 = arith.shli %and3A_1763, %shift_left3A_1765 : vector<16xi32>
    %get3A_1767 = arith.constant 102 : i32
    %get3A_1768 = arith.index_cast %get3A_1767 : i32 to index
    %get3A_1769 = arith.constant 112 : index
    %get3A_1770 = tpu.vector_load %arg6[%get3A_1768, %get3A_1769] {strides = array<i32>} : memref<104x128xi32, #tpu.memory_space<vmem>>, vector<16xi32>,
    %and3A_1771 = arith.constant 3 : i32
    %and3A_1772 = vector.broadcast %and3A_1771 : i32 to vector<16xi32>
    %and3A_1773 = arith.andi %get3A_1770, %and3A_1772 : vector<16xi32>
    %shift_left3A_1774 = arith.constant 5 : i32
    %shift_left3A_1775 = vector.broadcast %shift_left3A_1774 : i32 to vector<16xi32>
    %shift_left3A_1776 = arith.shli %and3A_1773, %shift_left3A_1775 : vector<16xi32>
    %scan3A_1777 = arith.constant 0 : i32
    %scan3A_1778 = arith.constant 16 : i32
    %scan3A_1779 = arith.addi %scan3A_1777, %scan3A_1778 : i32
    %scan3A_1780 = arith.constant 1 : i32
    scf.for %scan3A_1981 = %scan3A_1777 to %scan3A_1779 step %scan3A_1780  : i32 {
      %add3A_1982 = vector.broadcast %scan3A_1981 : i32 to vector<16xi32>
      %add3A_1983 = arith.addi %iota3A, %add3A_1982 : vector<16xi32>
      %and3A_1984 = arith.constant 15 : i32
      %and3A_1985 = vector.broadcast %and3A_1984 : i32 to vector<16xi32>
      %and3A_1986 = arith.andi %add3A_1983, %and3A_1985 : vector<16xi32>
      %add3A_1987 = arith.constant 0 : i32
      %add3A_1988 = vector.broadcast %add3A_1987 : i32 to vector<16xi32>
      %add3A_1989 = arith.addi %add3A_1988, %and3A_1986 : vector<16xi32>
      %add3A_1990 = arith.addi %shift_left3A_1706, %add3A_1989 : vector<16xi32>
      %gather3A = tpu.vector_load_idx %arg10[%add3A_1355, %add3A_1990] : memref<128x128xf32, #tpu.memory_space<vmem>>[vector<16xi32>, vector<16xi32>], vector<16xf32>,
      tpu.vector_store_idx %arg12[%add3A_1989, %add3A_1355], %gather3A : memref<32x128xf32, #tpu.memory_space<vmem>>[vector<16xi32>, vector<16xi32>], vector<16xf32>,
      %add3A_1991 = arith.constant 16 : i32
      %add3A_1992 = vector.broadcast %add3A_1991 : i32 to vector<16xi32>
      %add3A_1993 = arith.addi %add3A_1992, %and3A_1986 : vector<16xi32>
      %add3A_1994 = arith.addi %shift_left3A_1706, %add3A_1993 : vector<16xi32>
      %gather3A_1995 = tpu.vector_load_idx %arg10[%add3A_1355, %add3A_1994] : memref<128x128xf32, #tpu.memory_space<vmem>>[vector<16xi32>, vector<16xi32>], vector<16xf32>,
      tpu.vector_store_idx %arg12[%add3A_1993, %add3A_1355], %gather3A_1995 : memref<32x128xf32, #tpu.memory_space<vmem>>[vector<16xi32>, vector<16xi32>], vector<16xf32>,
      %add3A_1996 = arith.constant 0 : i32
      %add3A_1997 = vector.broadcast %add3A_1996 : i32 to vector<16xi32>
      %add3A_1998 = arith.addi %add3A_1997, %and3A_1986 : vector<16xi32>
      %add3A_1999 = arith.addi %shift_left3A_1716, %add3A_1998 : vector<16xi32>
      %gather3A_2000 = tpu.vector_load_idx %arg10[%add3A_1358, %add3A_1999] : memref<128x128xf32, #tpu.memory_space<vmem>>[vector<16xi32>, vector<16xi32>], vector<16xf32>,
      tpu.vector_store_idx %arg12[%add3A_1998, %add3A_1358], %gather3A_2000 : memref<32x128xf32, #tpu.memory_space<vmem>>[vector<16xi32>, vector<16xi32>], vector<16xf32>,
      %add3A_2001 = arith.constant 16 : i32
      %add3A_2002 = vector.broadcast %add3A_2001 : i32 to vector<16xi32>
      %add3A_2003 = arith.addi %add3A_2002, %and3A_1986 : vector<16xi32>
      %add3A_2004 = arith.addi %shift_left3A_1716, %add3A_2003 : vector<16xi32>
      %gather3A_2005 = tpu.vector_load_idx %arg10[%add3A_1358, %add3A_2004] : memref<128x128xf32, #tpu.memory_space<vmem>>[vector<16xi32>, vector<16xi32>], vector<16xf32>,
      tpu.vector_store_idx %arg12[%add3A_2003, %add3A_1358], %gather3A_2005 : memref<32x128xf32, #tpu.memory_space<vmem>>[vector<16xi32>, vector<16xi32>], vector<16xf32>,
      %add3A_2006 = arith.constant 0 : i32
      %add3A_2007 = vector.broadcast %add3A_2006 : i32 to vector<16xi32>
      %add3A_2008 = arith.addi %add3A_2007, %and3A_1986 : vector<16xi32>
      %add3A_2009 = arith.addi %shift_left3A_1726, %add3A_2008 : vector<16xi32>
      %gather3A_2010 = tpu.vector_load_idx %arg10[%add3A_1361, %add3A_2009] : memref<128x128xf32, #tpu.memory_space<vmem>>[vector<16xi32>, vector<16xi32>], vector<16xf32>,
      tpu.vector_store_idx %arg12[%add3A_2008, %add3A_1361], %gather3A_2010 : memref<32x128xf32, #tpu.memory_space<vmem>>[vector<16xi32>, vector<16xi32>], vector<16xf32>,
      %add3A_2011 = arith.constant 16 : i32
      %add3A_2012 = vector.broadcast %add3A_2011 : i32 to vector<16xi32>
      %add3A_2013 = arith.addi %add3A_2012, %and3A_1986 : vector<16xi32>
      %add3A_2014 = arith.addi %shift_left3A_1726, %add3A_2013 : vector<16xi32>
      %gather3A_2015 = tpu.vector_load_idx %arg10[%add3A_1361, %add3A_2014] : memref<128x128xf32, #tpu.memory_space<vmem>>[vector<16xi32>, vector<16xi32>], vector<16xf32>,
      tpu.vector_store_idx %arg12[%add3A_2013, %add3A_1361], %gather3A_2015 : memref<32x128xf32, #tpu.memory_space<vmem>>[vector<16xi32>, vector<16xi32>], vector<16xf32>,
      %add3A_2016 = arith.constant 0 : i32
      %add3A_2017 = vector.broadcast %add3A_2016 : i32 to vector<16xi32>
      %add3A_2018 = arith.addi %add3A_2017, %and3A_1986 : vector<16xi32>
      %add3A_2019 = arith.addi %shift_left3A_1736, %add3A_2018 : vector<16xi32>
      %gather3A_2020 = tpu.vector_load_idx %arg10[%add3A_1364, %add3A_2019] : memref<128x128xf32, #tpu.memory_space<vmem>>[vector<16xi32>, vector<16xi32>], vector<16xf32>,
      tpu.vector_store_idx %arg12[%add3A_2018, %add3A_1364], %gather3A_2020 : memref<32x128xf32, #tpu.memory_space<vmem>>[vector<16xi32>, vector<16xi32>], vector<16xf32>,
      %add3A_2021 = arith.constant 16 : i32
      %add3A_2022 = vector.broadcast %add3A_2021 : i32 to vector<16xi32>
      %add3A_2023 = arith.addi %add3A_2022, %and3A_1986 : vector<16xi32>
      %add3A_2024 = arith.addi %shift_left3A_1736, %add3A_2023 : vector<16xi32>
      %gather3A_2025 = tpu.vector_load_idx %arg10[%add3A_1364, %add3A_2024] : memref<128x128xf32, #tpu.memory_space<vmem>>[vector<16xi32>, vector<16xi32>], vector<16xf32>,
      tpu.vector_store_idx %arg12[%add3A_2023, %add3A_1364], %gather3A_2025 : memref<32x128xf32, #tpu.memory_space<vmem>>[vector<16xi32>, vector<16xi32>], vector<16xf32>,
      %add3A_2026 = arith.constant 0 : i32
      %add3A_2027 = vector.broadcast %add3A_2026 : i32 to vector<16xi32>
      %add3A_2028 = arith.addi %add3A_2027, %and3A_1986 : vector<16xi32>
      %add3A_2029 = arith.addi %shift_left3A_1746, %add3A_2028 : vector<16xi32>
      %gather3A_2030 = tpu.vector_load_idx %arg10[%add3A_1367, %add3A_2029] : memref<128x128xf32, #tpu.memory_space<vmem>>[vector<16xi32>, vector<16xi32>], vector<16xf32>,
      tpu.vector_store_idx %arg12[%add3A_2028, %add3A_1367], %gather3A_2030 : memref<32x128xf32, #tpu.memory_space<vmem>>[vector<16xi32>, vector<16xi32>], vector<16xf32>,
      %add3A_2031 = arith.constant 16 : i32
      %add3A_2032 = vector.broadcast %add3A_2031 : i32 to vector<16xi32>
      %add3A_2033 = arith.addi %add3A_2032, %and3A_1986 : vector<16xi32>
      %add3A_2034 = arith.addi %shift_left3A_1746, %add3A_2033 : vector<16xi32>
      %gather3A_2035 = tpu.vector_load_idx %arg10[%add3A_1367, %add3A_2034] : memref<128x128xf32, #tpu.memory_space<vmem>>[vector<16xi32>, vector<16xi32>], vector<16xf32>,
      tpu.vector_store_idx %arg12[%add3A_2033, %add3A_1367], %gather3A_2035 : memref<32x128xf32, #tpu.memory_space<vmem>>[vector<16xi32>, vector<16xi32>], vector<16xf32>,
      %add3A_2036 = arith.constant 0 : i32
      %add3A_2037 = vector.broadcast %add3A_2036 : i32 to vector<16xi32>
      %add3A_2038 = arith.addi %add3A_2037, %and3A_1986 : vector<16xi32>
      %add3A_2039 = arith.addi %shift_left3A_1756, %add3A_2038 : vector<16xi32>
      %gather3A_2040 = tpu.vector_load_idx %arg10[%add3A_1370, %add3A_2039] : memref<128x128xf32, #tpu.memory_space<vmem>>[vector<16xi32>, vector<16xi32>], vector<16xf32>,
      tpu.vector_store_idx %arg12[%add3A_2038, %add3A_1370], %gather3A_2040 : memref<32x128xf32, #tpu.memory_space<vmem>>[vector<16xi32>, vector<16xi32>], vector<16xf32>,
      %add3A_2041 = arith.constant 16 : i32
      %add3A_2042 = vector.broadcast %add3A_2041 : i32 to vector<16xi32>
      %add3A_2043 = arith.addi %add3A_2042, %and3A_1986 : vector<16xi32>
      %add3A_2044 = arith.addi %shift_left3A_1756, %add3A_2043 : vector<16xi32>
      %gather3A_2045 = tpu.vector_load_idx %arg10[%add3A_1370, %add3A_2044] : memref<128x128xf32, #tpu.memory_space<vmem>>[vector<16xi32>, vector<16xi32>], vector<16xf32>,
      tpu.vector_store_idx %arg12[%add3A_2043, %add3A_1370], %gather3A_2045 : memref<32x128xf32, #tpu.memory_space<vmem>>[vector<16xi32>, vector<16xi32>], vector<16xf32>,
      %add3A_2046 = arith.constant 0 : i32
      %add3A_2047 = vector.broadcast %add3A_2046 : i32 to vector<16xi32>
      %add3A_2048 = arith.addi %add3A_2047, %and3A_1986 : vector<16xi32>
      %add3A_2049 = arith.addi %shift_left3A_1766, %add3A_2048 : vector<16xi32>
      %gather3A_2050 = tpu.vector_load_idx %arg10[%add3A_1373, %add3A_2049] : memref<128x128xf32, #tpu.memory_space<vmem>>[vector<16xi32>, vector<16xi32>], vector<16xf32>,
      tpu.vector_store_idx %arg12[%add3A_2048, %add3A_1373], %gather3A_2050 : memref<32x128xf32, #tpu.memory_space<vmem>>[vector<16xi32>, vector<16xi32>], vector<16xf32>,
      %add3A_2051 = arith.constant 16 : i32
      %add3A_2052 = vector.broadcast %add3A_2051 : i32 to vector<16xi32>
      %add3A_2053 = arith.addi %add3A_2052, %and3A_1986 : vector<16xi32>
      %add3A_2054 = arith.addi %shift_left3A_1766, %add3A_2053 : vector<16xi32>
      %gather3A_2055 = tpu.vector_load_idx %arg10[%add3A_1373, %add3A_2054] : memref<128x128xf32, #tpu.memory_space<vmem>>[vector<16xi32>, vector<16xi32>], vector<16xf32>,
      tpu.vector_store_idx %arg12[%add3A_2053, %add3A_1373], %gather3A_2055 : memref<32x128xf32, #tpu.memory_space<vmem>>[vector<16xi32>, vector<16xi32>], vector<16xf32>,
      %add3A_2056 = arith.constant 0 : i32
      %add3A_2057 = vector.broadcast %add3A_2056 : i32 to vector<16xi32>
      %add3A_2058 = arith.addi %add3A_2057, %and3A_1986 : vector<16xi32>
      %add3A_2059 = arith.addi %shift_left3A_1776, %add3A_2058 : vector<16xi32>
      %gather3A_2060 = tpu.vector_load_idx %arg10[%add3A_1376, %add3A_2059] : memref<128x128xf32, #tpu.memory_space<vmem>>[vector<16xi32>, vector<16xi32>], vector<16xf32>,
      tpu.vector_store_idx %arg12[%add3A_2058, %add3A_1376], %gather3A_2060 : memref<32x128xf32, #tpu.memory_space<vmem>>[vector<16xi32>, vector<16xi32>], vector<16xf32>,
      %add3A_2061 = arith.constant 16 : i32
      %add3A_2062 = vector.broadcast %add3A_2061 : i32 to vector<16xi32>
      %add3A_2063 = arith.addi %add3A_2062, %and3A_1986 : vector<16xi32>
      %add3A_2064 = arith.addi %shift_left3A_1776, %add3A_2063 : vector<16xi32>
      %gather3A_2065 = tpu.vector_load_idx %arg10[%add3A_1376, %add3A_2064] : memref<128x128xf32, #tpu.memory_space<vmem>>[vector<16xi32>, vector<16xi32>], vector<16xf32>,
      tpu.vector_store_idx %arg12[%add3A_2063, %add3A_1376], %gather3A_2065 : memref<32x128xf32, #tpu.memory_space<vmem>>[vector<16xi32>, vector<16xi32>], vector<16xf32>,
    }
    %scan3A_1781 = arith.constant 16 : i32
    %jit3A_1782 = arith.constant 102 : i32
    %jit3A_1783 = arith.constant 4 : i32
    %div3A_1784 = arith.divsi %jit3A_1782, %jit3A_1783 : i32
    %sign3A_1785 = arith.constant 0 : i32
    %sign3A_1786 = arith.cmpi sgt, %jit3A_1782, %sign3A_1785 : i32
    %sign3A_1787 = arith.extui %sign3A_1786 : i1 to i32
    %sign3A_1788 = arith.constant 0 : i32
    %sign3A_1789 = arith.cmpi slt, %jit3A_1782, %sign3A_1788 : i32
    %sign3A_1790 = arith.extui %sign3A_1789 : i1 to i32
    %sign3A_1791 = arith.subi %sign3A_1787, %sign3A_1790 : i32
    %sign3A_1792 = arith.constant 0 : i32
    %sign3A_1793 = arith.cmpi sgt, %jit3A_1783, %sign3A_1792 : i32
    %sign3A_1794 = arith.extui %sign3A_1793 : i1 to i32
    %sign3A_1795 = arith.constant 0 : i32
    %sign3A_1796 = arith.cmpi slt, %jit3A_1783, %sign3A_1795 : i32
    %sign3A_1797 = arith.extui %sign3A_1796 : i1 to i32
    %sign3A_1798 = arith.subi %sign3A_1794, %sign3A_1797 : i32
    %ne3A_1799 = arith.cmpi ne, %sign3A_1791, %sign3A_1798 : i32
    %rem3A_1800 = arith.remsi %jit3A_1782, %jit3A_1783 : i32
    %ne3A_1801 = arith.constant 0 : i32
    %ne3A_1802 = arith.cmpi ne, %rem3A_1800, %ne3A_1801 : i32
    %and3A_1803 = arith.andi %ne3A_1799, %ne3A_1802 : i1
    %sub3A_1804 = arith.constant 1 : i32
    %sub3A_1805 = arith.subi %div3A_1784, %sub3A_1804 : i32
    %select_n3A_1806 = arith.select %and3A_1803, %sub3A_1805, %div3A_1784 : i32
    %mul3A_1807 = arith.constant 4 : i32
    %mul3A_1808 = arith.muli %select_n3A_1806, %mul3A_1807 : i32
    %sub3A_1809 = arith.constant 102 : i32
    %sub3A_1810 = arith.subi %sub3A_1809, %mul3A_1808 : i32
    %mul3A_1811 = arith.constant 512 : i32
    %mul3A_1812 = arith.muli %add3A, %mul3A_1811 : i32
    %mul3A_1813 = arith.constant 128 : i32
    %mul3A_1814 = arith.muli %sub3A_1810, %mul3A_1813 : i32
    %add3A_1815 = arith.addi %mul3A_1812, %mul3A_1814 : i32
    %dma_start3A_1816 = arith.constant 0 : i32
    %dma_start3A_1817 = tpu.memref_slice %arg5[%select_n3A_1806, %dma_start3A_1816, %add3A_1815] : memref<26x32x16384xf32, #tpu.memory_space<hbm>> -> memref<1x32x128xf32, #tpu.memory_space<hbm>>
    %dma_start3A_1818 = tpu.memref_squeeze %dma_start3A_1817 : memref<1x32x128xf32, #tpu.memory_space<hbm>> -> memref<32x128xf32, #tpu.memory_space<hbm>>
    %dma_start3A_1819 = arith.constant 0 : i32
    %dma_start3A_1820 = tpu.memref_slice %arg5[%select_n3A_1806, %dma_start3A_1819, %add3A_1815] : memref<26x32x16384xf32, #tpu.memory_space<hbm>> -> memref<1x32x128xf32, #tpu.memory_space<hbm>>
    %dma_start3A_1821 = tpu.memref_squeeze %dma_start3A_1820 : memref<1x32x128xf32, #tpu.memory_space<hbm>> -> memref<32x128xf32, #tpu.memory_space<hbm>>
    tpu.enqueue_dma source(%arg12 : memref<32x128xf32, #tpu.memory_space<vmem>>) target(%dma_start3A_1821 : memref<32x128xf32, #tpu.memory_space<hbm>>) target_semaphore(%arg19 : memref<!tpu.dma_semaphore, #tpu.memory_space<semaphore_mem>>)
    %dma_wait3A_1822 = arith.constant 0 : i32
    %dma_wait3A_1823 = arith.constant 0 : i32
    %dma_wait3A_1824 = arith.constant 128 : i32
    %dma_wait3A_1825 = tpu.memref_slice %arg5[%dma_wait3A_1822, %dma_wait3A_1823, %dma_wait3A_1824] : memref<26x32x16384xf32, #tpu.memory_space<hbm>> -> memref<1x32x128xf32, #tpu.memory_space<hbm>>
    %dma_wait3A_1826 = tpu.memref_squeeze %dma_wait3A_1825 : memref<1x32x128xf32, #tpu.memory_space<hbm>> -> memref<32x128xf32, #tpu.memory_space<hbm>>
    %dma_wait3A_1827 = arith.constant 0 : i32
    %dma_wait3A_1828 = arith.constant 128 : i32
    %dma_wait3A_1829 = tpu.memref_slice %arg5[%dma_wait3A_1822, %dma_wait3A_1827, %dma_wait3A_1828] : memref<26x32x16384xf32, #tpu.memory_space<hbm>> -> memref<1x32x128xf32, #tpu.memory_space<hbm>>
    %dma_wait3A_1830 = tpu.memref_squeeze %dma_wait3A_1829 : memref<1x32x128xf32, #tpu.memory_space<hbm>> -> memref<32x128xf32, #tpu.memory_space<hbm>>
    tpu.wait_dma2 semaphore(%arg20 : memref<!tpu.dma_semaphore, #tpu.memory_space<semaphore_mem>>) src(%arg13 : memref<32x128xf32, #tpu.memory_space<vmem>>) dst(%dma_wait3A_1830 : memref<32x128xf32, #tpu.memory_space<hbm>>)
    %dma_wait3A_1831 = arith.constant 103 : i32
    %dma_wait3A_1832 = arith.constant 0 : i32
    %dma_wait3A_1833 = tpu.memref_slice %arg7[%dma_wait3A_1831, %dma_wait3A_1832] : memref<104x128xi32, #tpu.memory_space<vmem>> -> memref<1x128xi32, #tpu.memory_space<vmem>>
    %dma_wait3A_1834 = tpu.memref_squeeze %dma_wait3A_1833 : memref<1x128xi32, #tpu.memory_space<vmem>> -> memref<128xi32, #tpu.memory_space<vmem>>
    %dma_wait3A_1835 = arith.constant 0 : i32
    %dma_wait3A_1836 = arith.constant 0 : i32
    %dma_wait3A_1837 = tpu.memref_slice %arg4[%dma_wait3A_1835, %dma_wait3A_1836] : memref<250000x128xf32, #tpu.memory_space<hbm>> -> memref<250000x128xf32, #tpu.memory_space<hbm>>
    tpu.wait_indirect_dma semaphore(%arg18 : memref<!tpu.dma_semaphore, #tpu.memory_space<semaphore_mem>>) src(%dma_wait3A_1837 : memref<250000x128xf32, #tpu.memory_space<hbm>>) dst(%arg11 : memref<128x128xf32, #tpu.memory_space<vmem>>)
    %get3A_1838 = arith.constant 103 : i32
    %get3A_1839 = arith.index_cast %get3A_1838 : i32 to index
    %get3A_1840 = arith.constant 0 : index
    %get3A_1841 = tpu.vector_load %arg6[%get3A_1839, %get3A_1840] {strides = array<i32>} : memref<104x128xi32, #tpu.memory_space<vmem>>, vector<16xi32>,
    %and3A_1842 = arith.constant 3 : i32
    %and3A_1843 = vector.broadcast %and3A_1842 : i32 to vector<16xi32>
    %and3A_1844 = arith.andi %get3A_1841, %and3A_1843 : vector<16xi32>
    %shift_left3A_1845 = arith.constant 5 : i32
    %shift_left3A_1846 = vector.broadcast %shift_left3A_1845 : i32 to vector<16xi32>
    %shift_left3A_1847 = arith.shli %and3A_1844, %shift_left3A_1846 : vector<16xi32>
    %get3A_1848 = arith.constant 103 : i32
    %get3A_1849 = arith.index_cast %get3A_1848 : i32 to index
    %get3A_1850 = arith.constant 16 : index
    %get3A_1851 = tpu.vector_load %arg6[%get3A_1849, %get3A_1850] {strides = array<i32>} : memref<104x128xi32, #tpu.memory_space<vmem>>, vector<16xi32>,
    %and3A_1852 = arith.constant 3 : i32
    %and3A_1853 = vector.broadcast %and3A_1852 : i32 to vector<16xi32>
    %and3A_1854 = arith.andi %get3A_1851, %and3A_1853 : vector<16xi32>
    %shift_left3A_1855 = arith.constant 5 : i32
    %shift_left3A_1856 = vector.broadcast %shift_left3A_1855 : i32 to vector<16xi32>
    %shift_left3A_1857 = arith.shli %and3A_1854, %shift_left3A_1856 : vector<16xi32>
    %get3A_1858 = arith.constant 103 : i32
    %get3A_1859 = arith.index_cast %get3A_1858 : i32 to index
    %get3A_1860 = arith.constant 32 : index
    %get3A_1861 = tpu.vector_load %arg6[%get3A_1859, %get3A_1860] {strides = array<i32>} : memref<104x128xi32, #tpu.memory_space<vmem>>, vector<16xi32>,
    %and3A_1862 = arith.constant 3 : i32
    %and3A_1863 = vector.broadcast %and3A_1862 : i32 to vector<16xi32>
    %and3A_1864 = arith.andi %get3A_1861, %and3A_1863 : vector<16xi32>
    %shift_left3A_1865 = arith.constant 5 : i32
    %shift_left3A_1866 = vector.broadcast %shift_left3A_1865 : i32 to vector<16xi32>
    %shift_left3A_1867 = arith.shli %and3A_1864, %shift_left3A_1866 : vector<16xi32>
    %get3A_1868 = arith.constant 103 : i32
    %get3A_1869 = arith.index_cast %get3A_1868 : i32 to index
    %get3A_1870 = arith.constant 48 : index
    %get3A_1871 = tpu.vector_load %arg6[%get3A_1869, %get3A_1870] {strides = array<i32>} : memref<104x128xi32, #tpu.memory_space<vmem>>, vector<16xi32>,
    %and3A_1872 = arith.constant 3 : i32
    %and3A_1873 = vector.broadcast %and3A_1872 : i32 to vector<16xi32>
    %and3A_1874 = arith.andi %get3A_1871, %and3A_1873 : vector<16xi32>
    %shift_left3A_1875 = arith.constant 5 : i32
    %shift_left3A_1876 = vector.broadcast %shift_left3A_1875 : i32 to vector<16xi32>
    %shift_left3A_1877 = arith.shli %and3A_1874, %shift_left3A_1876 : vector<16xi32>
    %get3A_1878 = arith.constant 103 : i32
    %get3A_1879 = arith.index_cast %get3A_1878 : i32 to index
    %get3A_1880 = arith.constant 64 : index
    %get3A_1881 = tpu.vector_load %arg6[%get3A_1879, %get3A_1880] {strides = array<i32>} : memref<104x128xi32, #tpu.memory_space<vmem>>, vector<16xi32>,
    %and3A_1882 = arith.constant 3 : i32
    %and3A_1883 = vector.broadcast %and3A_1882 : i32 to vector<16xi32>
    %and3A_1884 = arith.andi %get3A_1881, %and3A_1883 : vector<16xi32>
    %shift_left3A_1885 = arith.constant 5 : i32
    %shift_left3A_1886 = vector.broadcast %shift_left3A_1885 : i32 to vector<16xi32>
    %shift_left3A_1887 = arith.shli %and3A_1884, %shift_left3A_1886 : vector<16xi32>
    %get3A_1888 = arith.constant 103 : i32
    %get3A_1889 = arith.index_cast %get3A_1888 : i32 to index
    %get3A_1890 = arith.constant 80 : index
    %get3A_1891 = tpu.vector_load %arg6[%get3A_1889, %get3A_1890] {strides = array<i32>} : memref<104x128xi32, #tpu.memory_space<vmem>>, vector<16xi32>,
    %and3A_1892 = arith.constant 3 : i32
    %and3A_1893 = vector.broadcast %and3A_1892 : i32 to vector<16xi32>
    %and3A_1894 = arith.andi %get3A_1891, %and3A_1893 : vector<16xi32>
    %shift_left3A_1895 = arith.constant 5 : i32
    %shift_left3A_1896 = vector.broadcast %shift_left3A_1895 : i32 to vector<16xi32>
    %shift_left3A_1897 = arith.shli %and3A_1894, %shift_left3A_1896 : vector<16xi32>
    %get3A_1898 = arith.constant 103 : i32
    %get3A_1899 = arith.index_cast %get3A_1898 : i32 to index
    %get3A_1900 = arith.constant 96 : index
    %get3A_1901 = tpu.vector_load %arg6[%get3A_1899, %get3A_1900] {strides = array<i32>} : memref<104x128xi32, #tpu.memory_space<vmem>>, vector<16xi32>,
    %and3A_1902 = arith.constant 3 : i32
    %and3A_1903 = vector.broadcast %and3A_1902 : i32 to vector<16xi32>
    %and3A_1904 = arith.andi %get3A_1901, %and3A_1903 : vector<16xi32>
    %shift_left3A_1905 = arith.constant 5 : i32
    %shift_left3A_1906 = vector.broadcast %shift_left3A_1905 : i32 to vector<16xi32>
    %shift_left3A_1907 = arith.shli %and3A_1904, %shift_left3A_1906 : vector<16xi32>
    %get3A_1908 = arith.constant 103 : i32
    %get3A_1909 = arith.index_cast %get3A_1908 : i32 to index
    %get3A_1910 = arith.constant 112 : index
    %get3A_1911 = tpu.vector_load %arg6[%get3A_1909, %get3A_1910] {strides = array<i32>} : memref<104x128xi32, #tpu.memory_space<vmem>>, vector<16xi32>,
    %and3A_1912 = arith.constant 3 : i32
    %and3A_1913 = vector.broadcast %and3A_1912 : i32 to vector<16xi32>
    %and3A_1914 = arith.andi %get3A_1911, %and3A_1913 : vector<16xi32>
    %shift_left3A_1915 = arith.constant 5 : i32
    %shift_left3A_1916 = vector.broadcast %shift_left3A_1915 : i32 to vector<16xi32>
    %shift_left3A_1917 = arith.shli %and3A_1914, %shift_left3A_1916 : vector<16xi32>
    %scan3A_1918 = arith.constant 0 : i32
    %scan3A_1919 = arith.constant 16 : i32
    %scan3A_1920 = arith.addi %scan3A_1918, %scan3A_1919 : i32
    %scan3A_1921 = arith.constant 1 : i32
    scf.for %scan3A_1981 = %scan3A_1918 to %scan3A_1920 step %scan3A_1921  : i32 {
      %add3A_1982 = vector.broadcast %scan3A_1981 : i32 to vector<16xi32>
      %add3A_1983 = arith.addi %iota3A, %add3A_1982 : vector<16xi32>
      %and3A_1984 = arith.constant 15 : i32
      %and3A_1985 = vector.broadcast %and3A_1984 : i32 to vector<16xi32>
      %and3A_1986 = arith.andi %add3A_1983, %and3A_1985 : vector<16xi32>
      %add3A_1987 = arith.constant 0 : i32
      %add3A_1988 = vector.broadcast %add3A_1987 : i32 to vector<16xi32>
      %add3A_1989 = arith.addi %add3A_1988, %and3A_1986 : vector<16xi32>
      %add3A_1990 = arith.addi %shift_left3A_1847, %add3A_1989 : vector<16xi32>
      %gather3A = tpu.vector_load_idx %arg11[%add3A_1355, %add3A_1990] : memref<128x128xf32, #tpu.memory_space<vmem>>[vector<16xi32>, vector<16xi32>], vector<16xf32>,
      tpu.vector_store_idx %arg13[%add3A_1989, %add3A_1355], %gather3A : memref<32x128xf32, #tpu.memory_space<vmem>>[vector<16xi32>, vector<16xi32>], vector<16xf32>,
      %add3A_1991 = arith.constant 16 : i32
      %add3A_1992 = vector.broadcast %add3A_1991 : i32 to vector<16xi32>
      %add3A_1993 = arith.addi %add3A_1992, %and3A_1986 : vector<16xi32>
      %add3A_1994 = arith.addi %shift_left3A_1847, %add3A_1993 : vector<16xi32>
      %gather3A_1995 = tpu.vector_load_idx %arg11[%add3A_1355, %add3A_1994] : memref<128x128xf32, #tpu.memory_space<vmem>>[vector<16xi32>, vector<16xi32>], vector<16xf32>,
      tpu.vector_store_idx %arg13[%add3A_1993, %add3A_1355], %gather3A_1995 : memref<32x128xf32, #tpu.memory_space<vmem>>[vector<16xi32>, vector<16xi32>], vector<16xf32>,
      %add3A_1996 = arith.constant 0 : i32
      %add3A_1997 = vector.broadcast %add3A_1996 : i32 to vector<16xi32>
      %add3A_1998 = arith.addi %add3A_1997, %and3A_1986 : vector<16xi32>
      %add3A_1999 = arith.addi %shift_left3A_1857, %add3A_1998 : vector<16xi32>
      %gather3A_2000 = tpu.vector_load_idx %arg11[%add3A_1358, %add3A_1999] : memref<128x128xf32, #tpu.memory_space<vmem>>[vector<16xi32>, vector<16xi32>], vector<16xf32>,
      tpu.vector_store_idx %arg13[%add3A_1998, %add3A_1358], %gather3A_2000 : memref<32x128xf32, #tpu.memory_space<vmem>>[vector<16xi32>, vector<16xi32>], vector<16xf32>,
      %add3A_2001 = arith.constant 16 : i32
      %add3A_2002 = vector.broadcast %add3A_2001 : i32 to vector<16xi32>
      %add3A_2003 = arith.addi %add3A_2002, %and3A_1986 : vector<16xi32>
      %add3A_2004 = arith.addi %shift_left3A_1857, %add3A_2003 : vector<16xi32>
      %gather3A_2005 = tpu.vector_load_idx %arg11[%add3A_1358, %add3A_2004] : memref<128x128xf32, #tpu.memory_space<vmem>>[vector<16xi32>, vector<16xi32>], vector<16xf32>,
      tpu.vector_store_idx %arg13[%add3A_2003, %add3A_1358], %gather3A_2005 : memref<32x128xf32, #tpu.memory_space<vmem>>[vector<16xi32>, vector<16xi32>], vector<16xf32>,
      %add3A_2006 = arith.constant 0 : i32
      %add3A_2007 = vector.broadcast %add3A_2006 : i32 to vector<16xi32>
      %add3A_2008 = arith.addi %add3A_2007, %and3A_1986 : vector<16xi32>
      %add3A_2009 = arith.addi %shift_left3A_1867, %add3A_2008 : vector<16xi32>
      %gather3A_2010 = tpu.vector_load_idx %arg11[%add3A_1361, %add3A_2009] : memref<128x128xf32, #tpu.memory_space<vmem>>[vector<16xi32>, vector<16xi32>], vector<16xf32>,
      tpu.vector_store_idx %arg13[%add3A_2008, %add3A_1361], %gather3A_2010 : memref<32x128xf32, #tpu.memory_space<vmem>>[vector<16xi32>, vector<16xi32>], vector<16xf32>,
      %add3A_2011 = arith.constant 16 : i32
      %add3A_2012 = vector.broadcast %add3A_2011 : i32 to vector<16xi32>
      %add3A_2013 = arith.addi %add3A_2012, %and3A_1986 : vector<16xi32>
      %add3A_2014 = arith.addi %shift_left3A_1867, %add3A_2013 : vector<16xi32>
      %gather3A_2015 = tpu.vector_load_idx %arg11[%add3A_1361, %add3A_2014] : memref<128x128xf32, #tpu.memory_space<vmem>>[vector<16xi32>, vector<16xi32>], vector<16xf32>,
      tpu.vector_store_idx %arg13[%add3A_2013, %add3A_1361], %gather3A_2015 : memref<32x128xf32, #tpu.memory_space<vmem>>[vector<16xi32>, vector<16xi32>], vector<16xf32>,
      %add3A_2016 = arith.constant 0 : i32
      %add3A_2017 = vector.broadcast %add3A_2016 : i32 to vector<16xi32>
      %add3A_2018 = arith.addi %add3A_2017, %and3A_1986 : vector<16xi32>
      %add3A_2019 = arith.addi %shift_left3A_1877, %add3A_2018 : vector<16xi32>
      %gather3A_2020 = tpu.vector_load_idx %arg11[%add3A_1364, %add3A_2019] : memref<128x128xf32, #tpu.memory_space<vmem>>[vector<16xi32>, vector<16xi32>], vector<16xf32>,
      tpu.vector_store_idx %arg13[%add3A_2018, %add3A_1364], %gather3A_2020 : memref<32x128xf32, #tpu.memory_space<vmem>>[vector<16xi32>, vector<16xi32>], vector<16xf32>,
      %add3A_2021 = arith.constant 16 : i32
      %add3A_2022 = vector.broadcast %add3A_2021 : i32 to vector<16xi32>
      %add3A_2023 = arith.addi %add3A_2022, %and3A_1986 : vector<16xi32>
      %add3A_2024 = arith.addi %shift_left3A_1877, %add3A_2023 : vector<16xi32>
      %gather3A_2025 = tpu.vector_load_idx %arg11[%add3A_1364, %add3A_2024] : memref<128x128xf32, #tpu.memory_space<vmem>>[vector<16xi32>, vector<16xi32>], vector<16xf32>,
      tpu.vector_store_idx %arg13[%add3A_2023, %add3A_1364], %gather3A_2025 : memref<32x128xf32, #tpu.memory_space<vmem>>[vector<16xi32>, vector<16xi32>], vector<16xf32>,
      %add3A_2026 = arith.constant 0 : i32
      %add3A_2027 = vector.broadcast %add3A_2026 : i32 to vector<16xi32>
      %add3A_2028 = arith.addi %add3A_2027, %and3A_1986 : vector<16xi32>
      %add3A_2029 = arith.addi %shift_left3A_1887, %add3A_2028 : vector<16xi32>
      %gather3A_2030 = tpu.vector_load_idx %arg11[%add3A_1367, %add3A_2029] : memref<128x128xf32, #tpu.memory_space<vmem>>[vector<16xi32>, vector<16xi32>], vector<16xf32>,
      tpu.vector_store_idx %arg13[%add3A_2028, %add3A_1367], %gather3A_2030 : memref<32x128xf32, #tpu.memory_space<vmem>>[vector<16xi32>, vector<16xi32>], vector<16xf32>,
      %add3A_2031 = arith.constant 16 : i32
      %add3A_2032 = vector.broadcast %add3A_2031 : i32 to vector<16xi32>
      %add3A_2033 = arith.addi %add3A_2032, %and3A_1986 : vector<16xi32>
      %add3A_2034 = arith.addi %shift_left3A_1887, %add3A_2033 : vector<16xi32>
      %gather3A_2035 = tpu.vector_load_idx %arg11[%add3A_1367, %add3A_2034] : memref<128x128xf32, #tpu.memory_space<vmem>>[vector<16xi32>, vector<16xi32>], vector<16xf32>,
      tpu.vector_store_idx %arg13[%add3A_2033, %add3A_1367], %gather3A_2035 : memref<32x128xf32, #tpu.memory_space<vmem>>[vector<16xi32>, vector<16xi32>], vector<16xf32>,
      %add3A_2036 = arith.constant 0 : i32
      %add3A_2037 = vector.broadcast %add3A_2036 : i32 to vector<16xi32>
      %add3A_2038 = arith.addi %add3A_2037, %and3A_1986 : vector<16xi32>
      %add3A_2039 = arith.addi %shift_left3A_1897, %add3A_2038 : vector<16xi32>
      %gather3A_2040 = tpu.vector_load_idx %arg11[%add3A_1370, %add3A_2039] : memref<128x128xf32, #tpu.memory_space<vmem>>[vector<16xi32>, vector<16xi32>], vector<16xf32>,
      tpu.vector_store_idx %arg13[%add3A_2038, %add3A_1370], %gather3A_2040 : memref<32x128xf32, #tpu.memory_space<vmem>>[vector<16xi32>, vector<16xi32>], vector<16xf32>,
      %add3A_2041 = arith.constant 16 : i32
      %add3A_2042 = vector.broadcast %add3A_2041 : i32 to vector<16xi32>
      %add3A_2043 = arith.addi %add3A_2042, %and3A_1986 : vector<16xi32>
      %add3A_2044 = arith.addi %shift_left3A_1897, %add3A_2043 : vector<16xi32>
      %gather3A_2045 = tpu.vector_load_idx %arg11[%add3A_1370, %add3A_2044] : memref<128x128xf32, #tpu.memory_space<vmem>>[vector<16xi32>, vector<16xi32>], vector<16xf32>,
      tpu.vector_store_idx %arg13[%add3A_2043, %add3A_1370], %gather3A_2045 : memref<32x128xf32, #tpu.memory_space<vmem>>[vector<16xi32>, vector<16xi32>], vector<16xf32>,
      %add3A_2046 = arith.constant 0 : i32
      %add3A_2047 = vector.broadcast %add3A_2046 : i32 to vector<16xi32>
      %add3A_2048 = arith.addi %add3A_2047, %and3A_1986 : vector<16xi32>
      %add3A_2049 = arith.addi %shift_left3A_1907, %add3A_2048 : vector<16xi32>
      %gather3A_2050 = tpu.vector_load_idx %arg11[%add3A_1373, %add3A_2049] : memref<128x128xf32, #tpu.memory_space<vmem>>[vector<16xi32>, vector<16xi32>], vector<16xf32>,
      tpu.vector_store_idx %arg13[%add3A_2048, %add3A_1373], %gather3A_2050 : memref<32x128xf32, #tpu.memory_space<vmem>>[vector<16xi32>, vector<16xi32>], vector<16xf32>,
      %add3A_2051 = arith.constant 16 : i32
      %add3A_2052 = vector.broadcast %add3A_2051 : i32 to vector<16xi32>
      %add3A_2053 = arith.addi %add3A_2052, %and3A_1986 : vector<16xi32>
      %add3A_2054 = arith.addi %shift_left3A_1907, %add3A_2053 : vector<16xi32>
      %gather3A_2055 = tpu.vector_load_idx %arg11[%add3A_1373, %add3A_2054] : memref<128x128xf32, #tpu.memory_space<vmem>>[vector<16xi32>, vector<16xi32>], vector<16xf32>,
      tpu.vector_store_idx %arg13[%add3A_2053, %add3A_1373], %gather3A_2055 : memref<32x128xf32, #tpu.memory_space<vmem>>[vector<16xi32>, vector<16xi32>], vector<16xf32>,
      %add3A_2056 = arith.constant 0 : i32
      %add3A_2057 = vector.broadcast %add3A_2056 : i32 to vector<16xi32>
      %add3A_2058 = arith.addi %add3A_2057, %and3A_1986 : vector<16xi32>
      %add3A_2059 = arith.addi %shift_left3A_1917, %add3A_2058 : vector<16xi32>
      %gather3A_2060 = tpu.vector_load_idx %arg11[%add3A_1376, %add3A_2059] : memref<128x128xf32, #tpu.memory_space<vmem>>[vector<16xi32>, vector<16xi32>], vector<16xf32>,
      tpu.vector_store_idx %arg13[%add3A_2058, %add3A_1376], %gather3A_2060 : memref<32x128xf32, #tpu.memory_space<vmem>>[vector<16xi32>, vector<16xi32>], vector<16xf32>,
      %add3A_2061 = arith.constant 16 : i32
      %add3A_2062 = vector.broadcast %add3A_2061 : i32 to vector<16xi32>
      %add3A_2063 = arith.addi %add3A_2062, %and3A_1986 : vector<16xi32>
      %add3A_2064 = arith.addi %shift_left3A_1917, %add3A_2063 : vector<16xi32>
      %gather3A_2065 = tpu.vector_load_idx %arg11[%add3A_1376, %add3A_2064] : memref<128x128xf32, #tpu.memory_space<vmem>>[vector<16xi32>, vector<16xi32>], vector<16xf32>,
      tpu.vector_store_idx %arg13[%add3A_2063, %add3A_1376], %gather3A_2065 : memref<32x128xf32, #tpu.memory_space<vmem>>[vector<16xi32>, vector<16xi32>], vector<16xf32>,
    }
    %scan3A_1922 = arith.constant 16 : i32
    %jit3A_1923 = arith.constant 103 : i32
    %jit3A_1924 = arith.constant 4 : i32
    %div3A_1925 = arith.divsi %jit3A_1923, %jit3A_1924 : i32
    %sign3A_1926 = arith.constant 0 : i32
    %sign3A_1927 = arith.cmpi sgt, %jit3A_1923, %sign3A_1926 : i32
    %sign3A_1928 = arith.extui %sign3A_1927 : i1 to i32
    %sign3A_1929 = arith.constant 0 : i32
    %sign3A_1930 = arith.cmpi slt, %jit3A_1923, %sign3A_1929 : i32
    %sign3A_1931 = arith.extui %sign3A_1930 : i1 to i32
    %sign3A_1932 = arith.subi %sign3A_1928, %sign3A_1931 : i32
    %sign3A_1933 = arith.constant 0 : i32
    %sign3A_1934 = arith.cmpi sgt, %jit3A_1924, %sign3A_1933 : i32
    %sign3A_1935 = arith.extui %sign3A_1934 : i1 to i32
    %sign3A_1936 = arith.constant 0 : i32
    %sign3A_1937 = arith.cmpi slt, %jit3A_1924, %sign3A_1936 : i32
    %sign3A_1938 = arith.extui %sign3A_1937 : i1 to i32
    %sign3A_1939 = arith.subi %sign3A_1935, %sign3A_1938 : i32
    %ne3A_1940 = arith.cmpi ne, %sign3A_1932, %sign3A_1939 : i32
    %rem3A_1941 = arith.remsi %jit3A_1923, %jit3A_1924 : i32
    %ne3A_1942 = arith.constant 0 : i32
    %ne3A_1943 = arith.cmpi ne, %rem3A_1941, %ne3A_1942 : i32
    %and3A_1944 = arith.andi %ne3A_1940, %ne3A_1943 : i1
    %sub3A_1945 = arith.constant 1 : i32
    %sub3A_1946 = arith.subi %div3A_1925, %sub3A_1945 : i32
    %select_n3A_1947 = arith.select %and3A_1944, %sub3A_1946, %div3A_1925 : i32
    %mul3A_1948 = arith.constant 4 : i32
    %mul3A_1949 = arith.muli %select_n3A_1947, %mul3A_1948 : i32
    %sub3A_1950 = arith.constant 103 : i32
    %sub3A_1951 = arith.subi %sub3A_1950, %mul3A_1949 : i32
    %mul3A_1952 = arith.constant 512 : i32
    %mul3A_1953 = arith.muli %add3A, %mul3A_1952 : i32
    %mul3A_1954 = arith.constant 128 : i32
    %mul3A_1955 = arith.muli %sub3A_1951, %mul3A_1954 : i32
    %add3A_1956 = arith.addi %mul3A_1953, %mul3A_1955 : i32
    %dma_start3A_1957 = arith.constant 0 : i32
    %dma_start3A_1958 = tpu.memref_slice %arg5[%select_n3A_1947, %dma_start3A_1957, %add3A_1956] : memref<26x32x16384xf32, #tpu.memory_space<hbm>> -> memref<1x32x128xf32, #tpu.memory_space<hbm>>
    %dma_start3A_1959 = tpu.memref_squeeze %dma_start3A_1958 : memref<1x32x128xf32, #tpu.memory_space<hbm>> -> memref<32x128xf32, #tpu.memory_space<hbm>>
    %dma_start3A_1960 = arith.constant 0 : i32
    %dma_start3A_1961 = tpu.memref_slice %arg5[%select_n3A_1947, %dma_start3A_1960, %add3A_1956] : memref<26x32x16384xf32, #tpu.memory_space<hbm>> -> memref<1x32x128xf32, #tpu.memory_space<hbm>>
    %dma_start3A_1962 = tpu.memref_squeeze %dma_start3A_1961 : memref<1x32x128xf32, #tpu.memory_space<hbm>> -> memref<32x128xf32, #tpu.memory_space<hbm>>
    tpu.enqueue_dma source(%arg13 : memref<32x128xf32, #tpu.memory_space<vmem>>) target(%dma_start3A_1962 : memref<32x128xf32, #tpu.memory_space<hbm>>) target_semaphore(%arg20 : memref<!tpu.dma_semaphore, #tpu.memory_space<semaphore_mem>>)
    %dma_wait3A_1963 = arith.constant 0 : i32
    %dma_wait3A_1964 = arith.constant 0 : i32
    %dma_wait3A_1965 = arith.constant 0 : i32
    %dma_wait3A_1966 = tpu.memref_slice %arg5[%dma_wait3A_1963, %dma_wait3A_1964, %dma_wait3A_1965] : memref<26x32x16384xf32, #tpu.memory_space<hbm>> -> memref<1x32x128xf32, #tpu.memory_space<hbm>>
    %dma_wait3A_1967 = tpu.memref_squeeze %dma_wait3A_1966 : memref<1x32x128xf32, #tpu.memory_space<hbm>> -> memref<32x128xf32, #tpu.memory_space<hbm>>
    %dma_wait3A_1968 = arith.constant 0 : i32
    %dma_wait3A_1969 = arith.constant 0 : i32
    %dma_wait3A_1970 = tpu.memref_slice %arg5[%dma_wait3A_1963, %dma_wait3A_1968, %dma_wait3A_1969] : memref<26x32x16384xf32, #tpu.memory_space<hbm>> -> memref<1x32x128xf32, #tpu.memory_space<hbm>>
    %dma_wait3A_1971 = tpu.memref_squeeze %dma_wait3A_1970 : memref<1x32x128xf32, #tpu.memory_space<hbm>> -> memref<32x128xf32, #tpu.memory_space<hbm>>
    tpu.wait_dma2 semaphore(%arg19 : memref<!tpu.dma_semaphore, #tpu.memory_space<semaphore_mem>>) src(%arg12 : memref<32x128xf32, #tpu.memory_space<vmem>>) dst(%dma_wait3A_1971 : memref<32x128xf32, #tpu.memory_space<hbm>>)
    %dma_wait3A_1972 = arith.constant 0 : i32
    %dma_wait3A_1973 = arith.constant 0 : i32
    %dma_wait3A_1974 = arith.constant 128 : i32
    %dma_wait3A_1975 = tpu.memref_slice %arg5[%dma_wait3A_1972, %dma_wait3A_1973, %dma_wait3A_1974] : memref<26x32x16384xf32, #tpu.memory_space<hbm>> -> memref<1x32x128xf32, #tpu.memory_space<hbm>>
    %dma_wait3A_1976 = tpu.memref_squeeze %dma_wait3A_1975 : memref<1x32x128xf32, #tpu.memory_space<hbm>> -> memref<32x128xf32, #tpu.memory_space<hbm>>
    %dma_wait3A_1977 = arith.constant 0 : i32
    %dma_wait3A_1978 = arith.constant 128 : i32
    %dma_wait3A_1979 = tpu.memref_slice %arg5[%dma_wait3A_1972, %dma_wait3A_1977, %dma_wait3A_1978] : memref<26x32x16384xf32, #tpu.memory_space<hbm>> -> memref<1x32x128xf32, #tpu.memory_space<hbm>>
    %dma_wait3A_1980 = tpu.memref_squeeze %dma_wait3A_1979 : memref<1x32x128xf32, #tpu.memory_space<hbm>> -> memref<32x128xf32, #tpu.memory_space<hbm>>
    tpu.wait_dma2 semaphore(%arg20 : memref<!tpu.dma_semaphore, #tpu.memory_space<semaphore_mem>>) src(%arg13 : memref<32x128xf32, #tpu.memory_space<vmem>>) dst(%dma_wait3A_1980 : memref<32x128xf32, #tpu.memory_space<hbm>>)
    return
  }
}

</mosaic_0001>

<sc_bundles>
// kernel: kernel.3.cloned.1.call-start
scs
__scs_entry_jumppad:
0x0: {  	(pc) =	sbr.rel $0x88, $3  }
0x1: {  	(tag) =	ssettag $0x0;
	lr =	simm.s32 $0x1  }
0x2: {  	[smem:$0x3F9F] =	sst lr;
	_ =	strace $0xD0000000  }
0x3: {  	_ = 	snop  }
0x4: {  	_ = 	snop  }
0x5: {  	_ = 	snop  }
0x6: {  	_ = 	snop  }
0x7: {  	_ = 	snop  }
__scs_overlays_trampoline_lowered:
0x8: {  	[smem:$0x3FAE] =	sst s0  }
0x9: {  	[smem:$0x3FAF] =	sst s1  }
0xa: {  	[smem:$0x3FB0] =	sst s2  }
0xb: {  	[smem:$0x3FB1] =	sst s3  }
0xc: {  	[smem:$0x3FB2] =	sst s4  }
0xd: {  	[smem:$0x3FB3] =	sst s5  }
0xe: {  	[smem:$0x3FB4] =	sst s6  }
0xf: {  	[smem:$0x3FB5] =	sst s7  }
0x10: {  	[smem:$0x3FB6] =	sst s8  }
0x11: {  	[smem:$0x3FB7] =	sst s9;
	s0 =	simm.s32 @!p0 $0x0  }
0x12: {  	s1 =	sld [smem:$0x3F9D];
	s0 =	simm.s32 @p0 $0x1  }
0x13: {  	[smem:$0x3FB8] =	sst s0;
	s0 =	simm.s32 @!p1 $0x0  }
0x14: {  	s2 =	sld [smem:$0x3F9C];
	s0 =	simm.s32 @p1 $0x1  }
0x15: {  	[smem:$0x3FB9] =	sst s0;
	s0 =	simm.s32 @!p2 $0x0  }
0x16: {  	s3 =	sld [smem:$0x3FDB];
	s0 =	simm.s32 @p2 $0x1  }
0x17: {  	s4 =	simm.s32 $0x1BF5;
	[smem:$0x3FBB] =	sst s0  }
0x18: {  	s0 =	sld [smem:$0x3F9E];
	_ =	swait.ge [sflag:s4], $0x0  }
0x19: {  	s7 =	sld [smem:$0x3F9F]  }
0x1a: {  	s8 =	sadd.s32 $0xFFFFE003, lr  }
0x1b: {  	s9 =	sadd.s32 $0xFFFFFEF7, lr;
	s5 =	simm.s32 $0xFFFFFFFF;
	p2 =	slt.u32 s8, $0xFFFFF086  }
0x1c: {  	p1 =	slt.u32 s9, $0xF7A;
	s5 =	simm.s32 @!p2 $0x0  }
0x1d: {  	s5 =	simm.s32 @p1 $0x1;
	p0 =	seq.s32 s7, s2  }
0x1e: {  	s7 =	smul.u32 @!p0 $0xF7A, s2;
	p2 =	seq.s32 @!p0 s5, $0x0  }
0x1f: {  	s9 =	smul.u32 $0xF7A, s1;
	s8 =	simm.s32 @!p0 $0x1BF5;
	p2 =	por !p2, p0  }
0x20: {  	[sflag:s8] =	ssyncset.s32 @!p0 $0xFFFFF086;
	s6 =	sadd.s32 @!p0 s3, s7;
	s7 =	simm.s32 @!p0 $0x108  }
0x21: {  	s3 =	sadd.s32 s3, s9;
	s6 =	sadd.s32 @!p0 $0x88, s6;
	s7 =	simm.s32 @p2 $0x1082  }
0x22: {  	[simem:s7], [sflag:s8] =	dma.local @!p0 [hbm:s6], $0xF7A  }
0x23: {  	s9 =	sor.u32 $0xD0000000, s2;
	s6 =	simm.s32 $0x108;
	_ =	swait.ge @!p0 [sflag:s8], $0x0  }
0x24: {  	s3 =	sadd.s32 $0x88, s3;
	s6 =	simm.s32 @!p1 $0x1082;
	[sflag:s4] =	ssyncset.s32 $0xFFFFF086  }
0x25: {  	[simem:s6], [sflag:s4] =	dma.local [hbm:s3], $0xF7A  }
0x26: {  	[smem:$0x3F9F] =	sst s1;
	(tag) =	ssettag s2;
	_ =	strace s9  }
0x27: {  	s1 =	sld [smem:$0x3FAF]  }
0x28: {  	s2 =	sld [smem:$0x3FB0]  }
0x29: {  	s4 =	sld [smem:$0x3FB2]  }
0x2a: {  	p0 =	seq.s32 s5, $0x0;
	s5 =	sld [smem:$0x3FB3]  }
0x2b: {  	s6 =	sld [smem:$0x3FB4]  }
0x2c: {  	s7 =	sld [smem:$0x3FB5]  }
0x2d: {  	s3 =	simm.s32 $0x108;
	s8 =	sld [smem:$0x3FB6]  }
0x2e: {  	s3 =	simm.s32 @!p0 $0x1082;
	s9 =	sld [smem:$0x3FB7]  }
0x2f: {  	lr =	sadd.s32 s0, s3;
	s0 =	sld [smem:$0x3FAE]  }
0x30: {  	s3 =	sld [smem:$0x3FB1]  }
0x31: {  	[smem:$0x3FBA] =	sst s10  }
0x32: {  	s10 =	sld [smem:$0x3FB8];
	_ =	sdelay $0x3  }
0x33: {  	p0 =	seq.s32 s10, $0x1;
	s10 =	sld [smem:$0x3FBA];
	_ =	sdelay $0x3  }
0x34: {  	[smem:$0x3FBA] =	sst s10  }
0x35: {  	s10 =	sld [smem:$0x3FB9];
	_ =	sdelay $0x3  }
0x36: {  	p1 =	seq.s32 s10, $0x1;
	s10 =	sld [smem:$0x3FBA];
	_ =	sdelay $0x3  }
0x37: {  	[smem:$0x3FBA] =	sst s10  }
0x38: {  	s10 =	sld [smem:$0x3FBB]  }
0x39: {  	_ = 	snop;
	(pc) =	sbr.ind lr, $3  }
0x3a: {  	_ = 	snop  }
0x3b: {  	_ = 	snop  }
0x3c: {  	p2 =	seq.s32 s10, $0x1;
	s10 =	sld [smem:$0x3FBA]  }
0x3d: {  	_ =	shalt  }
0x3e: {  	_ =	shalt  }
0x3f: {  	_ =	shalt  }
0x40: {  	_ =	shalt  }
0x41: {  	_ =	shalt  }
0x42: {  	_ =	shalt  }
0x43: {  	_ =	shalt  }
0x44: {  	_ =	shalt  }
0x45: {  	_ =	shalt  }
0x46: {  	_ =	shalt  }
0x47: {  	_ =	shalt  }
0x48: {  	_ =	shalt  }
0x49: {  	_ =	shalt  }
0x4a: {  	_ =	shalt  }
0x4b: {  	_ =	shalt  }
0x4c: {  	_ =	shalt  }
0x4d: {  	_ =	shalt  }
0x4e: {  	_ =	shalt  }
0x4f: {  	_ =	shalt  }
0x50: {  	_ =	shalt  }
0x51: {  	_ =	shalt  }
0x52: {  	_ =	shalt  }
0x53: {  	_ =	shalt  }
0x54: {  	_ =	shalt  }
0x55: {  	_ =	shalt  }
0x56: {  	_ =	shalt  }
0x57: {  	_ =	shalt  }
0x58: {  	_ =	shalt  }
0x59: {  	_ =	shalt  }
0x5a: {  	_ =	shalt  }
0x5b: {  	_ =	shalt  }
0x5c: {  	_ =	shalt  }
0x5d: {  	_ =	shalt  }
0x5e: {  	_ =	shalt  }
0x5f: {  	_ =	shalt  }
0x60: {  	_ =	shalt  }
0x61: {  	_ =	shalt  }
0x62: {  	_ =	shalt  }
0x63: {  	_ =	shalt  }
0x64: {  	_ =	shalt  }
0x65: {  	_ =	shalt  }
0x66: {  	_ =	shalt  }
0x67: {  	_ =	shalt  }
0x68: {  	_ =	shalt  }
0x69: {  	_ =	shalt  }
0x6a: {  	_ =	shalt  }
0x6b: {  	_ =	shalt  }
0x6c: {  	_ =	shalt  }
0x6d: {  	_ =	shalt  }
0x6e: {  	_ =	shalt  }
0x6f: {  	_ =	shalt  }
0x70: {  	_ =	shalt  }
0x71: {  	_ =	shalt  }
0x72: {  	_ =	shalt  }
0x73: {  	_ =	shalt  }
0x74: {  	_ =	shalt  }
0x75: {  	_ =	shalt  }
0x76: {  	_ =	shalt  }
0x77: {  	_ =	shalt  }
0x78: {  	_ =	shalt  }
0x79: {  	_ =	shalt  }
0x7a: {  	_ =	shalt  }
0x7b: {  	_ =	shalt  }
0x7c: {  	_ =	shalt  }
0x7d: {  	_ =	shalt  }
0x7e: {  	_ =	shalt  }
0x7f: {  	_ =	shalt  }
0x80: {  	_ =	shalt  }
0x81: {  	_ =	shalt  }
0x82: {  	_ =	shalt  }
0x83: {  	_ =	shalt  }
0x84: {  	_ =	shalt  }
0x85: {  	_ =	shalt  }
0x86: {  	_ =	shalt  }
0x87: {  	_ =	shalt  }
.Lfunc_end0:
.L_simem_size_0:
called_computation_lowered:
.L_overlay_start_0:
0x88: {  	s2 =	sld [smem:$0x3FD9]  }
0x89: {  	s3 =	sld [smem:$0x3FFE];
	_ =	sdelay $0x1  }
0x8a: {  	s1 =	srdreg.scid  }
0x8b: {  	s0 =	sand.u32 $0x1, s1  }
0x8c: {  	s17 =	sshll.u32 s0, $0xA;
	s2 =	sadd.s32 s3, s2  }
0x8d: {  	s2 =	sadd.s32 s2, s17  }
0x8e: {  	[smem:$0x3FC6] =	sst s2  }
0x8f: {  	_ = 	snop  }
0x90: {  	s2 =	sld [smem:$0x3FD0];
	(tm) =	ssettm $0x1  }
0x91: {  	s18 =	sld [smem:$0x3FFB];
	_ =	sdelay $0x3  }
0x92: {  	_ =	strace s18  }
0x93: {  	s3 =	sld [smem:$0x3FFC];
	_ =	sdelay $0x3  }
0x94: {  	_ =	strace s3  }
0x95: {  	s3 =	sld [smem:$0x3FFD];
	_ =	sdelay $0x3  }
0x96: {  	_ =	strace s3  }
0x97: {  	_ =	strace $0x8FFFFFFF  }
0x98: {  	s19 =	sld [smem:$0x3FDB];
	_ =	sdelay $0x1  }
0x99: {  	s4 =	simm.s32 $_scs_section_size  }
0x9a: {  	s5 =	simm.s32 $_size__tile_overlayer_lowered;
	s6 =	simm.s32 $_tile_overlayer_lowered  }
0x9b: {  	s22 =	simm.s32 $0x1BFF;
	s21 =	sshll.u32 s6, $0x1;
	s3 =	sadd.s32 s4, s19  }
0x9c: {  	s7 =	simm.s32 $0x0;
	s20 =	sshll.u32 s5, $0x1;
	s5 =	sadd.s32 s21, s3  }
0x9d: {  	[timem:s7], [sflag:s22] =	dma.local [hbm:s5], s20  }
0x9e: {  	_ =	swait.ge [sflag:s22], s20  }
0x9f: {  	s4 =	ssub.s32 $0x0, s20;
	[sflag:s22] =	ssyncset.done $0x0  }
0xa0: {  	[sflag:s22] =	ssyncadd.s32 s4;
	_ =	sdelay $0x1  }
0xa1: {  	s23 =	simm.s32 $0x1B8B  }
0xa2: {  	_ =	swait.ge [sflag:s23], $0x1  }
0xa3: {  	[sflag:s23] =	ssyncset.done $0x0  }
0xa4: {  	s25 =	simm.s32 $0x1B8E;
	s24 =	sld [smem:$0x3FFE];
	[sflag:s23] =	ssyncadd.s32 $0xFFFFFFFF  }
0xa5: {  	s26 =	simm.s32 $execute0_lowered;
	[smem:$0x3FD2] =	sst s25  }
0xa6: {  	s5 =	sshll.u32 s26, $0x1;
	_ =	strace $0x80000046;
	[dreg:$0x1] =	wrdreg $0xFFFFFFFF  }
0xa7: {  	s28 =	simm.s32 $_size_execute0_lowered;
	s3 =	sadd.s32 s3, s5;
	[dreg:$0x0] =	wrdreg $0x0  }
0xa8: {  	s5 =	sshll.u32 s28, $0x1;
	[dreg:$0x2] =	wrdreg s3  }
0xa9: {  	[dreg:$0x3] =	wrdreg s5  }
0xaa: {  	[dreg:$0x4] =	wrdreg $0xC0  }
0xab: {  	_ =	task [dreg:s7], $0x5FFFF  }
0xac: {  	[dreg:$0x1] =	wrdreg $0xFFFFFFFF  }
0xad: {  	[dreg:$0x0] =	wrdreg $0x60  }
0xae: {  	[dreg:$0x2] =	wrdreg s24  }
0xaf: {  	[dreg:$0x3] =	wrdreg s2  }
0xb0: {  	[dreg:$0x4] =	wrdreg $0x9  }
0xb1: {  	_ =	task.clear_ibuf [dreg:s7], $0x5FFFF;
	_ =	strace $0x90000046  }
0xb2: {  	s29 =	simm.s32 $0x9;
	_ =	strace $0x80000048  }
0xb3: {  	_ =	swait.ge [sflag:s29], $0x1  }
0xb4: {  	[sflag:s29] =	ssyncadd.s32 $0xFFFFFFFF  }
0xb5: {  	_ =	strace $0x90000048  }
0xb6: {  	_ =	sfence  }
0xb7: {  	s30 =	sld [smem:$0x0];
	_ =	sdelay $0x2  }
0xb8: {  	s31 =	sshll.u32 s1, $0xD;
	s1 =	sshrl.u32 s1, $0x2  }
0xb9: {  	s3 =	sand.u32 $0x4000, s31;
	s1 =	sadd.s32 s1, s30  }
0xba: {  	s0 =	sor.u32 s3, s0;
	s1 =	sshll.u32 s1, $0x11  }
0xbb: {  	s0 =	sor.u32 s1, s0  }
0xbc: {  	s0 =	sadd.s32 $0x8F2B, s0  }
0xbd: {  	[sflag:s0] =	ssyncadd.remote.s32 $0x1  }
0xbe: {  	_ =	sfence.sel $0xFFFF  }
0xbf: {  	[dreg:$0x0] =	wrdreg $0xFFFFFFFF;
	(pc) =	sbr.abs _section_cstart, $3  }
0xc0: {  	[dreg:$0x1] =	wrdreg $0xFFFFFFFF  }
0xc1: {  	_ =	task.clear_ibuf [dreg:s7], $0x2FFFF;
	_ =	strace $0x9FFFFFFF  }
0xc2: {  	(tm) =	ssettm $0x7FFFFFFF  }
0xc3: {  	_ =	shalt  }
tec
execute0_lowered:
.L_overlay_start_1:
0x0: {  	(tag) =	ssettag $0x1  }
0x1: {  	s1 =	srdreg.scid  }
0x2: {  	s8 =	rddreg [dreg:$0x0];
	s0 =	stileid.u32  }
0x3: {  	s2 =	sand.u32 $0x1, s1;
	s1 =	simm.s32 $0x0;
	s4 =	sshll.u32 s0, $0xA  }
0x4: {  	s6 =	sadd.s32 $0xD600, s8;
	s3 =	sshll.u32 s2, $0x9;
	s5 =	ssub.s32 $0x2, s2  }
0x5: {  	[smem:$0x7FF] =	sst s1;
	s2 =	sor.u32 s3, s4;
	s0 =	sshrl.u32 s5, $0x1  }
0x6: {  	s4 =	sadd.s32 $0x600, s8;
	s7 =	sshrl.u32 s2, $0x3;
	s8 =	ssub.s32 s5, s0  }
0x7: {  	[smem:$0x7FA] =	sst s8;
	s5 =	sor.u32 $0x800, s7;
	s9 =	sadd.s32 s6, s7  }
0x8: {  	s8 =	sor.u32 $0x1000, s7;
	[dreg:$0x3] =	wrdreg s9;
	s10 =	sadd.s32 s6, s5  }
0x9: {  	s11 =	sadd.s32 s6, s8;
	[dreg:$0x4] =	wrdreg s10  }
0xa: {  	s9 =	sor.u32 $0x1800, s7;
	s8 =	sadd.s32 s4, s8;
	[dreg:$0x5] =	wrdreg s11  }
0xb: {  	s12 =	sadd.s32 s6, s9;
	[dreg:$0x1f] =	wrdreg s8  }
0xc: {  	s10 =	sor.u32 $0x2000, s7;
	s9 =	sadd.s32 s4, s9;
	[dreg:$0x6] =	wrdreg s12  }
0xd: {  	s11 =	sor.u32 $0x2800, s7;
	s13 =	sadd.s32 s6, s10;
	[smem:$0x7E3] =	sst s9  }
0xe: {  	s14 =	sadd.s32 s6, s11;
	[dreg:$0x7] =	wrdreg s13  }
0xf: {  	s10 =	sadd.s32 s4, s10;
	[dreg:$0x8] =	wrdreg s14  }
0x10: {  	s12 =	sor.u32 $0x3000, s7;
	s11 =	sadd.s32 s4, s11;
	[smem:$0x7E4] =	sst s10  }
0x11: {  	s13 =	sor.u32 $0x3800, s7;
	s15 =	sadd.s32 s6, s12;
	[smem:$0x7E5] =	sst s11  }
0x12: {  	s14 =	sor.u32 $0x4000, s7;
	[dreg:$0x9] =	wrdreg s15;
	s16 =	sadd.s32 s6, s13  }
0x13: {  	s17 =	sadd.s32 s6, s14;
	s15 =	sor.u32 $0x4800, s7;
	[dreg:$0xa] =	wrdreg s16  }
0x14: {  	[dreg:$0xb] =	wrdreg s17;
	s18 =	sadd.s32 s6, s15  }
0x15: {  	s16 =	sor.u32 $0x5000, s7;
	s8 =	sadd.s32 s4, s15;
	[dreg:$0xc] =	wrdreg s18  }
0x16: {  	s17 =	sor.u32 $0x5800, s7;
	s19 =	sadd.s32 s6, s16;
	[smem:$0x7E9] =	sst s8  }
0x17: {  	s20 =	sadd.s32 s6, s17;
	[dreg:$0xd] =	wrdreg s19  }
0x18: {  	s9 =	sadd.s32 s4, s16;
	[dreg:$0xe] =	wrdreg s20  }
0x19: {  	s18 =	sor.u32 $0x6000, s7;
	s10 =	sadd.s32 s4, s17;
	[smem:$0x7EA] =	sst s9  }
0x1a: {  	s21 =	sadd.s32 s6, s18;
	[smem:$0x7EB] =	sst s10  }
0x1b: {  	s19 =	sor.u32 $0x6800, s7;
	s11 =	sadd.s32 s4, s18;
	[dreg:$0xf] =	wrdreg s21  }
0x1c: {  	s20 =	sor.u32 $0x7000, s7;
	s22 =	sadd.s32 s6, s19;
	[smem:$0x7EC] =	sst s11  }
0x1d: {  	s23 =	sadd.s32 s6, s20;
	s21 =	sor.u32 $0x7800, s7;
	[dreg:$0x10] =	wrdreg s22  }
0x1e: {  	[dreg:$0x11] =	wrdreg s23;
	s22 =	sor.u32 $0x8000, s7;
	s24 =	sadd.s32 s6, s21  }
0x1f: {  	s23 =	sor.u32 $0x8800, s7;
	[dreg:$0x12] =	wrdreg s24;
	s25 =	sadd.s32 s6, s22  }
0x20: {  	s26 =	sadd.s32 s6, s23;
	[dreg:$0x13] =	wrdreg s25  }
0x21: {  	s15 =	sadd.s32 s4, s22;
	[dreg:$0x14] =	wrdreg s26  }
0x22: {  	s16 =	sadd.s32 s4, s23;
	[smem:$0x7F0] =	sst s15  }
0x23: {  	s24 =	sor.u32 $0x9000, s7;
	[smem:$0x7F1] =	sst s16  }
0x24: {  	s30 =	sadd.s32 s6, s24;
	s17 =	sadd.s32 s4, s24;
	s24 =	rddreg [dreg:$0x1]  }
0x25: {  	s25 =	sor.u32 $0x9800, s7;
	[dreg:$0x15] =	wrdreg s30  }
0x26: {  	s26 =	sor.u32 $0xA000, s7;
	s31 =	sadd.s32 s6, s25;
	[smem:$0x7F2] =	sst s17  }
0x27: {  	s28 =	sor.u32 $0xA800, s7;
	s3 =	sadd.s32 s6, s26;
	[dreg:$0x16] =	wrdreg s31  }
0x28: {  	s30 =	sadd.s32 s6, s28;
	[dreg:$0x17] =	wrdreg s3  }
0x29: {  	s29 =	sor.u32 $0xB000, s7;
	s18 =	sadd.s32 s4, s25;
	[dreg:$0x18] =	wrdreg s30  }
0x2a: {  	s31 =	sadd.s32 s6, s29;
	s30 =	sor.u32 $0xB800, s7;
	[smem:$0x7F3] =	sst s18  }
0x2b: {  	[dreg:$0x19] =	wrdreg s31;
	s3 =	sadd.s32 s6, s30  }
0x2c: {  	s31 =	sor.u32 $0xC000, s7;
	s22 =	sadd.s32 s4, s30;
	[dreg:$0x1a] =	wrdreg s3  }
0x2d: {  	s0 =	sor.u32 $0xC800, s7;
	s3 =	sadd.s32 s6, s31;
	[smem:$0x7F7] =	sst s22  }
0x2e: {  	s6 =	sadd.s32 s6, s0;
	[dreg:$0x1b] =	wrdreg s3  }
0x2f: {  	s23 =	sadd.s32 s4, s31;
	[dreg:$0x1c] =	wrdreg s6  }
0x30: {  	s0 =	sadd.s32 s4, s0;
	[smem:$0x7F8] =	sst s23  }
0x31: {  	s6 =	sadd.s32 s4, s7;
	[smem:$0x7F9] =	sst s0  }
0x32: {  	s8 =	simm.s32 $0x80;
	s7 =	sadd.s32 s4, s5;
	[dreg:$0x1d] =	wrdreg s6  }
0x33: {  	s9 =	simm.s32 $0x6800;
	s5 =	sadd.s32 s4, s12;
	[dreg:$0x1e] =	wrdreg s7  }
0x34: {  	s10 =	simm.s32 $0xA800;
	s12 =	sadd.s32 s4, s19;
	[smem:$0x7E6] =	sst s5  }
0x35: {  	s11 =	simm.s32 $0x12800;
	s19 =	sadd.s32 s4, s26;
	[smem:$0x7ED] =	sst s12  }
0x36: {  	s15 =	simm.s32 $0x3;
	s6 =	sadd.s32 s4, s13;
	[smem:$0x7F4] =	sst s19  }
0x37: {  	s16 =	simm.s32 $0x17800;
	s7 =	sadd.s32 s4, s14;
	[smem:$0x7E7] =	sst s6  }
0x38: {  	s17 =	simm.s32 $0x6;
	s13 =	sadd.s32 s4, s20;
	[smem:$0x7E8] =	sst s7  }
0x39: {  	s18 =	simm.s32 $0x4;
	s14 =	sadd.s32 s4, s21;
	[smem:$0x7EE] =	sst s13  }
0x3a: {  	s20 =	sadd.s32 s4, s28;
	s21 =	sadd.s32 s4, s29;
	[smem:$0x7EF] =	sst s14  }
0x3b: {  	s29 =	sadd.s32 s24, s2;
	s5 =	simm.s32 $0x400;
	[smem:$0x7F5] =	sst s20  }
0x3c: {  	v0 =	vlaneseq.u32;
	s12 =	simm.s32 $0x2;
	[smem:$0x7F6] =	sst s21;
	s30 =	sadd.s32 $0x190080, s29  }
0x3d: {  	v1 =	vmul.u32 $0x80, v0;
	s19 =	simm.s32 $0x7;
	s31 =	sadd.s32 $0x190100, s29;
	_ =	strace $0x80000047  }
0x3e: {  	v9 =	vor.u32 $0x10, v0;
	v10 =	vor.u32 $0x20, v0;
	s3 =	sadd.s32 $0x190000, s29;
	s4 =	sadd.s32 $0x190180, s29;
	s26 =	sld [smem:$0x7FA]  }
0x3f: {  	v11 =	vor.u32 $0x30, v0;
	v12 =	vor.u32 $0x40, v0;
	v13 =	vor.u32 $0x50, v0;
	s7 =	simm.s32 $0x1;
	s6 =	simm.s32 $0xE800;
	[smem:$0x7FC] =	sst s30  }
0x40: {  	v14 =	vor.u32 $0x60, v0;
	v15 =	vor.u32 $0x70, v0;
	v2 =	vor.u32 $0x800, v1;
	s13 =	simm.s32 $0x16800;
	s14 =	simm.s32 $0x20000;
	[smem:$0x7FD] =	sst s31  }
0x41: {  	v3 =	vor.u32 $0x1000, v1;
	v4 =	vor.u32 $0x1800, v1;
	v5 =	vor.u32 $0x2000, v1;
	s20 =	simm.s32 $0x5;
	s25 =	rddreg [dreg:$0x0];
	s0 =	smax.u32 s26, $0x1  }
0x42: {  	v6 =	vor.u32 $0x2800, v1;
	v7 =	vor.u32 $0x3000, v1;
	v8 =	vor.u32 $0x3800, v1;
	s21 =	simm.s32 $0x0;
	s28 =	sadd.s32 $0xF42A00, s25;
	[smem:$0x7FB] =	sst s0  }
.LBB2_1:
0x43: {  	s0 =	rddreg [dreg:$0x3]  }
0x44: {  	s25 =	rddreg [dreg:$0x4]  }
0x45: {  	[tilespmem:s1], [sflag:$0x1] =	stream.linear.gather [hbm4b:s0+s1], $0x200, $0x38;
	[tilespmem:$0x18800] =	vst v63  }
0x46: {  	s22 =	simm.s32 $0x200;
	s26 =	rddreg [dreg:$0x5]  }
0x47: {  	[tilespmem:s22], [sflag:$0x1] =	stream.linear.gather [hbm4b:s25+s1], $0x200, $0x38;
	[tilespmem:$0x18800] =	vst v63  }
0x48: {  	s30 =	rddreg [dreg:$0x6]  }
0x49: {  	[tilespmem:s5], [sflag:$0x1] =	stream.linear.gather [hbm4b:s26+s1], $0x200, $0x38;
	[tilespmem:$0x18800] =	vst v63  }
0x4a: {  	s31 =	simm.s32 $0x600;
	s22 =	rddreg [dreg:$0x7]  }
0x4b: {  	[tilespmem:s31], [sflag:$0x1] =	stream.linear.gather [hbm4b:s30+s1], $0x200, $0x38;
	[tilespmem:$0x18800] =	vst v63  }
0x4c: {  	s23 =	simm.s32 $0x800;
	s25 =	rddreg [dreg:$0x8]  }
0x4d: {  	[tilespmem:s23], [sflag:$0x1] =	stream.linear.gather [hbm4b:s22+s1], $0x200, $0x38;
	[tilespmem:$0x18800] =	vst v63  }
0x4e: {  	s26 =	simm.s32 $0xA00;
	s30 =	rddreg [dreg:$0x9]  }
0x4f: {  	[tilespmem:s26], [sflag:$0x1] =	stream.linear.gather [hbm4b:s25+s1], $0x200, $0x38;
	[tilespmem:$0x18800] =	vst v63  }
0x50: {  	s31 =	simm.s32 $0xC00;
	s22 =	rddreg [dreg:$0xa]  }
0x51: {  	[tilespmem:s31], [sflag:$0x1] =	stream.linear.gather [hbm4b:s30+s1], $0x200, $0x38;
	[tilespmem:$0x18800] =	vst v63  }
0x52: {  	s23 =	simm.s32 $0xE00;
	s25 =	rddreg [dreg:$0xb]  }
0x53: {  	[tilespmem:s23], [sflag:$0x1] =	stream.linear.gather [hbm4b:s22+s1], $0x200, $0x38;
	[tilespmem:$0x18800] =	vst v63  }
0x54: {  	s26 =	simm.s32 $0x1000;
	s30 =	rddreg [dreg:$0xc]  }
0x55: {  	[tilespmem:s26], [sflag:$0x1] =	stream.linear.gather [hbm4b:s25+s1], $0x200, $0x38;
	[tilespmem:$0x18800] =	vst v63  }
0x56: {  	s31 =	simm.s32 $0x1200;
	s22 =	rddreg [dreg:$0xd]  }
0x57: {  	[tilespmem:s31], [sflag:$0x1] =	stream.linear.gather [hbm4b:s30+s1], $0x200, $0x38;
	[tilespmem:$0x18800] =	vst v63  }
0x58: {  	s23 =	simm.s32 $0x1400;
	s25 =	rddreg [dreg:$0xe]  }
0x59: {  	[tilespmem:s23], [sflag:$0x1] =	stream.linear.gather [hbm4b:s22+s1], $0x200, $0x38;
	[tilespmem:$0x18800] =	vst v63  }
0x5a: {  	s26 =	simm.s32 $0x1600;
	s30 =	rddreg [dreg:$0xf]  }
0x5b: {  	[tilespmem:s26], [sflag:$0x1] =	stream.linear.gather [hbm4b:s25+s1], $0x200, $0x38;
	[tilespmem:$0x18800] =	vst v63  }
0x5c: {  	s31 =	simm.s32 $0x1800;
	s22 =	rddreg [dreg:$0x10]  }
0x5d: {  	[tilespmem:s31], [sflag:$0x1] =	stream.linear.gather [hbm4b:s30+s1], $0x200, $0x38;
	[tilespmem:$0x18800] =	vst v63  }
0x5e: {  	s23 =	simm.s32 $0x1A00;
	s25 =	rddreg [dreg:$0x11]  }
0x5f: {  	[tilespmem:s23], [sflag:$0x1] =	stream.linear.gather [hbm4b:s22+s1], $0x200, $0x38;
	[tilespmem:$0x18800] =	vst v63  }
0x60: {  	s26 =	simm.s32 $0x1C00;
	s30 =	rddreg [dreg:$0x12]  }
0x61: {  	[tilespmem:s26], [sflag:$0x1] =	stream.linear.gather [hbm4b:s25+s1], $0x200, $0x38;
	[tilespmem:$0x18800] =	vst v63  }
0x62: {  	s31 =	simm.s32 $0x1E00;
	s22 =	rddreg [dreg:$0x13]  }
0x63: {  	[tilespmem:s31], [sflag:$0x1] =	stream.linear.gather [hbm4b:s30+s1], $0x200, $0x38;
	[tilespmem:$0x18800] =	vst v63  }
0x64: {  	s23 =	simm.s32 $0x2000;
	s25 =	rddreg [dreg:$0x14]  }
0x65: {  	[tilespmem:s23], [sflag:$0x1] =	stream.linear.gather [hbm4b:s22+s1], $0x200, $0x38;
	[tilespmem:$0x18800] =	vst v63  }
0x66: {  	s26 =	simm.s32 $0x2200;
	s30 =	rddreg [dreg:$0x15]  }
0x67: {  	[tilespmem:s26], [sflag:$0x1] =	stream.linear.gather [hbm4b:s25+s1], $0x200, $0x38;
	[tilespmem:$0x18800] =	vst v63  }
0x68: {  	s31 =	simm.s32 $0x2400;
	s22 =	rddreg [dreg:$0x16]  }
0x69: {  	[tilespmem:s31], [sflag:$0x1] =	stream.linear.gather [hbm4b:s30+s1], $0x200, $0x38;
	[tilespmem:$0x18800] =	vst v63  }
0x6a: {  	s23 =	simm.s32 $0x2600;
	s25 =	rddreg [dreg:$0x17]  }
0x6b: {  	[tilespmem:s23], [sflag:$0x1] =	stream.linear.gather [hbm4b:s22+s1], $0x200, $0x38;
	[tilespmem:$0x18800] =	vst v63  }
0x6c: {  	s26 =	simm.s32 $0x2800;
	s30 =	rddreg [dreg:$0x18]  }
0x6d: {  	[tilespmem:s26], [sflag:$0x1] =	stream.linear.gather [hbm4b:s25+s1], $0x200, $0x38;
	[tilespmem:$0x18800] =	vst v63  }
0x6e: {  	s31 =	simm.s32 $0x2A00;
	s22 =	rddreg [dreg:$0x19]  }
0x6f: {  	[tilespmem:s31], [sflag:$0x1] =	stream.linear.gather [hbm4b:s30+s1], $0x200, $0x38;
	[tilespmem:$0x18800] =	vst v63  }
0x70: {  	s23 =	simm.s32 $0x2C00;
	s25 =	rddreg [dreg:$0x1a]  }
0x71: {  	[tilespmem:s23], [sflag:$0x1] =	stream.linear.gather [hbm4b:s22+s1], $0x200, $0x38;
	[tilespmem:$0x18800] =	vst v63  }
0x72: {  	s26 =	simm.s32 $0x2E00;
	s30 =	rddreg [dreg:$0x1b]  }
0x73: {  	[tilespmem:s26], [sflag:$0x1] =	stream.linear.gather [hbm4b:s25+s1], $0x200, $0x38;
	[tilespmem:$0x18800] =	vst v63  }
0x74: {  	s31 =	simm.s32 $0x3000;
	s22 =	rddreg [dreg:$0x1c]  }
0x75: {  	[tilespmem:s31], [sflag:$0x1] =	stream.linear.gather [hbm4b:s30+s1], $0x200, $0x38;
	[tilespmem:$0x18800] =	vst v63  }
0x76: {  	s23 =	simm.s32 $0x3200;
	s25 =	rddreg [dreg:$0x1d]  }
0x77: {  	[tilespmem:s23], [sflag:$0x1] =	stream.linear.gather [hbm4b:s22+s1], $0x200, $0x38;
	[tilespmem:$0x18800] =	vst v63  }
0x78: {  	s26 =	rddreg [dreg:$0x1e];
	s22 =	simm.s32 $0x3400  }
0x79: {  	[tilespmem:s22], [sflag:$0x1] =	stream.linear.gather [hbm4b:s25+s1], $0x200, $0x38;
	[tilespmem:$0x18800] =	vst v63  }
0x7a: {  	s30 =	rddreg [dreg:$0x1f];
	s23 =	simm.s32 $0x3600  }
0x7b: {  	[tilespmem:s23], [sflag:$0x1] =	stream.linear.gather [hbm4b:s26+s1], $0x200, $0x38;
	[tilespmem:$0x18800] =	vst v63  }
0x7c: {  	s31 =	simm.s32 $0x3800;
	s25 =	sld [smem:$0x7E3]  }
0x7d: {  	[tilespmem:s31], [sflag:$0x1] =	stream.linear.gather [hbm4b:s30+s1], $0x200, $0x38;
	[tilespmem:$0x18800] =	vst v63  }
0x7e: {  	s26 =	simm.s32 $0x3A00;
	s30 =	sld [smem:$0x7E4]  }
0x7f: {  	[tilespmem:s26], [sflag:$0x1] =	stream.linear.gather [hbm4b:s25+s1], $0x200, $0x38;
	[tilespmem:$0x18800] =	vst v63  }
0x80: {  	s31 =	simm.s32 $0x3C00;
	s25 =	sld [smem:$0x7E5]  }
0x81: {  	[tilespmem:s31], [sflag:$0x1] =	stream.linear.gather [hbm4b:s30+s1], $0x200, $0x38;
	[tilespmem:$0x18800] =	vst v63  }
0x82: {  	s26 =	simm.s32 $0x3E00;
	s30 =	sld [smem:$0x7E6]  }
0x83: {  	[tilespmem:s26], [sflag:$0x1] =	stream.linear.gather [hbm4b:s25+s1], $0x200, $0x38;
	[tilespmem:$0x18800] =	vst v63  }
0x84: {  	s31 =	simm.s32 $0x4000;
	s25 =	sld [smem:$0x7E7]  }
0x85: {  	[tilespmem:s31], [sflag:$0x1] =	stream.linear.gather [hbm4b:s30+s1], $0x200, $0x38;
	[tilespmem:$0x18800] =	vst v63  }
0x86: {  	s26 =	simm.s32 $0x4200;
	s30 =	sld [smem:$0x7E8]  }
0x87: {  	[tilespmem:s26], [sflag:$0x1] =	stream.linear.gather [hbm4b:s25+s1], $0x200, $0x38;
	[tilespmem:$0x18800] =	vst v63  }
0x88: {  	s31 =	simm.s32 $0x4400;
	s25 =	sld [smem:$0x7E9]  }
0x89: {  	[tilespmem:s31], [sflag:$0x1] =	stream.linear.gather [hbm4b:s30+s1], $0x200, $0x38;
	[tilespmem:$0x18800] =	vst v63  }
0x8a: {  	s26 =	simm.s32 $0x4600;
	s30 =	sld [smem:$0x7EA]  }
0x8b: {  	[tilespmem:s26], [sflag:$0x1] =	stream.linear.gather [hbm4b:s25+s1], $0x200, $0x38;
	[tilespmem:$0x18800] =	vst v63  }
0x8c: {  	s31 =	simm.s32 $0x4800;
	s25 =	sld [smem:$0x7EB]  }
0x8d: {  	[tilespmem:s31], [sflag:$0x1] =	stream.linear.gather [hbm4b:s30+s1], $0x200, $0x38;
	[tilespmem:$0x18800] =	vst v63  }
0x8e: {  	s26 =	simm.s32 $0x4A00;
	s30 =	sld [smem:$0x7EC]  }
0x8f: {  	[tilespmem:s26], [sflag:$0x1] =	stream.linear.gather [hbm4b:s25+s1], $0x200, $0x38;
	[tilespmem:$0x18800] =	vst v63  }
0x90: {  	s31 =	simm.s32 $0x4C00;
	s25 =	sld [smem:$0x7ED]  }
0x91: {  	[tilespmem:s31], [sflag:$0x1] =	stream.linear.gather [hbm4b:s30+s1], $0x200, $0x38;
	[tilespmem:$0x18800] =	vst v63  }
0x92: {  	s26 =	simm.s32 $0x4E00;
	s30 =	sld [smem:$0x7EE]  }
0x93: {  	[tilespmem:s26], [sflag:$0x1] =	stream.linear.gather [hbm4b:s25+s1], $0x200, $0x38;
	[tilespmem:$0x18800] =	vst v63  }
0x94: {  	s31 =	simm.s32 $0x5000;
	s25 =	sld [smem:$0x7EF]  }
0x95: {  	[tilespmem:s31], [sflag:$0x1] =	stream.linear.gather [hbm4b:s30+s1], $0x200, $0x38;
	[tilespmem:$0x18800] =	vst v63  }
0x96: {  	s26 =	simm.s32 $0x5200;
	s30 =	sld [smem:$0x7F0]  }
0x97: {  	[tilespmem:s26], [sflag:$0x1] =	stream.linear.gather [hbm4b:s25+s1], $0x200, $0x38;
	[tilespmem:$0x18800] =	vst v63  }
0x98: {  	s31 =	simm.s32 $0x5400;
	s25 =	sld [smem:$0x7F1]  }
0x99: {  	[tilespmem:s31], [sflag:$0x1] =	stream.linear.gather [hbm4b:s30+s1], $0x200, $0x38;
	[tilespmem:$0x18800] =	vst v63  }
0x9a: {  	s26 =	simm.s32 $0x5600;
	s30 =	sld [smem:$0x7F2]  }
0x9b: {  	[tilespmem:s26], [sflag:$0x1] =	stream.linear.gather [hbm4b:s25+s1], $0x200, $0x38;
	[tilespmem:$0x18800] =	vst v63  }
0x9c: {  	s31 =	simm.s32 $0x5800;
	s25 =	sld [smem:$0x7F3]  }
0x9d: {  	[tilespmem:s31], [sflag:$0x1] =	stream.linear.gather [hbm4b:s30+s1], $0x200, $0x38;
	[tilespmem:$0x18800] =	vst v63  }
0x9e: {  	s26 =	simm.s32 $0x5A00;
	s30 =	sld [smem:$0x7F4]  }
0x9f: {  	[tilespmem:s26], [sflag:$0x1] =	stream.linear.gather [hbm4b:s25+s1], $0x200, $0x38;
	[tilespmem:$0x18800] =	vst v63  }
0xa0: {  	s31 =	simm.s32 $0x5C00;
	s25 =	sld [smem:$0x7F5]  }
0xa1: {  	[tilespmem:s31], [sflag:$0x1] =	stream.linear.gather [hbm4b:s30+s1], $0x200, $0x38;
	[tilespmem:$0x18800] =	vst v63  }
0xa2: {  	s26 =	simm.s32 $0x5E00;
	s30 =	sld [smem:$0x7F6]  }
0xa3: {  	[tilespmem:s26], [sflag:$0x1] =	stream.linear.gather [hbm4b:s25+s1], $0x200, $0x38;
	[tilespmem:$0x18800] =	vst v63  }
0xa4: {  	s31 =	simm.s32 $0x6000;
	s25 =	sld [smem:$0x7F7]  }
0xa5: {  	[tilespmem:s31], [sflag:$0x1] =	stream.linear.gather [hbm4b:s30+s1], $0x200, $0x38;
	[tilespmem:$0x18800] =	vst v63  }
0xa6: {  	s26 =	simm.s32 $0x6200;
	s30 =	sld [smem:$0x7F8]  }
0xa7: {  	[tilespmem:s26], [sflag:$0x1] =	stream.linear.gather [hbm4b:s25+s1], $0x200, $0x38;
	[tilespmem:$0x18800] =	vst v63  }
0xa8: {  	s31 =	simm.s32 $0x6400;
	s25 =	sld [smem:$0x7F9]  }
0xa9: {  	[tilespmem:s31], [sflag:$0x1] =	stream.linear.gather [hbm4b:s30+s1], $0x200, $0x38;
	[tilespmem:$0x18800] =	vst v63  }
0xaa: {  	s26 =	simm.s32 $0x6600  }
0xab: {  	[tilespmem:s26], [sflag:$0x1] =	stream.linear.gather [hbm4b:s25+s1], $0x200, $0x38;
	[tilespmem:$0x18800] =	vst v63  }
0xac: {  	_ =	swait.ge [sflag:s7], $0x200  }
0xad: {  	[sflag:s7] =	ssyncset.done $0x0  }
0xae: {  	[sflag:s7] =	ssyncadd.s32 $0xFFFFFE00  }
0xaf: {  	_ =	swait.ge [sflag:s7], $0x200  }
0xb0: {  	[sflag:s7] =	ssyncset.done $0x0  }
0xb1: {  	[sflag:s7] =	ssyncadd.s32 $0xFFFFFE00  }
0xb2: {  	_ =	swait.ge [sflag:s7], $0x200  }
0xb3: {  	[sflag:s7] =	ssyncset.done $0x0  }
0xb4: {  	[sflag:s7] =	ssyncadd.s32 $0xFFFFFE00  }
0xb5: {  	_ =	swait.ge [sflag:s7], $0x200  }
0xb6: {  	[sflag:s7] =	ssyncset.done $0x0  }
0xb7: {  	[sflag:s7] =	ssyncadd.s32 $0xFFFFFE00  }
0xb8: {  	_ =	swait.ge [sflag:s7], $0x200  }
0xb9: {  	[sflag:s7] =	ssyncset.done $0x0  }
0xba: {  	[sflag:s7] =	ssyncadd.s32 $0xFFFFFE00  }
0xbb: {  	_ =	swait.ge [sflag:s7], $0x200  }
0xbc: {  	[sflag:s7] =	ssyncset.done $0x0  }
0xbd: {  	[sflag:s7] =	ssyncadd.s32 $0xFFFFFE00  }
0xbe: {  	_ =	swait.ge [sflag:s7], $0x200  }
0xbf: {  	[sflag:s7] =	ssyncset.done $0x0  }
0xc0: {  	[sflag:s7] =	ssyncadd.s32 $0xFFFFFE00  }
0xc1: {  	_ =	swait.ge [sflag:s7], $0x200  }
0xc2: {  	[sflag:s7] =	ssyncset.done $0x0  }
0xc3: {  	[sflag:s7] =	ssyncadd.s32 $0xFFFFFE00  }
0xc4: {  	_ =	swait.ge [sflag:s7], $0x200  }
0xc5: {  	[sflag:s7] =	ssyncset.done $0x0  }
0xc6: {  	[sflag:s7] =	ssyncadd.s32 $0xFFFFFE00  }
0xc7: {  	_ =	swait.ge [sflag:s7], $0x200  }
0xc8: {  	[sflag:s7] =	ssyncset.done $0x0  }
0xc9: {  	[sflag:s7] =	ssyncadd.s32 $0xFFFFFE00  }
0xca: {  	_ =	swait.ge [sflag:s7], $0x200  }
0xcb: {  	[sflag:s7] =	ssyncset.done $0x0  }
0xcc: {  	[sflag:s7] =	ssyncadd.s32 $0xFFFFFE00  }
0xcd: {  	_ =	swait.ge [sflag:s7], $0x200  }
0xce: {  	[sflag:s7] =	ssyncset.done $0x0  }
0xcf: {  	[sflag:s7] =	ssyncadd.s32 $0xFFFFFE00  }
0xd0: {  	_ =	swait.ge [sflag:s7], $0x200  }
0xd1: {  	[sflag:s7] =	ssyncset.done $0x0  }
0xd2: {  	[sflag:s7] =	ssyncadd.s32 $0xFFFFFE00  }
0xd3: {  	_ =	swait.ge [sflag:s7], $0x200  }
0xd4: {  	[sflag:s7] =	ssyncset.done $0x0  }
0xd5: {  	[sflag:s7] =	ssyncadd.s32 $0xFFFFFE00  }
0xd6: {  	_ =	swait.ge [sflag:s7], $0x200  }
0xd7: {  	[sflag:s7] =	ssyncset.done $0x0  }
0xd8: {  	[sflag:s7] =	ssyncadd.s32 $0xFFFFFE00  }
0xd9: {  	_ =	swait.ge [sflag:s7], $0x200  }
0xda: {  	[sflag:s7] =	ssyncset.done $0x0  }
0xdb: {  	[sflag:s7] =	ssyncadd.s32 $0xFFFFFE00  }
0xdc: {  	_ =	swait.ge [sflag:s7], $0x200  }
0xdd: {  	[sflag:s7] =	ssyncset.done $0x0  }
0xde: {  	[sflag:s7] =	ssyncadd.s32 $0xFFFFFE00  }
0xdf: {  	_ =	swait.ge [sflag:s7], $0x200  }
0xe0: {  	[sflag:s7] =	ssyncset.done $0x0  }
0xe1: {  	[sflag:s7] =	ssyncadd.s32 $0xFFFFFE00  }
0xe2: {  	_ =	swait.ge [sflag:s7], $0x200  }
0xe3: {  	[sflag:s7] =	ssyncset.done $0x0  }
0xe4: {  	[sflag:s7] =	ssyncadd.s32 $0xFFFFFE00  }
0xe5: {  	_ =	swait.ge [sflag:s7], $0x200  }
0xe6: {  	[sflag:s7] =	ssyncset.done $0x0  }
0xe7: {  	[sflag:s7] =	ssyncadd.s32 $0xFFFFFE00  }
0xe8: {  	_ =	swait.ge [sflag:s7], $0x200  }
0xe9: {  	[sflag:s7] =	ssyncset.done $0x0  }
0xea: {  	[sflag:s7] =	ssyncadd.s32 $0xFFFFFE00  }
0xeb: {  	_ =	swait.ge [sflag:s7], $0x200  }
0xec: {  	[sflag:s7] =	ssyncset.done $0x0  }
0xed: {  	[sflag:s7] =	ssyncadd.s32 $0xFFFFFE00  }
0xee: {  	_ =	swait.ge [sflag:s7], $0x200  }
0xef: {  	[sflag:s7] =	ssyncset.done $0x0  }
0xf0: {  	[sflag:s7] =	ssyncadd.s32 $0xFFFFFE00  }
0xf1: {  	_ =	swait.ge [sflag:s7], $0x200  }
0xf2: {  	[sflag:s7] =	ssyncset.done $0x0  }
0xf3: {  	[sflag:s7] =	ssyncadd.s32 $0xFFFFFE00  }
0xf4: {  	_ =	swait.ge [sflag:s7], $0x200  }
0xf5: {  	[sflag:s7] =	ssyncset.done $0x0  }
0xf6: {  	[sflag:s7] =	ssyncadd.s32 $0xFFFFFE00  }
0xf7: {  	_ =	swait.ge [sflag:s7], $0x200  }
0xf8: {  	[sflag:s7] =	ssyncset.done $0x0  }
0xf9: {  	[sflag:s7] =	ssyncadd.s32 $0xFFFFFE00  }
0xfa: {  	_ =	swait.ge [sflag:s7], $0x200  }
0xfb: {  	[sflag:s7] =	ssyncset.done $0x0  }
0xfc: {  	[sflag:s7] =	ssyncadd.s32 $0xFFFFFE00  }
0xfd: {  	_ =	swait.ge [sflag:s7], $0x200  }
0xfe: {  	[sflag:s7] =	ssyncset.done $0x0  }
0xff: {  	[sflag:s7] =	ssyncadd.s32 $0xFFFFFE00  }
0x100: {  	_ =	swait.ge [sflag:s7], $0x200  }
0x101: {  	[sflag:s7] =	ssyncset.done $0x0  }
0x102: {  	[sflag:s7] =	ssyncadd.s32 $0xFFFFFE00  }
0x103: {  	_ =	swait.ge [sflag:s7], $0x200  }
0x104: {  	[sflag:s7] =	ssyncset.done $0x0  }
0x105: {  	[sflag:s7] =	ssyncadd.s32 $0xFFFFFE00  }
0x106: {  	_ =	swait.ge [sflag:s7], $0x200  }
0x107: {  	[sflag:s7] =	ssyncset.done $0x0  }
0x108: {  	[sflag:s7] =	ssyncadd.s32 $0xFFFFFE00  }
0x109: {  	_ =	swait.ge [sflag:s7], $0x200  }
0x10a: {  	[sflag:s7] =	ssyncset.done $0x0  }
0x10b: {  	[sflag:s7] =	ssyncadd.s32 $0xFFFFFE00  }
0x10c: {  	_ =	swait.ge [sflag:s7], $0x200  }
0x10d: {  	[sflag:s7] =	ssyncset.done $0x0  }
0x10e: {  	[sflag:s7] =	ssyncadd.s32 $0xFFFFFE00  }
0x10f: {  	_ =	swait.ge [sflag:s7], $0x200  }
0x110: {  	[sflag:s7] =	ssyncset.done $0x0  }
0x111: {  	[sflag:s7] =	ssyncadd.s32 $0xFFFFFE00  }
0x112: {  	_ =	swait.ge [sflag:s7], $0x200  }
0x113: {  	[sflag:s7] =	ssyncset.done $0x0  }
0x114: {  	[sflag:s7] =	ssyncadd.s32 $0xFFFFFE00  }
0x115: {  	_ =	swait.ge [sflag:s7], $0x200  }
0x116: {  	[sflag:s7] =	ssyncset.done $0x0  }
0x117: {  	[sflag:s7] =	ssyncadd.s32 $0xFFFFFE00  }
0x118: {  	_ =	swait.ge [sflag:s7], $0x200  }
0x119: {  	[sflag:s7] =	ssyncset.done $0x0  }
0x11a: {  	[sflag:s7] =	ssyncadd.s32 $0xFFFFFE00  }
0x11b: {  	_ =	swait.ge [sflag:s7], $0x200  }
0x11c: {  	[sflag:s7] =	ssyncset.done $0x0  }
0x11d: {  	[sflag:s7] =	ssyncadd.s32 $0xFFFFFE00  }
0x11e: {  	_ =	swait.ge [sflag:s7], $0x200  }
0x11f: {  	[sflag:s7] =	ssyncset.done $0x0  }
0x120: {  	[sflag:s7] =	ssyncadd.s32 $0xFFFFFE00  }
0x121: {  	_ =	swait.ge [sflag:s7], $0x200  }
0x122: {  	[sflag:s7] =	ssyncset.done $0x0  }
0x123: {  	[sflag:s7] =	ssyncadd.s32 $0xFFFFFE00  }
0x124: {  	_ =	swait.ge [sflag:s7], $0x200  }
0x125: {  	[sflag:s7] =	ssyncset.done $0x0  }
0x126: {  	[sflag:s7] =	ssyncadd.s32 $0xFFFFFE00  }
0x127: {  	_ =	swait.ge [sflag:s7], $0x200  }
0x128: {  	[sflag:s7] =	ssyncset.done $0x0  }
0x129: {  	[sflag:s7] =	ssyncadd.s32 $0xFFFFFE00  }
0x12a: {  	_ =	swait.ge [sflag:s7], $0x200  }
0x12b: {  	[sflag:s7] =	ssyncset.done $0x0  }
0x12c: {  	[sflag:s7] =	ssyncadd.s32 $0xFFFFFE00  }
0x12d: {  	_ =	swait.ge [sflag:s7], $0x200  }
0x12e: {  	[sflag:s7] =	ssyncset.done $0x0  }
0x12f: {  	[sflag:s7] =	ssyncadd.s32 $0xFFFFFE00  }
0x130: {  	_ =	swait.ge [sflag:s7], $0x200  }
0x131: {  	[sflag:s7] =	ssyncset.done $0x0  }
0x132: {  	[sflag:s7] =	ssyncadd.s32 $0xFFFFFE00  }
0x133: {  	_ =	swait.ge [sflag:s7], $0x200  }
0x134: {  	[sflag:s7] =	ssyncset.done $0x0  }
0x135: {  	[sflag:s7] =	ssyncadd.s32 $0xFFFFFE00  }
0x136: {  	_ =	swait.ge [sflag:s7], $0x200  }
0x137: {  	[sflag:s7] =	ssyncset.done $0x0  }
0x138: {  	[sflag:s7] =	ssyncadd.s32 $0xFFFFFE00  }
0x139: {  	_ =	swait.ge [sflag:s7], $0x200  }
0x13a: {  	[sflag:s7] =	ssyncset.done $0x0  }
0x13b: {  	[sflag:s7] =	ssyncadd.s32 $0xFFFFFE00  }
0x13c: {  	_ =	swait.ge [sflag:s7], $0x200  }
0x13d: {  	[sflag:s7] =	ssyncset.done $0x0  }
0x13e: {  	[sflag:s7] =	ssyncadd.s32 $0xFFFFFE00  }
0x13f: {  	_ =	swait.ge [sflag:s7], $0x200  }
0x140: {  	[sflag:s7] =	ssyncset.done $0x0  }
0x141: {  	[sflag:s7] =	ssyncadd.s32 $0xFFFFFE00  }
0x142: {  	_ =	swait.ge [sflag:s7], $0x200  }
0x143: {  	[sflag:s7] =	ssyncset.done $0x0  }
0x144: {  	[sflag:s7] =	ssyncadd.s32 $0xFFFFFE00  }
0x145: {  	_ =	swait.ge [sflag:s7], $0x200  }
0x146: {  	[sflag:s7] =	ssyncset.done $0x0  }
0x147: {  	[sflag:s7] =	ssyncadd.s32 $0xFFFFFE00  }
0x148: {  	[tilespmem:s9], [sflag:$0x2] =	stream.indirect.gather [hbm4b:s28+s8], $0x80, s22, s8, $0xb8;
	[tilespmem:$0x18800] =	vst v63  }
0x149: {  	s30 =	simm.s32 $0x3480  }
0x14a: {  	[tilespmem:s10], [sflag:$0x3] =	stream.indirect.gather [hbm4b:s28+s8], $0x80, s30, s8, $0xb8;
	[tilespmem:$0x18800] =	vst v63  }
0x14b: {  	s31 =	simm.s32 $0x3500;
	s22 =	simm.s32 $0x0  }
0x14c: {  	[tilespmem:s6], [sflag:$0x4] =	stream.indirect.gather [hbm4b:s28+s8], $0x80, s31, s8, $0xb8;
	[tilespmem:$0x18800] =	vst v63  }
.LBB2_2:
0x14d: {  	s25 =	sshll.u32 s22, $0x9  }
0x14e: {  	p0 =	seq.s32 s22, $0x0;
	s0 =	sadd.s32 $0x3580, s25  }
0x14f: {  	[tilespmem:s11], [sflag:$0x5] =	stream.indirect.gather [hbm4b:s28+s8], $0x80, s0, s8, $0xb8;
	[tilespmem:$0x18800] =	vst v63  }
0x150: {  	s0 =	simm.s32 @!p0 $0x6  }
0x151: {  	_ =	swait.ge @!p0 [sflag:s0], $0x1000  }
0x152: {  	[sflag:s0] =	ssyncset.done @!p0 $0x0  }
0x153: {  	[sflag:s0] =	ssyncadd.s32 @!p0 $0xFFFFF000  }
0x154: {  	_ =	swait.ge [sflag:s12], $0x4000  }
0x155: {  	[sflag:s12] =	ssyncset.done $0x0  }
0x156: {  	[sflag:s12] =	ssyncadd.s32 $0xFFFFC000  }
0x157: {  	v16 =	vld [tilespmem:s25+$0x0];
	_ =	sdelay $0x4  }
0x158: {  	s30 =	simm.s32 $0x0;
	v16 =	vshll.u32 v16, $0x5  }
0x159: {  	v17 =	vadd.s32 s30, v0;
	v16 =	vand.u32 $0x60, v16  }
0x15a: {  	v25 =	vand.u32 $0xF, v17;
	v16 =	vor.u32 v1, v16  }
0x15b: {  	v18 =	vor.u32 v25, v16;
	_ =	sdelay $0x2  }
0x15c: {  	v19 =	vld [tilespmem:s25+$0x10]  }
0x15d: {  	v26 =	vshll.u32 v25, $0x7;
	v20 =	vld [tilespmem:s25+$0x20]  }
0x15e: {  	v27 =	vor.u32 $0x10, v17;
	v22 =	vor.u32 v0, v26;
	v18 =	vld.idx.msk [tilespmem:v18+s9+$0x0], $0xffff  }
0x15f: {  	v21 =	vld [tilespmem:s25+$0x30];
	v28 =	vor.u32 v27, v16  }
0x160: {  	v23 =	vld [tilespmem:s25+$0x40]  }
0x161: {  	v29 =	vld [tilespmem:s25+$0x50]  }
0x162: {  	v30 =	vld [tilespmem:s25+$0x60];
	v17 =	vshll.u32 v19, $0x5  }
0x163: {  	v24 =	vshll.u32 v27, $0x7;
	v31 =	vld [tilespmem:s25+$0x70];
	v17 =	vand.u32 $0x60, v17;
	[tilespmem:v22+s13+$0x0] =	vst.idx.msk $0xffff, v18  }
0x164: {  	v19 =	vor.u32 v0, v24;
	v17 =	vor.u32 v2, v17;
	v18 =	vld.idx.msk [tilespmem:v28+s9+$0x0], $0xffff  }
0x165: {  	v22 =	vor.u32 v25, v17;
	_ =	sdelay $0x3  }
0x166: {  	[tilespmem:v19+s13+$0x0] =	vst.idx.msk $0xffff, v18  }
0x167: {  	v19 =	vor.u32 v9, v26;
	v18 =	vld.idx.msk [tilespmem:v22+s9+$0x0], $0xffff  }
0x168: {  	v22 =	vor.u32 v27, v17;
	_ =	sdelay $0x2  }
0x169: {  	v20 =	vshll.u32 v20, $0x5  }
0x16a: {  	v20 =	vand.u32 $0x60, v20;
	[tilespmem:v19+s13+$0x0] =	vst.idx.msk $0xffff, v18  }
0x16b: {  	v18 =	vor.u32 v3, v20;
	v20 =	vor.u32 v9, v24;
	v19 =	vld.idx.msk [tilespmem:v22+s9+$0x0], $0xffff  }
0x16c: {  	v22 =	vor.u32 v25, v18;
	_ =	sdelay $0x3  }
0x16d: {  	[tilespmem:v20+s13+$0x0] =	vst.idx.msk $0xffff, v19  }
0x16e: {  	v20 =	vor.u32 v10, v26;
	v19 =	vld.idx.msk [tilespmem:v22+s9+$0x0], $0xffff  }
0x16f: {  	v22 =	vor.u32 v27, v18;
	_ =	sdelay $0x2  }
0x170: {  	v21 =	vshll.u32 v21, $0x5  }
0x171: {  	v21 =	vand.u32 $0x60, v21;
	[tilespmem:v20+s13+$0x0] =	vst.idx.msk $0xffff, v19  }
0x172: {  	v19 =	vor.u32 v4, v21;
	v21 =	vor.u32 v10, v24;
	v20 =	vld.idx.msk [tilespmem:v22+s9+$0x0], $0xffff  }
0x173: {  	v22 =	vor.u32 v25, v19;
	_ =	sdelay $0x3  }
0x174: {  	[tilespmem:v21+s13+$0x0] =	vst.idx.msk $0xffff, v20  }
0x175: {  	v21 =	vor.u32 v11, v26;
	v20 =	vld.idx.msk [tilespmem:v22+s9+$0x0], $0xffff  }
0x176: {  	v22 =	vor.u32 v27, v19;
	_ =	sdelay $0x2  }
0x177: {  	v23 =	vshll.u32 v23, $0x5  }
0x178: {  	v23 =	vand.u32 $0x60, v23;
	[tilespmem:v21+s13+$0x0] =	vst.idx.msk $0xffff, v20  }
0x179: {  	v20 =	vor.u32 v5, v23;
	v21 =	vld.idx.msk [tilespmem:v22+s9+$0x0], $0xffff;
	v22 =	vor.u32 v11, v24  }
0x17a: {  	v23 =	vor.u32 v25, v20;
	_ =	sdelay $0x3  }
0x17b: {  	[tilespmem:v22+s13+$0x0] =	vst.idx.msk $0xffff, v21  }
0x17c: {  	v22 =	vor.u32 v12, v26;
	v21 =	vld.idx.msk [tilespmem:v23+s9+$0x0], $0xffff  }
0x17d: {  	v23 =	vor.u32 v27, v20;
	_ =	sdelay $0x2  }
0x17e: {  	v28 =	vshll.u32 v29, $0x5  }
0x17f: {  	v28 =	vand.u32 $0x60, v28;
	[tilespmem:v22+s13+$0x0] =	vst.idx.msk $0xffff, v21  }
0x180: {  	v21 =	vor.u32 v6, v28;
	v22 =	vld.idx.msk [tilespmem:v23+s9+$0x0], $0xffff;
	v23 =	vor.u32 v12, v24  }
0x181: {  	v28 =	vor.u32 v25, v21;
	_ =	sdelay $0x3  }
0x182: {  	[tilespmem:v23+s13+$0x0] =	vst.idx.msk $0xffff, v22  }
0x183: {  	v23 =	vor.u32 v13, v26;
	v22 =	vld.idx.msk [tilespmem:v28+s9+$0x0], $0xffff  }
0x184: {  	v28 =	vor.u32 v27, v21;
	_ =	sdelay $0x2  }
0x185: {  	v29 =	vshll.u32 v30, $0x5  }
0x186: {  	v29 =	vand.u32 $0x60, v29;
	[tilespmem:v23+s13+$0x0] =	vst.idx.msk $0xffff, v22  }
0x187: {  	v22 =	vor.u32 v7, v29;
	v23 =	vld.idx.msk [tilespmem:v28+s9+$0x0], $0xffff;
	v28 =	vor.u32 v13, v24  }
0x188: {  	v29 =	vor.u32 v25, v22;
	_ =	sdelay $0x3  }
0x189: {  	[tilespmem:v28+s13+$0x0] =	vst.idx.msk $0xffff, v23  }
0x18a: {  	v28 =	vor.u32 v14, v26;
	v23 =	vld.idx.msk [tilespmem:v29+s9+$0x0], $0xffff  }
0x18b: {  	v29 =	vor.u32 v27, v22;
	_ =	sdelay $0x2  }
0x18c: {  	v63 =	vshll.u32 v31, $0x5  }
0x18d: {  	v30 =	vand.u32 $0x60, v63;
	[tilespmem:v28+s13+$0x0] =	vst.idx.msk $0xffff, v23  }
0x18e: {  	v23 =	vor.u32 v8, v30;
	v28 =	vld.idx.msk [tilespmem:v29+s9+$0x0], $0xffff;
	v29 =	vor.u32 v14, v24  }
0x18f: {  	v25 =	vor.u32 v25, v23;
	_ =	sdelay $0x3  }
0x190: {  	[tilespmem:v29+s13+$0x0] =	vst.idx.msk $0xffff, v28  }
0x191: {  	v26 =	vor.u32 v15, v26;
	v25 =	vld.idx.msk [tilespmem:v25+s9+$0x0], $0xffff  }
0x192: {  	v28 =	vor.u32 v27, v23;
	_ =	sdelay $0x3  }
0x193: {  	s31 =	simm.s32 $0x1;
	[tilespmem:v26+s13+$0x0] =	vst.idx.msk $0xffff, v25  }
0x194: {  	s26 =	simm.s32 $0x2;
	s23 =	sor.u32 $0x180, s25;
	v27 =	vadd.s32 s31, v0;
	v26 =	vld.idx.msk [tilespmem:v28+s9+$0x0], $0xffff  }
.LBB2_3:
0x195: {  	p1 =	sne.s32 s26, $0xF;
	v25 =	vand.u32 $0xF, v27;
	v24 =	vor.u32 v15, v24  }
0x196: {  	v28 =	vor.u32 v25, v16;
	_ =	sdelay $0x3  }
0x197: {  	[tilespmem:v24+s13+$0x0] =	vst.idx.msk $0xffff, v26  }
0x198: {  	v26 =	vshll.u32 v25, $0x7;
	v24 =	vld.idx.msk [tilespmem:v28+s9+$0x0], $0xffff  }
0x199: {  	v27 =	vor.u32 $0x10, v27;
	v28 =	vor.u32 v0, v26  }
0x19a: {  	v29 =	vor.u32 v27, v16;
	_ =	sdelay $0x3  }
0x19b: {  	[tilespmem:v28+s13+$0x0] =	vst.idx.msk $0xffff, v24  }
0x19c: {  	v24 =	vshll.u32 v27, $0x7;
	v28 =	vld.idx.msk [tilespmem:v29+s9+$0x0], $0xffff  }
0x19d: {  	v29 =	vor.u32 v0, v24  }
0x19e: {  	v30 =	vor.u32 v25, v17;
	_ =	sdelay $0x3  }
0x19f: {  	[tilespmem:v29+s13+$0x0] =	vst.idx.msk $0xffff, v28  }
0x1a0: {  	v28 =	vld.idx.msk [tilespmem:v30+s9+$0x0], $0xffff  }
0x1a1: {  	v29 =	vor.u32 v9, v26  }
0x1a2: {  	v30 =	vor.u32 v27, v17;
	_ =	sdelay $0x3  }
0x1a3: {  	[tilespmem:v29+s13+$0x0] =	vst.idx.msk $0xffff, v28  }
0x1a4: {  	v28 =	vld.idx.msk [tilespmem:v30+s9+$0x0], $0xffff  }
0x1a5: {  	v29 =	vor.u32 v9, v24  }
0x1a6: {  	v30 =	vor.u32 v25, v18;
	_ =	sdelay $0x3  }
0x1a7: {  	[tilespmem:v29+s13+$0x0] =	vst.idx.msk $0xffff, v28  }
0x1a8: {  	v28 =	vld.idx.msk [tilespmem:v30+s9+$0x0], $0xffff  }
0x1a9: {  	v29 =	vor.u32 v10, v26  }
0x1aa: {  	v30 =	vor.u32 v27, v18;
	_ =	sdelay $0x3  }
0x1ab: {  	[tilespmem:v29+s13+$0x0] =	vst.idx.msk $0xffff, v28  }
0x1ac: {  	v28 =	vld.idx.msk [tilespmem:v30+s9+$0x0], $0xffff  }
0x1ad: {  	v29 =	vor.u32 v10, v24  }
0x1ae: {  	v30 =	vor.u32 v25, v19;
	_ =	sdelay $0x3  }
0x1af: {  	[tilespmem:v29+s13+$0x0] =	vst.idx.msk $0xffff, v28  }
0x1b0: {  	v28 =	vld.idx.msk [tilespmem:v30+s9+$0x0], $0xffff  }
0x1b1: {  	v29 =	vor.u32 v11, v26  }
0x1b2: {  	v30 =	vor.u32 v27, v19;
	_ =	sdelay $0x3  }
0x1b3: {  	[tilespmem:v29+s13+$0x0] =	vst.idx.msk $0xffff, v28  }
0x1b4: {  	v28 =	vld.idx.msk [tilespmem:v30+s9+$0x0], $0xffff  }
0x1b5: {  	v29 =	vor.u32 v11, v24  }
0x1b6: {  	v30 =	vor.u32 v25, v20;
	_ =	sdelay $0x3  }
0x1b7: {  	[tilespmem:v29+s13+$0x0] =	vst.idx.msk $0xffff, v28  }
0x1b8: {  	v28 =	vld.idx.msk [tilespmem:v30+s9+$0x0], $0xffff  }
0x1b9: {  	v29 =	vor.u32 v12, v26  }
0x1ba: {  	v30 =	vor.u32 v27, v20;
	_ =	sdelay $0x3  }
0x1bb: {  	[tilespmem:v29+s13+$0x0] =	vst.idx.msk $0xffff, v28  }
0x1bc: {  	v28 =	vld.idx.msk [tilespmem:v30+s9+$0x0], $0xffff  }
0x1bd: {  	v29 =	vor.u32 v12, v24  }
0x1be: {  	v30 =	vor.u32 v25, v21;
	_ =	sdelay $0x3  }
0x1bf: {  	[tilespmem:v29+s13+$0x0] =	vst.idx.msk $0xffff, v28  }
0x1c0: {  	v28 =	vld.idx.msk [tilespmem:v30+s9+$0x0], $0xffff  }
0x1c1: {  	v29 =	vor.u32 v13, v26  }
0x1c2: {  	v30 =	vor.u32 v27, v21;
	_ =	sdelay $0x3  }
0x1c3: {  	[tilespmem:v29+s13+$0x0] =	vst.idx.msk $0xffff, v28  }
0x1c4: {  	v28 =	vld.idx.msk [tilespmem:v30+s9+$0x0], $0xffff  }
0x1c5: {  	v29 =	vor.u32 v13, v24  }
0x1c6: {  	v30 =	vor.u32 v25, v22;
	_ =	sdelay $0x3  }
0x1c7: {  	[tilespmem:v29+s13+$0x0] =	vst.idx.msk $0xffff, v28  }
0x1c8: {  	v28 =	vld.idx.msk [tilespmem:v30+s9+$0x0], $0xffff  }
0x1c9: {  	v29 =	vor.u32 v14, v26  }
0x1ca: {  	v30 =	vor.u32 v27, v22;
	_ =	sdelay $0x3  }
0x1cb: {  	[tilespmem:v29+s13+$0x0] =	vst.idx.msk $0xffff, v28  }
0x1cc: {  	v28 =	vld.idx.msk [tilespmem:v30+s9+$0x0], $0xffff  }
0x1cd: {  	v29 =	vor.u32 v14, v24  }
0x1ce: {  	v25 =	vor.u32 v25, v23;
	_ =	sdelay $0x3  }
0x1cf: {  	[tilespmem:v29+s13+$0x0] =	vst.idx.msk $0xffff, v28  }
0x1d0: {  	v25 =	vld.idx.msk [tilespmem:v25+s9+$0x0], $0xffff  }
0x1d1: {  	v26 =	vor.u32 v15, v26  }
0x1d2: {  	v28 =	vor.u32 v27, v23  }
.Ltmp0:
0x1d3: {  	(pc) =	sbr.rel @p1 .LBB2_3-.Ltmp0, $3  }
0x1d4: {  	_ =	sdelay $0x1  }
0x1d5: {  	[tilespmem:v26+s13+$0x0] =	vst.idx.msk $0xffff, v25  }
0x1d6: {  	v27 =	vadd.s32 s26, v0;
	s26 =	sadd.s32 $0x1, s26;
	v26 =	vld.idx.msk [tilespmem:v28+s9+$0x0], $0xffff  }
0x1d7: {  	v25 =	vand.u32 $0xF, v27;
	v24 =	vor.u32 v15, v24  }
0x1d8: {  	v28 =	vor.u32 v25, v16;
	_ =	sdelay $0x3  }
0x1d9: {  	[tilespmem:v24+s13+$0x0] =	vst.idx.msk $0xffff, v26;
	v24 =	vshll.u32 v25, $0x7  }
0x1da: {  	v27 =	vor.u32 $0x10, v27;
	v26 =	vld.idx.msk [tilespmem:v28+s9+$0x0], $0xffff;
	v28 =	vor.u32 v0, v24  }
0x1db: {  	v16 =	vor.u32 v27, v16;
	_ =	sdelay $0x3  }
0x1dc: {  	[tilespmem:v28+s13+$0x0] =	vst.idx.msk $0xffff, v26;
	v26 =	vshll.u32 v27, $0x7  }
0x1dd: {  	v16 =	vld.idx.msk [tilespmem:v16+s9+$0x0], $0xffff;
	v28 =	vor.u32 v0, v26  }
0x1de: {  	v29 =	vor.u32 v25, v17;
	_ =	sdelay $0x3  }
0x1df: {  	[tilespmem:v28+s13+$0x0] =	vst.idx.msk $0xffff, v16  }
0x1e0: {  	v28 =	vor.u32 v9, v24;
	v16 =	vld.idx.msk [tilespmem:v29+s9+$0x0], $0xffff  }
0x1e1: {  	v17 =	vor.u32 v27, v17;
	_ =	sdelay $0x3  }
0x1e2: {  	[tilespmem:v28+s13+$0x0] =	vst.idx.msk $0xffff, v16  }
0x1e3: {  	v16 =	vld.idx.msk [tilespmem:v17+s9+$0x0], $0xffff;
	v17 =	vor.u32 v9, v26  }
0x1e4: {  	v28 =	vor.u32 v25, v18;
	_ =	sdelay $0x3  }
0x1e5: {  	[tilespmem:v17+s13+$0x0] =	vst.idx.msk $0xffff, v16  }
0x1e6: {  	v17 =	vor.u32 v10, v24;
	v16 =	vld.idx.msk [tilespmem:v28+s9+$0x0], $0xffff  }
0x1e7: {  	v18 =	vor.u32 v27, v18;
	_ =	sdelay $0x3  }
0x1e8: {  	[tilespmem:v17+s13+$0x0] =	vst.idx.msk $0xffff, v16  }
0x1e9: {  	v17 =	vor.u32 v10, v26;
	v16 =	vld.idx.msk [tilespmem:v18+s9+$0x0], $0xffff  }
0x1ea: {  	v18 =	vor.u32 v25, v19;
	_ =	sdelay $0x3  }
0x1eb: {  	[tilespmem:v17+s13+$0x0] =	vst.idx.msk $0xffff, v16  }
0x1ec: {  	v17 =	vor.u32 v11, v24;
	v16 =	vld.idx.msk [tilespmem:v18+s9+$0x0], $0xffff  }
0x1ed: {  	v18 =	vor.u32 v27, v19;
	_ =	sdelay $0x3  }
0x1ee: {  	[tilespmem:v17+s13+$0x0] =	vst.idx.msk $0xffff, v16  }
0x1ef: {  	v17 =	vor.u32 v11, v26;
	v16 =	vld.idx.msk [tilespmem:v18+s9+$0x0], $0xffff  }
0x1f0: {  	v18 =	vor.u32 v25, v20;
	_ =	sdelay $0x3  }
0x1f1: {  	[tilespmem:v17+s13+$0x0] =	vst.idx.msk $0xffff, v16  }
0x1f2: {  	v17 =	vor.u32 v12, v24;
	v16 =	vld.idx.msk [tilespmem:v18+s9+$0x0], $0xffff  }
0x1f3: {  	v18 =	vor.u32 v27, v20;
	_ =	sdelay $0x3  }
0x1f4: {  	[tilespmem:v17+s13+$0x0] =	vst.idx.msk $0xffff, v16  }
0x1f5: {  	v17 =	vor.u32 v12, v26;
	v16 =	vld.idx.msk [tilespmem:v18+s9+$0x0], $0xffff  }
0x1f6: {  	v18 =	vor.u32 v25, v21;
	_ =	sdelay $0x3  }
0x1f7: {  	[tilespmem:v17+s13+$0x0] =	vst.idx.msk $0xffff, v16  }
0x1f8: {  	v17 =	vor.u32 v13, v24;
	v16 =	vld.idx.msk [tilespmem:v18+s9+$0x0], $0xffff  }
0x1f9: {  	v18 =	vor.u32 v27, v21;
	_ =	sdelay $0x3  }
0x1fa: {  	[tilespmem:v17+s13+$0x0] =	vst.idx.msk $0xffff, v16  }
0x1fb: {  	v17 =	vor.u32 v13, v26;
	v16 =	vld.idx.msk [tilespmem:v18+s9+$0x0], $0xffff  }
0x1fc: {  	v18 =	vor.u32 v25, v22;
	_ =	sdelay $0x3  }
0x1fd: {  	[tilespmem:v17+s13+$0x0] =	vst.idx.msk $0xffff, v16  }
0x1fe: {  	v17 =	vor.u32 v14, v24;
	v16 =	vld.idx.msk [tilespmem:v18+s9+$0x0], $0xffff  }
0x1ff: {  	v18 =	vor.u32 v27, v22;
	_ =	sdelay $0x3  }
0x200: {  	[tilespmem:v17+s13+$0x0] =	vst.idx.msk $0xffff, v16  }
0x201: {  	v17 =	vor.u32 v14, v26;
	v16 =	vld.idx.msk [tilespmem:v18+s9+$0x0], $0xffff  }
0x202: {  	v18 =	vor.u32 v25, v23;
	_ =	sdelay $0x3  }
0x203: {  	[tilespmem:v17+s13+$0x0] =	vst.idx.msk $0xffff, v16  }
0x204: {  	v17 =	vor.u32 v15, v24;
	v16 =	vld.idx.msk [tilespmem:v18+s9+$0x0], $0xffff  }
0x205: {  	v18 =	vor.u32 v27, v23;
	_ =	sdelay $0x3  }
0x206: {  	[tilespmem:v17+s13+$0x0] =	vst.idx.msk $0xffff, v16  }
0x207: {  	v17 =	vor.u32 v15, v26;
	v16 =	vld.idx.msk [tilespmem:v18+s9+$0x0], $0xffff;
	_ =	sdelay $0x3  }
0x208: {  	s30 =	sshll.u32 s22, $0x10  }
0x209: {  	s26 =	sand.u32 $0x3FFFFE00, s25;
	s0 =	sadd.s32 s30, s29;
	[tilespmem:v17+s13+$0x0] =	vst.idx.msk $0xffff, v16  }
0x20a: {  	[hbm4b:s0+s5] =	stream.strided.scatter [tilespmem:s13], [sflag:$0x6], $0x1000, s14, s5, $0x38;
	[tilespmem:$0x18800] =	vst v63  }
0x20b: {  	s0 =	sadd.s32 $0x3600, s26  }
0x20c: {  	[tilespmem:s9], [sflag:$0x2] =	stream.indirect.gather [hbm4b:s28+s8], $0x80, s0, s8, $0xb8;
	[tilespmem:$0x18800] =	vst v63  }
0x20d: {  	s0 =	simm.s32 @!p0 $0x7  }
0x20e: {  	_ =	swait.ge @!p0 [sflag:s0], $0x1000  }
0x20f: {  	[sflag:s0] =	ssyncset.done @!p0 $0x0  }
0x210: {  	[sflag:s0] =	ssyncadd.s32 @!p0 $0xFFFFF000  }
0x211: {  	_ =	swait.ge [sflag:s15], $0x4000  }
0x212: {  	[sflag:s15] =	ssyncset.done $0x0  }
0x213: {  	s31 =	sor.u32 $0x80, s25;
	[sflag:s15] =	ssyncadd.s32 $0xFFFFC000  }
0x214: {  	v16 =	vld [tilespmem:s31+$0x0];
	_ =	sdelay $0x4  }
0x215: {  	s0 =	simm.s32 $0x0;
	v16 =	vshll.u32 v16, $0x5  }
0x216: {  	v17 =	vadd.s32 s0, v0;
	v16 =	vand.u32 $0x60, v16  }
0x217: {  	v25 =	vand.u32 $0xF, v17;
	v16 =	vor.u32 v1, v16  }
0x218: {  	v18 =	vor.u32 v25, v16;
	_ =	sdelay $0x2  }
0x219: {  	v19 =	vld [tilespmem:s25+$0x90]  }
0x21a: {  	v26 =	vshll.u32 v25, $0x7;
	v20 =	vld [tilespmem:s25+$0xA0]  }
0x21b: {  	v27 =	vor.u32 $0x10, v17;
	v22 =	vor.u32 v0, v26;
	v18 =	vld.idx.msk [tilespmem:v18+s10+$0x0], $0xffff  }
0x21c: {  	v21 =	vld [tilespmem:s25+$0xB0];
	v28 =	vor.u32 v27, v16  }
0x21d: {  	v23 =	vld [tilespmem:s25+$0xC0]  }
0x21e: {  	v29 =	vld [tilespmem:s25+$0xD0]  }
0x21f: {  	v30 =	vld [tilespmem:s25+$0xE0];
	v17 =	vshll.u32 v19, $0x5  }
0x220: {  	v24 =	vshll.u32 v27, $0x7;
	v31 =	vld [tilespmem:s25+$0xF0];
	v17 =	vand.u32 $0x60, v17;
	[tilespmem:v22+s16+$0x0] =	vst.idx.msk $0xffff, v18  }
0x221: {  	v19 =	vor.u32 v0, v24;
	v17 =	vor.u32 v2, v17;
	v18 =	vld.idx.msk [tilespmem:v28+s10+$0x0], $0xffff  }
0x222: {  	v22 =	vor.u32 v25, v17;
	_ =	sdelay $0x3  }
0x223: {  	[tilespmem:v19+s16+$0x0] =	vst.idx.msk $0xffff, v18  }
0x224: {  	v19 =	vor.u32 v9, v26;
	v18 =	vld.idx.msk [tilespmem:v22+s10+$0x0], $0xffff  }
0x225: {  	v22 =	vor.u32 v27, v17;
	_ =	sdelay $0x2  }
0x226: {  	v20 =	vshll.u32 v20, $0x5  }
0x227: {  	v20 =	vand.u32 $0x60, v20;
	[tilespmem:v19+s16+$0x0] =	vst.idx.msk $0xffff, v18  }
0x228: {  	v18 =	vor.u32 v3, v20;
	v20 =	vor.u32 v9, v24;
	v19 =	vld.idx.msk [tilespmem:v22+s10+$0x0], $0xffff  }
0x229: {  	v22 =	vor.u32 v25, v18;
	_ =	sdelay $0x3  }
0x22a: {  	[tilespmem:v20+s16+$0x0] =	vst.idx.msk $0xffff, v19  }
0x22b: {  	v20 =	vor.u32 v10, v26;
	v19 =	vld.idx.msk [tilespmem:v22+s10+$0x0], $0xffff  }
0x22c: {  	v22 =	vor.u32 v27, v18;
	_ =	sdelay $0x2  }
0x22d: {  	v21 =	vshll.u32 v21, $0x5  }
0x22e: {  	v21 =	vand.u32 $0x60, v21;
	[tilespmem:v20+s16+$0x0] =	vst.idx.msk $0xffff, v19  }
0x22f: {  	v19 =	vor.u32 v4, v21;
	v21 =	vor.u32 v10, v24;
	v20 =	vld.idx.msk [tilespmem:v22+s10+$0x0], $0xffff  }
0x230: {  	v22 =	vor.u32 v25, v19;
	_ =	sdelay $0x3  }
0x231: {  	[tilespmem:v21+s16+$0x0] =	vst.idx.msk $0xffff, v20  }
0x232: {  	v21 =	vor.u32 v11, v26;
	v20 =	vld.idx.msk [tilespmem:v22+s10+$0x0], $0xffff  }
0x233: {  	v22 =	vor.u32 v27, v19;
	_ =	sdelay $0x2  }
0x234: {  	v23 =	vshll.u32 v23, $0x5  }
0x235: {  	v23 =	vand.u32 $0x60, v23;
	[tilespmem:v21+s16+$0x0] =	vst.idx.msk $0xffff, v20  }
0x236: {  	v20 =	vor.u32 v5, v23;
	v21 =	vld.idx.msk [tilespmem:v22+s10+$0x0], $0xffff;
	v22 =	vor.u32 v11, v24  }
0x237: {  	v23 =	vor.u32 v25, v20;
	_ =	sdelay $0x3  }
0x238: {  	[tilespmem:v22+s16+$0x0] =	vst.idx.msk $0xffff, v21  }
0x239: {  	v22 =	vor.u32 v12, v26;
	v21 =	vld.idx.msk [tilespmem:v23+s10+$0x0], $0xffff  }
0x23a: {  	v23 =	vor.u32 v27, v20;
	_ =	sdelay $0x2  }
0x23b: {  	v28 =	vshll.u32 v29, $0x5  }
0x23c: {  	v28 =	vand.u32 $0x60, v28;
	[tilespmem:v22+s16+$0x0] =	vst.idx.msk $0xffff, v21  }
0x23d: {  	v21 =	vor.u32 v6, v28;
	v22 =	vld.idx.msk [tilespmem:v23+s10+$0x0], $0xffff;
	v23 =	vor.u32 v12, v24  }
0x23e: {  	v28 =	vor.u32 v25, v21;
	_ =	sdelay $0x3  }
0x23f: {  	[tilespmem:v23+s16+$0x0] =	vst.idx.msk $0xffff, v22  }
0x240: {  	v23 =	vor.u32 v13, v26;
	v22 =	vld.idx.msk [tilespmem:v28+s10+$0x0], $0xffff  }
0x241: {  	v28 =	vor.u32 v27, v21;
	_ =	sdelay $0x2  }
0x242: {  	v29 =	vshll.u32 v30, $0x5  }
0x243: {  	v29 =	vand.u32 $0x60, v29;
	[tilespmem:v23+s16+$0x0] =	vst.idx.msk $0xffff, v22  }
0x244: {  	v22 =	vor.u32 v7, v29;
	v23 =	vld.idx.msk [tilespmem:v28+s10+$0x0], $0xffff;
	v28 =	vor.u32 v13, v24  }
0x245: {  	v29 =	vor.u32 v25, v22;
	_ =	sdelay $0x3  }
0x246: {  	[tilespmem:v28+s16+$0x0] =	vst.idx.msk $0xffff, v23  }
0x247: {  	v28 =	vor.u32 v14, v26;
	v23 =	vld.idx.msk [tilespmem:v29+s10+$0x0], $0xffff  }
0x248: {  	v29 =	vor.u32 v27, v22;
	_ =	sdelay $0x2  }
0x249: {  	v63 =	vshll.u32 v31, $0x5  }
0x24a: {  	v30 =	vand.u32 $0x60, v63;
	[tilespmem:v28+s16+$0x0] =	vst.idx.msk $0xffff, v23  }
0x24b: {  	v23 =	vor.u32 v8, v30;
	v28 =	vld.idx.msk [tilespmem:v29+s10+$0x0], $0xffff;
	v29 =	vor.u32 v14, v24  }
0x24c: {  	v25 =	vor.u32 v25, v23;
	_ =	sdelay $0x3  }
0x24d: {  	[tilespmem:v29+s16+$0x0] =	vst.idx.msk $0xffff, v28  }
0x24e: {  	v26 =	vor.u32 v15, v26;
	v25 =	vld.idx.msk [tilespmem:v25+s10+$0x0], $0xffff  }
0x24f: {  	v28 =	vor.u32 v27, v23;
	_ =	sdelay $0x3  }
0x250: {  	s0 =	simm.s32 $0x1;
	[tilespmem:v26+s16+$0x0] =	vst.idx.msk $0xffff, v25  }
0x251: {  	v27 =	vadd.s32 s0, v0;
	s0 =	simm.s32 $0x2;
	v26 =	vld.idx.msk [tilespmem:v28+s10+$0x0], $0xffff  }
.LBB2_5:
0x252: {  	p0 =	sne.s32 s0, $0xF;
	v25 =	vand.u32 $0xF, v27;
	v24 =	vor.u32 v15, v24  }
0x253: {  	v28 =	vor.u32 v25, v16;
	_ =	sdelay $0x3  }
0x254: {  	[tilespmem:v24+s16+$0x0] =	vst.idx.msk $0xffff, v26  }
0x255: {  	v26 =	vshll.u32 v25, $0x7;
	v24 =	vld.idx.msk [tilespmem:v28+s10+$0x0], $0xffff  }
0x256: {  	v27 =	vor.u32 $0x10, v27;
	v28 =	vor.u32 v0, v26  }
0x257: {  	v29 =	vor.u32 v27, v16;
	_ =	sdelay $0x3  }
0x258: {  	[tilespmem:v28+s16+$0x0] =	vst.idx.msk $0xffff, v24  }
0x259: {  	v24 =	vshll.u32 v27, $0x7;
	v28 =	vld.idx.msk [tilespmem:v29+s10+$0x0], $0xffff  }
0x25a: {  	v29 =	vor.u32 v0, v24  }
0x25b: {  	v30 =	vor.u32 v25, v17;
	_ =	sdelay $0x3  }
0x25c: {  	[tilespmem:v29+s16+$0x0] =	vst.idx.msk $0xffff, v28  }
0x25d: {  	v28 =	vld.idx.msk [tilespmem:v30+s10+$0x0], $0xffff  }
0x25e: {  	v29 =	vor.u32 v9, v26  }
0x25f: {  	v30 =	vor.u32 v27, v17;
	_ =	sdelay $0x3  }
0x260: {  	[tilespmem:v29+s16+$0x0] =	vst.idx.msk $0xffff, v28  }
0x261: {  	v28 =	vld.idx.msk [tilespmem:v30+s10+$0x0], $0xffff  }
0x262: {  	v29 =	vor.u32 v9, v24  }
0x263: {  	v30 =	vor.u32 v25, v18;
	_ =	sdelay $0x3  }
0x264: {  	[tilespmem:v29+s16+$0x0] =	vst.idx.msk $0xffff, v28  }
0x265: {  	v28 =	vld.idx.msk [tilespmem:v30+s10+$0x0], $0xffff  }
0x266: {  	v29 =	vor.u32 v10, v26  }
0x267: {  	v30 =	vor.u32 v27, v18;
	_ =	sdelay $0x3  }
0x268: {  	[tilespmem:v29+s16+$0x0] =	vst.idx.msk $0xffff, v28  }
0x269: {  	v28 =	vld.idx.msk [tilespmem:v30+s10+$0x0], $0xffff  }
0x26a: {  	v29 =	vor.u32 v10, v24  }
0x26b: {  	v30 =	vor.u32 v25, v19;
	_ =	sdelay $0x3  }
0x26c: {  	[tilespmem:v29+s16+$0x0] =	vst.idx.msk $0xffff, v28  }
0x26d: {  	v28 =	vld.idx.msk [tilespmem:v30+s10+$0x0], $0xffff  }
0x26e: {  	v29 =	vor.u32 v11, v26  }
0x26f: {  	v30 =	vor.u32 v27, v19;
	_ =	sdelay $0x3  }
0x270: {  	[tilespmem:v29+s16+$0x0] =	vst.idx.msk $0xffff, v28  }
0x271: {  	v28 =	vld.idx.msk [tilespmem:v30+s10+$0x0], $0xffff  }
0x272: {  	v29 =	vor.u32 v11, v24  }
0x273: {  	v30 =	vor.u32 v25, v20;
	_ =	sdelay $0x3  }
0x274: {  	[tilespmem:v29+s16+$0x0] =	vst.idx.msk $0xffff, v28  }
0x275: {  	v28 =	vld.idx.msk [tilespmem:v30+s10+$0x0], $0xffff  }
0x276: {  	v29 =	vor.u32 v12, v26  }
0x277: {  	v30 =	vor.u32 v27, v20;
	_ =	sdelay $0x3  }
0x278: {  	[tilespmem:v29+s16+$0x0] =	vst.idx.msk $0xffff, v28  }
0x279: {  	v28 =	vld.idx.msk [tilespmem:v30+s10+$0x0], $0xffff  }
0x27a: {  	v29 =	vor.u32 v12, v24  }
0x27b: {  	v30 =	vor.u32 v25, v21;
	_ =	sdelay $0x3  }
0x27c: {  	[tilespmem:v29+s16+$0x0] =	vst.idx.msk $0xffff, v28  }
0x27d: {  	v28 =	vld.idx.msk [tilespmem:v30+s10+$0x0], $0xffff  }
0x27e: {  	v29 =	vor.u32 v13, v26  }
0x27f: {  	v30 =	vor.u32 v27, v21;
	_ =	sdelay $0x3  }
0x280: {  	[tilespmem:v29+s16+$0x0] =	vst.idx.msk $0xffff, v28  }
0x281: {  	v28 =	vld.idx.msk [tilespmem:v30+s10+$0x0], $0xffff  }
0x282: {  	v29 =	vor.u32 v13, v24  }
0x283: {  	v30 =	vor.u32 v25, v22;
	_ =	sdelay $0x3  }
0x284: {  	[tilespmem:v29+s16+$0x0] =	vst.idx.msk $0xffff, v28  }
0x285: {  	v28 =	vld.idx.msk [tilespmem:v30+s10+$0x0], $0xffff  }
0x286: {  	v29 =	vor.u32 v14, v26  }
0x287: {  	v30 =	vor.u32 v27, v22;
	_ =	sdelay $0x3  }
0x288: {  	[tilespmem:v29+s16+$0x0] =	vst.idx.msk $0xffff, v28  }
0x289: {  	v28 =	vld.idx.msk [tilespmem:v30+s10+$0x0], $0xffff  }
0x28a: {  	v29 =	vor.u32 v14, v24  }
0x28b: {  	v25 =	vor.u32 v25, v23;
	_ =	sdelay $0x3  }
0x28c: {  	[tilespmem:v29+s16+$0x0] =	vst.idx.msk $0xffff, v28  }
0x28d: {  	v25 =	vld.idx.msk [tilespmem:v25+s10+$0x0], $0xffff  }
0x28e: {  	v26 =	vor.u32 v15, v26  }
0x28f: {  	v28 =	vor.u32 v27, v23  }
.Ltmp1:
0x290: {  	(pc) =	sbr.rel @p0 .LBB2_5-.Ltmp1, $3  }
0x291: {  	_ =	sdelay $0x1  }
0x292: {  	[tilespmem:v26+s16+$0x0] =	vst.idx.msk $0xffff, v25  }
0x293: {  	v27 =	vadd.s32 s0, v0;
	s0 =	sadd.s32 $0x1, s0;
	v26 =	vld.idx.msk [tilespmem:v28+s10+$0x0], $0xffff  }
0x294: {  	v25 =	vand.u32 $0xF, v27;
	v24 =	vor.u32 v15, v24  }
0x295: {  	v28 =	vor.u32 v25, v16;
	_ =	sdelay $0x3  }
0x296: {  	[tilespmem:v24+s16+$0x0] =	vst.idx.msk $0xffff, v26;
	v24 =	vshll.u32 v25, $0x7  }
0x297: {  	v27 =	vor.u32 $0x10, v27;
	v26 =	vld.idx.msk [tilespmem:v28+s10+$0x0], $0xffff;
	v28 =	vor.u32 v0, v24  }
0x298: {  	v16 =	vor.u32 v27, v16;
	_ =	sdelay $0x3  }
0x299: {  	[tilespmem:v28+s16+$0x0] =	vst.idx.msk $0xffff, v26;
	v26 =	vshll.u32 v27, $0x7  }
0x29a: {  	v16 =	vld.idx.msk [tilespmem:v16+s10+$0x0], $0xffff;
	v28 =	vor.u32 v0, v26  }
0x29b: {  	v29 =	vor.u32 v25, v17;
	_ =	sdelay $0x3  }
0x29c: {  	[tilespmem:v28+s16+$0x0] =	vst.idx.msk $0xffff, v16  }
0x29d: {  	v28 =	vor.u32 v9, v24;
	v16 =	vld.idx.msk [tilespmem:v29+s10+$0x0], $0xffff  }
0x29e: {  	v17 =	vor.u32 v27, v17;
	_ =	sdelay $0x3  }
0x29f: {  	[tilespmem:v28+s16+$0x0] =	vst.idx.msk $0xffff, v16  }
0x2a0: {  	v16 =	vld.idx.msk [tilespmem:v17+s10+$0x0], $0xffff;
	v17 =	vor.u32 v9, v26  }
0x2a1: {  	v28 =	vor.u32 v25, v18;
	_ =	sdelay $0x3  }
0x2a2: {  	[tilespmem:v17+s16+$0x0] =	vst.idx.msk $0xffff, v16  }
0x2a3: {  	v17 =	vor.u32 v10, v24;
	v16 =	vld.idx.msk [tilespmem:v28+s10+$0x0], $0xffff  }
0x2a4: {  	v18 =	vor.u32 v27, v18;
	_ =	sdelay $0x3  }
0x2a5: {  	[tilespmem:v17+s16+$0x0] =	vst.idx.msk $0xffff, v16  }
0x2a6: {  	v17 =	vor.u32 v10, v26;
	v16 =	vld.idx.msk [tilespmem:v18+s10+$0x0], $0xffff  }
0x2a7: {  	v18 =	vor.u32 v25, v19;
	_ =	sdelay $0x3  }
0x2a8: {  	[tilespmem:v17+s16+$0x0] =	vst.idx.msk $0xffff, v16  }
0x2a9: {  	v17 =	vor.u32 v11, v24;
	v16 =	vld.idx.msk [tilespmem:v18+s10+$0x0], $0xffff  }
0x2aa: {  	v18 =	vor.u32 v27, v19;
	_ =	sdelay $0x3  }
0x2ab: {  	[tilespmem:v17+s16+$0x0] =	vst.idx.msk $0xffff, v16  }
0x2ac: {  	v17 =	vor.u32 v11, v26;
	v16 =	vld.idx.msk [tilespmem:v18+s10+$0x0], $0xffff  }
0x2ad: {  	v18 =	vor.u32 v25, v20;
	_ =	sdelay $0x3  }
0x2ae: {  	[tilespmem:v17+s16+$0x0] =	vst.idx.msk $0xffff, v16  }
0x2af: {  	v17 =	vor.u32 v12, v24;
	v16 =	vld.idx.msk [tilespmem:v18+s10+$0x0], $0xffff  }
0x2b0: {  	v18 =	vor.u32 v27, v20;
	_ =	sdelay $0x3  }
0x2b1: {  	[tilespmem:v17+s16+$0x0] =	vst.idx.msk $0xffff, v16  }
0x2b2: {  	v17 =	vor.u32 v12, v26;
	v16 =	vld.idx.msk [tilespmem:v18+s10+$0x0], $0xffff  }
0x2b3: {  	v18 =	vor.u32 v25, v21;
	_ =	sdelay $0x3  }
0x2b4: {  	[tilespmem:v17+s16+$0x0] =	vst.idx.msk $0xffff, v16  }
0x2b5: {  	v17 =	vor.u32 v13, v24;
	v16 =	vld.idx.msk [tilespmem:v18+s10+$0x0], $0xffff  }
0x2b6: {  	v18 =	vor.u32 v27, v21;
	_ =	sdelay $0x3  }
0x2b7: {  	[tilespmem:v17+s16+$0x0] =	vst.idx.msk $0xffff, v16  }
0x2b8: {  	v17 =	vor.u32 v13, v26;
	v16 =	vld.idx.msk [tilespmem:v18+s10+$0x0], $0xffff  }
0x2b9: {  	v18 =	vor.u32 v25, v22;
	_ =	sdelay $0x3  }
0x2ba: {  	[tilespmem:v17+s16+$0x0] =	vst.idx.msk $0xffff, v16  }
0x2bb: {  	v17 =	vor.u32 v14, v24;
	v16 =	vld.idx.msk [tilespmem:v18+s10+$0x0], $0xffff  }
0x2bc: {  	v18 =	vor.u32 v27, v22;
	_ =	sdelay $0x3  }
0x2bd: {  	[tilespmem:v17+s16+$0x0] =	vst.idx.msk $0xffff, v16  }
0x2be: {  	v17 =	vor.u32 v14, v26;
	v16 =	vld.idx.msk [tilespmem:v18+s10+$0x0], $0xffff  }
0x2bf: {  	v18 =	vor.u32 v25, v23;
	_ =	sdelay $0x3  }
0x2c0: {  	[tilespmem:v17+s16+$0x0] =	vst.idx.msk $0xffff, v16  }
0x2c1: {  	v17 =	vor.u32 v15, v24;
	v16 =	vld.idx.msk [tilespmem:v18+s10+$0x0], $0xffff  }
0x2c2: {  	v18 =	vor.u32 v27, v23;
	_ =	sdelay $0x3  }
0x2c3: {  	[tilespmem:v17+s16+$0x0] =	vst.idx.msk $0xffff, v16  }
0x2c4: {  	v17 =	vor.u32 v15, v26;
	v16 =	vld.idx.msk [tilespmem:v18+s10+$0x0], $0xffff;
	_ =	sdelay $0x1  }
0x2c5: {  	s0 =	ssub.s32 s2, s25  }
0x2c6: {  	s30 =	sadd.s32 s30, s0  }
0x2c7: {  	s0 =	sadd.s32 s31, s30  }
0x2c8: {  	s0 =	sadd.s32 s24, s0;
	[tilespmem:v17+s16+$0x0] =	vst.idx.msk $0xffff, v16  }
0x2c9: {  	[hbm4b:s0+s5] =	stream.strided.scatter [tilespmem:s16], [sflag:$0x7], $0x1000, s14, s5, $0x38;
	[tilespmem:$0x18800] =	vst v63  }
0x2ca: {  	s0 =	sadd.s32 $0x3680, s26  }
0x2cb: {  	[tilespmem:s10], [sflag:$0x3] =	stream.indirect.gather [hbm4b:s28+s8], $0x80, s0, s8, $0xb8;
	[tilespmem:$0x18800] =	vst v63  }
0x2cc: {  	_ =	swait.ge [sflag:s17], $0x1000  }
0x2cd: {  	[sflag:s17] =	ssyncset.done $0x0  }
0x2ce: {  	[sflag:s17] =	ssyncadd.s32 $0xFFFFF000  }
0x2cf: {  	_ =	swait.ge [sflag:s18], $0x4000  }
0x2d0: {  	[sflag:s18] =	ssyncset.done $0x0  }
0x2d1: {  	s31 =	sor.u32 $0x100, s25;
	[sflag:s18] =	ssyncadd.s32 $0xFFFFC000  }
0x2d2: {  	v16 =	vld [tilespmem:s31+$0x0];
	_ =	sdelay $0x4  }
0x2d3: {  	s0 =	simm.s32 $0x0;
	v16 =	vshll.u32 v16, $0x5  }
0x2d4: {  	v17 =	vadd.s32 s0, v0;
	v16 =	vand.u32 $0x60, v16  }
0x2d5: {  	v25 =	vand.u32 $0xF, v17;
	v16 =	vor.u32 v1, v16  }
0x2d6: {  	v18 =	vor.u32 v25, v16;
	_ =	sdelay $0x2  }
0x2d7: {  	v19 =	vld [tilespmem:s25+$0x110]  }
0x2d8: {  	v26 =	vshll.u32 v25, $0x7;
	v20 =	vld [tilespmem:s25+$0x120]  }
0x2d9: {  	v27 =	vor.u32 $0x10, v17;
	v22 =	vor.u32 v0, v26;
	v18 =	vld.idx.msk [tilespmem:v18+s6+$0x0], $0xffff  }
0x2da: {  	v21 =	vld [tilespmem:s25+$0x130];
	v28 =	vor.u32 v27, v16  }
0x2db: {  	v23 =	vld [tilespmem:s25+$0x140]  }
0x2dc: {  	v29 =	vld [tilespmem:s25+$0x150]  }
0x2dd: {  	v30 =	vld [tilespmem:s25+$0x160];
	v17 =	vshll.u32 v19, $0x5  }
0x2de: {  	v24 =	vshll.u32 v27, $0x7;
	v31 =	vld [tilespmem:s25+$0x170];
	v17 =	vand.u32 $0x60, v17;
	[tilespmem:v22+s13+$0x0] =	vst.idx.msk $0xffff, v18  }
0x2df: {  	v19 =	vor.u32 v0, v24;
	v17 =	vor.u32 v2, v17;
	v18 =	vld.idx.msk [tilespmem:v28+s6+$0x0], $0xffff  }
0x2e0: {  	v22 =	vor.u32 v25, v17;
	_ =	sdelay $0x3  }
0x2e1: {  	[tilespmem:v19+s13+$0x0] =	vst.idx.msk $0xffff, v18  }
0x2e2: {  	v19 =	vor.u32 v9, v26;
	v18 =	vld.idx.msk [tilespmem:v22+s6+$0x0], $0xffff  }
0x2e3: {  	v22 =	vor.u32 v27, v17;
	_ =	sdelay $0x2  }
0x2e4: {  	v20 =	vshll.u32 v20, $0x5  }
0x2e5: {  	v20 =	vand.u32 $0x60, v20;
	[tilespmem:v19+s13+$0x0] =	vst.idx.msk $0xffff, v18  }
0x2e6: {  	v18 =	vor.u32 v3, v20;
	v20 =	vor.u32 v9, v24;
	v19 =	vld.idx.msk [tilespmem:v22+s6+$0x0], $0xffff  }
0x2e7: {  	v22 =	vor.u32 v25, v18;
	_ =	sdelay $0x3  }
0x2e8: {  	[tilespmem:v20+s13+$0x0] =	vst.idx.msk $0xffff, v19  }
0x2e9: {  	v20 =	vor.u32 v10, v26;
	v19 =	vld.idx.msk [tilespmem:v22+s6+$0x0], $0xffff  }
0x2ea: {  	v22 =	vor.u32 v27, v18;
	_ =	sdelay $0x2  }
0x2eb: {  	v21 =	vshll.u32 v21, $0x5  }
0x2ec: {  	v21 =	vand.u32 $0x60, v21;
	[tilespmem:v20+s13+$0x0] =	vst.idx.msk $0xffff, v19  }
0x2ed: {  	v19 =	vor.u32 v4, v21;
	v21 =	vor.u32 v10, v24;
	v20 =	vld.idx.msk [tilespmem:v22+s6+$0x0], $0xffff  }
0x2ee: {  	v22 =	vor.u32 v25, v19;
	_ =	sdelay $0x3  }
0x2ef: {  	[tilespmem:v21+s13+$0x0] =	vst.idx.msk $0xffff, v20  }
0x2f0: {  	v21 =	vor.u32 v11, v26;
	v20 =	vld.idx.msk [tilespmem:v22+s6+$0x0], $0xffff  }
0x2f1: {  	v22 =	vor.u32 v27, v19;
	_ =	sdelay $0x2  }
0x2f2: {  	v23 =	vshll.u32 v23, $0x5  }
0x2f3: {  	v23 =	vand.u32 $0x60, v23;
	[tilespmem:v21+s13+$0x0] =	vst.idx.msk $0xffff, v20  }
0x2f4: {  	v20 =	vor.u32 v5, v23;
	v21 =	vld.idx.msk [tilespmem:v22+s6+$0x0], $0xffff;
	v22 =	vor.u32 v11, v24  }
0x2f5: {  	v23 =	vor.u32 v25, v20;
	_ =	sdelay $0x3  }
0x2f6: {  	[tilespmem:v22+s13+$0x0] =	vst.idx.msk $0xffff, v21  }
0x2f7: {  	v22 =	vor.u32 v12, v26;
	v21 =	vld.idx.msk [tilespmem:v23+s6+$0x0], $0xffff  }
0x2f8: {  	v23 =	vor.u32 v27, v20;
	_ =	sdelay $0x2  }
0x2f9: {  	v28 =	vshll.u32 v29, $0x5  }
0x2fa: {  	v28 =	vand.u32 $0x60, v28;
	[tilespmem:v22+s13+$0x0] =	vst.idx.msk $0xffff, v21  }
0x2fb: {  	v21 =	vor.u32 v6, v28;
	v22 =	vld.idx.msk [tilespmem:v23+s6+$0x0], $0xffff;
	v23 =	vor.u32 v12, v24  }
0x2fc: {  	v28 =	vor.u32 v25, v21;
	_ =	sdelay $0x3  }
0x2fd: {  	[tilespmem:v23+s13+$0x0] =	vst.idx.msk $0xffff, v22  }
0x2fe: {  	v23 =	vor.u32 v13, v26;
	v22 =	vld.idx.msk [tilespmem:v28+s6+$0x0], $0xffff  }
0x2ff: {  	v28 =	vor.u32 v27, v21;
	_ =	sdelay $0x2  }
0x300: {  	v29 =	vshll.u32 v30, $0x5  }
0x301: {  	v29 =	vand.u32 $0x60, v29;
	[tilespmem:v23+s13+$0x0] =	vst.idx.msk $0xffff, v22  }
0x302: {  	v22 =	vor.u32 v7, v29;
	v23 =	vld.idx.msk [tilespmem:v28+s6+$0x0], $0xffff;
	v28 =	vor.u32 v13, v24  }
0x303: {  	v29 =	vor.u32 v25, v22;
	_ =	sdelay $0x3  }
0x304: {  	[tilespmem:v28+s13+$0x0] =	vst.idx.msk $0xffff, v23  }
0x305: {  	v28 =	vor.u32 v14, v26;
	v23 =	vld.idx.msk [tilespmem:v29+s6+$0x0], $0xffff  }
0x306: {  	v29 =	vor.u32 v27, v22;
	_ =	sdelay $0x2  }
0x307: {  	v63 =	vshll.u32 v31, $0x5  }
0x308: {  	v30 =	vand.u32 $0x60, v63;
	[tilespmem:v28+s13+$0x0] =	vst.idx.msk $0xffff, v23  }
0x309: {  	v23 =	vor.u32 v8, v30;
	v28 =	vld.idx.msk [tilespmem:v29+s6+$0x0], $0xffff;
	v29 =	vor.u32 v14, v24  }
0x30a: {  	v25 =	vor.u32 v25, v23;
	_ =	sdelay $0x3  }
0x30b: {  	[tilespmem:v29+s13+$0x0] =	vst.idx.msk $0xffff, v28  }
0x30c: {  	v26 =	vor.u32 v15, v26;
	v25 =	vld.idx.msk [tilespmem:v25+s6+$0x0], $0xffff  }
0x30d: {  	v28 =	vor.u32 v27, v23;
	_ =	sdelay $0x3  }
0x30e: {  	s25 =	simm.s32 $0x1;
	[tilespmem:v26+s13+$0x0] =	vst.idx.msk $0xffff, v25  }
0x30f: {  	s0 =	simm.s32 $0x2;
	v27 =	vadd.s32 s25, v0;
	v26 =	vld.idx.msk [tilespmem:v28+s6+$0x0], $0xffff  }
.LBB2_7:
0x310: {  	p0 =	sne.s32 s0, $0xF;
	v25 =	vand.u32 $0xF, v27;
	v24 =	vor.u32 v15, v24  }
0x311: {  	v28 =	vor.u32 v25, v16;
	_ =	sdelay $0x3  }
0x312: {  	[tilespmem:v24+s13+$0x0] =	vst.idx.msk $0xffff, v26  }
0x313: {  	v26 =	vshll.u32 v25, $0x7;
	v24 =	vld.idx.msk [tilespmem:v28+s6+$0x0], $0xffff  }
0x314: {  	v27 =	vor.u32 $0x10, v27;
	v28 =	vor.u32 v0, v26  }
0x315: {  	v29 =	vor.u32 v27, v16;
	_ =	sdelay $0x3  }
0x316: {  	[tilespmem:v28+s13+$0x0] =	vst.idx.msk $0xffff, v24  }
0x317: {  	v24 =	vshll.u32 v27, $0x7;
	v28 =	vld.idx.msk [tilespmem:v29+s6+$0x0], $0xffff  }
0x318: {  	v29 =	vor.u32 v0, v24  }
0x319: {  	v30 =	vor.u32 v25, v17;
	_ =	sdelay $0x3  }
0x31a: {  	[tilespmem:v29+s13+$0x0] =	vst.idx.msk $0xffff, v28  }
0x31b: {  	v28 =	vld.idx.msk [tilespmem:v30+s6+$0x0], $0xffff  }
0x31c: {  	v29 =	vor.u32 v9, v26  }
0x31d: {  	v30 =	vor.u32 v27, v17;
	_ =	sdelay $0x3  }
0x31e: {  	[tilespmem:v29+s13+$0x0] =	vst.idx.msk $0xffff, v28  }
0x31f: {  	v28 =	vld.idx.msk [tilespmem:v30+s6+$0x0], $0xffff  }
0x320: {  	v29 =	vor.u32 v9, v24  }
0x321: {  	v30 =	vor.u32 v25, v18;
	_ =	sdelay $0x3  }
0x322: {  	[tilespmem:v29+s13+$0x0] =	vst.idx.msk $0xffff, v28  }
0x323: {  	v28 =	vld.idx.msk [tilespmem:v30+s6+$0x0], $0xffff  }
0x324: {  	v29 =	vor.u32 v10, v26  }
0x325: {  	v30 =	vor.u32 v27, v18;
	_ =	sdelay $0x3  }
0x326: {  	[tilespmem:v29+s13+$0x0] =	vst.idx.msk $0xffff, v28  }
0x327: {  	v28 =	vld.idx.msk [tilespmem:v30+s6+$0x0], $0xffff  }
0x328: {  	v29 =	vor.u32 v10, v24  }
0x329: {  	v30 =	vor.u32 v25, v19;
	_ =	sdelay $0x3  }
0x32a: {  	[tilespmem:v29+s13+$0x0] =	vst.idx.msk $0xffff, v28  }
0x32b: {  	v28 =	vld.idx.msk [tilespmem:v30+s6+$0x0], $0xffff  }
0x32c: {  	v29 =	vor.u32 v11, v26  }
0x32d: {  	v30 =	vor.u32 v27, v19;
	_ =	sdelay $0x3  }
0x32e: {  	[tilespmem:v29+s13+$0x0] =	vst.idx.msk $0xffff, v28  }
0x32f: {  	v28 =	vld.idx.msk [tilespmem:v30+s6+$0x0], $0xffff  }
0x330: {  	v29 =	vor.u32 v11, v24  }
0x331: {  	v30 =	vor.u32 v25, v20;
	_ =	sdelay $0x3  }
0x332: {  	[tilespmem:v29+s13+$0x0] =	vst.idx.msk $0xffff, v28  }
0x333: {  	v28 =	vld.idx.msk [tilespmem:v30+s6+$0x0], $0xffff  }
0x334: {  	v29 =	vor.u32 v12, v26  }
0x335: {  	v30 =	vor.u32 v27, v20;
	_ =	sdelay $0x3  }
0x336: {  	[tilespmem:v29+s13+$0x0] =	vst.idx.msk $0xffff, v28  }
0x337: {  	v28 =	vld.idx.msk [tilespmem:v30+s6+$0x0], $0xffff  }
0x338: {  	v29 =	vor.u32 v12, v24  }
0x339: {  	v30 =	vor.u32 v25, v21;
	_ =	sdelay $0x3  }
0x33a: {  	[tilespmem:v29+s13+$0x0] =	vst.idx.msk $0xffff, v28  }
0x33b: {  	v28 =	vld.idx.msk [tilespmem:v30+s6+$0x0], $0xffff  }
0x33c: {  	v29 =	vor.u32 v13, v26  }
0x33d: {  	v30 =	vor.u32 v27, v21;
	_ =	sdelay $0x3  }
0x33e: {  	[tilespmem:v29+s13+$0x0] =	vst.idx.msk $0xffff, v28  }
0x33f: {  	v28 =	vld.idx.msk [tilespmem:v30+s6+$0x0], $0xffff  }
0x340: {  	v29 =	vor.u32 v13, v24  }
0x341: {  	v30 =	vor.u32 v25, v22;
	_ =	sdelay $0x3  }
0x342: {  	[tilespmem:v29+s13+$0x0] =	vst.idx.msk $0xffff, v28  }
0x343: {  	v28 =	vld.idx.msk [tilespmem:v30+s6+$0x0], $0xffff  }
0x344: {  	v29 =	vor.u32 v14, v26  }
0x345: {  	v30 =	vor.u32 v27, v22;
	_ =	sdelay $0x3  }
0x346: {  	[tilespmem:v29+s13+$0x0] =	vst.idx.msk $0xffff, v28  }
0x347: {  	v28 =	vld.idx.msk [tilespmem:v30+s6+$0x0], $0xffff  }
0x348: {  	v29 =	vor.u32 v14, v24  }
0x349: {  	v25 =	vor.u32 v25, v23;
	_ =	sdelay $0x3  }
0x34a: {  	[tilespmem:v29+s13+$0x0] =	vst.idx.msk $0xffff, v28  }
0x34b: {  	v25 =	vld.idx.msk [tilespmem:v25+s6+$0x0], $0xffff  }
0x34c: {  	v26 =	vor.u32 v15, v26  }
0x34d: {  	v28 =	vor.u32 v27, v23  }
.Ltmp2:
0x34e: {  	(pc) =	sbr.rel @p0 .LBB2_7-.Ltmp2, $3  }
0x34f: {  	_ =	sdelay $0x1  }
0x350: {  	[tilespmem:v26+s13+$0x0] =	vst.idx.msk $0xffff, v25  }
0x351: {  	v27 =	vadd.s32 s0, v0;
	s0 =	sadd.s32 $0x1, s0;
	v26 =	vld.idx.msk [tilespmem:v28+s6+$0x0], $0xffff  }
0x352: {  	v25 =	vand.u32 $0xF, v27;
	v24 =	vor.u32 v15, v24  }
0x353: {  	v28 =	vor.u32 v25, v16;
	_ =	sdelay $0x3  }
0x354: {  	[tilespmem:v24+s13+$0x0] =	vst.idx.msk $0xffff, v26;
	v24 =	vshll.u32 v25, $0x7  }
0x355: {  	v27 =	vor.u32 $0x10, v27;
	v26 =	vld.idx.msk [tilespmem:v28+s6+$0x0], $0xffff;
	v28 =	vor.u32 v0, v24  }
0x356: {  	v16 =	vor.u32 v27, v16;
	_ =	sdelay $0x3  }
0x357: {  	[tilespmem:v28+s13+$0x0] =	vst.idx.msk $0xffff, v26;
	v26 =	vshll.u32 v27, $0x7  }
0x358: {  	v16 =	vld.idx.msk [tilespmem:v16+s6+$0x0], $0xffff;
	v28 =	vor.u32 v0, v26  }
0x359: {  	v29 =	vor.u32 v25, v17;
	_ =	sdelay $0x3  }
0x35a: {  	[tilespmem:v28+s13+$0x0] =	vst.idx.msk $0xffff, v16  }
0x35b: {  	v28 =	vor.u32 v9, v24;
	v16 =	vld.idx.msk [tilespmem:v29+s6+$0x0], $0xffff  }
0x35c: {  	v17 =	vor.u32 v27, v17;
	_ =	sdelay $0x3  }
0x35d: {  	[tilespmem:v28+s13+$0x0] =	vst.idx.msk $0xffff, v16  }
0x35e: {  	v16 =	vld.idx.msk [tilespmem:v17+s6+$0x0], $0xffff;
	v17 =	vor.u32 v9, v26  }
0x35f: {  	v28 =	vor.u32 v25, v18;
	_ =	sdelay $0x3  }
0x360: {  	[tilespmem:v17+s13+$0x0] =	vst.idx.msk $0xffff, v16  }
0x361: {  	v17 =	vor.u32 v10, v24;
	v16 =	vld.idx.msk [tilespmem:v28+s6+$0x0], $0xffff  }
0x362: {  	v18 =	vor.u32 v27, v18;
	_ =	sdelay $0x3  }
0x363: {  	[tilespmem:v17+s13+$0x0] =	vst.idx.msk $0xffff, v16  }
0x364: {  	v17 =	vor.u32 v10, v26;
	v16 =	vld.idx.msk [tilespmem:v18+s6+$0x0], $0xffff  }
0x365: {  	v18 =	vor.u32 v25, v19;
	_ =	sdelay $0x3  }
0x366: {  	[tilespmem:v17+s13+$0x0] =	vst.idx.msk $0xffff, v16  }
0x367: {  	v17 =	vor.u32 v11, v24;
	v16 =	vld.idx.msk [tilespmem:v18+s6+$0x0], $0xffff  }
0x368: {  	v18 =	vor.u32 v27, v19;
	_ =	sdelay $0x3  }
0x369: {  	[tilespmem:v17+s13+$0x0] =	vst.idx.msk $0xffff, v16  }
0x36a: {  	v17 =	vor.u32 v11, v26;
	v16 =	vld.idx.msk [tilespmem:v18+s6+$0x0], $0xffff  }
0x36b: {  	v18 =	vor.u32 v25, v20;
	_ =	sdelay $0x3  }
0x36c: {  	[tilespmem:v17+s13+$0x0] =	vst.idx.msk $0xffff, v16  }
0x36d: {  	v17 =	vor.u32 v12, v24;
	v16 =	vld.idx.msk [tilespmem:v18+s6+$0x0], $0xffff  }
0x36e: {  	v18 =	vor.u32 v27, v20;
	_ =	sdelay $0x3  }
0x36f: {  	[tilespmem:v17+s13+$0x0] =	vst.idx.msk $0xffff, v16  }
0x370: {  	v17 =	vor.u32 v12, v26;
	v16 =	vld.idx.msk [tilespmem:v18+s6+$0x0], $0xffff  }
0x371: {  	v18 =	vor.u32 v25, v21;
	_ =	sdelay $0x3  }
0x372: {  	[tilespmem:v17+s13+$0x0] =	vst.idx.msk $0xffff, v16  }
0x373: {  	v17 =	vor.u32 v13, v24;
	v16 =	vld.idx.msk [tilespmem:v18+s6+$0x0], $0xffff  }
0x374: {  	v18 =	vor.u32 v27, v21;
	_ =	sdelay $0x3  }
0x375: {  	[tilespmem:v17+s13+$0x0] =	vst.idx.msk $0xffff, v16  }
0x376: {  	v17 =	vor.u32 v13, v26;
	v16 =	vld.idx.msk [tilespmem:v18+s6+$0x0], $0xffff  }
0x377: {  	v18 =	vor.u32 v25, v22;
	_ =	sdelay $0x3  }
0x378: {  	[tilespmem:v17+s13+$0x0] =	vst.idx.msk $0xffff, v16  }
0x379: {  	v17 =	vor.u32 v14, v24;
	v16 =	vld.idx.msk [tilespmem:v18+s6+$0x0], $0xffff  }
0x37a: {  	v18 =	vor.u32 v27, v22;
	_ =	sdelay $0x3  }
0x37b: {  	[tilespmem:v17+s13+$0x0] =	vst.idx.msk $0xffff, v16  }
0x37c: {  	v17 =	vor.u32 v14, v26;
	v16 =	vld.idx.msk [tilespmem:v18+s6+$0x0], $0xffff  }
0x37d: {  	v18 =	vor.u32 v25, v23;
	_ =	sdelay $0x3  }
0x37e: {  	[tilespmem:v17+s13+$0x0] =	vst.idx.msk $0xffff, v16  }
0x37f: {  	v17 =	vor.u32 v15, v24;
	v16 =	vld.idx.msk [tilespmem:v18+s6+$0x0], $0xffff  }
0x380: {  	v18 =	vor.u32 v27, v23;
	_ =	sdelay $0x3  }
0x381: {  	[tilespmem:v17+s13+$0x0] =	vst.idx.msk $0xffff, v16  }
0x382: {  	v17 =	vor.u32 v15, v26;
	v16 =	vld.idx.msk [tilespmem:v18+s6+$0x0], $0xffff;
	_ =	sdelay $0x3  }
0x383: {  	s0 =	sadd.s32 s31, s30  }
0x384: {  	s0 =	sadd.s32 s24, s0;
	[tilespmem:v17+s13+$0x0] =	vst.idx.msk $0xffff, v16  }
0x385: {  	[hbm4b:s0+s5] =	stream.strided.scatter [tilespmem:s13], [sflag:$0x6], $0x1000, s14, s5, $0x38;
	[tilespmem:$0x18800] =	vst v63  }
0x386: {  	s25 =	sadd.s32 $0x3700, s26  }
0x387: {  	[tilespmem:s6], [sflag:$0x4] =	stream.indirect.gather [hbm4b:s28+s8], $0x80, s25, s8, $0xb8;
	[tilespmem:$0x18800] =	vst v63  }
0x388: {  	_ =	swait.ge [sflag:s19], $0x1000  }
0x389: {  	[sflag:s19] =	ssyncset.done $0x0  }
0x38a: {  	[sflag:s19] =	ssyncadd.s32 $0xFFFFF000  }
0x38b: {  	_ =	swait.ge [sflag:s20], $0x4000  }
0x38c: {  	[sflag:s20] =	ssyncset.done $0x0  }
0x38d: {  	[sflag:s20] =	ssyncadd.s32 $0xFFFFC000  }
0x38e: {  	v16 =	vld [tilespmem:s23+$0x0];
	_ =	sdelay $0x4  }
0x38f: {  	s26 =	simm.s32 $0x0;
	v16 =	vshll.u32 v16, $0x5  }
0x390: {  	v17 =	vadd.s32 s26, v0;
	v16 =	vand.u32 $0x60, v16  }
0x391: {  	v25 =	vand.u32 $0xF, v17;
	v16 =	vor.u32 v1, v16  }
0x392: {  	v18 =	vor.u32 v25, v16;
	_ =	sdelay $0x2  }
0x393: {  	v19 =	vld [tilespmem:s23+$0x10]  }
0x394: {  	v26 =	vshll.u32 v25, $0x7;
	v20 =	vld [tilespmem:s23+$0x20]  }
0x395: {  	v27 =	vor.u32 $0x10, v17;
	v22 =	vor.u32 v0, v26;
	v18 =	vld.idx.msk [tilespmem:v18+s11+$0x0], $0xffff  }
0x396: {  	v21 =	vld [tilespmem:s23+$0x30];
	v28 =	vor.u32 v27, v16  }
0x397: {  	v23 =	vld [tilespmem:s23+$0x40]  }
0x398: {  	v29 =	vld [tilespmem:s23+$0x50]  }
0x399: {  	v30 =	vld [tilespmem:s23+$0x60];
	v17 =	vshll.u32 v19, $0x5  }
0x39a: {  	v24 =	vshll.u32 v27, $0x7;
	v31 =	vld [tilespmem:s23+$0x70];
	v17 =	vand.u32 $0x60, v17;
	[tilespmem:v22+s16+$0x0] =	vst.idx.msk $0xffff, v18  }
0x39b: {  	v19 =	vor.u32 v0, v24;
	v17 =	vor.u32 v2, v17;
	v18 =	vld.idx.msk [tilespmem:v28+s11+$0x0], $0xffff  }
0x39c: {  	v22 =	vor.u32 v25, v17;
	_ =	sdelay $0x3  }
0x39d: {  	[tilespmem:v19+s16+$0x0] =	vst.idx.msk $0xffff, v18  }
0x39e: {  	v19 =	vor.u32 v9, v26;
	v18 =	vld.idx.msk [tilespmem:v22+s11+$0x0], $0xffff  }
0x39f: {  	v22 =	vor.u32 v27, v17;
	_ =	sdelay $0x2  }
0x3a0: {  	v20 =	vshll.u32 v20, $0x5  }
0x3a1: {  	v20 =	vand.u32 $0x60, v20;
	[tilespmem:v19+s16+$0x0] =	vst.idx.msk $0xffff, v18  }
0x3a2: {  	v18 =	vor.u32 v3, v20;
	v20 =	vor.u32 v9, v24;
	v19 =	vld.idx.msk [tilespmem:v22+s11+$0x0], $0xffff  }
0x3a3: {  	v22 =	vor.u32 v25, v18;
	_ =	sdelay $0x3  }
0x3a4: {  	[tilespmem:v20+s16+$0x0] =	vst.idx.msk $0xffff, v19  }
0x3a5: {  	v20 =	vor.u32 v10, v26;
	v19 =	vld.idx.msk [tilespmem:v22+s11+$0x0], $0xffff  }
0x3a6: {  	v22 =	vor.u32 v27, v18;
	_ =	sdelay $0x2  }
0x3a7: {  	v21 =	vshll.u32 v21, $0x5  }
0x3a8: {  	v21 =	vand.u32 $0x60, v21;
	[tilespmem:v20+s16+$0x0] =	vst.idx.msk $0xffff, v19  }
0x3a9: {  	v19 =	vor.u32 v4, v21;
	v21 =	vor.u32 v10, v24;
	v20 =	vld.idx.msk [tilespmem:v22+s11+$0x0], $0xffff  }
0x3aa: {  	v22 =	vor.u32 v25, v19;
	_ =	sdelay $0x3  }
0x3ab: {  	[tilespmem:v21+s16+$0x0] =	vst.idx.msk $0xffff, v20  }
0x3ac: {  	v21 =	vor.u32 v11, v26;
	v20 =	vld.idx.msk [tilespmem:v22+s11+$0x0], $0xffff  }
0x3ad: {  	v22 =	vor.u32 v27, v19;
	_ =	sdelay $0x2  }
0x3ae: {  	v23 =	vshll.u32 v23, $0x5  }
0x3af: {  	v23 =	vand.u32 $0x60, v23;
	[tilespmem:v21+s16+$0x0] =	vst.idx.msk $0xffff, v20  }
0x3b0: {  	v20 =	vor.u32 v5, v23;
	v21 =	vld.idx.msk [tilespmem:v22+s11+$0x0], $0xffff;
	v22 =	vor.u32 v11, v24  }
0x3b1: {  	v23 =	vor.u32 v25, v20;
	_ =	sdelay $0x3  }
0x3b2: {  	[tilespmem:v22+s16+$0x0] =	vst.idx.msk $0xffff, v21  }
0x3b3: {  	v22 =	vor.u32 v12, v26;
	v21 =	vld.idx.msk [tilespmem:v23+s11+$0x0], $0xffff  }
0x3b4: {  	v23 =	vor.u32 v27, v20;
	_ =	sdelay $0x2  }
0x3b5: {  	v28 =	vshll.u32 v29, $0x5  }
0x3b6: {  	v28 =	vand.u32 $0x60, v28;
	[tilespmem:v22+s16+$0x0] =	vst.idx.msk $0xffff, v21  }
0x3b7: {  	v21 =	vor.u32 v6, v28;
	v22 =	vld.idx.msk [tilespmem:v23+s11+$0x0], $0xffff;
	v23 =	vor.u32 v12, v24  }
0x3b8: {  	v28 =	vor.u32 v25, v21;
	_ =	sdelay $0x3  }
0x3b9: {  	[tilespmem:v23+s16+$0x0] =	vst.idx.msk $0xffff, v22  }
0x3ba: {  	v23 =	vor.u32 v13, v26;
	v22 =	vld.idx.msk [tilespmem:v28+s11+$0x0], $0xffff  }
0x3bb: {  	v28 =	vor.u32 v27, v21;
	_ =	sdelay $0x2  }
0x3bc: {  	v29 =	vshll.u32 v30, $0x5  }
0x3bd: {  	v29 =	vand.u32 $0x60, v29;
	[tilespmem:v23+s16+$0x0] =	vst.idx.msk $0xffff, v22  }
0x3be: {  	v22 =	vor.u32 v7, v29;
	v23 =	vld.idx.msk [tilespmem:v28+s11+$0x0], $0xffff;
	v28 =	vor.u32 v13, v24  }
0x3bf: {  	v29 =	vor.u32 v25, v22;
	_ =	sdelay $0x3  }
0x3c0: {  	[tilespmem:v28+s16+$0x0] =	vst.idx.msk $0xffff, v23  }
0x3c1: {  	v28 =	vor.u32 v14, v26;
	v23 =	vld.idx.msk [tilespmem:v29+s11+$0x0], $0xffff  }
0x3c2: {  	v29 =	vor.u32 v27, v22;
	_ =	sdelay $0x2  }
0x3c3: {  	v63 =	vshll.u32 v31, $0x5  }
0x3c4: {  	v30 =	vand.u32 $0x60, v63;
	[tilespmem:v28+s16+$0x0] =	vst.idx.msk $0xffff, v23  }
0x3c5: {  	v23 =	vor.u32 v8, v30;
	v28 =	vld.idx.msk [tilespmem:v29+s11+$0x0], $0xffff;
	v29 =	vor.u32 v14, v24  }
0x3c6: {  	v25 =	vor.u32 v25, v23;
	_ =	sdelay $0x3  }
0x3c7: {  	[tilespmem:v29+s16+$0x0] =	vst.idx.msk $0xffff, v28  }
0x3c8: {  	v26 =	vor.u32 v15, v26;
	v25 =	vld.idx.msk [tilespmem:v25+s11+$0x0], $0xffff  }
0x3c9: {  	v28 =	vor.u32 v27, v23;
	_ =	sdelay $0x3  }
0x3ca: {  	s31 =	simm.s32 $0x1;
	[tilespmem:v26+s16+$0x0] =	vst.idx.msk $0xffff, v25  }
0x3cb: {  	s0 =	simm.s32 $0x2;
	v27 =	vadd.s32 s31, v0;
	v26 =	vld.idx.msk [tilespmem:v28+s11+$0x0], $0xffff  }
.LBB2_9:
0x3cc: {  	p0 =	sne.s32 s0, $0xF;
	v25 =	vand.u32 $0xF, v27;
	v24 =	vor.u32 v15, v24  }
0x3cd: {  	v28 =	vor.u32 v25, v16;
	_ =	sdelay $0x3  }
0x3ce: {  	[tilespmem:v24+s16+$0x0] =	vst.idx.msk $0xffff, v26  }
0x3cf: {  	v26 =	vshll.u32 v25, $0x7;
	v24 =	vld.idx.msk [tilespmem:v28+s11+$0x0], $0xffff  }
0x3d0: {  	v27 =	vor.u32 $0x10, v27;
	v28 =	vor.u32 v0, v26  }
0x3d1: {  	v29 =	vor.u32 v27, v16;
	_ =	sdelay $0x3  }
0x3d2: {  	[tilespmem:v28+s16+$0x0] =	vst.idx.msk $0xffff, v24  }
0x3d3: {  	v24 =	vshll.u32 v27, $0x7;
	v28 =	vld.idx.msk [tilespmem:v29+s11+$0x0], $0xffff  }
0x3d4: {  	v29 =	vor.u32 v0, v24  }
0x3d5: {  	v30 =	vor.u32 v25, v17;
	_ =	sdelay $0x3  }
0x3d6: {  	[tilespmem:v29+s16+$0x0] =	vst.idx.msk $0xffff, v28  }
0x3d7: {  	v28 =	vld.idx.msk [tilespmem:v30+s11+$0x0], $0xffff  }
0x3d8: {  	v29 =	vor.u32 v9, v26  }
0x3d9: {  	v30 =	vor.u32 v27, v17;
	_ =	sdelay $0x3  }
0x3da: {  	[tilespmem:v29+s16+$0x0] =	vst.idx.msk $0xffff, v28  }
0x3db: {  	v28 =	vld.idx.msk [tilespmem:v30+s11+$0x0], $0xffff  }
0x3dc: {  	v29 =	vor.u32 v9, v24  }
0x3dd: {  	v30 =	vor.u32 v25, v18;
	_ =	sdelay $0x3  }
0x3de: {  	[tilespmem:v29+s16+$0x0] =	vst.idx.msk $0xffff, v28  }
0x3df: {  	v28 =	vld.idx.msk [tilespmem:v30+s11+$0x0], $0xffff  }
0x3e0: {  	v29 =	vor.u32 v10, v26  }
0x3e1: {  	v30 =	vor.u32 v27, v18;
	_ =	sdelay $0x3  }
0x3e2: {  	[tilespmem:v29+s16+$0x0] =	vst.idx.msk $0xffff, v28  }
0x3e3: {  	v28 =	vld.idx.msk [tilespmem:v30+s11+$0x0], $0xffff  }
0x3e4: {  	v29 =	vor.u32 v10, v24  }
0x3e5: {  	v30 =	vor.u32 v25, v19;
	_ =	sdelay $0x3  }
0x3e6: {  	[tilespmem:v29+s16+$0x0] =	vst.idx.msk $0xffff, v28  }
0x3e7: {  	v28 =	vld.idx.msk [tilespmem:v30+s11+$0x0], $0xffff  }
0x3e8: {  	v29 =	vor.u32 v11, v26  }
0x3e9: {  	v30 =	vor.u32 v27, v19;
	_ =	sdelay $0x3  }
0x3ea: {  	[tilespmem:v29+s16+$0x0] =	vst.idx.msk $0xffff, v28  }
0x3eb: {  	v28 =	vld.idx.msk [tilespmem:v30+s11+$0x0], $0xffff  }
0x3ec: {  	v29 =	vor.u32 v11, v24  }
0x3ed: {  	v30 =	vor.u32 v25, v20;
	_ =	sdelay $0x3  }
0x3ee: {  	[tilespmem:v29+s16+$0x0] =	vst.idx.msk $0xffff, v28  }
0x3ef: {  	v28 =	vld.idx.msk [tilespmem:v30+s11+$0x0], $0xffff  }
0x3f0: {  	v29 =	vor.u32 v12, v26  }
0x3f1: {  	v30 =	vor.u32 v27, v20;
	_ =	sdelay $0x3  }
0x3f2: {  	[tilespmem:v29+s16+$0x0] =	vst.idx.msk $0xffff, v28  }
0x3f3: {  	v28 =	vld.idx.msk [tilespmem:v30+s11+$0x0], $0xffff  }
0x3f4: {  	v29 =	vor.u32 v12, v24  }
0x3f5: {  	v30 =	vor.u32 v25, v21;
	_ =	sdelay $0x3  }
0x3f6: {  	[tilespmem:v29+s16+$0x0] =	vst.idx.msk $0xffff, v28  }
0x3f7: {  	v28 =	vld.idx.msk [tilespmem:v30+s11+$0x0], $0xffff  }
0x3f8: {  	v29 =	vor.u32 v13, v26  }
0x3f9: {  	v30 =	vor.u32 v27, v21;
	_ =	sdelay $0x3  }
0x3fa: {  	[tilespmem:v29+s16+$0x0] =	vst.idx.msk $0xffff, v28  }
0x3fb: {  	v28 =	vld.idx.msk [tilespmem:v30+s11+$0x0], $0xffff  }
0x3fc: {  	v29 =	vor.u32 v13, v24  }
0x3fd: {  	v30 =	vor.u32 v25, v22;
	_ =	sdelay $0x3  }
0x3fe: {  	[tilespmem:v29+s16+$0x0] =	vst.idx.msk $0xffff, v28  }
0x3ff: {  	v28 =	vld.idx.msk [tilespmem:v30+s11+$0x0], $0xffff  }
0x400: {  	v29 =	vor.u32 v14, v26  }
0x401: {  	v30 =	vor.u32 v27, v22;
	_ =	sdelay $0x3  }
0x402: {  	[tilespmem:v29+s16+$0x0] =	vst.idx.msk $0xffff, v28  }
0x403: {  	v28 =	vld.idx.msk [tilespmem:v30+s11+$0x0], $0xffff  }
0x404: {  	v29 =	vor.u32 v14, v24  }
0x405: {  	v25 =	vor.u32 v25, v23;
	_ =	sdelay $0x3  }
0x406: {  	[tilespmem:v29+s16+$0x0] =	vst.idx.msk $0xffff, v28  }
0x407: {  	v25 =	vld.idx.msk [tilespmem:v25+s11+$0x0], $0xffff  }
0x408: {  	v26 =	vor.u32 v15, v26  }
0x409: {  	v28 =	vor.u32 v27, v23  }
.Ltmp3:
0x40a: {  	(pc) =	sbr.rel @p0 .LBB2_9-.Ltmp3, $3  }
0x40b: {  	_ =	sdelay $0x1  }
0x40c: {  	[tilespmem:v26+s16+$0x0] =	vst.idx.msk $0xffff, v25  }
0x40d: {  	v27 =	vadd.s32 s0, v0;
	s0 =	sadd.s32 $0x1, s0;
	v26 =	vld.idx.msk [tilespmem:v28+s11+$0x0], $0xffff  }
0x40e: {  	v25 =	vand.u32 $0xF, v27;
	v24 =	vor.u32 v15, v24  }
0x40f: {  	v28 =	vor.u32 v25, v16;
	_ =	sdelay $0x3  }
0x410: {  	v46 =	vshll.u32 v25, $0x7;
	[tilespmem:v24+s16+$0x0] =	vst.idx.msk $0xffff, v26  }
0x411: {  	v48 =	vor.u32 $0x10, v27;
	v47 =	vor.u32 v0, v46;
	v26 =	vld.idx.msk [tilespmem:v28+s11+$0x0], $0xffff  }
0x412: {  	v16 =	vor.u32 v48, v16;
	_ =	sdelay $0x3  }
0x413: {  	v49 =	vshll.u32 v48, $0x7;
	[tilespmem:v47+s16+$0x0] =	vst.idx.msk $0xffff, v26  }
0x414: {  	v50 =	vor.u32 v0, v49;
	v16 =	vld.idx.msk [tilespmem:v16+s11+$0x0], $0xffff  }
0x415: {  	v29 =	vor.u32 v25, v17;
	_ =	sdelay $0x3  }
0x416: {  	[tilespmem:v50+s16+$0x0] =	vst.idx.msk $0xffff, v16  }
0x417: {  	v51 =	vor.u32 v9, v46;
	v16 =	vld.idx.msk [tilespmem:v29+s11+$0x0], $0xffff  }
0x418: {  	v17 =	vor.u32 v48, v17;
	_ =	sdelay $0x3  }
0x419: {  	[tilespmem:v51+s16+$0x0] =	vst.idx.msk $0xffff, v16  }
0x41a: {  	v16 =	vld.idx.msk [tilespmem:v17+s11+$0x0], $0xffff;
	v17 =	vor.u32 v9, v49  }
0x41b: {  	v52 =	vor.u32 v25, v18;
	_ =	sdelay $0x3  }
0x41c: {  	[tilespmem:v17+s16+$0x0] =	vst.idx.msk $0xffff, v16  }
0x41d: {  	v17 =	vor.u32 v10, v46;
	v16 =	vld.idx.msk [tilespmem:v52+s11+$0x0], $0xffff  }
0x41e: {  	v53 =	vor.u32 v48, v18;
	_ =	sdelay $0x3  }
0x41f: {  	[tilespmem:v17+s16+$0x0] =	vst.idx.msk $0xffff, v16  }
0x420: {  	v17 =	vor.u32 v10, v49;
	v16 =	vld.idx.msk [tilespmem:v53+s11+$0x0], $0xffff  }
0x421: {  	v54 =	vor.u32 v25, v19;
	_ =	sdelay $0x3  }
0x422: {  	[tilespmem:v17+s16+$0x0] =	vst.idx.msk $0xffff, v16  }
0x423: {  	v17 =	vor.u32 v11, v46;
	v16 =	vld.idx.msk [tilespmem:v54+s11+$0x0], $0xffff  }
0x424: {  	v55 =	vor.u32 v48, v19;
	_ =	sdelay $0x3  }
0x425: {  	[tilespmem:v17+s16+$0x0] =	vst.idx.msk $0xffff, v16  }
0x426: {  	v17 =	vor.u32 v11, v49;
	v16 =	vld.idx.msk [tilespmem:v55+s11+$0x0], $0xffff  }
0x427: {  	v56 =	vor.u32 v25, v20;
	_ =	sdelay $0x3  }
0x428: {  	[tilespmem:v17+s16+$0x0] =	vst.idx.msk $0xffff, v16  }
0x429: {  	v17 =	vor.u32 v12, v46;
	v16 =	vld.idx.msk [tilespmem:v56+s11+$0x0], $0xffff  }
0x42a: {  	v57 =	vor.u32 v48, v20;
	_ =	sdelay $0x3  }
0x42b: {  	[tilespmem:v17+s16+$0x0] =	vst.idx.msk $0xffff, v16  }
0x42c: {  	v17 =	vor.u32 v12, v49;
	v16 =	vld.idx.msk [tilespmem:v57+s11+$0x0], $0xffff  }
0x42d: {  	v58 =	vor.u32 v25, v21;
	_ =	sdelay $0x3  }
0x42e: {  	[tilespmem:v17+s16+$0x0] =	vst.idx.msk $0xffff, v16  }
0x42f: {  	v17 =	vor.u32 v13, v46;
	v16 =	vld.idx.msk [tilespmem:v58+s11+$0x0], $0xffff  }
0x430: {  	v59 =	vor.u32 v48, v21;
	_ =	sdelay $0x3  }
0x431: {  	[tilespmem:v17+s16+$0x0] =	vst.idx.msk $0xffff, v16  }
0x432: {  	v17 =	vor.u32 v13, v49;
	v16 =	vld.idx.msk [tilespmem:v59+s11+$0x0], $0xffff  }
0x433: {  	v60 =	vor.u32 v25, v22;
	_ =	sdelay $0x3  }
0x434: {  	[tilespmem:v17+s16+$0x0] =	vst.idx.msk $0xffff, v16  }
0x435: {  	v17 =	vor.u32 v14, v46;
	v16 =	vld.idx.msk [tilespmem:v60+s11+$0x0], $0xffff  }
0x436: {  	v61 =	vor.u32 v48, v22;
	_ =	sdelay $0x3  }
0x437: {  	[tilespmem:v17+s16+$0x0] =	vst.idx.msk $0xffff, v16  }
0x438: {  	v17 =	vor.u32 v14, v49;
	v16 =	vld.idx.msk [tilespmem:v61+s11+$0x0], $0xffff  }
0x439: {  	v62 =	vor.u32 v25, v23;
	_ =	sdelay $0x3  }
0x43a: {  	[tilespmem:v17+s16+$0x0] =	vst.idx.msk $0xffff, v16  }
0x43b: {  	v17 =	vor.u32 v15, v46;
	v16 =	vld.idx.msk [tilespmem:v62+s11+$0x0], $0xffff  }
0x43c: {  	v63 =	vor.u32 v48, v23;
	_ =	sdelay $0x3  }
0x43d: {  	[tilespmem:v17+s16+$0x0] =	vst.idx.msk $0xffff, v16  }
0x43e: {  	s22 =	sadd.s32 $0x1, s22;
	v17 =	vor.u32 v15, v49;
	v16 =	vld.idx.msk [tilespmem:v63+s11+$0x0], $0xffff  }
0x43f: {  	p0 =	sne.s32 s22, $0x19  }
.Ltmp4:
0x440: {  	_ = 	snop;
	(pc) =	sbr.rel @p0 .LBB2_2-.Ltmp4, $4  }
0x441: {  	_ = 	snop  }
0x442: {  	s0 =	sadd.s32 s23, s30  }
0x443: {  	s0 =	sadd.s32 s24, s0;
	[tilespmem:v17+s16+$0x0] =	vst.idx.msk $0xffff, v16  }
0x444: {  	[hbm4b:s0+s5] =	stream.strided.scatter [tilespmem:s16], [sflag:$0x7], $0x1000, s14, s5, $0x38;
	[tilespmem:$0x18800] =	vst v63  }
0x445: {  	s0 =	simm.s32 $0x6780  }
0x446: {  	[tilespmem:s11], [sflag:$0x5] =	stream.indirect.gather [hbm4b:s28+s8], $0x80, s0, s8, $0xb8;
	[tilespmem:$0x18800] =	vst v63  }
0x447: {  	_ =	swait.ge [sflag:s17], $0x1000  }
0x448: {  	[sflag:s17] =	ssyncset.done $0x0  }
0x449: {  	[sflag:s17] =	ssyncadd.s32 $0xFFFFF000  }
0x44a: {  	_ =	swait.ge [sflag:s12], $0x4000  }
0x44b: {  	[sflag:s12] =	ssyncset.done $0x0  }
0x44c: {  	[sflag:s12] =	ssyncadd.s32 $0xFFFFC000  }
0x44d: {  	v16 =	vld [tilespmem:$0x3200];
	_ =	sdelay $0x4  }
0x44e: {  	s30 =	simm.s32 $0x0;
	v16 =	vshll.u32 v16, $0x5  }
0x44f: {  	v17 =	vadd.s32 s30, v0;
	v16 =	vand.u32 $0x60, v16  }
0x450: {  	v25 =	vand.u32 $0xF, v17;
	v16 =	vor.u32 v1, v16  }
0x451: {  	v18 =	vor.u32 v25, v16;
	_ =	sdelay $0x2  }
0x452: {  	v19 =	vld [tilespmem:$0x3210]  }
0x453: {  	v26 =	vshll.u32 v25, $0x7;
	v20 =	vld [tilespmem:$0x3220]  }
0x454: {  	v27 =	vor.u32 $0x10, v17;
	v22 =	vor.u32 v0, v26;
	v18 =	vld.idx.msk [tilespmem:v18+s9+$0x0], $0xffff  }
0x455: {  	v21 =	vld [tilespmem:$0x3230];
	v28 =	vor.u32 v27, v16  }
0x456: {  	v23 =	vld [tilespmem:$0x3240]  }
0x457: {  	v29 =	vld [tilespmem:$0x3250]  }
0x458: {  	v30 =	vld [tilespmem:$0x3260];
	v17 =	vshll.u32 v19, $0x5  }
0x459: {  	v24 =	vshll.u32 v27, $0x7;
	v31 =	vld [tilespmem:$0x3270];
	v17 =	vand.u32 $0x60, v17;
	[tilespmem:v22+s13+$0x0] =	vst.idx.msk $0xffff, v18  }
0x45a: {  	v19 =	vor.u32 v0, v24;
	v17 =	vor.u32 v2, v17;
	v18 =	vld.idx.msk [tilespmem:v28+s9+$0x0], $0xffff  }
0x45b: {  	v22 =	vor.u32 v25, v17;
	_ =	sdelay $0x3  }
0x45c: {  	[tilespmem:v19+s13+$0x0] =	vst.idx.msk $0xffff, v18  }
0x45d: {  	v19 =	vor.u32 v9, v26;
	v18 =	vld.idx.msk [tilespmem:v22+s9+$0x0], $0xffff  }
0x45e: {  	v22 =	vor.u32 v27, v17;
	_ =	sdelay $0x2  }
0x45f: {  	v20 =	vshll.u32 v20, $0x5  }
0x460: {  	v20 =	vand.u32 $0x60, v20;
	[tilespmem:v19+s13+$0x0] =	vst.idx.msk $0xffff, v18  }
0x461: {  	v18 =	vor.u32 v3, v20;
	v20 =	vor.u32 v9, v24;
	v19 =	vld.idx.msk [tilespmem:v22+s9+$0x0], $0xffff  }
0x462: {  	v22 =	vor.u32 v25, v18;
	_ =	sdelay $0x3  }
0x463: {  	[tilespmem:v20+s13+$0x0] =	vst.idx.msk $0xffff, v19  }
0x464: {  	v20 =	vor.u32 v10, v26;
	v19 =	vld.idx.msk [tilespmem:v22+s9+$0x0], $0xffff  }
0x465: {  	v22 =	vor.u32 v27, v18;
	_ =	sdelay $0x2  }
0x466: {  	v21 =	vshll.u32 v21, $0x5  }
0x467: {  	v21 =	vand.u32 $0x60, v21;
	[tilespmem:v20+s13+$0x0] =	vst.idx.msk $0xffff, v19  }
0x468: {  	v19 =	vor.u32 v4, v21;
	v21 =	vor.u32 v10, v24;
	v20 =	vld.idx.msk [tilespmem:v22+s9+$0x0], $0xffff  }
0x469: {  	v22 =	vor.u32 v25, v19;
	_ =	sdelay $0x3  }
0x46a: {  	[tilespmem:v21+s13+$0x0] =	vst.idx.msk $0xffff, v20  }
0x46b: {  	v21 =	vor.u32 v11, v26;
	v20 =	vld.idx.msk [tilespmem:v22+s9+$0x0], $0xffff  }
0x46c: {  	v22 =	vor.u32 v27, v19;
	_ =	sdelay $0x2  }
0x46d: {  	v23 =	vshll.u32 v23, $0x5  }
0x46e: {  	v23 =	vand.u32 $0x60, v23;
	[tilespmem:v21+s13+$0x0] =	vst.idx.msk $0xffff, v20  }
0x46f: {  	v20 =	vor.u32 v5, v23;
	v21 =	vld.idx.msk [tilespmem:v22+s9+$0x0], $0xffff;
	v22 =	vor.u32 v11, v24  }
0x470: {  	v23 =	vor.u32 v25, v20;
	_ =	sdelay $0x3  }
0x471: {  	[tilespmem:v22+s13+$0x0] =	vst.idx.msk $0xffff, v21  }
0x472: {  	v22 =	vor.u32 v12, v26;
	v21 =	vld.idx.msk [tilespmem:v23+s9+$0x0], $0xffff  }
0x473: {  	v23 =	vor.u32 v27, v20;
	_ =	sdelay $0x2  }
0x474: {  	v28 =	vshll.u32 v29, $0x5  }
0x475: {  	v28 =	vand.u32 $0x60, v28;
	[tilespmem:v22+s13+$0x0] =	vst.idx.msk $0xffff, v21  }
0x476: {  	v21 =	vor.u32 v6, v28;
	v22 =	vld.idx.msk [tilespmem:v23+s9+$0x0], $0xffff;
	v23 =	vor.u32 v12, v24  }
0x477: {  	v28 =	vor.u32 v25, v21;
	_ =	sdelay $0x3  }
0x478: {  	[tilespmem:v23+s13+$0x0] =	vst.idx.msk $0xffff, v22  }
0x479: {  	v23 =	vor.u32 v13, v26;
	v22 =	vld.idx.msk [tilespmem:v28+s9+$0x0], $0xffff  }
0x47a: {  	v28 =	vor.u32 v27, v21;
	_ =	sdelay $0x2  }
0x47b: {  	v29 =	vshll.u32 v30, $0x5  }
0x47c: {  	v29 =	vand.u32 $0x60, v29;
	[tilespmem:v23+s13+$0x0] =	vst.idx.msk $0xffff, v22  }
0x47d: {  	v22 =	vor.u32 v7, v29;
	v23 =	vld.idx.msk [tilespmem:v28+s9+$0x0], $0xffff;
	v28 =	vor.u32 v13, v24  }
0x47e: {  	v29 =	vor.u32 v25, v22;
	_ =	sdelay $0x3  }
0x47f: {  	[tilespmem:v28+s13+$0x0] =	vst.idx.msk $0xffff, v23  }
0x480: {  	v28 =	vor.u32 v14, v26;
	v23 =	vld.idx.msk [tilespmem:v29+s9+$0x0], $0xffff  }
0x481: {  	v29 =	vor.u32 v27, v22;
	_ =	sdelay $0x2  }
0x482: {  	v63 =	vshll.u32 v31, $0x5  }
0x483: {  	v30 =	vand.u32 $0x60, v63;
	[tilespmem:v28+s13+$0x0] =	vst.idx.msk $0xffff, v23  }
0x484: {  	v23 =	vor.u32 v8, v30;
	v28 =	vld.idx.msk [tilespmem:v29+s9+$0x0], $0xffff;
	v29 =	vor.u32 v14, v24  }
0x485: {  	v25 =	vor.u32 v25, v23;
	_ =	sdelay $0x3  }
0x486: {  	[tilespmem:v29+s13+$0x0] =	vst.idx.msk $0xffff, v28  }
0x487: {  	v26 =	vor.u32 v15, v26;
	v25 =	vld.idx.msk [tilespmem:v25+s9+$0x0], $0xffff  }
0x488: {  	v28 =	vor.u32 v27, v23;
	_ =	sdelay $0x3  }
0x489: {  	s31 =	simm.s32 $0x1;
	[tilespmem:v26+s13+$0x0] =	vst.idx.msk $0xffff, v25  }
0x48a: {  	s0 =	simm.s32 $0x2;
	v27 =	vadd.s32 s31, v0;
	v26 =	vld.idx.msk [tilespmem:v28+s9+$0x0], $0xffff  }
.LBB2_12:
0x48b: {  	p0 =	sne.s32 s0, $0xF;
	v25 =	vand.u32 $0xF, v27;
	v24 =	vor.u32 v15, v24  }
0x48c: {  	v28 =	vor.u32 v25, v16;
	_ =	sdelay $0x3  }
0x48d: {  	[tilespmem:v24+s13+$0x0] =	vst.idx.msk $0xffff, v26  }
0x48e: {  	v26 =	vshll.u32 v25, $0x7;
	v24 =	vld.idx.msk [tilespmem:v28+s9+$0x0], $0xffff  }
0x48f: {  	v27 =	vor.u32 $0x10, v27;
	v28 =	vor.u32 v0, v26  }
0x490: {  	v29 =	vor.u32 v27, v16;
	_ =	sdelay $0x3  }
0x491: {  	[tilespmem:v28+s13+$0x0] =	vst.idx.msk $0xffff, v24  }
0x492: {  	v24 =	vshll.u32 v27, $0x7;
	v28 =	vld.idx.msk [tilespmem:v29+s9+$0x0], $0xffff  }
0x493: {  	v29 =	vor.u32 v0, v24  }
0x494: {  	v30 =	vor.u32 v25, v17;
	_ =	sdelay $0x3  }
0x495: {  	[tilespmem:v29+s13+$0x0] =	vst.idx.msk $0xffff, v28  }
0x496: {  	v28 =	vld.idx.msk [tilespmem:v30+s9+$0x0], $0xffff  }
0x497: {  	v29 =	vor.u32 v9, v26  }
0x498: {  	v30 =	vor.u32 v27, v17;
	_ =	sdelay $0x3  }
0x499: {  	[tilespmem:v29+s13+$0x0] =	vst.idx.msk $0xffff, v28  }
0x49a: {  	v28 =	vld.idx.msk [tilespmem:v30+s9+$0x0], $0xffff  }
0x49b: {  	v29 =	vor.u32 v9, v24  }
0x49c: {  	v30 =	vor.u32 v25, v18;
	_ =	sdelay $0x3  }
0x49d: {  	[tilespmem:v29+s13+$0x0] =	vst.idx.msk $0xffff, v28  }
0x49e: {  	v28 =	vld.idx.msk [tilespmem:v30+s9+$0x0], $0xffff  }
0x49f: {  	v29 =	vor.u32 v10, v26  }
0x4a0: {  	v30 =	vor.u32 v27, v18;
	_ =	sdelay $0x3  }
0x4a1: {  	[tilespmem:v29+s13+$0x0] =	vst.idx.msk $0xffff, v28  }
0x4a2: {  	v28 =	vld.idx.msk [tilespmem:v30+s9+$0x0], $0xffff  }
0x4a3: {  	v29 =	vor.u32 v10, v24  }
0x4a4: {  	v30 =	vor.u32 v25, v19;
	_ =	sdelay $0x3  }
0x4a5: {  	[tilespmem:v29+s13+$0x0] =	vst.idx.msk $0xffff, v28  }
0x4a6: {  	v28 =	vld.idx.msk [tilespmem:v30+s9+$0x0], $0xffff  }
0x4a7: {  	v29 =	vor.u32 v11, v26  }
0x4a8: {  	v30 =	vor.u32 v27, v19;
	_ =	sdelay $0x3  }
0x4a9: {  	[tilespmem:v29+s13+$0x0] =	vst.idx.msk $0xffff, v28  }
0x4aa: {  	v28 =	vld.idx.msk [tilespmem:v30+s9+$0x0], $0xffff  }
0x4ab: {  	v29 =	vor.u32 v11, v24  }
0x4ac: {  	v30 =	vor.u32 v25, v20;
	_ =	sdelay $0x3  }
0x4ad: {  	[tilespmem:v29+s13+$0x0] =	vst.idx.msk $0xffff, v28  }
0x4ae: {  	v28 =	vld.idx.msk [tilespmem:v30+s9+$0x0], $0xffff  }
0x4af: {  	v29 =	vor.u32 v12, v26  }
0x4b0: {  	v30 =	vor.u32 v27, v20;
	_ =	sdelay $0x3  }
0x4b1: {  	[tilespmem:v29+s13+$0x0] =	vst.idx.msk $0xffff, v28  }
0x4b2: {  	v28 =	vld.idx.msk [tilespmem:v30+s9+$0x0], $0xffff  }
0x4b3: {  	v29 =	vor.u32 v12, v24  }
0x4b4: {  	v30 =	vor.u32 v25, v21;
	_ =	sdelay $0x3  }
0x4b5: {  	[tilespmem:v29+s13+$0x0] =	vst.idx.msk $0xffff, v28  }
0x4b6: {  	v28 =	vld.idx.msk [tilespmem:v30+s9+$0x0], $0xffff  }
0x4b7: {  	v29 =	vor.u32 v13, v26  }
0x4b8: {  	v30 =	vor.u32 v27, v21;
	_ =	sdelay $0x3  }
0x4b9: {  	[tilespmem:v29+s13+$0x0] =	vst.idx.msk $0xffff, v28  }
0x4ba: {  	v28 =	vld.idx.msk [tilespmem:v30+s9+$0x0], $0xffff  }
0x4bb: {  	v29 =	vor.u32 v13, v24  }
0x4bc: {  	v30 =	vor.u32 v25, v22;
	_ =	sdelay $0x3  }
0x4bd: {  	[tilespmem:v29+s13+$0x0] =	vst.idx.msk $0xffff, v28  }
0x4be: {  	v28 =	vld.idx.msk [tilespmem:v30+s9+$0x0], $0xffff  }
0x4bf: {  	v29 =	vor.u32 v14, v26  }
0x4c0: {  	v30 =	vor.u32 v27, v22;
	_ =	sdelay $0x3  }
0x4c1: {  	[tilespmem:v29+s13+$0x0] =	vst.idx.msk $0xffff, v28  }
0x4c2: {  	v28 =	vld.idx.msk [tilespmem:v30+s9+$0x0], $0xffff  }
0x4c3: {  	v29 =	vor.u32 v14, v24  }
0x4c4: {  	v25 =	vor.u32 v25, v23;
	_ =	sdelay $0x3  }
0x4c5: {  	[tilespmem:v29+s13+$0x0] =	vst.idx.msk $0xffff, v28  }
0x4c6: {  	v25 =	vld.idx.msk [tilespmem:v25+s9+$0x0], $0xffff  }
0x4c7: {  	v26 =	vor.u32 v15, v26  }
0x4c8: {  	v28 =	vor.u32 v27, v23  }
.Ltmp5:
0x4c9: {  	(pc) =	sbr.rel @p0 .LBB2_12-.Ltmp5, $3  }
0x4ca: {  	_ =	sdelay $0x1  }
0x4cb: {  	[tilespmem:v26+s13+$0x0] =	vst.idx.msk $0xffff, v25  }
0x4cc: {  	v27 =	vadd.s32 s0, v0;
	s0 =	sadd.s32 $0x1, s0;
	v26 =	vld.idx.msk [tilespmem:v28+s9+$0x0], $0xffff  }
0x4cd: {  	v25 =	vand.u32 $0xF, v27;
	v24 =	vor.u32 v15, v24  }
0x4ce: {  	v28 =	vor.u32 v25, v16;
	_ =	sdelay $0x3  }
0x4cf: {  	[tilespmem:v24+s13+$0x0] =	vst.idx.msk $0xffff, v26;
	v24 =	vshll.u32 v25, $0x7  }
0x4d0: {  	v27 =	vor.u32 $0x10, v27;
	v26 =	vld.idx.msk [tilespmem:v28+s9+$0x0], $0xffff;
	v28 =	vor.u32 v0, v24  }
0x4d1: {  	v16 =	vor.u32 v27, v16;
	_ =	sdelay $0x3  }
0x4d2: {  	[tilespmem:v28+s13+$0x0] =	vst.idx.msk $0xffff, v26;
	v26 =	vshll.u32 v27, $0x7  }
0x4d3: {  	v16 =	vld.idx.msk [tilespmem:v16+s9+$0x0], $0xffff;
	v28 =	vor.u32 v0, v26  }
0x4d4: {  	v29 =	vor.u32 v25, v17;
	_ =	sdelay $0x3  }
0x4d5: {  	[tilespmem:v28+s13+$0x0] =	vst.idx.msk $0xffff, v16  }
0x4d6: {  	v28 =	vor.u32 v9, v24;
	v16 =	vld.idx.msk [tilespmem:v29+s9+$0x0], $0xffff  }
0x4d7: {  	v17 =	vor.u32 v27, v17;
	_ =	sdelay $0x3  }
0x4d8: {  	[tilespmem:v28+s13+$0x0] =	vst.idx.msk $0xffff, v16  }
0x4d9: {  	v16 =	vld.idx.msk [tilespmem:v17+s9+$0x0], $0xffff;
	v17 =	vor.u32 v9, v26  }
0x4da: {  	v28 =	vor.u32 v25, v18;
	_ =	sdelay $0x3  }
0x4db: {  	[tilespmem:v17+s13+$0x0] =	vst.idx.msk $0xffff, v16  }
0x4dc: {  	v17 =	vor.u32 v10, v24;
	v16 =	vld.idx.msk [tilespmem:v28+s9+$0x0], $0xffff  }
0x4dd: {  	v18 =	vor.u32 v27, v18;
	_ =	sdelay $0x3  }
0x4de: {  	[tilespmem:v17+s13+$0x0] =	vst.idx.msk $0xffff, v16  }
0x4df: {  	v17 =	vor.u32 v10, v26;
	v16 =	vld.idx.msk [tilespmem:v18+s9+$0x0], $0xffff  }
0x4e0: {  	v18 =	vor.u32 v25, v19;
	_ =	sdelay $0x3  }
0x4e1: {  	[tilespmem:v17+s13+$0x0] =	vst.idx.msk $0xffff, v16  }
0x4e2: {  	v17 =	vor.u32 v11, v24;
	v16 =	vld.idx.msk [tilespmem:v18+s9+$0x0], $0xffff  }
0x4e3: {  	v18 =	vor.u32 v27, v19;
	_ =	sdelay $0x3  }
0x4e4: {  	[tilespmem:v17+s13+$0x0] =	vst.idx.msk $0xffff, v16  }
0x4e5: {  	v17 =	vor.u32 v11, v26;
	v16 =	vld.idx.msk [tilespmem:v18+s9+$0x0], $0xffff  }
0x4e6: {  	v18 =	vor.u32 v25, v20;
	_ =	sdelay $0x3  }
0x4e7: {  	[tilespmem:v17+s13+$0x0] =	vst.idx.msk $0xffff, v16  }
0x4e8: {  	v17 =	vor.u32 v12, v24;
	v16 =	vld.idx.msk [tilespmem:v18+s9+$0x0], $0xffff  }
0x4e9: {  	v18 =	vor.u32 v27, v20;
	_ =	sdelay $0x3  }
0x4ea: {  	[tilespmem:v17+s13+$0x0] =	vst.idx.msk $0xffff, v16  }
0x4eb: {  	v17 =	vor.u32 v12, v26;
	v16 =	vld.idx.msk [tilespmem:v18+s9+$0x0], $0xffff  }
0x4ec: {  	v18 =	vor.u32 v25, v21;
	_ =	sdelay $0x3  }
0x4ed: {  	[tilespmem:v17+s13+$0x0] =	vst.idx.msk $0xffff, v16  }
0x4ee: {  	v17 =	vor.u32 v13, v24;
	v16 =	vld.idx.msk [tilespmem:v18+s9+$0x0], $0xffff  }
0x4ef: {  	v18 =	vor.u32 v27, v21;
	_ =	sdelay $0x3  }
0x4f0: {  	[tilespmem:v17+s13+$0x0] =	vst.idx.msk $0xffff, v16  }
0x4f1: {  	v17 =	vor.u32 v13, v26;
	v16 =	vld.idx.msk [tilespmem:v18+s9+$0x0], $0xffff  }
0x4f2: {  	v18 =	vor.u32 v25, v22;
	_ =	sdelay $0x3  }
0x4f3: {  	[tilespmem:v17+s13+$0x0] =	vst.idx.msk $0xffff, v16  }
0x4f4: {  	v17 =	vor.u32 v14, v24;
	v16 =	vld.idx.msk [tilespmem:v18+s9+$0x0], $0xffff  }
0x4f5: {  	v18 =	vor.u32 v27, v22;
	_ =	sdelay $0x3  }
0x4f6: {  	[tilespmem:v17+s13+$0x0] =	vst.idx.msk $0xffff, v16  }
0x4f7: {  	v17 =	vor.u32 v14, v26;
	v16 =	vld.idx.msk [tilespmem:v18+s9+$0x0], $0xffff  }
0x4f8: {  	v18 =	vor.u32 v25, v23;
	_ =	sdelay $0x3  }
0x4f9: {  	[tilespmem:v17+s13+$0x0] =	vst.idx.msk $0xffff, v16  }
0x4fa: {  	v17 =	vor.u32 v15, v24;
	v16 =	vld.idx.msk [tilespmem:v18+s9+$0x0], $0xffff  }
0x4fb: {  	v18 =	vor.u32 v27, v23;
	_ =	sdelay $0x3  }
0x4fc: {  	[tilespmem:v17+s13+$0x0] =	vst.idx.msk $0xffff, v16  }
0x4fd: {  	v17 =	vor.u32 v15, v26;
	v16 =	vld.idx.msk [tilespmem:v18+s9+$0x0], $0xffff;
	_ =	sdelay $0x4  }
0x4fe: {  	[tilespmem:v17+s13+$0x0] =	vst.idx.msk $0xffff, v16  }
0x4ff: {  	[hbm4b:s3+s5] =	stream.strided.scatter [tilespmem:s13], [sflag:$0x6], $0x1000, s14, s5, $0x38;
	[tilespmem:$0x18800] =	vst v63  }
0x500: {  	_ =	swait.ge [sflag:s19], $0x1000  }
0x501: {  	[sflag:s19] =	ssyncset.done $0x0  }
0x502: {  	[sflag:s19] =	ssyncadd.s32 $0xFFFFF000  }
0x503: {  	_ =	swait.ge [sflag:s15], $0x4000  }
0x504: {  	[sflag:s15] =	ssyncset.done $0x0  }
0x505: {  	[sflag:s15] =	ssyncadd.s32 $0xFFFFC000  }
0x506: {  	v16 =	vld [tilespmem:$0x3280];
	_ =	sdelay $0x4  }
0x507: {  	s0 =	simm.s32 $0x0;
	v16 =	vshll.u32 v16, $0x5  }
0x508: {  	v17 =	vadd.s32 s0, v0;
	v16 =	vand.u32 $0x60, v16  }
0x509: {  	v25 =	vand.u32 $0xF, v17;
	v16 =	vor.u32 v1, v16  }
0x50a: {  	v18 =	vor.u32 v25, v16;
	_ =	sdelay $0x2  }
0x50b: {  	v19 =	vld [tilespmem:$0x3290]  }
0x50c: {  	v26 =	vshll.u32 v25, $0x7;
	v20 =	vld [tilespmem:$0x32A0]  }
0x50d: {  	v27 =	vor.u32 $0x10, v17;
	v22 =	vor.u32 v0, v26;
	v18 =	vld.idx.msk [tilespmem:v18+s10+$0x0], $0xffff  }
0x50e: {  	v21 =	vld [tilespmem:$0x32B0];
	v28 =	vor.u32 v27, v16  }
0x50f: {  	v23 =	vld [tilespmem:$0x32C0]  }
0x510: {  	v29 =	vld [tilespmem:$0x32D0]  }
0x511: {  	v30 =	vld [tilespmem:$0x32E0];
	v17 =	vshll.u32 v19, $0x5  }
0x512: {  	v24 =	vshll.u32 v27, $0x7;
	v31 =	vld [tilespmem:$0x32F0];
	v17 =	vand.u32 $0x60, v17;
	[tilespmem:v22+s16+$0x0] =	vst.idx.msk $0xffff, v18  }
0x513: {  	v19 =	vor.u32 v0, v24;
	v17 =	vor.u32 v2, v17;
	v18 =	vld.idx.msk [tilespmem:v28+s10+$0x0], $0xffff  }
0x514: {  	v22 =	vor.u32 v25, v17;
	_ =	sdelay $0x3  }
0x515: {  	[tilespmem:v19+s16+$0x0] =	vst.idx.msk $0xffff, v18  }
0x516: {  	v19 =	vor.u32 v9, v26;
	v18 =	vld.idx.msk [tilespmem:v22+s10+$0x0], $0xffff  }
0x517: {  	v22 =	vor.u32 v27, v17;
	_ =	sdelay $0x2  }
0x518: {  	v20 =	vshll.u32 v20, $0x5  }
0x519: {  	v20 =	vand.u32 $0x60, v20;
	[tilespmem:v19+s16+$0x0] =	vst.idx.msk $0xffff, v18  }
0x51a: {  	v18 =	vor.u32 v3, v20;
	v20 =	vor.u32 v9, v24;
	v19 =	vld.idx.msk [tilespmem:v22+s10+$0x0], $0xffff  }
0x51b: {  	v22 =	vor.u32 v25, v18;
	_ =	sdelay $0x3  }
0x51c: {  	[tilespmem:v20+s16+$0x0] =	vst.idx.msk $0xffff, v19  }
0x51d: {  	v20 =	vor.u32 v10, v26;
	v19 =	vld.idx.msk [tilespmem:v22+s10+$0x0], $0xffff  }
0x51e: {  	v22 =	vor.u32 v27, v18;
	_ =	sdelay $0x2  }
0x51f: {  	v21 =	vshll.u32 v21, $0x5  }
0x520: {  	v21 =	vand.u32 $0x60, v21;
	[tilespmem:v20+s16+$0x0] =	vst.idx.msk $0xffff, v19  }
0x521: {  	v19 =	vor.u32 v4, v21;
	v21 =	vor.u32 v10, v24;
	v20 =	vld.idx.msk [tilespmem:v22+s10+$0x0], $0xffff  }
0x522: {  	v22 =	vor.u32 v25, v19;
	_ =	sdelay $0x3  }
0x523: {  	[tilespmem:v21+s16+$0x0] =	vst.idx.msk $0xffff, v20  }
0x524: {  	v21 =	vor.u32 v11, v26;
	v20 =	vld.idx.msk [tilespmem:v22+s10+$0x0], $0xffff  }
0x525: {  	v22 =	vor.u32 v27, v19;
	_ =	sdelay $0x2  }
0x526: {  	v23 =	vshll.u32 v23, $0x5  }
0x527: {  	v23 =	vand.u32 $0x60, v23;
	[tilespmem:v21+s16+$0x0] =	vst.idx.msk $0xffff, v20  }
0x528: {  	v20 =	vor.u32 v5, v23;
	v21 =	vld.idx.msk [tilespmem:v22+s10+$0x0], $0xffff;
	v22 =	vor.u32 v11, v24  }
0x529: {  	v23 =	vor.u32 v25, v20;
	_ =	sdelay $0x3  }
0x52a: {  	[tilespmem:v22+s16+$0x0] =	vst.idx.msk $0xffff, v21  }
0x52b: {  	v22 =	vor.u32 v12, v26;
	v21 =	vld.idx.msk [tilespmem:v23+s10+$0x0], $0xffff  }
0x52c: {  	v23 =	vor.u32 v27, v20;
	_ =	sdelay $0x2  }
0x52d: {  	v28 =	vshll.u32 v29, $0x5  }
0x52e: {  	v28 =	vand.u32 $0x60, v28;
	[tilespmem:v22+s16+$0x0] =	vst.idx.msk $0xffff, v21  }
0x52f: {  	v21 =	vor.u32 v6, v28;
	v22 =	vld.idx.msk [tilespmem:v23+s10+$0x0], $0xffff;
	v23 =	vor.u32 v12, v24  }
0x530: {  	v28 =	vor.u32 v25, v21;
	_ =	sdelay $0x3  }
0x531: {  	[tilespmem:v23+s16+$0x0] =	vst.idx.msk $0xffff, v22  }
0x532: {  	v23 =	vor.u32 v13, v26;
	v22 =	vld.idx.msk [tilespmem:v28+s10+$0x0], $0xffff  }
0x533: {  	v28 =	vor.u32 v27, v21;
	_ =	sdelay $0x2  }
0x534: {  	v29 =	vshll.u32 v30, $0x5  }
0x535: {  	v29 =	vand.u32 $0x60, v29;
	[tilespmem:v23+s16+$0x0] =	vst.idx.msk $0xffff, v22  }
0x536: {  	v22 =	vor.u32 v7, v29;
	v23 =	vld.idx.msk [tilespmem:v28+s10+$0x0], $0xffff;
	v28 =	vor.u32 v13, v24  }
0x537: {  	v29 =	vor.u32 v25, v22;
	_ =	sdelay $0x3  }
0x538: {  	[tilespmem:v28+s16+$0x0] =	vst.idx.msk $0xffff, v23  }
0x539: {  	v28 =	vor.u32 v14, v26;
	v23 =	vld.idx.msk [tilespmem:v29+s10+$0x0], $0xffff  }
0x53a: {  	v29 =	vor.u32 v27, v22;
	_ =	sdelay $0x2  }
0x53b: {  	v63 =	vshll.u32 v31, $0x5  }
0x53c: {  	v30 =	vand.u32 $0x60, v63;
	[tilespmem:v28+s16+$0x0] =	vst.idx.msk $0xffff, v23  }
0x53d: {  	v23 =	vor.u32 v8, v30;
	v28 =	vld.idx.msk [tilespmem:v29+s10+$0x0], $0xffff;
	v29 =	vor.u32 v14, v24  }
0x53e: {  	v25 =	vor.u32 v25, v23;
	_ =	sdelay $0x3  }
0x53f: {  	[tilespmem:v29+s16+$0x0] =	vst.idx.msk $0xffff, v28  }
0x540: {  	v26 =	vor.u32 v15, v26;
	v25 =	vld.idx.msk [tilespmem:v25+s10+$0x0], $0xffff  }
0x541: {  	v28 =	vor.u32 v27, v23;
	_ =	sdelay $0x3  }
0x542: {  	s31 =	simm.s32 $0x1;
	[tilespmem:v26+s16+$0x0] =	vst.idx.msk $0xffff, v25  }
0x543: {  	s0 =	simm.s32 $0x2;
	v27 =	vadd.s32 s31, v0;
	v26 =	vld.idx.msk [tilespmem:v28+s10+$0x0], $0xffff  }
.LBB2_14:
0x544: {  	p0 =	sne.s32 s0, $0xF;
	v25 =	vand.u32 $0xF, v27;
	v24 =	vor.u32 v15, v24  }
0x545: {  	v28 =	vor.u32 v25, v16;
	_ =	sdelay $0x3  }
0x546: {  	[tilespmem:v24+s16+$0x0] =	vst.idx.msk $0xffff, v26  }
0x547: {  	v26 =	vshll.u32 v25, $0x7;
	v24 =	vld.idx.msk [tilespmem:v28+s10+$0x0], $0xffff  }
0x548: {  	v27 =	vor.u32 $0x10, v27;
	v28 =	vor.u32 v0, v26  }
0x549: {  	v29 =	vor.u32 v27, v16;
	_ =	sdelay $0x3  }
0x54a: {  	[tilespmem:v28+s16+$0x0] =	vst.idx.msk $0xffff, v24  }
0x54b: {  	v24 =	vshll.u32 v27, $0x7;
	v28 =	vld.idx.msk [tilespmem:v29+s10+$0x0], $0xffff  }
0x54c: {  	v29 =	vor.u32 v0, v24  }
0x54d: {  	v30 =	vor.u32 v25, v17;
	_ =	sdelay $0x3  }
0x54e: {  	[tilespmem:v29+s16+$0x0] =	vst.idx.msk $0xffff, v28  }
0x54f: {  	v28 =	vld.idx.msk [tilespmem:v30+s10+$0x0], $0xffff  }
0x550: {  	v29 =	vor.u32 v9, v26  }
0x551: {  	v30 =	vor.u32 v27, v17;
	_ =	sdelay $0x3  }
0x552: {  	[tilespmem:v29+s16+$0x0] =	vst.idx.msk $0xffff, v28  }
0x553: {  	v28 =	vld.idx.msk [tilespmem:v30+s10+$0x0], $0xffff  }
0x554: {  	v29 =	vor.u32 v9, v24  }
0x555: {  	v30 =	vor.u32 v25, v18;
	_ =	sdelay $0x3  }
0x556: {  	[tilespmem:v29+s16+$0x0] =	vst.idx.msk $0xffff, v28  }
0x557: {  	v28 =	vld.idx.msk [tilespmem:v30+s10+$0x0], $0xffff  }
0x558: {  	v29 =	vor.u32 v10, v26  }
0x559: {  	v30 =	vor.u32 v27, v18;
	_ =	sdelay $0x3  }
0x55a: {  	[tilespmem:v29+s16+$0x0] =	vst.idx.msk $0xffff, v28  }
0x55b: {  	v28 =	vld.idx.msk [tilespmem:v30+s10+$0x0], $0xffff  }
0x55c: {  	v29 =	vor.u32 v10, v24  }
0x55d: {  	v30 =	vor.u32 v25, v19;
	_ =	sdelay $0x3  }
0x55e: {  	[tilespmem:v29+s16+$0x0] =	vst.idx.msk $0xffff, v28  }
0x55f: {  	v28 =	vld.idx.msk [tilespmem:v30+s10+$0x0], $0xffff  }
0x560: {  	v29 =	vor.u32 v11, v26  }
0x561: {  	v30 =	vor.u32 v27, v19;
	_ =	sdelay $0x3  }
0x562: {  	[tilespmem:v29+s16+$0x0] =	vst.idx.msk $0xffff, v28  }
0x563: {  	v28 =	vld.idx.msk [tilespmem:v30+s10+$0x0], $0xffff  }
0x564: {  	v29 =	vor.u32 v11, v24  }
0x565: {  	v30 =	vor.u32 v25, v20;
	_ =	sdelay $0x3  }
0x566: {  	[tilespmem:v29+s16+$0x0] =	vst.idx.msk $0xffff, v28  }
0x567: {  	v28 =	vld.idx.msk [tilespmem:v30+s10+$0x0], $0xffff  }
0x568: {  	v29 =	vor.u32 v12, v26  }
0x569: {  	v30 =	vor.u32 v27, v20;
	_ =	sdelay $0x3  }
0x56a: {  	[tilespmem:v29+s16+$0x0] =	vst.idx.msk $0xffff, v28  }
0x56b: {  	v28 =	vld.idx.msk [tilespmem:v30+s10+$0x0], $0xffff  }
0x56c: {  	v29 =	vor.u32 v12, v24  }
0x56d: {  	v30 =	vor.u32 v25, v21;
	_ =	sdelay $0x3  }
0x56e: {  	[tilespmem:v29+s16+$0x0] =	vst.idx.msk $0xffff, v28  }
0x56f: {  	v28 =	vld.idx.msk [tilespmem:v30+s10+$0x0], $0xffff  }
0x570: {  	v29 =	vor.u32 v13, v26  }
0x571: {  	v30 =	vor.u32 v27, v21;
	_ =	sdelay $0x3  }
0x572: {  	[tilespmem:v29+s16+$0x0] =	vst.idx.msk $0xffff, v28  }
0x573: {  	v28 =	vld.idx.msk [tilespmem:v30+s10+$0x0], $0xffff  }
0x574: {  	v29 =	vor.u32 v13, v24  }
0x575: {  	v30 =	vor.u32 v25, v22;
	_ =	sdelay $0x3  }
0x576: {  	[tilespmem:v29+s16+$0x0] =	vst.idx.msk $0xffff, v28  }
0x577: {  	v28 =	vld.idx.msk [tilespmem:v30+s10+$0x0], $0xffff  }
0x578: {  	v29 =	vor.u32 v14, v26  }
0x579: {  	v30 =	vor.u32 v27, v22;
	_ =	sdelay $0x3  }
0x57a: {  	[tilespmem:v29+s16+$0x0] =	vst.idx.msk $0xffff, v28  }
0x57b: {  	v28 =	vld.idx.msk [tilespmem:v30+s10+$0x0], $0xffff  }
0x57c: {  	v29 =	vor.u32 v14, v24  }
0x57d: {  	v25 =	vor.u32 v25, v23;
	_ =	sdelay $0x3  }
0x57e: {  	[tilespmem:v29+s16+$0x0] =	vst.idx.msk $0xffff, v28  }
0x57f: {  	v25 =	vld.idx.msk [tilespmem:v25+s10+$0x0], $0xffff  }
0x580: {  	v26 =	vor.u32 v15, v26  }
0x581: {  	v28 =	vor.u32 v27, v23  }
.Ltmp6:
0x582: {  	(pc) =	sbr.rel @p0 .LBB2_14-.Ltmp6, $3  }
0x583: {  	_ =	sdelay $0x1  }
0x584: {  	[tilespmem:v26+s16+$0x0] =	vst.idx.msk $0xffff, v25  }
0x585: {  	v27 =	vadd.s32 s0, v0;
	s0 =	sadd.s32 $0x1, s0;
	v26 =	vld.idx.msk [tilespmem:v28+s10+$0x0], $0xffff  }
0x586: {  	v25 =	vand.u32 $0xF, v27;
	v24 =	vor.u32 v15, v24  }
0x587: {  	v28 =	vor.u32 v25, v16;
	_ =	sdelay $0x3  }
0x588: {  	[tilespmem:v24+s16+$0x0] =	vst.idx.msk $0xffff, v26;
	v24 =	vshll.u32 v25, $0x7  }
0x589: {  	v27 =	vor.u32 $0x10, v27;
	v26 =	vld.idx.msk [tilespmem:v28+s10+$0x0], $0xffff;
	v28 =	vor.u32 v0, v24  }
0x58a: {  	v16 =	vor.u32 v27, v16;
	_ =	sdelay $0x3  }
0x58b: {  	[tilespmem:v28+s16+$0x0] =	vst.idx.msk $0xffff, v26;
	v26 =	vshll.u32 v27, $0x7  }
0x58c: {  	v16 =	vld.idx.msk [tilespmem:v16+s10+$0x0], $0xffff;
	v28 =	vor.u32 v0, v26  }
0x58d: {  	v29 =	vor.u32 v25, v17;
	_ =	sdelay $0x3  }
0x58e: {  	[tilespmem:v28+s16+$0x0] =	vst.idx.msk $0xffff, v16  }
0x58f: {  	v28 =	vor.u32 v9, v24;
	v16 =	vld.idx.msk [tilespmem:v29+s10+$0x0], $0xffff  }
0x590: {  	v17 =	vor.u32 v27, v17;
	_ =	sdelay $0x3  }
0x591: {  	[tilespmem:v28+s16+$0x0] =	vst.idx.msk $0xffff, v16  }
0x592: {  	v16 =	vld.idx.msk [tilespmem:v17+s10+$0x0], $0xffff;
	v17 =	vor.u32 v9, v26  }
0x593: {  	v28 =	vor.u32 v25, v18;
	_ =	sdelay $0x3  }
0x594: {  	[tilespmem:v17+s16+$0x0] =	vst.idx.msk $0xffff, v16  }
0x595: {  	v17 =	vor.u32 v10, v24;
	v16 =	vld.idx.msk [tilespmem:v28+s10+$0x0], $0xffff  }
0x596: {  	v18 =	vor.u32 v27, v18;
	_ =	sdelay $0x3  }
0x597: {  	[tilespmem:v17+s16+$0x0] =	vst.idx.msk $0xffff, v16  }
0x598: {  	v17 =	vor.u32 v10, v26;
	v16 =	vld.idx.msk [tilespmem:v18+s10+$0x0], $0xffff  }
0x599: {  	v18 =	vor.u32 v25, v19;
	_ =	sdelay $0x3  }
0x59a: {  	[tilespmem:v17+s16+$0x0] =	vst.idx.msk $0xffff, v16  }
0x59b: {  	v17 =	vor.u32 v11, v24;
	v16 =	vld.idx.msk [tilespmem:v18+s10+$0x0], $0xffff  }
0x59c: {  	v18 =	vor.u32 v27, v19;
	_ =	sdelay $0x3  }
0x59d: {  	[tilespmem:v17+s16+$0x0] =	vst.idx.msk $0xffff, v16  }
0x59e: {  	v17 =	vor.u32 v11, v26;
	v16 =	vld.idx.msk [tilespmem:v18+s10+$0x0], $0xffff  }
0x59f: {  	v18 =	vor.u32 v25, v20;
	_ =	sdelay $0x3  }
0x5a0: {  	[tilespmem:v17+s16+$0x0] =	vst.idx.msk $0xffff, v16  }
0x5a1: {  	v17 =	vor.u32 v12, v24;
	v16 =	vld.idx.msk [tilespmem:v18+s10+$0x0], $0xffff  }
0x5a2: {  	v18 =	vor.u32 v27, v20;
	_ =	sdelay $0x3  }
0x5a3: {  	[tilespmem:v17+s16+$0x0] =	vst.idx.msk $0xffff, v16  }
0x5a4: {  	v17 =	vor.u32 v12, v26;
	v16 =	vld.idx.msk [tilespmem:v18+s10+$0x0], $0xffff  }
0x5a5: {  	v18 =	vor.u32 v25, v21;
	_ =	sdelay $0x3  }
0x5a6: {  	[tilespmem:v17+s16+$0x0] =	vst.idx.msk $0xffff, v16  }
0x5a7: {  	v17 =	vor.u32 v13, v24;
	v16 =	vld.idx.msk [tilespmem:v18+s10+$0x0], $0xffff  }
0x5a8: {  	v18 =	vor.u32 v27, v21;
	_ =	sdelay $0x3  }
0x5a9: {  	[tilespmem:v17+s16+$0x0] =	vst.idx.msk $0xffff, v16  }
0x5aa: {  	v17 =	vor.u32 v13, v26;
	v16 =	vld.idx.msk [tilespmem:v18+s10+$0x0], $0xffff  }
0x5ab: {  	v18 =	vor.u32 v25, v22;
	_ =	sdelay $0x3  }
0x5ac: {  	[tilespmem:v17+s16+$0x0] =	vst.idx.msk $0xffff, v16  }
0x5ad: {  	v17 =	vor.u32 v14, v24;
	v16 =	vld.idx.msk [tilespmem:v18+s10+$0x0], $0xffff  }
0x5ae: {  	v18 =	vor.u32 v27, v22;
	_ =	sdelay $0x3  }
0x5af: {  	[tilespmem:v17+s16+$0x0] =	vst.idx.msk $0xffff, v16  }
0x5b0: {  	v17 =	vor.u32 v14, v26;
	v16 =	vld.idx.msk [tilespmem:v18+s10+$0x0], $0xffff  }
0x5b1: {  	v18 =	vor.u32 v25, v23;
	_ =	sdelay $0x3  }
0x5b2: {  	[tilespmem:v17+s16+$0x0] =	vst.idx.msk $0xffff, v16  }
0x5b3: {  	v17 =	vor.u32 v15, v24;
	v16 =	vld.idx.msk [tilespmem:v18+s10+$0x0], $0xffff  }
0x5b4: {  	v18 =	vor.u32 v27, v23;
	_ =	sdelay $0x3  }
0x5b5: {  	[tilespmem:v17+s16+$0x0] =	vst.idx.msk $0xffff, v16  }
0x5b6: {  	v17 =	vor.u32 v15, v26;
	v16 =	vld.idx.msk [tilespmem:v18+s10+$0x0], $0xffff;
	_ =	sdelay $0x2  }
0x5b7: {  	s0 =	sld [smem:$0x7FC];
	_ =	sdelay $0x1  }
0x5b8: {  	[tilespmem:v17+s16+$0x0] =	vst.idx.msk $0xffff, v16  }
0x5b9: {  	[hbm4b:s0+s5] =	stream.strided.scatter [tilespmem:s16], [sflag:$0x7], $0x1000, s14, s5, $0x38;
	[tilespmem:$0x18800] =	vst v63  }
0x5ba: {  	_ =	swait.ge [sflag:s17], $0x1000  }
0x5bb: {  	[sflag:s17] =	ssyncset.done $0x0  }
0x5bc: {  	[sflag:s17] =	ssyncadd.s32 $0xFFFFF000  }
0x5bd: {  	_ =	swait.ge [sflag:s18], $0x4000  }
0x5be: {  	[sflag:s18] =	ssyncset.done $0x0  }
0x5bf: {  	[sflag:s18] =	ssyncadd.s32 $0xFFFFC000  }
0x5c0: {  	v16 =	vld [tilespmem:$0x3300];
	_ =	sdelay $0x4  }
0x5c1: {  	s30 =	simm.s32 $0x0;
	v16 =	vshll.u32 v16, $0x5  }
0x5c2: {  	v17 =	vadd.s32 s30, v0;
	v16 =	vand.u32 $0x60, v16  }
0x5c3: {  	v25 =	vand.u32 $0xF, v17;
	v16 =	vor.u32 v1, v16  }
0x5c4: {  	v18 =	vor.u32 v25, v16;
	_ =	sdelay $0x2  }
0x5c5: {  	v19 =	vld [tilespmem:$0x3310]  }
0x5c6: {  	v26 =	vshll.u32 v25, $0x7;
	v20 =	vld [tilespmem:$0x3320]  }
0x5c7: {  	v27 =	vor.u32 $0x10, v17;
	v22 =	vor.u32 v0, v26;
	v18 =	vld.idx.msk [tilespmem:v18+s6+$0x0], $0xffff  }
0x5c8: {  	v21 =	vld [tilespmem:$0x3330];
	v28 =	vor.u32 v27, v16  }
0x5c9: {  	v23 =	vld [tilespmem:$0x3340]  }
0x5ca: {  	v29 =	vld [tilespmem:$0x3350]  }
0x5cb: {  	v30 =	vld [tilespmem:$0x3360];
	v17 =	vshll.u32 v19, $0x5  }
0x5cc: {  	v24 =	vshll.u32 v27, $0x7;
	v31 =	vld [tilespmem:$0x3370];
	v17 =	vand.u32 $0x60, v17;
	[tilespmem:v22+s13+$0x0] =	vst.idx.msk $0xffff, v18  }
0x5cd: {  	v19 =	vor.u32 v0, v24;
	v17 =	vor.u32 v2, v17;
	v18 =	vld.idx.msk [tilespmem:v28+s6+$0x0], $0xffff  }
0x5ce: {  	v22 =	vor.u32 v25, v17;
	_ =	sdelay $0x3  }
0x5cf: {  	[tilespmem:v19+s13+$0x0] =	vst.idx.msk $0xffff, v18  }
0x5d0: {  	v19 =	vor.u32 v9, v26;
	v18 =	vld.idx.msk [tilespmem:v22+s6+$0x0], $0xffff  }
0x5d1: {  	v22 =	vor.u32 v27, v17;
	_ =	sdelay $0x2  }
0x5d2: {  	v20 =	vshll.u32 v20, $0x5  }
0x5d3: {  	v20 =	vand.u32 $0x60, v20;
	[tilespmem:v19+s13+$0x0] =	vst.idx.msk $0xffff, v18  }
0x5d4: {  	v18 =	vor.u32 v3, v20;
	v20 =	vor.u32 v9, v24;
	v19 =	vld.idx.msk [tilespmem:v22+s6+$0x0], $0xffff  }
0x5d5: {  	v22 =	vor.u32 v25, v18;
	_ =	sdelay $0x3  }
0x5d6: {  	[tilespmem:v20+s13+$0x0] =	vst.idx.msk $0xffff, v19  }
0x5d7: {  	v20 =	vor.u32 v10, v26;
	v19 =	vld.idx.msk [tilespmem:v22+s6+$0x0], $0xffff  }
0x5d8: {  	v22 =	vor.u32 v27, v18;
	_ =	sdelay $0x2  }
0x5d9: {  	v21 =	vshll.u32 v21, $0x5  }
0x5da: {  	v21 =	vand.u32 $0x60, v21;
	[tilespmem:v20+s13+$0x0] =	vst.idx.msk $0xffff, v19  }
0x5db: {  	v19 =	vor.u32 v4, v21;
	v21 =	vor.u32 v10, v24;
	v20 =	vld.idx.msk [tilespmem:v22+s6+$0x0], $0xffff  }
0x5dc: {  	v22 =	vor.u32 v25, v19;
	_ =	sdelay $0x3  }
0x5dd: {  	[tilespmem:v21+s13+$0x0] =	vst.idx.msk $0xffff, v20  }
0x5de: {  	v21 =	vor.u32 v11, v26;
	v20 =	vld.idx.msk [tilespmem:v22+s6+$0x0], $0xffff  }
0x5df: {  	v22 =	vor.u32 v27, v19;
	_ =	sdelay $0x2  }
0x5e0: {  	v23 =	vshll.u32 v23, $0x5  }
0x5e1: {  	v23 =	vand.u32 $0x60, v23;
	[tilespmem:v21+s13+$0x0] =	vst.idx.msk $0xffff, v20  }
0x5e2: {  	v20 =	vor.u32 v5, v23;
	v21 =	vld.idx.msk [tilespmem:v22+s6+$0x0], $0xffff;
	v22 =	vor.u32 v11, v24  }
0x5e3: {  	v23 =	vor.u32 v25, v20;
	_ =	sdelay $0x3  }
0x5e4: {  	[tilespmem:v22+s13+$0x0] =	vst.idx.msk $0xffff, v21  }
0x5e5: {  	v22 =	vor.u32 v12, v26;
	v21 =	vld.idx.msk [tilespmem:v23+s6+$0x0], $0xffff  }
0x5e6: {  	v23 =	vor.u32 v27, v20;
	_ =	sdelay $0x2  }
0x5e7: {  	v28 =	vshll.u32 v29, $0x5  }
0x5e8: {  	v28 =	vand.u32 $0x60, v28;
	[tilespmem:v22+s13+$0x0] =	vst.idx.msk $0xffff, v21  }
0x5e9: {  	v21 =	vor.u32 v6, v28;
	v22 =	vld.idx.msk [tilespmem:v23+s6+$0x0], $0xffff;
	v23 =	vor.u32 v12, v24  }
0x5ea: {  	v28 =	vor.u32 v25, v21;
	_ =	sdelay $0x3  }
0x5eb: {  	[tilespmem:v23+s13+$0x0] =	vst.idx.msk $0xffff, v22  }
0x5ec: {  	v23 =	vor.u32 v13, v26;
	v22 =	vld.idx.msk [tilespmem:v28+s6+$0x0], $0xffff  }
0x5ed: {  	v28 =	vor.u32 v27, v21;
	_ =	sdelay $0x2  }
0x5ee: {  	v29 =	vshll.u32 v30, $0x5  }
0x5ef: {  	v29 =	vand.u32 $0x60, v29;
	[tilespmem:v23+s13+$0x0] =	vst.idx.msk $0xffff, v22  }
0x5f0: {  	v22 =	vor.u32 v7, v29;
	v23 =	vld.idx.msk [tilespmem:v28+s6+$0x0], $0xffff;
	v28 =	vor.u32 v13, v24  }
0x5f1: {  	v29 =	vor.u32 v25, v22;
	_ =	sdelay $0x3  }
0x5f2: {  	[tilespmem:v28+s13+$0x0] =	vst.idx.msk $0xffff, v23  }
0x5f3: {  	v28 =	vor.u32 v14, v26;
	v23 =	vld.idx.msk [tilespmem:v29+s6+$0x0], $0xffff  }
0x5f4: {  	v29 =	vor.u32 v27, v22;
	_ =	sdelay $0x2  }
0x5f5: {  	v63 =	vshll.u32 v31, $0x5  }
0x5f6: {  	v30 =	vand.u32 $0x60, v63;
	[tilespmem:v28+s13+$0x0] =	vst.idx.msk $0xffff, v23  }
0x5f7: {  	v23 =	vor.u32 v8, v30;
	v28 =	vld.idx.msk [tilespmem:v29+s6+$0x0], $0xffff;
	v29 =	vor.u32 v14, v24  }
0x5f8: {  	v25 =	vor.u32 v25, v23;
	_ =	sdelay $0x3  }
0x5f9: {  	[tilespmem:v29+s13+$0x0] =	vst.idx.msk $0xffff, v28  }
0x5fa: {  	v26 =	vor.u32 v15, v26;
	v25 =	vld.idx.msk [tilespmem:v25+s6+$0x0], $0xffff  }
0x5fb: {  	v28 =	vor.u32 v27, v23;
	_ =	sdelay $0x3  }
0x5fc: {  	s31 =	simm.s32 $0x1;
	[tilespmem:v26+s13+$0x0] =	vst.idx.msk $0xffff, v25  }
0x5fd: {  	s0 =	simm.s32 $0x2;
	v27 =	vadd.s32 s31, v0;
	v26 =	vld.idx.msk [tilespmem:v28+s6+$0x0], $0xffff  }
.LBB2_16:
0x5fe: {  	p0 =	sne.s32 s0, $0xF;
	v25 =	vand.u32 $0xF, v27;
	v24 =	vor.u32 v15, v24  }
0x5ff: {  	v28 =	vor.u32 v25, v16;
	_ =	sdelay $0x3  }
0x600: {  	[tilespmem:v24+s13+$0x0] =	vst.idx.msk $0xffff, v26  }
0x601: {  	v26 =	vshll.u32 v25, $0x7;
	v24 =	vld.idx.msk [tilespmem:v28+s6+$0x0], $0xffff  }
0x602: {  	v27 =	vor.u32 $0x10, v27;
	v28 =	vor.u32 v0, v26  }
0x603: {  	v29 =	vor.u32 v27, v16;
	_ =	sdelay $0x3  }
0x604: {  	[tilespmem:v28+s13+$0x0] =	vst.idx.msk $0xffff, v24  }
0x605: {  	v24 =	vshll.u32 v27, $0x7;
	v28 =	vld.idx.msk [tilespmem:v29+s6+$0x0], $0xffff  }
0x606: {  	v29 =	vor.u32 v0, v24  }
0x607: {  	v30 =	vor.u32 v25, v17;
	_ =	sdelay $0x3  }
0x608: {  	[tilespmem:v29+s13+$0x0] =	vst.idx.msk $0xffff, v28  }
0x609: {  	v28 =	vld.idx.msk [tilespmem:v30+s6+$0x0], $0xffff  }
0x60a: {  	v29 =	vor.u32 v9, v26  }
0x60b: {  	v30 =	vor.u32 v27, v17;
	_ =	sdelay $0x3  }
0x60c: {  	[tilespmem:v29+s13+$0x0] =	vst.idx.msk $0xffff, v28  }
0x60d: {  	v28 =	vld.idx.msk [tilespmem:v30+s6+$0x0], $0xffff  }
0x60e: {  	v29 =	vor.u32 v9, v24  }
0x60f: {  	v30 =	vor.u32 v25, v18;
	_ =	sdelay $0x3  }
0x610: {  	[tilespmem:v29+s13+$0x0] =	vst.idx.msk $0xffff, v28  }
0x611: {  	v28 =	vld.idx.msk [tilespmem:v30+s6+$0x0], $0xffff  }
0x612: {  	v29 =	vor.u32 v10, v26  }
0x613: {  	v30 =	vor.u32 v27, v18;
	_ =	sdelay $0x3  }
0x614: {  	[tilespmem:v29+s13+$0x0] =	vst.idx.msk $0xffff, v28  }
0x615: {  	v28 =	vld.idx.msk [tilespmem:v30+s6+$0x0], $0xffff  }
0x616: {  	v29 =	vor.u32 v10, v24  }
0x617: {  	v30 =	vor.u32 v25, v19;
	_ =	sdelay $0x3  }
0x618: {  	[tilespmem:v29+s13+$0x0] =	vst.idx.msk $0xffff, v28  }
0x619: {  	v28 =	vld.idx.msk [tilespmem:v30+s6+$0x0], $0xffff  }
0x61a: {  	v29 =	vor.u32 v11, v26  }
0x61b: {  	v30 =	vor.u32 v27, v19;
	_ =	sdelay $0x3  }
0x61c: {  	[tilespmem:v29+s13+$0x0] =	vst.idx.msk $0xffff, v28  }
0x61d: {  	v28 =	vld.idx.msk [tilespmem:v30+s6+$0x0], $0xffff  }
0x61e: {  	v29 =	vor.u32 v11, v24  }
0x61f: {  	v30 =	vor.u32 v25, v20;
	_ =	sdelay $0x3  }
0x620: {  	[tilespmem:v29+s13+$0x0] =	vst.idx.msk $0xffff, v28  }
0x621: {  	v28 =	vld.idx.msk [tilespmem:v30+s6+$0x0], $0xffff  }
0x622: {  	v29 =	vor.u32 v12, v26  }
0x623: {  	v30 =	vor.u32 v27, v20;
	_ =	sdelay $0x3  }
0x624: {  	[tilespmem:v29+s13+$0x0] =	vst.idx.msk $0xffff, v28  }
0x625: {  	v28 =	vld.idx.msk [tilespmem:v30+s6+$0x0], $0xffff  }
0x626: {  	v29 =	vor.u32 v12, v24  }
0x627: {  	v30 =	vor.u32 v25, v21;
	_ =	sdelay $0x3  }
0x628: {  	[tilespmem:v29+s13+$0x0] =	vst.idx.msk $0xffff, v28  }
0x629: {  	v28 =	vld.idx.msk [tilespmem:v30+s6+$0x0], $0xffff  }
0x62a: {  	v29 =	vor.u32 v13, v26  }
0x62b: {  	v30 =	vor.u32 v27, v21;
	_ =	sdelay $0x3  }
0x62c: {  	[tilespmem:v29+s13+$0x0] =	vst.idx.msk $0xffff, v28  }
0x62d: {  	v28 =	vld.idx.msk [tilespmem:v30+s6+$0x0], $0xffff  }
0x62e: {  	v29 =	vor.u32 v13, v24  }
0x62f: {  	v30 =	vor.u32 v25, v22;
	_ =	sdelay $0x3  }
0x630: {  	[tilespmem:v29+s13+$0x0] =	vst.idx.msk $0xffff, v28  }
0x631: {  	v28 =	vld.idx.msk [tilespmem:v30+s6+$0x0], $0xffff  }
0x632: {  	v29 =	vor.u32 v14, v26  }
0x633: {  	v30 =	vor.u32 v27, v22;
	_ =	sdelay $0x3  }
0x634: {  	[tilespmem:v29+s13+$0x0] =	vst.idx.msk $0xffff, v28  }
0x635: {  	v28 =	vld.idx.msk [tilespmem:v30+s6+$0x0], $0xffff  }
0x636: {  	v29 =	vor.u32 v14, v24  }
0x637: {  	v25 =	vor.u32 v25, v23;
	_ =	sdelay $0x3  }
0x638: {  	[tilespmem:v29+s13+$0x0] =	vst.idx.msk $0xffff, v28  }
0x639: {  	v25 =	vld.idx.msk [tilespmem:v25+s6+$0x0], $0xffff  }
0x63a: {  	v26 =	vor.u32 v15, v26  }
0x63b: {  	v28 =	vor.u32 v27, v23  }
.Ltmp7:
0x63c: {  	(pc) =	sbr.rel @p0 .LBB2_16-.Ltmp7, $3  }
0x63d: {  	_ =	sdelay $0x1  }
0x63e: {  	[tilespmem:v26+s13+$0x0] =	vst.idx.msk $0xffff, v25  }
0x63f: {  	v27 =	vadd.s32 s0, v0;
	s0 =	sadd.s32 $0x1, s0;
	v26 =	vld.idx.msk [tilespmem:v28+s6+$0x0], $0xffff  }
0x640: {  	v25 =	vand.u32 $0xF, v27;
	v24 =	vor.u32 v15, v24  }
0x641: {  	v28 =	vor.u32 v25, v16;
	_ =	sdelay $0x3  }
0x642: {  	[tilespmem:v24+s13+$0x0] =	vst.idx.msk $0xffff, v26;
	v24 =	vshll.u32 v25, $0x7  }
0x643: {  	v27 =	vor.u32 $0x10, v27;
	v26 =	vld.idx.msk [tilespmem:v28+s6+$0x0], $0xffff;
	v28 =	vor.u32 v0, v24  }
0x644: {  	v16 =	vor.u32 v27, v16;
	_ =	sdelay $0x3  }
0x645: {  	[tilespmem:v28+s13+$0x0] =	vst.idx.msk $0xffff, v26;
	v26 =	vshll.u32 v27, $0x7  }
0x646: {  	v16 =	vld.idx.msk [tilespmem:v16+s6+$0x0], $0xffff;
	v28 =	vor.u32 v0, v26  }
0x647: {  	v29 =	vor.u32 v25, v17;
	_ =	sdelay $0x3  }
0x648: {  	[tilespmem:v28+s13+$0x0] =	vst.idx.msk $0xffff, v16  }
0x649: {  	v28 =	vor.u32 v9, v24;
	v16 =	vld.idx.msk [tilespmem:v29+s6+$0x0], $0xffff  }
0x64a: {  	v17 =	vor.u32 v27, v17;
	_ =	sdelay $0x3  }
0x64b: {  	[tilespmem:v28+s13+$0x0] =	vst.idx.msk $0xffff, v16  }
0x64c: {  	v16 =	vld.idx.msk [tilespmem:v17+s6+$0x0], $0xffff;
	v17 =	vor.u32 v9, v26  }
0x64d: {  	v28 =	vor.u32 v25, v18;
	_ =	sdelay $0x3  }
0x64e: {  	[tilespmem:v17+s13+$0x0] =	vst.idx.msk $0xffff, v16  }
0x64f: {  	v17 =	vor.u32 v10, v24;
	v16 =	vld.idx.msk [tilespmem:v28+s6+$0x0], $0xffff  }
0x650: {  	v18 =	vor.u32 v27, v18;
	_ =	sdelay $0x3  }
0x651: {  	[tilespmem:v17+s13+$0x0] =	vst.idx.msk $0xffff, v16  }
0x652: {  	v17 =	vor.u32 v10, v26;
	v16 =	vld.idx.msk [tilespmem:v18+s6+$0x0], $0xffff  }
0x653: {  	v18 =	vor.u32 v25, v19;
	_ =	sdelay $0x3  }
0x654: {  	[tilespmem:v17+s13+$0x0] =	vst.idx.msk $0xffff, v16  }
0x655: {  	v17 =	vor.u32 v11, v24;
	v16 =	vld.idx.msk [tilespmem:v18+s6+$0x0], $0xffff  }
0x656: {  	v18 =	vor.u32 v27, v19;
	_ =	sdelay $0x3  }
0x657: {  	[tilespmem:v17+s13+$0x0] =	vst.idx.msk $0xffff, v16  }
0x658: {  	v17 =	vor.u32 v11, v26;
	v16 =	vld.idx.msk [tilespmem:v18+s6+$0x0], $0xffff  }
0x659: {  	v18 =	vor.u32 v25, v20;
	_ =	sdelay $0x3  }
0x65a: {  	[tilespmem:v17+s13+$0x0] =	vst.idx.msk $0xffff, v16  }
0x65b: {  	v17 =	vor.u32 v12, v24;
	v16 =	vld.idx.msk [tilespmem:v18+s6+$0x0], $0xffff  }
0x65c: {  	v18 =	vor.u32 v27, v20;
	_ =	sdelay $0x3  }
0x65d: {  	[tilespmem:v17+s13+$0x0] =	vst.idx.msk $0xffff, v16  }
0x65e: {  	v17 =	vor.u32 v12, v26;
	v16 =	vld.idx.msk [tilespmem:v18+s6+$0x0], $0xffff  }
0x65f: {  	v18 =	vor.u32 v25, v21;
	_ =	sdelay $0x3  }
0x660: {  	[tilespmem:v17+s13+$0x0] =	vst.idx.msk $0xffff, v16  }
0x661: {  	v17 =	vor.u32 v13, v24;
	v16 =	vld.idx.msk [tilespmem:v18+s6+$0x0], $0xffff  }
0x662: {  	v18 =	vor.u32 v27, v21;
	_ =	sdelay $0x3  }
0x663: {  	[tilespmem:v17+s13+$0x0] =	vst.idx.msk $0xffff, v16  }
0x664: {  	v17 =	vor.u32 v13, v26;
	v16 =	vld.idx.msk [tilespmem:v18+s6+$0x0], $0xffff  }
0x665: {  	v18 =	vor.u32 v25, v22;
	_ =	sdelay $0x3  }
0x666: {  	[tilespmem:v17+s13+$0x0] =	vst.idx.msk $0xffff, v16  }
0x667: {  	v17 =	vor.u32 v14, v24;
	v16 =	vld.idx.msk [tilespmem:v18+s6+$0x0], $0xffff  }
0x668: {  	v18 =	vor.u32 v27, v22;
	_ =	sdelay $0x3  }
0x669: {  	[tilespmem:v17+s13+$0x0] =	vst.idx.msk $0xffff, v16  }
0x66a: {  	v17 =	vor.u32 v14, v26;
	v16 =	vld.idx.msk [tilespmem:v18+s6+$0x0], $0xffff  }
0x66b: {  	v18 =	vor.u32 v25, v23;
	_ =	sdelay $0x3  }
0x66c: {  	[tilespmem:v17+s13+$0x0] =	vst.idx.msk $0xffff, v16  }
0x66d: {  	v17 =	vor.u32 v15, v24;
	v16 =	vld.idx.msk [tilespmem:v18+s6+$0x0], $0xffff  }
0x66e: {  	v18 =	vor.u32 v27, v23;
	_ =	sdelay $0x3  }
0x66f: {  	[tilespmem:v17+s13+$0x0] =	vst.idx.msk $0xffff, v16  }
0x670: {  	v17 =	vor.u32 v15, v26;
	v16 =	vld.idx.msk [tilespmem:v18+s6+$0x0], $0xffff;
	_ =	sdelay $0x2  }
0x671: {  	s0 =	sld [smem:$0x7FD];
	_ =	sdelay $0x1  }
0x672: {  	[tilespmem:v17+s13+$0x0] =	vst.idx.msk $0xffff, v16  }
0x673: {  	[hbm4b:s0+s5] =	stream.strided.scatter [tilespmem:s13], [sflag:$0x6], $0x1000, s14, s5, $0x38;
	[tilespmem:$0x18800] =	vst v63  }
0x674: {  	_ =	swait.ge [sflag:s19], $0x1000  }
0x675: {  	[sflag:s19] =	ssyncset.done $0x0  }
0x676: {  	[sflag:s19] =	ssyncadd.s32 $0xFFFFF000  }
0x677: {  	_ =	swait.ge [sflag:s20], $0x4000  }
0x678: {  	[sflag:s20] =	ssyncset.done $0x0  }
0x679: {  	[sflag:s20] =	ssyncadd.s32 $0xFFFFC000  }
0x67a: {  	v16 =	vld [tilespmem:$0x3380];
	_ =	sdelay $0x4  }
0x67b: {  	s30 =	simm.s32 $0x0;
	v16 =	vshll.u32 v16, $0x5  }
0x67c: {  	v17 =	vadd.s32 s30, v0;
	v16 =	vand.u32 $0x60, v16  }
0x67d: {  	v25 =	vand.u32 $0xF, v17;
	v16 =	vor.u32 v1, v16  }
0x67e: {  	v18 =	vor.u32 v25, v16;
	_ =	sdelay $0x2  }
0x67f: {  	v19 =	vld [tilespmem:$0x3390]  }
0x680: {  	v26 =	vshll.u32 v25, $0x7;
	v20 =	vld [tilespmem:$0x33A0]  }
0x681: {  	v27 =	vor.u32 $0x10, v17;
	v22 =	vor.u32 v0, v26;
	v18 =	vld.idx.msk [tilespmem:v18+s11+$0x0], $0xffff  }
0x682: {  	v21 =	vld [tilespmem:$0x33B0];
	v28 =	vor.u32 v27, v16  }
0x683: {  	v23 =	vld [tilespmem:$0x33C0]  }
0x684: {  	v29 =	vld [tilespmem:$0x33D0]  }
0x685: {  	v30 =	vld [tilespmem:$0x33E0];
	v17 =	vshll.u32 v19, $0x5  }
0x686: {  	v24 =	vshll.u32 v27, $0x7;
	v31 =	vld [tilespmem:$0x33F0];
	v17 =	vand.u32 $0x60, v17;
	[tilespmem:v22+s16+$0x0] =	vst.idx.msk $0xffff, v18  }
0x687: {  	v19 =	vor.u32 v0, v24;
	v17 =	vor.u32 v2, v17;
	v18 =	vld.idx.msk [tilespmem:v28+s11+$0x0], $0xffff  }
0x688: {  	v22 =	vor.u32 v25, v17;
	_ =	sdelay $0x3  }
0x689: {  	[tilespmem:v19+s16+$0x0] =	vst.idx.msk $0xffff, v18  }
0x68a: {  	v19 =	vor.u32 v9, v26;
	v18 =	vld.idx.msk [tilespmem:v22+s11+$0x0], $0xffff  }
0x68b: {  	v22 =	vor.u32 v27, v17;
	_ =	sdelay $0x2  }
0x68c: {  	v20 =	vshll.u32 v20, $0x5  }
0x68d: {  	v20 =	vand.u32 $0x60, v20;
	[tilespmem:v19+s16+$0x0] =	vst.idx.msk $0xffff, v18  }
0x68e: {  	v18 =	vor.u32 v3, v20;
	v20 =	vor.u32 v9, v24;
	v19 =	vld.idx.msk [tilespmem:v22+s11+$0x0], $0xffff  }
0x68f: {  	v22 =	vor.u32 v25, v18;
	_ =	sdelay $0x3  }
0x690: {  	[tilespmem:v20+s16+$0x0] =	vst.idx.msk $0xffff, v19  }
0x691: {  	v20 =	vor.u32 v10, v26;
	v19 =	vld.idx.msk [tilespmem:v22+s11+$0x0], $0xffff  }
0x692: {  	v22 =	vor.u32 v27, v18;
	_ =	sdelay $0x2  }
0x693: {  	v21 =	vshll.u32 v21, $0x5  }
0x694: {  	v21 =	vand.u32 $0x60, v21;
	[tilespmem:v20+s16+$0x0] =	vst.idx.msk $0xffff, v19  }
0x695: {  	v19 =	vor.u32 v4, v21;
	v21 =	vor.u32 v10, v24;
	v20 =	vld.idx.msk [tilespmem:v22+s11+$0x0], $0xffff  }
0x696: {  	v22 =	vor.u32 v25, v19;
	_ =	sdelay $0x3  }
0x697: {  	[tilespmem:v21+s16+$0x0] =	vst.idx.msk $0xffff, v20  }
0x698: {  	v21 =	vor.u32 v11, v26;
	v20 =	vld.idx.msk [tilespmem:v22+s11+$0x0], $0xffff  }
0x699: {  	v22 =	vor.u32 v27, v19;
	_ =	sdelay $0x2  }
0x69a: {  	v23 =	vshll.u32 v23, $0x5  }
0x69b: {  	v23 =	vand.u32 $0x60, v23;
	[tilespmem:v21+s16+$0x0] =	vst.idx.msk $0xffff, v20  }
0x69c: {  	v20 =	vor.u32 v5, v23;
	v21 =	vld.idx.msk [tilespmem:v22+s11+$0x0], $0xffff;
	v22 =	vor.u32 v11, v24  }
0x69d: {  	v23 =	vor.u32 v25, v20;
	_ =	sdelay $0x3  }
0x69e: {  	[tilespmem:v22+s16+$0x0] =	vst.idx.msk $0xffff, v21  }
0x69f: {  	v22 =	vor.u32 v12, v26;
	v21 =	vld.idx.msk [tilespmem:v23+s11+$0x0], $0xffff  }
0x6a0: {  	v23 =	vor.u32 v27, v20;
	_ =	sdelay $0x2  }
0x6a1: {  	v28 =	vshll.u32 v29, $0x5  }
0x6a2: {  	v28 =	vand.u32 $0x60, v28;
	[tilespmem:v22+s16+$0x0] =	vst.idx.msk $0xffff, v21  }
0x6a3: {  	v21 =	vor.u32 v6, v28;
	v22 =	vld.idx.msk [tilespmem:v23+s11+$0x0], $0xffff;
	v23 =	vor.u32 v12, v24  }
0x6a4: {  	v28 =	vor.u32 v25, v21;
	_ =	sdelay $0x3  }
0x6a5: {  	[tilespmem:v23+s16+$0x0] =	vst.idx.msk $0xffff, v22  }
0x6a6: {  	v23 =	vor.u32 v13, v26;
	v22 =	vld.idx.msk [tilespmem:v28+s11+$0x0], $0xffff  }
0x6a7: {  	v28 =	vor.u32 v27, v21;
	_ =	sdelay $0x2  }
0x6a8: {  	v29 =	vshll.u32 v30, $0x5  }
0x6a9: {  	v29 =	vand.u32 $0x60, v29;
	[tilespmem:v23+s16+$0x0] =	vst.idx.msk $0xffff, v22  }
0x6aa: {  	v22 =	vor.u32 v7, v29;
	v23 =	vld.idx.msk [tilespmem:v28+s11+$0x0], $0xffff;
	v28 =	vor.u32 v13, v24  }
0x6ab: {  	v29 =	vor.u32 v25, v22;
	_ =	sdelay $0x3  }
0x6ac: {  	[tilespmem:v28+s16+$0x0] =	vst.idx.msk $0xffff, v23  }
0x6ad: {  	v28 =	vor.u32 v14, v26;
	v23 =	vld.idx.msk [tilespmem:v29+s11+$0x0], $0xffff  }
0x6ae: {  	v29 =	vor.u32 v27, v22;
	_ =	sdelay $0x2  }
0x6af: {  	v63 =	vshll.u32 v31, $0x5  }
0x6b0: {  	v30 =	vand.u32 $0x60, v63;
	[tilespmem:v28+s16+$0x0] =	vst.idx.msk $0xffff, v23  }
0x6b1: {  	v23 =	vor.u32 v8, v30;
	v28 =	vld.idx.msk [tilespmem:v29+s11+$0x0], $0xffff;
	v29 =	vor.u32 v14, v24  }
0x6b2: {  	v25 =	vor.u32 v25, v23;
	_ =	sdelay $0x3  }
0x6b3: {  	[tilespmem:v29+s16+$0x0] =	vst.idx.msk $0xffff, v28  }
0x6b4: {  	v26 =	vor.u32 v15, v26;
	v25 =	vld.idx.msk [tilespmem:v25+s11+$0x0], $0xffff  }
0x6b5: {  	v28 =	vor.u32 v27, v23;
	_ =	sdelay $0x3  }
0x6b6: {  	s31 =	simm.s32 $0x1;
	[tilespmem:v26+s16+$0x0] =	vst.idx.msk $0xffff, v25  }
0x6b7: {  	s0 =	simm.s32 $0x2;
	v27 =	vadd.s32 s31, v0;
	v26 =	vld.idx.msk [tilespmem:v28+s11+$0x0], $0xffff  }
.LBB2_18:
0x6b8: {  	p0 =	sne.s32 s0, $0xF;
	v25 =	vand.u32 $0xF, v27;
	v24 =	vor.u32 v15, v24  }
0x6b9: {  	v28 =	vor.u32 v25, v16;
	_ =	sdelay $0x3  }
0x6ba: {  	[tilespmem:v24+s16+$0x0] =	vst.idx.msk $0xffff, v26  }
0x6bb: {  	v26 =	vshll.u32 v25, $0x7;
	v24 =	vld.idx.msk [tilespmem:v28+s11+$0x0], $0xffff  }
0x6bc: {  	v27 =	vor.u32 $0x10, v27;
	v28 =	vor.u32 v0, v26  }
0x6bd: {  	v29 =	vor.u32 v27, v16;
	_ =	sdelay $0x3  }
0x6be: {  	[tilespmem:v28+s16+$0x0] =	vst.idx.msk $0xffff, v24  }
0x6bf: {  	v24 =	vshll.u32 v27, $0x7;
	v28 =	vld.idx.msk [tilespmem:v29+s11+$0x0], $0xffff  }
0x6c0: {  	v29 =	vor.u32 v0, v24  }
0x6c1: {  	v30 =	vor.u32 v25, v17;
	_ =	sdelay $0x3  }
0x6c2: {  	[tilespmem:v29+s16+$0x0] =	vst.idx.msk $0xffff, v28  }
0x6c3: {  	v28 =	vld.idx.msk [tilespmem:v30+s11+$0x0], $0xffff  }
0x6c4: {  	v29 =	vor.u32 v9, v26  }
0x6c5: {  	v30 =	vor.u32 v27, v17;
	_ =	sdelay $0x3  }
0x6c6: {  	[tilespmem:v29+s16+$0x0] =	vst.idx.msk $0xffff, v28  }
0x6c7: {  	v28 =	vld.idx.msk [tilespmem:v30+s11+$0x0], $0xffff  }
0x6c8: {  	v29 =	vor.u32 v9, v24  }
0x6c9: {  	v30 =	vor.u32 v25, v18;
	_ =	sdelay $0x3  }
0x6ca: {  	[tilespmem:v29+s16+$0x0] =	vst.idx.msk $0xffff, v28  }
0x6cb: {  	v28 =	vld.idx.msk [tilespmem:v30+s11+$0x0], $0xffff  }
0x6cc: {  	v29 =	vor.u32 v10, v26  }
0x6cd: {  	v30 =	vor.u32 v27, v18;
	_ =	sdelay $0x3  }
0x6ce: {  	[tilespmem:v29+s16+$0x0] =	vst.idx.msk $0xffff, v28  }
0x6cf: {  	v28 =	vld.idx.msk [tilespmem:v30+s11+$0x0], $0xffff  }
0x6d0: {  	v29 =	vor.u32 v10, v24  }
0x6d1: {  	v30 =	vor.u32 v25, v19;
	_ =	sdelay $0x3  }
0x6d2: {  	[tilespmem:v29+s16+$0x0] =	vst.idx.msk $0xffff, v28  }
0x6d3: {  	v28 =	vld.idx.msk [tilespmem:v30+s11+$0x0], $0xffff  }
0x6d4: {  	v29 =	vor.u32 v11, v26  }
0x6d5: {  	v30 =	vor.u32 v27, v19;
	_ =	sdelay $0x3  }
0x6d6: {  	[tilespmem:v29+s16+$0x0] =	vst.idx.msk $0xffff, v28  }
0x6d7: {  	v28 =	vld.idx.msk [tilespmem:v30+s11+$0x0], $0xffff  }
0x6d8: {  	v29 =	vor.u32 v11, v24  }
0x6d9: {  	v30 =	vor.u32 v25, v20;
	_ =	sdelay $0x3  }
0x6da: {  	[tilespmem:v29+s16+$0x0] =	vst.idx.msk $0xffff, v28  }
0x6db: {  	v28 =	vld.idx.msk [tilespmem:v30+s11+$0x0], $0xffff  }
0x6dc: {  	v29 =	vor.u32 v12, v26  }
0x6dd: {  	v30 =	vor.u32 v27, v20;
	_ =	sdelay $0x3  }
0x6de: {  	[tilespmem:v29+s16+$0x0] =	vst.idx.msk $0xffff, v28  }
0x6df: {  	v28 =	vld.idx.msk [tilespmem:v30+s11+$0x0], $0xffff  }
0x6e0: {  	v29 =	vor.u32 v12, v24  }
0x6e1: {  	v30 =	vor.u32 v25, v21;
	_ =	sdelay $0x3  }
0x6e2: {  	[tilespmem:v29+s16+$0x0] =	vst.idx.msk $0xffff, v28  }
0x6e3: {  	v28 =	vld.idx.msk [tilespmem:v30+s11+$0x0], $0xffff  }
0x6e4: {  	v29 =	vor.u32 v13, v26  }
0x6e5: {  	v30 =	vor.u32 v27, v21;
	_ =	sdelay $0x3  }
0x6e6: {  	[tilespmem:v29+s16+$0x0] =	vst.idx.msk $0xffff, v28  }
0x6e7: {  	v28 =	vld.idx.msk [tilespmem:v30+s11+$0x0], $0xffff  }
0x6e8: {  	v29 =	vor.u32 v13, v24  }
0x6e9: {  	v30 =	vor.u32 v25, v22;
	_ =	sdelay $0x3  }
0x6ea: {  	[tilespmem:v29+s16+$0x0] =	vst.idx.msk $0xffff, v28  }
0x6eb: {  	v28 =	vld.idx.msk [tilespmem:v30+s11+$0x0], $0xffff  }
0x6ec: {  	v29 =	vor.u32 v14, v26  }
0x6ed: {  	v30 =	vor.u32 v27, v22;
	_ =	sdelay $0x3  }
0x6ee: {  	[tilespmem:v29+s16+$0x0] =	vst.idx.msk $0xffff, v28  }
0x6ef: {  	v28 =	vld.idx.msk [tilespmem:v30+s11+$0x0], $0xffff  }
0x6f0: {  	v29 =	vor.u32 v14, v24  }
0x6f1: {  	v25 =	vor.u32 v25, v23;
	_ =	sdelay $0x3  }
0x6f2: {  	[tilespmem:v29+s16+$0x0] =	vst.idx.msk $0xffff, v28  }
0x6f3: {  	v25 =	vld.idx.msk [tilespmem:v25+s11+$0x0], $0xffff  }
0x6f4: {  	v26 =	vor.u32 v15, v26  }
0x6f5: {  	v28 =	vor.u32 v27, v23  }
.Ltmp8:
0x6f6: {  	(pc) =	sbr.rel @p0 .LBB2_18-.Ltmp8, $3  }
0x6f7: {  	_ =	sdelay $0x1  }
0x6f8: {  	[tilespmem:v26+s16+$0x0] =	vst.idx.msk $0xffff, v25  }
0x6f9: {  	v27 =	vadd.s32 s0, v0;
	s0 =	sadd.s32 $0x1, s0;
	v26 =	vld.idx.msk [tilespmem:v28+s11+$0x0], $0xffff  }
0x6fa: {  	v25 =	vand.u32 $0xF, v27;
	v24 =	vor.u32 v15, v24  }
0x6fb: {  	v28 =	vor.u32 v25, v16;
	_ =	sdelay $0x3  }
0x6fc: {  	v46 =	vshll.u32 v25, $0x7;
	[tilespmem:v24+s16+$0x0] =	vst.idx.msk $0xffff, v26  }
0x6fd: {  	v48 =	vor.u32 $0x10, v27;
	v47 =	vor.u32 v0, v46;
	v26 =	vld.idx.msk [tilespmem:v28+s11+$0x0], $0xffff  }
0x6fe: {  	v16 =	vor.u32 v48, v16;
	_ =	sdelay $0x3  }
0x6ff: {  	v49 =	vshll.u32 v48, $0x7;
	[tilespmem:v47+s16+$0x0] =	vst.idx.msk $0xffff, v26  }
0x700: {  	v50 =	vor.u32 v0, v49;
	v16 =	vld.idx.msk [tilespmem:v16+s11+$0x0], $0xffff  }
0x701: {  	v29 =	vor.u32 v25, v17;
	_ =	sdelay $0x3  }
0x702: {  	[tilespmem:v50+s16+$0x0] =	vst.idx.msk $0xffff, v16  }
0x703: {  	v51 =	vor.u32 v9, v46;
	v16 =	vld.idx.msk [tilespmem:v29+s11+$0x0], $0xffff  }
0x704: {  	v17 =	vor.u32 v48, v17;
	_ =	sdelay $0x3  }
0x705: {  	[tilespmem:v51+s16+$0x0] =	vst.idx.msk $0xffff, v16  }
0x706: {  	v16 =	vld.idx.msk [tilespmem:v17+s11+$0x0], $0xffff;
	v17 =	vor.u32 v9, v49  }
0x707: {  	v52 =	vor.u32 v25, v18;
	_ =	sdelay $0x3  }
0x708: {  	[tilespmem:v17+s16+$0x0] =	vst.idx.msk $0xffff, v16  }
0x709: {  	v17 =	vor.u32 v10, v46;
	v16 =	vld.idx.msk [tilespmem:v52+s11+$0x0], $0xffff  }
0x70a: {  	v53 =	vor.u32 v48, v18;
	_ =	sdelay $0x3  }
0x70b: {  	[tilespmem:v17+s16+$0x0] =	vst.idx.msk $0xffff, v16  }
0x70c: {  	v17 =	vor.u32 v10, v49;
	v16 =	vld.idx.msk [tilespmem:v53+s11+$0x0], $0xffff  }
0x70d: {  	v54 =	vor.u32 v25, v19;
	_ =	sdelay $0x3  }
0x70e: {  	[tilespmem:v17+s16+$0x0] =	vst.idx.msk $0xffff, v16  }
0x70f: {  	v17 =	vor.u32 v11, v46;
	v16 =	vld.idx.msk [tilespmem:v54+s11+$0x0], $0xffff  }
0x710: {  	v55 =	vor.u32 v48, v19;
	_ =	sdelay $0x3  }
0x711: {  	[tilespmem:v17+s16+$0x0] =	vst.idx.msk $0xffff, v16  }
0x712: {  	v17 =	vor.u32 v11, v49;
	v16 =	vld.idx.msk [tilespmem:v55+s11+$0x0], $0xffff  }
0x713: {  	v56 =	vor.u32 v25, v20;
	_ =	sdelay $0x3  }
0x714: {  	[tilespmem:v17+s16+$0x0] =	vst.idx.msk $0xffff, v16  }
0x715: {  	v17 =	vor.u32 v12, v46;
	v16 =	vld.idx.msk [tilespmem:v56+s11+$0x0], $0xffff  }
0x716: {  	v57 =	vor.u32 v48, v20;
	_ =	sdelay $0x3  }
0x717: {  	[tilespmem:v17+s16+$0x0] =	vst.idx.msk $0xffff, v16  }
0x718: {  	v17 =	vor.u32 v12, v49;
	v16 =	vld.idx.msk [tilespmem:v57+s11+$0x0], $0xffff  }
0x719: {  	v58 =	vor.u32 v25, v21;
	_ =	sdelay $0x3  }
0x71a: {  	[tilespmem:v17+s16+$0x0] =	vst.idx.msk $0xffff, v16  }
0x71b: {  	v17 =	vor.u32 v13, v46;
	v16 =	vld.idx.msk [tilespmem:v58+s11+$0x0], $0xffff  }
0x71c: {  	v59 =	vor.u32 v48, v21;
	_ =	sdelay $0x3  }
0x71d: {  	[tilespmem:v17+s16+$0x0] =	vst.idx.msk $0xffff, v16  }
0x71e: {  	v17 =	vor.u32 v13, v49;
	v16 =	vld.idx.msk [tilespmem:v59+s11+$0x0], $0xffff  }
0x71f: {  	v60 =	vor.u32 v25, v22;
	_ =	sdelay $0x3  }
0x720: {  	[tilespmem:v17+s16+$0x0] =	vst.idx.msk $0xffff, v16  }
0x721: {  	v17 =	vor.u32 v14, v46;
	v16 =	vld.idx.msk [tilespmem:v60+s11+$0x0], $0xffff  }
0x722: {  	v61 =	vor.u32 v48, v22;
	_ =	sdelay $0x3  }
0x723: {  	[tilespmem:v17+s16+$0x0] =	vst.idx.msk $0xffff, v16  }
0x724: {  	v17 =	vor.u32 v14, v49;
	v16 =	vld.idx.msk [tilespmem:v61+s11+$0x0], $0xffff  }
0x725: {  	v62 =	vor.u32 v25, v23;
	_ =	sdelay $0x3  }
0x726: {  	[tilespmem:v17+s16+$0x0] =	vst.idx.msk $0xffff, v16  }
0x727: {  	v17 =	vor.u32 v15, v46;
	v16 =	vld.idx.msk [tilespmem:v62+s11+$0x0], $0xffff  }
0x728: {  	v63 =	vor.u32 v48, v23;
	_ =	sdelay $0x3  }
0x729: {  	[tilespmem:v17+s16+$0x0] =	vst.idx.msk $0xffff, v16  }
0x72a: {  	v17 =	vor.u32 v15, v49;
	v16 =	vld.idx.msk [tilespmem:v63+s11+$0x0], $0xffff;
	_ =	sdelay $0x4  }
0x72b: {  	[tilespmem:v17+s16+$0x0] =	vst.idx.msk $0xffff, v16  }
0x72c: {  	[hbm4b:s4+s5] =	stream.strided.scatter [tilespmem:s16], [sflag:$0x7], $0x1000, s14, s5, $0x38;
	[tilespmem:$0x18800] =	vst v63  }
0x72d: {  	_ =	swait.ge [sflag:s17], $0x1000  }
0x72e: {  	[sflag:s17] =	ssyncset.done $0x0  }
0x72f: {  	[sflag:s17] =	ssyncadd.s32 $0xFFFFF000  }
0x730: {  	_ =	swait.ge [sflag:s19], $0x1000  }
0x731: {  	s0 =	sld [smem:$0x7FB];
	_ =	sdelay $0x1  }
0x732: {  	s21 =	sadd.s32 $0x1, s21  }
0x733: {  	p0 =	sne.s32 s21, s0  }
.Ltmp9:
0x734: {  	_ = 	snop;
	(pc) =	sbr.rel @p0 .LBB2_1-.Ltmp9, $3  }
0x735: {  	_ =	sdelay $0x1  }
0x736: {  	[sflag:s19] =	ssyncset.done $0x0  }
0x737: {  	[sflag:s19] =	ssyncadd.s32 $0xFFFFF000  }
0x738: {  	_ =	sfence.sel $0x180000  }
0x739: {  	[bflag:$0x0] =	sbarrier.arrive $0xFFFF  }
0x73a: {  	_ =	strace $0x90000047  }
0x73b: {  	s0 =	stileid.u32;
	[bflag:$0x2] =	sbarrier.arrive $0xFFFF  }
0x73c: {  	p0 =	sne.s32 s0, $0x0;
	s0 =	rddreg [dreg:$0x2]  }
0x73d: {  	s0 =	sadd.s32 @!p0 $0x100000, s0  }
0x73e: {  	[sflag:s0] =	ssyncadd.tile.s32 @!p0 $0x1;
	_ =	shalt  }
.Lfunc_end2:
_tile_overlayer_lowered:
.L_overlay_start_2:
0x73f: {  	(tag) =	ssettag $0x2  }
0x740: {  	s0 =	rddreg [dreg:$0x0];
	s2 =	stileid.u32  }
0x741: {  	s1 =	rddreg [dreg:$0x1];
	p0 =	sne.s32 s2, $0x0  }
0x742: {  	s3 =	rddreg [dreg:$0x2];
	[bflag:$0x3] =	sbarrier.arrive $0xFFFF;
	s2 =	simm.s32 @!p0 $0x1C08  }
0x743: {  	[timem:s3], [sflag:s2] =	dma.local @!p0 [hbm:s0], s1  }
0x744: {  	s0 =	simm.s32 @!p0 $0x8  }
0x745: {  	_ =	swait.ge @!p0 [sflag:s0], s1  }
0x746: {  	s1 =	ssub.s32 @!p0 $0x0, s1;
	[sflag:s0] =	ssyncset.done @!p0 $0x0  }
0x747: {  	[sflag:s0] =	ssyncadd.s32 @!p0 s1  }
0x748: {  	[bflag:$0x3] =	sbarrier.arrive $0xFFFF  }
0x749: {  	_ =	shalt  }

</sc_bundles>
